<compile_context>
chip_gen: v7x
topology: tpu7x:2x2x1
jax: 0.10.2.dev20260603
libtpu: 0.0.44.dev20260713+nightly
codegen_flags: <defaults>
</compile_context>

<pallas_src>
import functools

import jax
import jax.numpy as jnp
from jax import lax
from jax.experimental import pallas as pl
from jax.experimental.pallas import tpu as pltpu
from jax.experimental.pallas import tpu_sc as plsc

NC = 2
SC0_FRAC = 0.75
NS = 16
NW = NC * NS
CH = 64


def _sc_agg_body(K0, K1, ROWS_PT, tbl_hbm, cidx_hbm, dst_hbm,
                 acc_hbm, slab, idx_dA, hrA, idx_dB, hrB,
                 acc_sh, semA, semB, sem_scA, sem_scB, semI):
    cid = lax.axis_index("c")
    sid = lax.axis_index("s")
    cbase = jnp.where(cid == 0, sid * K0, NS * K0 + sid * K1)
    nchunk = jnp.where(cid == 0, K0, K1)

    @pl.when(cid == 0)
    def _():
        pltpu.async_copy(cidx_hbm.at[pl.ds(sid * K0, K0)], slab, semI)

    @pl.when(cid == 1)
    def _():
        pltpu.async_copy(cidx_hbm.at[pl.ds(NS * K0 + sid * K1, K1)],
                         slab.at[pl.ds(0, K1)], semI)

    zeros16 = jnp.zeros((16,), jnp.float32)

    def zrow(r, c):
        for j in range(8):
            hrA[r, pl.ds(j * 16, 16)] = zeros16
        return c

    lax.fori_loop(0, 2 * CH, zrow, 0)

    def zcopy(k, c):
        pltpu.sync_copy(hrA, acc_sh.at[pl.ds(sid * ROWS_PT + k * 2 * CH,
                                             2 * CH)])
        return c

    lax.fori_loop(0, ROWS_PT // (2 * CH), zcopy, 0)
    plsc.subcore_barrier()

    @pl.when(cid == 0)
    def _():
        pltpu.make_async_copy(cidx_hbm.at[pl.ds(sid * K0, K0)], slab,
                              semI).wait()

    @pl.when(cid == 1)
    def _():
        pltpu.make_async_copy(cidx_hbm.at[pl.ds(NS * K0 + sid * K1, K1)],
                              slab.at[pl.ds(0, K1)], semI).wait()

    dbase = cbase * CH

    def stage(chunk_i, idx_d, hr, sem, sem_sc, scatter_pending):
        if scatter_pending:
            pltpu.make_async_copy(hr.at[pl.ds(CH, CH)], acc_sh.at[idx_d],
                                  sem_sc).wait()
        pltpu.async_copy(dst_hbm.at[pl.ds(dbase + chunk_i * CH, CH)], idx_d,
                         sem)
        pltpu.async_copy(tbl_hbm.at[slab.at[chunk_i]], hr, sem)

    def drain(idx_d, hr, sem):
        pltpu.make_async_copy(dst_hbm.at[pl.ds(dbase, CH)], idx_d, sem).wait()
        pltpu.make_async_copy(tbl_hbm.at[slab.at[0]], hr, sem).wait()

    def compute(idx_d, hr, sem_sc):
        def sub_rows(r):
            for rr in range(4):
                for j in range(8):
                    sl = pl.ds(j * 16, 16)
                    hr[CH + r + rr, sl] = hr[r + rr, sl] - hr[CH + r + rr, sl]

        plsc.parallel_loop(0, CH, 4)(sub_rows)
        pltpu.async_copy(hr.at[pl.ds(CH, CH)], acc_sh.at[idx_d], sem_sc,
                         add=True)

    stage(0, idx_dA, hrA, semA, semA, False)

    def pipe_body(j, c, first):
        c0 = 2 * j
        stage(c0 + 1, idx_dB, hrB, semB, sem_scB, not first)
        drain(idx_dA, hrA, semA)
        compute(idx_dA, hrA, sem_scA)

        @pl.when(c0 + 2 < nchunk)
        def _():
            stage(c0 + 2, idx_dA, hrA, semA, sem_scA, True)

        drain(idx_dB, hrB, semB)
        compute(idx_dB, hrB, sem_scB)
        return c

    pipe_body(0, 0, True)
    lax.fori_loop(1, nchunk // 2, lambda j, c: pipe_body(j, c, False), 0)
    pltpu.make_async_copy(hrA.at[pl.ds(CH, CH)], acc_sh.at[idx_dA],
                          sem_scA).wait()
    pltpu.make_async_copy(hrB.at[pl.ds(CH, CH)], acc_sh.at[idx_dB],
                          sem_scB).wait()
    plsc.subcore_barrier()

    pltpu.sync_copy(acc_sh.at[pl.ds(sid * ROWS_PT, ROWS_PT)],
                    acc_hbm.at[cid, pl.ds(sid * ROWS_PT, ROWS_PT)])


def _tc_body(x_ref, a0_ref, a1_ref, rel_ref, ws_ref, wf_ref, wr_ref, b_ref,
             o_ref, rout_ref):
    a = a0_ref[0] + a1_ref[0]
    acc = jnp.dot(x_ref[...], ws_ref[...], preferred_element_type=jnp.float32)
    acc = acc + jnp.dot(a, wf_ref[...], preferred_element_type=jnp.float32)
    o_ref[...] = acc + b_ref[...]

    @pl.when(pl.program_id(0) == 0)
    def _():
        rout_ref[...] = jnp.dot(rel_ref[...], wr_ref[...],
                                preferred_element_type=jnp.float32)


def kernel(node_feat, rel_emb, edge_index, edge_type, W_self, W_forward,
           W_rel, bias):
    N, D = node_feat.shape
    R = rel_emb.shape[0]
    OUT = W_self.shape[0]
    E = edge_index.shape[1]
    EF = E // 2

    EPW = -(-EF // (NW * 2 * CH)) * (2 * CH)
    NP = -(-(N + 1) // (NS * 2 * CH)) * (NS * 2 * CH)
    ROWS_PT = NP // NS
    pad = NW * EPW - EF

    PAIR = 2 * EPW
    EPW0 = int(round(PAIR * SC0_FRAC / (8 * CH))) * (8 * CH)
    EPW0 = min(EPW0, PAIR - 8 * CH)
    EPW1 = PAIR - EPW0
    K0, K1 = EPW0 // CH, EPW1 // CH
    TCHUNK = NS * (K0 + K1)
    src = jnp.concatenate([edge_index[0, :EF], jnp.zeros((pad,), jnp.int32)])
    dummy_dst = N + jnp.arange(pad, dtype=jnp.int32) % (NP - N)
    dst = jnp.concatenate([edge_index[1, :EF], dummy_dst])
    et = jnp.concatenate([edge_type[:EF], jnp.zeros((pad,), jnp.int32)])
    tbl = jnp.concatenate([node_feat, rel_emb], axis=0)
    cidx = jnp.concatenate([src.reshape(TCHUNK, CH),
                            (et + N).reshape(TCHUNK, CH)], axis=1)

    mesh = plsc.VectorSubcoreMesh(core_axis_name="c", subcore_axis_name="s",
                                  num_cores=NC, num_subcores=NS)
    sc_agg = pl.kernel(
        functools.partial(_sc_agg_body, K0, K1, ROWS_PT),
        out_type=jax.ShapeDtypeStruct((NC, NP, D), jnp.float32),
        mesh=mesh,
        scratch_types=[
            pltpu.VMEM((K0, 2 * CH), jnp.int32),
            pltpu.VMEM((CH,), jnp.int32),
            pltpu.VMEM((2 * CH, D), jnp.float32),
            pltpu.VMEM((CH,), jnp.int32),
            pltpu.VMEM((2 * CH, D), jnp.float32),
            pltpu.VMEM_SHARED((NP, D), jnp.float32),
            pltpu.SemaphoreType.DMA,
            pltpu.SemaphoreType.DMA,
            pltpu.SemaphoreType.DMA,
            pltpu.SemaphoreType.DMA,
            pltpu.SemaphoreType.DMA,
        ],
    )
    acc = sc_agg(tbl, cidx, dst)

    BN = 1000
    grid = N // BN
    out, rel_out = pl.pallas_call(
        _tc_body,
        grid=(grid,),
        in_specs=[
            pl.BlockSpec((BN, D), lambda i: (i, 0)),
            pl.BlockSpec((1, BN, D), lambda i: (0, i, 0)),
            pl.BlockSpec((1, BN, D), lambda i: (1, i, 0)),
            pl.BlockSpec((R, D), lambda i: (0, 0)),
            pl.BlockSpec((D, OUT), lambda i: (0, 0)),
            pl.BlockSpec((D, OUT), lambda i: (0, 0)),
            pl.BlockSpec((D, OUT), lambda i: (0, 0)),
            pl.BlockSpec((1, OUT), lambda i: (0, 0)),
        ],
        out_specs=[
            pl.BlockSpec((BN, OUT), lambda i: (i, 0)),
            pl.BlockSpec((R, OUT), lambda i: (0, 0)),
        ],
        out_shape=[
            jax.ShapeDtypeStruct((N, OUT), jnp.float32),
            jax.ShapeDtypeStruct((R, OUT), jnp.float32),
        ],
    )(node_feat, acc, acc, rel_emb, W_self.T, W_forward.T, W_rel.T,
      bias.reshape(1, OUT))
    return (out, rel_out)

# --- scband reference (transcript-rebuilt; emitter-appended) ---
"""Pipeline reference for scband-comp-gcnconv-dgl-9062380994847 (READ-ONLY COPY).

The authoritative reference and input builder live on the scoring server;
editing this copy changes nothing except your own understanding.
"""

import jax, jax.numpy as jnp
import numpy as np

N = 10000
E = 320000
D = 128
R = 200
OUT = 128

def setup_inputs(seed: int = 0) -> dict:
    key = jax.random.key(seed)
    ks = jax.random.split(key, 8)
    node_feat = jax.random.normal(ks[0], (N, D), dtype=jnp.float32)
    rel_emb = jax.random.normal(ks[1], (R, D), dtype=jnp.float32)
    edge_index = jax.random.randint(ks[2], (2, E), 0, N, dtype=jnp.int32)
    edge_type = jax.random.randint(ks[3], (E,), 0, R, dtype=jnp.int32)
    # xavier_uniform-style init for linear weights (shape [out, in], torch convention)
    def xavier(k, fan_out, fan_in):
        limit = float(np.sqrt(6.0 / (fan_in + fan_out)))
        return jax.random.uniform(k, (fan_out, fan_in), dtype=jnp.float32, minval=-limit, maxval=limit)
    W_self = xavier(ks[4], OUT, D)
    W_forward = xavier(ks[5], OUT, D)
    W_rel = xavier(ks[6], OUT, D)
    bias = jnp.zeros((OUT,), dtype=jnp.float32)
    return {
        'node_feat': node_feat,
        'rel_emb': rel_emb,
        'edge_index': edge_index,
        'edge_type': edge_type,
        'W_self': W_self,
        'W_forward': W_forward,
        'W_rel': W_rel,
        'bias': bias,
    }

def reference(node_feat, rel_emb, edge_index, edge_type, W_self, W_forward, W_rel, bias):
    # CompGCN layer with comp_fn='sub', aggr='sum'.
    src = edge_index[0]
    dst = edge_index[1]
    num_edges = edge_index.shape[1]
    num_nodes = node_feat.shape[0]
    # per-edge relation embedding gather: g.edata['rel_emb'] = rel_emb[etype]
    rel_e = jnp.take(rel_emb, edge_type, axis=0)
    # composition message: msg = h_src - r  (computed for forward edges)
    h_src = jnp.take(node_feat, src, axis=0)
    msg = h_src - rel_e
    # no 'direction' edge data: first half of edges are forward, rest backward
    forward_mask = jnp.arange(num_edges) < (num_edges // 2)
    # msg_transformed initialized to zeros; forward edges get W_forward(msg)
    msg_transformed = jnp.where(forward_mask[:, None], msg @ W_forward.T, jnp.zeros_like(msg))
    # update_all with sum reduce -> scatter-add by destination node
    h_neigh = jax.ops.segment_sum(msg_transformed, dst, num_segments=num_nodes)
    out_self = node_feat @ W_self.T
    out = out_self + h_neigh + bias
    rel_emb_updated = rel_emb @ W_rel.T
    return (out, rel_emb_updated)

if __name__ == "__main__":
    import jax
    _d = setup_inputs()
    print(jax.jit(kernel)(*tuple(_d.values())))

</pallas_src>

<mosaic_0001>
#map = affine_map<(d0, d1) -> (0, 0)>
#map1 = affine_map<(d0, d1) -> (0)>
#map2 = affine_map<(d0, d1) -> (0, 0, 0)>
module attributes {stable_mosaic.version = 14 : i64} {
  func.func @_sc_agg_body(%arg0: i32, %arg1: i32, %arg2: memref<10200x128xf32, #tpu.memory_space<hbm>>, %arg3: memref<2560x128xi32, #tpu.memory_space<hbm>>, %arg4: memref<163840xi32, #tpu.memory_space<hbm>>, %arg5: memref<2x10240x128xf32, #tpu.memory_space<hbm>>, %arg6: memref<120x128xi32, #tpu.memory_space<vmem>>, %arg7: memref<64xi32, #tpu.memory_space<vmem>>, %arg8: memref<128x128xf32, #tpu.memory_space<vmem>>, %arg9: memref<64xi32, #tpu.memory_space<vmem>>, %arg10: memref<128x128xf32, #tpu.memory_space<vmem>>, %arg11: memref<10240x128xf32, #tpu.memory_space<vmem_shared>>, %arg12: memref<!tpu.dma_semaphore, #tpu.memory_space<semaphore_mem>>, %arg13: memref<!tpu.dma_semaphore, #tpu.memory_space<semaphore_mem>>, %arg14: memref<!tpu.dma_semaphore, #tpu.memory_space<semaphore_mem>>, %arg15: memref<!tpu.dma_semaphore, #tpu.memory_space<semaphore_mem>>, %arg16: memref<!tpu.dma_semaphore, #tpu.memory_space<semaphore_mem>>) attributes {dimension_semantics = [#tpu.dimension_semantics<core_parallel>, #tpu.dimension_semantics<subcore_parallel>], iteration_bounds = array<i64: 2, 16>, scalar_prefetch = 0 : i64, scratch_operands = 11 : i64, tpu.core_type = #tpu.core_type<sc_vector_subcore>, window_params = [{transform_indices = #map}, {transform_indices = #map}, {transform_indices = #map1}, {transform_indices = #map2}]} {
    %eq3A = arith.constant 0 : i32
    %eq3A_0 = arith.cmpi eq, %arg0, %eq3A : i32
    %mul3A = arith.constant 120 : i32
    %mul3A_1 = arith.muli %arg1, %mul3A : i32
    %mul3A_2 = arith.constant 40 : i32
    %mul3A_3 = arith.muli %arg1, %mul3A_2 : i32
    %add3A = arith.constant 1920 : i32
    %add3A_4 = arith.addi %add3A, %mul3A_3 : i32
    %select_n3A = arith.select %eq3A_0, %mul3A_1, %add3A_4 : i32
    %eq3A_5 = arith.constant 0 : i32
    %eq3A_6 = arith.cmpi eq, %arg0, %eq3A_5 : i32
    %jit3A = arith.constant 120 : i32
    %jit3A_7 = arith.constant 40 : i32
    %select_n3A_8 = arith.select %eq3A_6, %jit3A, %jit3A_7 : i32
    %eq3A_9 = arith.constant 0 : i32
    %eq3A_10 = arith.cmpi eq, %arg0, %eq3A_9 : i32
    %convert_element_type3A = arith.extui %eq3A_10 : i1 to i32
    %cond3A = arith.constant 0 : i32
    %cond3A_11 = arith.cmpi ne, %convert_element_type3A, %cond3A : i32
    scf.if %cond3A_11 {
      %mul3A_144 = arith.constant 120 : i32
      %mul3A_145 = arith.muli %arg1, %mul3A_144 : i32
      %dma_start3A_146 = arith.constant 0 : i32
      %dma_start3A_147 = tpu.memref_slice %arg3[%mul3A_145, %dma_start3A_146] : memref<2560x128xi32, #tpu.memory_space<hbm>> -> memref<120x128xi32, #tpu.memory_space<hbm>>
      %dma_start3A_148 = arith.constant 0 : i32
      %dma_start3A_149 = tpu.memref_slice %arg3[%mul3A_145, %dma_start3A_148] : memref<2560x128xi32, #tpu.memory_space<hbm>> -> memref<120x128xi32, #tpu.memory_space<hbm>>
      tpu.enqueue_dma source(%dma_start3A_149 : memref<120x128xi32, #tpu.memory_space<hbm>>) target(%arg6 : memref<120x128xi32, #tpu.memory_space<vmem>>) target_semaphore(%arg16 : memref<!tpu.dma_semaphore, #tpu.memory_space<semaphore_mem>>)
    } else {
    }
    %eq3A_12 = arith.constant 1 : i32
    %eq3A_13 = arith.cmpi eq, %arg0, %eq3A_12 : i32
    %convert_element_type3A_14 = arith.extui %eq3A_13 : i1 to i32
    %cond3A_15 = arith.constant 0 : i32
    %cond3A_16 = arith.cmpi ne, %convert_element_type3A_14, %cond3A_15 : i32
    scf.if %cond3A_16 {
      %mul3A_144 = arith.constant 40 : i32
      %mul3A_145 = arith.muli %arg1, %mul3A_144 : i32
      %add3A_146 = arith.constant 1920 : i32
      %add3A_147 = arith.addi %add3A_146, %mul3A_145 : i32
      %dma_start3A_148 = arith.constant 0 : i32
      %dma_start3A_149 = arith.constant 0 : i32
      %dma_start3A_150 = tpu.memref_slice %arg6[%dma_start3A_148, %dma_start3A_149] : memref<120x128xi32, #tpu.memory_space<vmem>> -> memref<40x128xi32, #tpu.memory_space<vmem>>
      %dma_start3A_151 = arith.constant 0 : i32
      %dma_start3A_152 = tpu.memref_slice %arg3[%add3A_147, %dma_start3A_151] : memref<2560x128xi32, #tpu.memory_space<hbm>> -> memref<40x128xi32, #tpu.memory_space<hbm>>
      %dma_start3A_153 = arith.constant 0 : i32
      %dma_start3A_154 = arith.constant 0 : i32
      %dma_start3A_155 = tpu.memref_slice %arg6[%dma_start3A_153, %dma_start3A_154] : memref<120x128xi32, #tpu.memory_space<vmem>> -> memref<40x128xi32, #tpu.memory_space<vmem>>
      %dma_start3A_156 = arith.constant 0 : i32
      %dma_start3A_157 = tpu.memref_slice %arg3[%add3A_147, %dma_start3A_156] : memref<2560x128xi32, #tpu.memory_space<hbm>> -> memref<40x128xi32, #tpu.memory_space<hbm>>
      tpu.enqueue_dma source(%dma_start3A_157 : memref<40x128xi32, #tpu.memory_space<hbm>>) target(%dma_start3A_155 : memref<40x128xi32, #tpu.memory_space<vmem>>) target_semaphore(%arg16 : memref<!tpu.dma_semaphore, #tpu.memory_space<semaphore_mem>>)
    } else {
    }
    %broadcast_in_dim3A = arith.constant 0.000000e+00 : f32
    %broadcast_in_dim3A_17 = vector.broadcast %broadcast_in_dim3A : f32 to vector<16xf32>
    %scan3A = arith.constant 0 : i32
    %scan3A_18 = arith.constant 0 : i32
    %scan3A_19 = arith.constant 128 : i32
    %scan3A_20 = arith.addi %scan3A_18, %scan3A_19 : i32
    %scan3A_21 = arith.constant 1 : i32
    scf.for %scan3A_144 = %scan3A_18 to %scan3A_20 step %scan3A_21  : i32 {
      %swap3A = arith.index_cast %scan3A_144 : i32 to index
      %swap3A_145 = arith.constant 0 : index
      %swap3A_146 = tpu.vector_load %arg8[%swap3A, %swap3A_145] {strides = array<i32>} : memref<128x128xf32, #tpu.memory_space<vmem>>, vector<1x16xf32>,
      %swap3A_147 = vector.shape_cast %swap3A_146 : vector<1x16xf32> to vector<16xf32>
      %swap3A_148 = vector.shape_cast %broadcast_in_dim3A_17 : vector<16xf32> to vector<1x16xf32>
      tpu.vector_store %arg8[%swap3A, %swap3A_145], %swap3A_148 {strides = array<i32>} : memref<128x128xf32, #tpu.memory_space<vmem>>, vector<1x16xf32>,
      %swap3A_149 = arith.index_cast %scan3A_144 : i32 to index
      %swap3A_150 = arith.constant 16 : index
      %swap3A_151 = tpu.vector_load %arg8[%swap3A_149, %swap3A_150] {strides = array<i32>} : memref<128x128xf32, #tpu.memory_space<vmem>>, vector<1x16xf32>,
      %swap3A_152 = vector.shape_cast %swap3A_151 : vector<1x16xf32> to vector<16xf32>
      %swap3A_153 = vector.shape_cast %broadcast_in_dim3A_17 : vector<16xf32> to vector<1x16xf32>
      tpu.vector_store %arg8[%swap3A_149, %swap3A_150], %swap3A_153 {strides = array<i32>} : memref<128x128xf32, #tpu.memory_space<vmem>>, vector<1x16xf32>,
      %swap3A_154 = arith.index_cast %scan3A_144 : i32 to index
      %swap3A_155 = arith.constant 32 : index
      %swap3A_156 = tpu.vector_load %arg8[%swap3A_154, %swap3A_155] {strides = array<i32>} : memref<128x128xf32, #tpu.memory_space<vmem>>, vector<1x16xf32>,
      %swap3A_157 = vector.shape_cast %swap3A_156 : vector<1x16xf32> to vector<16xf32>
      %swap3A_158 = vector.shape_cast %broadcast_in_dim3A_17 : vector<16xf32> to vector<1x16xf32>
      tpu.vector_store %arg8[%swap3A_154, %swap3A_155], %swap3A_158 {strides = array<i32>} : memref<128x128xf32, #tpu.memory_space<vmem>>, vector<1x16xf32>,
      %swap3A_159 = arith.index_cast %scan3A_144 : i32 to index
      %swap3A_160 = arith.constant 48 : index
      %swap3A_161 = tpu.vector_load %arg8[%swap3A_159, %swap3A_160] {strides = array<i32>} : memref<128x128xf32, #tpu.memory_space<vmem>>, vector<1x16xf32>,
      %swap3A_162 = vector.shape_cast %swap3A_161 : vector<1x16xf32> to vector<16xf32>
      %swap3A_163 = vector.shape_cast %broadcast_in_dim3A_17 : vector<16xf32> to vector<1x16xf32>
      tpu.vector_store %arg8[%swap3A_159, %swap3A_160], %swap3A_163 {strides = array<i32>} : memref<128x128xf32, #tpu.memory_space<vmem>>, vector<1x16xf32>,
      %swap3A_164 = arith.index_cast %scan3A_144 : i32 to index
      %swap3A_165 = arith.constant 64 : index
      %swap3A_166 = tpu.vector_load %arg8[%swap3A_164, %swap3A_165] {strides = array<i32>} : memref<128x128xf32, #tpu.memory_space<vmem>>, vector<1x16xf32>,
      %swap3A_167 = vector.shape_cast %swap3A_166 : vector<1x16xf32> to vector<16xf32>
      %swap3A_168 = vector.shape_cast %broadcast_in_dim3A_17 : vector<16xf32> to vector<1x16xf32>
      tpu.vector_store %arg8[%swap3A_164, %swap3A_165], %swap3A_168 {strides = array<i32>} : memref<128x128xf32, #tpu.memory_space<vmem>>, vector<1x16xf32>,
      %swap3A_169 = arith.index_cast %scan3A_144 : i32 to index
      %swap3A_170 = arith.constant 80 : index
      %swap3A_171 = tpu.vector_load %arg8[%swap3A_169, %swap3A_170] {strides = array<i32>} : memref<128x128xf32, #tpu.memory_space<vmem>>, vector<1x16xf32>,
      %swap3A_172 = vector.shape_cast %swap3A_171 : vector<1x16xf32> to vector<16xf32>
      %swap3A_173 = vector.shape_cast %broadcast_in_dim3A_17 : vector<16xf32> to vector<1x16xf32>
      tpu.vector_store %arg8[%swap3A_169, %swap3A_170], %swap3A_173 {strides = array<i32>} : memref<128x128xf32, #tpu.memory_space<vmem>>, vector<1x16xf32>,
      %swap3A_174 = arith.index_cast %scan3A_144 : i32 to index
      %swap3A_175 = arith.constant 96 : index
      %swap3A_176 = tpu.vector_load %arg8[%swap3A_174, %swap3A_175] {strides = array<i32>} : memref<128x128xf32, #tpu.memory_space<vmem>>, vector<1x16xf32>,
      %swap3A_177 = vector.shape_cast %swap3A_176 : vector<1x16xf32> to vector<16xf32>
      %swap3A_178 = vector.shape_cast %broadcast_in_dim3A_17 : vector<16xf32> to vector<1x16xf32>
      tpu.vector_store %arg8[%swap3A_174, %swap3A_175], %swap3A_178 {strides = array<i32>} : memref<128x128xf32, #tpu.memory_space<vmem>>, vector<1x16xf32>,
      %swap3A_179 = arith.index_cast %scan3A_144 : i32 to index
      %swap3A_180 = arith.constant 112 : index
      %swap3A_181 = tpu.vector_load %arg8[%swap3A_179, %swap3A_180] {strides = array<i32>} : memref<128x128xf32, #tpu.memory_space<vmem>>, vector<1x16xf32>,
      %swap3A_182 = vector.shape_cast %swap3A_181 : vector<1x16xf32> to vector<16xf32>
      %swap3A_183 = vector.shape_cast %broadcast_in_dim3A_17 : vector<16xf32> to vector<1x16xf32>
      tpu.vector_store %arg8[%swap3A_179, %swap3A_180], %swap3A_183 {strides = array<i32>} : memref<128x128xf32, #tpu.memory_space<vmem>>, vector<1x16xf32>,
    }
    %scan3A_22 = arith.constant 128 : i32
    %scan3A_23 = arith.constant 0 : i32
    %scan3A_24 = arith.constant 0 : i32
    %scan3A_25 = arith.constant 5 : i32
    %scan3A_26 = arith.addi %scan3A_24, %scan3A_25 : i32
    %scan3A_27 = arith.constant 1 : i32
    scf.for %scan3A_144 = %scan3A_24 to %scan3A_26 step %scan3A_27  : i32 {
      %mul3A_145 = arith.constant 640 : i32
      %mul3A_146 = arith.muli %arg1, %mul3A_145 : i32
      %mul3A_147 = arith.constant 2 : i32
      %mul3A_148 = arith.muli %scan3A_144, %mul3A_147 : i32
      %mul3A_149 = arith.constant 64 : i32
      %mul3A_150 = arith.muli %mul3A_148, %mul3A_149 : i32
      %add3A_151 = arith.addi %mul3A_146, %mul3A_150 : i32
      "tpu.region"() ({
        %run_scoped3A = tpu.sem_alloc : memref<!tpu.dma_semaphore, #tpu.memory_space<semaphore_mem>>
        %dma_start3A_152 = arith.constant 0 : i32
        %dma_start3A_153 = tpu.memref_slice %arg11[%add3A_151, %dma_start3A_152] : memref<10240x128xf32, #tpu.memory_space<vmem_shared>> -> memref<128x128xf32, #tpu.memory_space<vmem_shared>>
        %dma_start3A_154 = arith.constant 0 : i32
        %dma_start3A_155 = tpu.memref_slice %arg11[%add3A_151, %dma_start3A_154] : memref<10240x128xf32, #tpu.memory_space<vmem_shared>> -> memref<128x128xf32, #tpu.memory_space<vmem_shared>>
        tpu.enqueue_dma source(%arg8 : memref<128x128xf32, #tpu.memory_space<vmem>>) target(%dma_start3A_155 : memref<128x128xf32, #tpu.memory_space<vmem_shared>>) target_semaphore(%run_scoped3A : memref<!tpu.dma_semaphore, #tpu.memory_space<semaphore_mem>>)
        %dma_wait3A_156 = arith.constant 0 : i32
        %dma_wait3A_157 = tpu.memref_slice %arg11[%add3A_151, %dma_wait3A_156] : memref<10240x128xf32, #tpu.memory_space<vmem_shared>> -> memref<128x128xf32, #tpu.memory_space<vmem_shared>>
        %dma_wait3A_158 = arith.constant 0 : i32
        %dma_wait3A_159 = tpu.memref_slice %arg11[%add3A_151, %dma_wait3A_158] : memref<10240x128xf32, #tpu.memory_space<vmem_shared>> -> memref<128x128xf32, #tpu.memory_space<vmem_shared>>
        tpu.wait_dma2 semaphore(%run_scoped3A : memref<!tpu.dma_semaphore, #tpu.memory_space<semaphore_mem>>) src(%arg8 : memref<128x128xf32, #tpu.memory_space<vmem>>) dst(%dma_wait3A_159 : memref<128x128xf32, #tpu.memory_space<vmem_shared>>)
        tpu.yield
      }) : () -> ()
    }
    %scan3A_28 = arith.constant 5 : i32
    %barrier3A = arith.constant 0 : index
    tpu.barrier barrier_id(%barrier3A)
    %eq3A_29 = arith.constant 0 : i32
    %eq3A_30 = arith.cmpi eq, %arg0, %eq3A_29 : i32
    %convert_element_type3A_31 = arith.extui %eq3A_30 : i1 to i32
    %cond3A_32 = arith.constant 0 : i32
    %cond3A_33 = arith.cmpi ne, %convert_element_type3A_31, %cond3A_32 : i32
    scf.if %cond3A_33 {
      %mul3A_144 = arith.constant 120 : i32
      %mul3A_145 = arith.muli %arg1, %mul3A_144 : i32
      %dma_wait3A_146 = arith.constant 0 : i32
      %dma_wait3A_147 = tpu.memref_slice %arg3[%mul3A_145, %dma_wait3A_146] : memref<2560x128xi32, #tpu.memory_space<hbm>> -> memref<120x128xi32, #tpu.memory_space<hbm>>
      %dma_wait3A_148 = arith.constant 0 : i32
      %dma_wait3A_149 = tpu.memref_slice %arg3[%mul3A_145, %dma_wait3A_148] : memref<2560x128xi32, #tpu.memory_space<hbm>> -> memref<120x128xi32, #tpu.memory_space<hbm>>
      tpu.wait_dma2 semaphore(%arg16 : memref<!tpu.dma_semaphore, #tpu.memory_space<semaphore_mem>>) src(%dma_wait3A_149 : memref<120x128xi32, #tpu.memory_space<hbm>>) dst(%arg6 : memref<120x128xi32, #tpu.memory_space<vmem>>)
    } else {
    }
    %eq3A_34 = arith.constant 1 : i32
    %eq3A_35 = arith.cmpi eq, %arg0, %eq3A_34 : i32
    %convert_element_type3A_36 = arith.extui %eq3A_35 : i1 to i32
    %cond3A_37 = arith.constant 0 : i32
    %cond3A_38 = arith.cmpi ne, %convert_element_type3A_36, %cond3A_37 : i32
    scf.if %cond3A_38 {
      %mul3A_144 = arith.constant 40 : i32
      %mul3A_145 = arith.muli %arg1, %mul3A_144 : i32
      %add3A_146 = arith.constant 1920 : i32
      %add3A_147 = arith.addi %add3A_146, %mul3A_145 : i32
      %dma_wait3A_148 = arith.constant 0 : i32
      %dma_wait3A_149 = arith.constant 0 : i32
      %dma_wait3A_150 = tpu.memref_slice %arg6[%dma_wait3A_148, %dma_wait3A_149] : memref<120x128xi32, #tpu.memory_space<vmem>> -> memref<40x128xi32, #tpu.memory_space<vmem>>
      %dma_wait3A_151 = arith.constant 0 : i32
      %dma_wait3A_152 = tpu.memref_slice %arg3[%add3A_147, %dma_wait3A_151] : memref<2560x128xi32, #tpu.memory_space<hbm>> -> memref<40x128xi32, #tpu.memory_space<hbm>>
      %dma_wait3A_153 = arith.constant 0 : i32
      %dma_wait3A_154 = arith.constant 0 : i32
      %dma_wait3A_155 = tpu.memref_slice %arg6[%dma_wait3A_153, %dma_wait3A_154] : memref<120x128xi32, #tpu.memory_space<vmem>> -> memref<40x128xi32, #tpu.memory_space<vmem>>
      %dma_wait3A_156 = arith.constant 0 : i32
      %dma_wait3A_157 = tpu.memref_slice %arg3[%add3A_147, %dma_wait3A_156] : memref<2560x128xi32, #tpu.memory_space<hbm>> -> memref<40x128xi32, #tpu.memory_space<hbm>>
      tpu.wait_dma2 semaphore(%arg16 : memref<!tpu.dma_semaphore, #tpu.memory_space<semaphore_mem>>) src(%dma_wait3A_157 : memref<40x128xi32, #tpu.memory_space<hbm>>) dst(%dma_wait3A_155 : memref<40x128xi32, #tpu.memory_space<vmem>>)
    } else {
    }
    %mul3A_39 = arith.constant 64 : i32
    %mul3A_40 = arith.muli %select_n3A, %mul3A_39 : i32
    %add3A_41 = arith.constant 0 : i32
    %add3A_42 = arith.addi %mul3A_40, %add3A_41 : i32
    %dma_start3A = tpu.memref_slice %arg4[%add3A_42] : memref<163840xi32, #tpu.memory_space<hbm>> -> memref<64xi32, #tpu.memory_space<hbm>>
    %dma_start3A_43 = tpu.memref_slice %arg4[%add3A_42] : memref<163840xi32, #tpu.memory_space<hbm>> -> memref<64xi32, #tpu.memory_space<hbm>>
    tpu.enqueue_dma source(%dma_start3A_43 : memref<64xi32, #tpu.memory_space<hbm>>) target(%arg7 : memref<64xi32, #tpu.memory_space<vmem>>) target_semaphore(%arg12 : memref<!tpu.dma_semaphore, #tpu.memory_space<semaphore_mem>>)
    %dma_start3A_44 = arith.constant 0 : i32
    %dma_start3A_45 = arith.constant 0 : i32
    %dma_start3A_46 = tpu.memref_slice %arg6[%dma_start3A_44, %dma_start3A_45] : memref<120x128xi32, #tpu.memory_space<vmem>> -> memref<1x128xi32, #tpu.memory_space<vmem>>
    %dma_start3A_47 = tpu.memref_squeeze %dma_start3A_46 : memref<1x128xi32, #tpu.memory_space<vmem>> -> memref<128xi32, #tpu.memory_space<vmem>>
    %dma_start3A_48 = arith.constant 0 : i32
    %dma_start3A_49 = arith.constant 0 : i32
    %dma_start3A_50 = tpu.memref_slice %arg2[%dma_start3A_48, %dma_start3A_49] : memref<10200x128xf32, #tpu.memory_space<hbm>> -> memref<10200x128xf32, #tpu.memory_space<hbm>>
    tpu.enqueue_indirect_dma source(%dma_start3A_50 : memref<10200x128xf32, #tpu.memory_space<hbm>>) target(%arg8 : memref<128x128xf32, #tpu.memory_space<vmem>>) offsets(%dma_start3A_47 : memref<128xi32, #tpu.memory_space<vmem>>) semaphore(%arg12 : memref<!tpu.dma_semaphore, #tpu.memory_space<semaphore_mem>>)
    %add3A_51 = arith.constant 64 : i32
    %add3A_52 = arith.addi %mul3A_40, %add3A_51 : i32
    %dma_start3A_53 = tpu.memref_slice %arg4[%add3A_52] : memref<163840xi32, #tpu.memory_space<hbm>> -> memref<64xi32, #tpu.memory_space<hbm>>
    %dma_start3A_54 = tpu.memref_slice %arg4[%add3A_52] : memref<163840xi32, #tpu.memory_space<hbm>> -> memref<64xi32, #tpu.memory_space<hbm>>
    tpu.enqueue_dma source(%dma_start3A_54 : memref<64xi32, #tpu.memory_space<hbm>>) target(%arg9 : memref<64xi32, #tpu.memory_space<vmem>>) target_semaphore(%arg13 : memref<!tpu.dma_semaphore, #tpu.memory_space<semaphore_mem>>)
    %dma_start3A_55 = arith.constant 1 : i32
    %dma_start3A_56 = arith.constant 0 : i32
    %dma_start3A_57 = tpu.memref_slice %arg6[%dma_start3A_55, %dma_start3A_56] : memref<120x128xi32, #tpu.memory_space<vmem>> -> memref<1x128xi32, #tpu.memory_space<vmem>>
    %dma_start3A_58 = tpu.memref_squeeze %dma_start3A_57 : memref<1x128xi32, #tpu.memory_space<vmem>> -> memref<128xi32, #tpu.memory_space<vmem>>
    %dma_start3A_59 = arith.constant 0 : i32
    %dma_start3A_60 = arith.constant 0 : i32
    %dma_start3A_61 = tpu.memref_slice %arg2[%dma_start3A_59, %dma_start3A_60] : memref<10200x128xf32, #tpu.memory_space<hbm>> -> memref<10200x128xf32, #tpu.memory_space<hbm>>
    tpu.enqueue_indirect_dma source(%dma_start3A_61 : memref<10200x128xf32, #tpu.memory_space<hbm>>) target(%arg10 : memref<128x128xf32, #tpu.memory_space<vmem>>) offsets(%dma_start3A_58 : memref<128xi32, #tpu.memory_space<vmem>>) semaphore(%arg13 : memref<!tpu.dma_semaphore, #tpu.memory_space<semaphore_mem>>)
    %dma_wait3A = tpu.memref_slice %arg4[%mul3A_40] : memref<163840xi32, #tpu.memory_space<hbm>> -> memref<64xi32, #tpu.memory_space<hbm>>
    %dma_wait3A_62 = tpu.memref_slice %arg4[%mul3A_40] : memref<163840xi32, #tpu.memory_space<hbm>> -> memref<64xi32, #tpu.memory_space<hbm>>
    tpu.wait_dma2 semaphore(%arg12 : memref<!tpu.dma_semaphore, #tpu.memory_space<semaphore_mem>>) src(%dma_wait3A_62 : memref<64xi32, #tpu.memory_space<hbm>>) dst(%arg7 : memref<64xi32, #tpu.memory_space<vmem>>)
    %dma_wait3A_63 = arith.constant 0 : i32
    %dma_wait3A_64 = arith.constant 0 : i32
    %dma_wait3A_65 = tpu.memref_slice %arg6[%dma_wait3A_63, %dma_wait3A_64] : memref<120x128xi32, #tpu.memory_space<vmem>> -> memref<1x128xi32, #tpu.memory_space<vmem>>
    %dma_wait3A_66 = tpu.memref_squeeze %dma_wait3A_65 : memref<1x128xi32, #tpu.memory_space<vmem>> -> memref<128xi32, #tpu.memory_space<vmem>>
    %dma_wait3A_67 = arith.constant 0 : i32
    %dma_wait3A_68 = arith.constant 0 : i32
    %dma_wait3A_69 = tpu.memref_slice %arg2[%dma_wait3A_67, %dma_wait3A_68] : memref<10200x128xf32, #tpu.memory_space<hbm>> -> memref<10200x128xf32, #tpu.memory_space<hbm>>
    tpu.wait_indirect_dma semaphore(%arg12 : memref<!tpu.dma_semaphore, #tpu.memory_space<semaphore_mem>>) src(%dma_wait3A_69 : memref<10200x128xf32, #tpu.memory_space<hbm>>) dst(%arg8 : memref<128x128xf32, #tpu.memory_space<vmem>>)
    %parallel_loop3A = arith.constant 0 : i32
    %parallel_loop3A_70 = arith.constant 64 : i32
    %parallel_loop3A_71 = arith.constant 4 : i32
    scf.for %parallel_loop3A_144 = %parallel_loop3A to %parallel_loop3A_70 step %parallel_loop3A_71  : i32 {
      %parallel_loop3A_145 = arith.constant 0 : i32
      %parallel_loop3A_146 = arith.addi %parallel_loop3A_144, %parallel_loop3A_145 : i32
      %parallel_loop3A_147 = arith.index_cast %parallel_loop3A_146 : i32 to index
      %parallel_loop3A_148 = arith.constant 0 : index
      %parallel_loop3A_149 = tpu.vector_load %arg8[%parallel_loop3A_147, %parallel_loop3A_148] {strides = array<i32>} : memref<128x128xf32, #tpu.memory_space<vmem>>, vector<1x16xf32>,
      %parallel_loop3A_150 = vector.shape_cast %parallel_loop3A_149 : vector<1x16xf32> to vector<16xf32>
      %parallel_loop3A_151 = arith.constant 64 : i32
      %parallel_loop3A_152 = arith.addi %parallel_loop3A_151, %parallel_loop3A_144 : i32
      %parallel_loop3A_153 = arith.constant 0 : i32
      %parallel_loop3A_154 = arith.addi %parallel_loop3A_152, %parallel_loop3A_153 : i32
      %parallel_loop3A_155 = arith.index_cast %parallel_loop3A_154 : i32 to index
      %parallel_loop3A_156 = arith.constant 0 : index
      %parallel_loop3A_157 = tpu.vector_load %arg8[%parallel_loop3A_155, %parallel_loop3A_156] {strides = array<i32>} : memref<128x128xf32, #tpu.memory_space<vmem>>, vector<1x16xf32>,
      %parallel_loop3A_158 = vector.shape_cast %parallel_loop3A_157 : vector<1x16xf32> to vector<16xf32>
      %parallel_loop3A_159 = arith.subf %parallel_loop3A_150, %parallel_loop3A_158 : vector<16xf32>
      %parallel_loop3A_160 = arith.constant 64 : i32
      %parallel_loop3A_161 = arith.addi %parallel_loop3A_160, %parallel_loop3A_144 : i32
      %parallel_loop3A_162 = arith.constant 0 : i32
      %parallel_loop3A_163 = arith.addi %parallel_loop3A_161, %parallel_loop3A_162 : i32
      %parallel_loop3A_164 = arith.index_cast %parallel_loop3A_163 : i32 to index
      %parallel_loop3A_165 = arith.constant 0 : index
      %parallel_loop3A_166 = tpu.vector_load %arg8[%parallel_loop3A_164, %parallel_loop3A_165] {strides = array<i32>} : memref<128x128xf32, #tpu.memory_space<vmem>>, vector<1x16xf32>,
      %parallel_loop3A_167 = vector.shape_cast %parallel_loop3A_166 : vector<1x16xf32> to vector<16xf32>
      %parallel_loop3A_168 = vector.shape_cast %parallel_loop3A_159 : vector<16xf32> to vector<1x16xf32>
      tpu.vector_store %arg8[%parallel_loop3A_164, %parallel_loop3A_165], %parallel_loop3A_168 {strides = array<i32>} : memref<128x128xf32, #tpu.memory_space<vmem>>, vector<1x16xf32>,
      %parallel_loop3A_169 = arith.constant 0 : i32
      %parallel_loop3A_170 = arith.addi %parallel_loop3A_144, %parallel_loop3A_169 : i32
      %parallel_loop3A_171 = arith.index_cast %parallel_loop3A_170 : i32 to index
      %parallel_loop3A_172 = arith.constant 16 : index
      %parallel_loop3A_173 = tpu.vector_load %arg8[%parallel_loop3A_171, %parallel_loop3A_172] {strides = array<i32>} : memref<128x128xf32, #tpu.memory_space<vmem>>, vector<1x16xf32>,
      %parallel_loop3A_174 = vector.shape_cast %parallel_loop3A_173 : vector<1x16xf32> to vector<16xf32>
      %parallel_loop3A_175 = arith.constant 64 : i32
      %parallel_loop3A_176 = arith.addi %parallel_loop3A_175, %parallel_loop3A_144 : i32
      %parallel_loop3A_177 = arith.constant 0 : i32
      %parallel_loop3A_178 = arith.addi %parallel_loop3A_176, %parallel_loop3A_177 : i32
      %parallel_loop3A_179 = arith.index_cast %parallel_loop3A_178 : i32 to index
      %parallel_loop3A_180 = arith.constant 16 : index
      %parallel_loop3A_181 = tpu.vector_load %arg8[%parallel_loop3A_179, %parallel_loop3A_180] {strides = array<i32>} : memref<128x128xf32, #tpu.memory_space<vmem>>, vector<1x16xf32>,
      %parallel_loop3A_182 = vector.shape_cast %parallel_loop3A_181 : vector<1x16xf32> to vector<16xf32>
      %parallel_loop3A_183 = arith.subf %parallel_loop3A_174, %parallel_loop3A_182 : vector<16xf32>
      %parallel_loop3A_184 = arith.constant 64 : i32
      %parallel_loop3A_185 = arith.addi %parallel_loop3A_184, %parallel_loop3A_144 : i32
      %parallel_loop3A_186 = arith.constant 0 : i32
      %parallel_loop3A_187 = arith.addi %parallel_loop3A_185, %parallel_loop3A_186 : i32
      %parallel_loop3A_188 = arith.index_cast %parallel_loop3A_187 : i32 to index
      %parallel_loop3A_189 = arith.constant 16 : index
      %parallel_loop3A_190 = tpu.vector_load %arg8[%parallel_loop3A_188, %parallel_loop3A_189] {strides = array<i32>} : memref<128x128xf32, #tpu.memory_space<vmem>>, vector<1x16xf32>,
      %parallel_loop3A_191 = vector.shape_cast %parallel_loop3A_190 : vector<1x16xf32> to vector<16xf32>
      %parallel_loop3A_192 = vector.shape_cast %parallel_loop3A_183 : vector<16xf32> to vector<1x16xf32>
      tpu.vector_store %arg8[%parallel_loop3A_188, %parallel_loop3A_189], %parallel_loop3A_192 {strides = array<i32>} : memref<128x128xf32, #tpu.memory_space<vmem>>, vector<1x16xf32>,
      %parallel_loop3A_193 = arith.constant 0 : i32
      %parallel_loop3A_194 = arith.addi %parallel_loop3A_144, %parallel_loop3A_193 : i32
      %parallel_loop3A_195 = arith.index_cast %parallel_loop3A_194 : i32 to index
      %parallel_loop3A_196 = arith.constant 32 : index
      %parallel_loop3A_197 = tpu.vector_load %arg8[%parallel_loop3A_195, %parallel_loop3A_196] {strides = array<i32>} : memref<128x128xf32, #tpu.memory_space<vmem>>, vector<1x16xf32>,
      %parallel_loop3A_198 = vector.shape_cast %parallel_loop3A_197 : vector<1x16xf32> to vector<16xf32>
      %parallel_loop3A_199 = arith.constant 64 : i32
      %parallel_loop3A_200 = arith.addi %parallel_loop3A_199, %parallel_loop3A_144 : i32
      %parallel_loop3A_201 = arith.constant 0 : i32
      %parallel_loop3A_202 = arith.addi %parallel_loop3A_200, %parallel_loop3A_201 : i32
      %parallel_loop3A_203 = arith.index_cast %parallel_loop3A_202 : i32 to index
      %parallel_loop3A_204 = arith.constant 32 : index
      %parallel_loop3A_205 = tpu.vector_load %arg8[%parallel_loop3A_203, %parallel_loop3A_204] {strides = array<i32>} : memref<128x128xf32, #tpu.memory_space<vmem>>, vector<1x16xf32>,
      %parallel_loop3A_206 = vector.shape_cast %parallel_loop3A_205 : vector<1x16xf32> to vector<16xf32>
      %parallel_loop3A_207 = arith.subf %parallel_loop3A_198, %parallel_loop3A_206 : vector<16xf32>
      %parallel_loop3A_208 = arith.constant 64 : i32
      %parallel_loop3A_209 = arith.addi %parallel_loop3A_208, %parallel_loop3A_144 : i32
      %parallel_loop3A_210 = arith.constant 0 : i32
      %parallel_loop3A_211 = arith.addi %parallel_loop3A_209, %parallel_loop3A_210 : i32
      %parallel_loop3A_212 = arith.index_cast %parallel_loop3A_211 : i32 to index
      %parallel_loop3A_213 = arith.constant 32 : index
      %parallel_loop3A_214 = tpu.vector_load %arg8[%parallel_loop3A_212, %parallel_loop3A_213] {strides = array<i32>} : memref<128x128xf32, #tpu.memory_space<vmem>>, vector<1x16xf32>,
      %parallel_loop3A_215 = vector.shape_cast %parallel_loop3A_214 : vector<1x16xf32> to vector<16xf32>
      %parallel_loop3A_216 = vector.shape_cast %parallel_loop3A_207 : vector<16xf32> to vector<1x16xf32>
      tpu.vector_store %arg8[%parallel_loop3A_212, %parallel_loop3A_213], %parallel_loop3A_216 {strides = array<i32>} : memref<128x128xf32, #tpu.memory_space<vmem>>, vector<1x16xf32>,
      %parallel_loop3A_217 = arith.constant 0 : i32
      %parallel_loop3A_218 = arith.addi %parallel_loop3A_144, %parallel_loop3A_217 : i32
      %parallel_loop3A_219 = arith.index_cast %parallel_loop3A_218 : i32 to index
      %parallel_loop3A_220 = arith.constant 48 : index
      %parallel_loop3A_221 = tpu.vector_load %arg8[%parallel_loop3A_219, %parallel_loop3A_220] {strides = array<i32>} : memref<128x128xf32, #tpu.memory_space<vmem>>, vector<1x16xf32>,
      %parallel_loop3A_222 = vector.shape_cast %parallel_loop3A_221 : vector<1x16xf32> to vector<16xf32>
      %parallel_loop3A_223 = arith.constant 64 : i32
      %parallel_loop3A_224 = arith.addi %parallel_loop3A_223, %parallel_loop3A_144 : i32
      %parallel_loop3A_225 = arith.constant 0 : i32
      %parallel_loop3A_226 = arith.addi %parallel_loop3A_224, %parallel_loop3A_225 : i32
      %parallel_loop3A_227 = arith.index_cast %parallel_loop3A_226 : i32 to index
      %parallel_loop3A_228 = arith.constant 48 : index
      %parallel_loop3A_229 = tpu.vector_load %arg8[%parallel_loop3A_227, %parallel_loop3A_228] {strides = array<i32>} : memref<128x128xf32, #tpu.memory_space<vmem>>, vector<1x16xf32>,
      %parallel_loop3A_230 = vector.shape_cast %parallel_loop3A_229 : vector<1x16xf32> to vector<16xf32>
      %parallel_loop3A_231 = arith.subf %parallel_loop3A_222, %parallel_loop3A_230 : vector<16xf32>
      %parallel_loop3A_232 = arith.constant 64 : i32
      %parallel_loop3A_233 = arith.addi %parallel_loop3A_232, %parallel_loop3A_144 : i32
      %parallel_loop3A_234 = arith.constant 0 : i32
      %parallel_loop3A_235 = arith.addi %parallel_loop3A_233, %parallel_loop3A_234 : i32
      %parallel_loop3A_236 = arith.index_cast %parallel_loop3A_235 : i32 to index
      %parallel_loop3A_237 = arith.constant 48 : index
      %parallel_loop3A_238 = tpu.vector_load %arg8[%parallel_loop3A_236, %parallel_loop3A_237] {strides = array<i32>} : memref<128x128xf32, #tpu.memory_space<vmem>>, vector<1x16xf32>,
      %parallel_loop3A_239 = vector.shape_cast %parallel_loop3A_238 : vector<1x16xf32> to vector<16xf32>
      %parallel_loop3A_240 = vector.shape_cast %parallel_loop3A_231 : vector<16xf32> to vector<1x16xf32>
      tpu.vector_store %arg8[%parallel_loop3A_236, %parallel_loop3A_237], %parallel_loop3A_240 {strides = array<i32>} : memref<128x128xf32, #tpu.memory_space<vmem>>, vector<1x16xf32>,
      %parallel_loop3A_241 = arith.constant 0 : i32
      %parallel_loop3A_242 = arith.addi %parallel_loop3A_144, %parallel_loop3A_241 : i32
      %parallel_loop3A_243 = arith.index_cast %parallel_loop3A_242 : i32 to index
      %parallel_loop3A_244 = arith.constant 64 : index
      %parallel_loop3A_245 = tpu.vector_load %arg8[%parallel_loop3A_243, %parallel_loop3A_244] {strides = array<i32>} : memref<128x128xf32, #tpu.memory_space<vmem>>, vector<1x16xf32>,
      %parallel_loop3A_246 = vector.shape_cast %parallel_loop3A_245 : vector<1x16xf32> to vector<16xf32>
      %parallel_loop3A_247 = arith.constant 64 : i32
      %parallel_loop3A_248 = arith.addi %parallel_loop3A_247, %parallel_loop3A_144 : i32
      %parallel_loop3A_249 = arith.constant 0 : i32
      %parallel_loop3A_250 = arith.addi %parallel_loop3A_248, %parallel_loop3A_249 : i32
      %parallel_loop3A_251 = arith.index_cast %parallel_loop3A_250 : i32 to index
      %parallel_loop3A_252 = arith.constant 64 : index
      %parallel_loop3A_253 = tpu.vector_load %arg8[%parallel_loop3A_251, %parallel_loop3A_252] {strides = array<i32>} : memref<128x128xf32, #tpu.memory_space<vmem>>, vector<1x16xf32>,
      %parallel_loop3A_254 = vector.shape_cast %parallel_loop3A_253 : vector<1x16xf32> to vector<16xf32>
      %parallel_loop3A_255 = arith.subf %parallel_loop3A_246, %parallel_loop3A_254 : vector<16xf32>
      %parallel_loop3A_256 = arith.constant 64 : i32
      %parallel_loop3A_257 = arith.addi %parallel_loop3A_256, %parallel_loop3A_144 : i32
      %parallel_loop3A_258 = arith.constant 0 : i32
      %parallel_loop3A_259 = arith.addi %parallel_loop3A_257, %parallel_loop3A_258 : i32
      %parallel_loop3A_260 = arith.index_cast %parallel_loop3A_259 : i32 to index
      %parallel_loop3A_261 = arith.constant 64 : index
      %parallel_loop3A_262 = tpu.vector_load %arg8[%parallel_loop3A_260, %parallel_loop3A_261] {strides = array<i32>} : memref<128x128xf32, #tpu.memory_space<vmem>>, vector<1x16xf32>,
      %parallel_loop3A_263 = vector.shape_cast %parallel_loop3A_262 : vector<1x16xf32> to vector<16xf32>
      %parallel_loop3A_264 = vector.shape_cast %parallel_loop3A_255 : vector<16xf32> to vector<1x16xf32>
      tpu.vector_store %arg8[%parallel_loop3A_260, %parallel_loop3A_261], %parallel_loop3A_264 {strides = array<i32>} : memref<128x128xf32, #tpu.memory_space<vmem>>, vector<1x16xf32>,
      %parallel_loop3A_265 = arith.constant 0 : i32
      %parallel_loop3A_266 = arith.addi %parallel_loop3A_144, %parallel_loop3A_265 : i32
      %parallel_loop3A_267 = arith.index_cast %parallel_loop3A_266 : i32 to index
      %parallel_loop3A_268 = arith.constant 80 : index
      %parallel_loop3A_269 = tpu.vector_load %arg8[%parallel_loop3A_267, %parallel_loop3A_268] {strides = array<i32>} : memref<128x128xf32, #tpu.memory_space<vmem>>, vector<1x16xf32>,
      %parallel_loop3A_270 = vector.shape_cast %parallel_loop3A_269 : vector<1x16xf32> to vector<16xf32>
      %parallel_loop3A_271 = arith.constant 64 : i32
      %parallel_loop3A_272 = arith.addi %parallel_loop3A_271, %parallel_loop3A_144 : i32
      %parallel_loop3A_273 = arith.constant 0 : i32
      %parallel_loop3A_274 = arith.addi %parallel_loop3A_272, %parallel_loop3A_273 : i32
      %parallel_loop3A_275 = arith.index_cast %parallel_loop3A_274 : i32 to index
      %parallel_loop3A_276 = arith.constant 80 : index
      %parallel_loop3A_277 = tpu.vector_load %arg8[%parallel_loop3A_275, %parallel_loop3A_276] {strides = array<i32>} : memref<128x128xf32, #tpu.memory_space<vmem>>, vector<1x16xf32>,
      %parallel_loop3A_278 = vector.shape_cast %parallel_loop3A_277 : vector<1x16xf32> to vector<16xf32>
      %parallel_loop3A_279 = arith.subf %parallel_loop3A_270, %parallel_loop3A_278 : vector<16xf32>
      %parallel_loop3A_280 = arith.constant 64 : i32
      %parallel_loop3A_281 = arith.addi %parallel_loop3A_280, %parallel_loop3A_144 : i32
      %parallel_loop3A_282 = arith.constant 0 : i32
      %parallel_loop3A_283 = arith.addi %parallel_loop3A_281, %parallel_loop3A_282 : i32
      %parallel_loop3A_284 = arith.index_cast %parallel_loop3A_283 : i32 to index
      %parallel_loop3A_285 = arith.constant 80 : index
      %parallel_loop3A_286 = tpu.vector_load %arg8[%parallel_loop3A_284, %parallel_loop3A_285] {strides = array<i32>} : memref<128x128xf32, #tpu.memory_space<vmem>>, vector<1x16xf32>,
      %parallel_loop3A_287 = vector.shape_cast %parallel_loop3A_286 : vector<1x16xf32> to vector<16xf32>
      %parallel_loop3A_288 = vector.shape_cast %parallel_loop3A_279 : vector<16xf32> to vector<1x16xf32>
      tpu.vector_store %arg8[%parallel_loop3A_284, %parallel_loop3A_285], %parallel_loop3A_288 {strides = array<i32>} : memref<128x128xf32, #tpu.memory_space<vmem>>, vector<1x16xf32>,
      %parallel_loop3A_289 = arith.constant 0 : i32
      %parallel_loop3A_290 = arith.addi %parallel_loop3A_144, %parallel_loop3A_289 : i32
      %parallel_loop3A_291 = arith.index_cast %parallel_loop3A_290 : i32 to index
      %parallel_loop3A_292 = arith.constant 96 : index
      %parallel_loop3A_293 = tpu.vector_load %arg8[%parallel_loop3A_291, %parallel_loop3A_292] {strides = array<i32>} : memref<128x128xf32, #tpu.memory_space<vmem>>, vector<1x16xf32>,
      %parallel_loop3A_294 = vector.shape_cast %parallel_loop3A_293 : vector<1x16xf32> to vector<16xf32>
      %parallel_loop3A_295 = arith.constant 64 : i32
      %parallel_loop3A_296 = arith.addi %parallel_loop3A_295, %parallel_loop3A_144 : i32
      %parallel_loop3A_297 = arith.constant 0 : i32
      %parallel_loop3A_298 = arith.addi %parallel_loop3A_296, %parallel_loop3A_297 : i32
      %parallel_loop3A_299 = arith.index_cast %parallel_loop3A_298 : i32 to index
      %parallel_loop3A_300 = arith.constant 96 : index
      %parallel_loop3A_301 = tpu.vector_load %arg8[%parallel_loop3A_299, %parallel_loop3A_300] {strides = array<i32>} : memref<128x128xf32, #tpu.memory_space<vmem>>, vector<1x16xf32>,
      %parallel_loop3A_302 = vector.shape_cast %parallel_loop3A_301 : vector<1x16xf32> to vector<16xf32>
      %parallel_loop3A_303 = arith.subf %parallel_loop3A_294, %parallel_loop3A_302 : vector<16xf32>
      %parallel_loop3A_304 = arith.constant 64 : i32
      %parallel_loop3A_305 = arith.addi %parallel_loop3A_304, %parallel_loop3A_144 : i32
      %parallel_loop3A_306 = arith.constant 0 : i32
      %parallel_loop3A_307 = arith.addi %parallel_loop3A_305, %parallel_loop3A_306 : i32
      %parallel_loop3A_308 = arith.index_cast %parallel_loop3A_307 : i32 to index
      %parallel_loop3A_309 = arith.constant 96 : index
      %parallel_loop3A_310 = tpu.vector_load %arg8[%parallel_loop3A_308, %parallel_loop3A_309] {strides = array<i32>} : memref<128x128xf32, #tpu.memory_space<vmem>>, vector<1x16xf32>,
      %parallel_loop3A_311 = vector.shape_cast %parallel_loop3A_310 : vector<1x16xf32> to vector<16xf32>
      %parallel_loop3A_312 = vector.shape_cast %parallel_loop3A_303 : vector<16xf32> to vector<1x16xf32>
      tpu.vector_store %arg8[%parallel_loop3A_308, %parallel_loop3A_309], %parallel_loop3A_312 {strides = array<i32>} : memref<128x128xf32, #tpu.memory_space<vmem>>, vector<1x16xf32>,
      %parallel_loop3A_313 = arith.constant 0 : i32
      %parallel_loop3A_314 = arith.addi %parallel_loop3A_144, %parallel_loop3A_313 : i32
      %parallel_loop3A_315 = arith.index_cast %parallel_loop3A_314 : i32 to index
      %parallel_loop3A_316 = arith.constant 112 : index
      %parallel_loop3A_317 = tpu.vector_load %arg8[%parallel_loop3A_315, %parallel_loop3A_316] {strides = array<i32>} : memref<128x128xf32, #tpu.memory_space<vmem>>, vector<1x16xf32>,
      %parallel_loop3A_318 = vector.shape_cast %parallel_loop3A_317 : vector<1x16xf32> to vector<16xf32>
      %parallel_loop3A_319 = arith.constant 64 : i32
      %parallel_loop3A_320 = arith.addi %parallel_loop3A_319, %parallel_loop3A_144 : i32
      %parallel_loop3A_321 = arith.constant 0 : i32
      %parallel_loop3A_322 = arith.addi %parallel_loop3A_320, %parallel_loop3A_321 : i32
      %parallel_loop3A_323 = arith.index_cast %parallel_loop3A_322 : i32 to index
      %parallel_loop3A_324 = arith.constant 112 : index
      %parallel_loop3A_325 = tpu.vector_load %arg8[%parallel_loop3A_323, %parallel_loop3A_324] {strides = array<i32>} : memref<128x128xf32, #tpu.memory_space<vmem>>, vector<1x16xf32>,
      %parallel_loop3A_326 = vector.shape_cast %parallel_loop3A_325 : vector<1x16xf32> to vector<16xf32>
      %parallel_loop3A_327 = arith.subf %parallel_loop3A_318, %parallel_loop3A_326 : vector<16xf32>
      %parallel_loop3A_328 = arith.constant 64 : i32
      %parallel_loop3A_329 = arith.addi %parallel_loop3A_328, %parallel_loop3A_144 : i32
      %parallel_loop3A_330 = arith.constant 0 : i32
      %parallel_loop3A_331 = arith.addi %parallel_loop3A_329, %parallel_loop3A_330 : i32
      %parallel_loop3A_332 = arith.index_cast %parallel_loop3A_331 : i32 to index
      %parallel_loop3A_333 = arith.constant 112 : index
      %parallel_loop3A_334 = tpu.vector_load %arg8[%parallel_loop3A_332, %parallel_loop3A_333] {strides = array<i32>} : memref<128x128xf32, #tpu.memory_space<vmem>>, vector<1x16xf32>,
      %parallel_loop3A_335 = vector.shape_cast %parallel_loop3A_334 : vector<1x16xf32> to vector<16xf32>
      %parallel_loop3A_336 = vector.shape_cast %parallel_loop3A_327 : vector<16xf32> to vector<1x16xf32>
      tpu.vector_store %arg8[%parallel_loop3A_332, %parallel_loop3A_333], %parallel_loop3A_336 {strides = array<i32>} : memref<128x128xf32, #tpu.memory_space<vmem>>, vector<1x16xf32>,
      %parallel_loop3A_337 = arith.constant 1 : i32
      %parallel_loop3A_338 = arith.addi %parallel_loop3A_144, %parallel_loop3A_337 : i32
      %parallel_loop3A_339 = arith.index_cast %parallel_loop3A_338 : i32 to index
      %parallel_loop3A_340 = arith.constant 0 : index
      %parallel_loop3A_341 = tpu.vector_load %arg8[%parallel_loop3A_339, %parallel_loop3A_340] {strides = array<i32>} : memref<128x128xf32, #tpu.memory_space<vmem>>, vector<1x16xf32>,
      %parallel_loop3A_342 = vector.shape_cast %parallel_loop3A_341 : vector<1x16xf32> to vector<16xf32>
      %parallel_loop3A_343 = arith.constant 64 : i32
      %parallel_loop3A_344 = arith.addi %parallel_loop3A_343, %parallel_loop3A_144 : i32
      %parallel_loop3A_345 = arith.constant 1 : i32
      %parallel_loop3A_346 = arith.addi %parallel_loop3A_344, %parallel_loop3A_345 : i32
      %parallel_loop3A_347 = arith.index_cast %parallel_loop3A_346 : i32 to index
      %parallel_loop3A_348 = arith.constant 0 : index
      %parallel_loop3A_349 = tpu.vector_load %arg8[%parallel_loop3A_347, %parallel_loop3A_348] {strides = array<i32>} : memref<128x128xf32, #tpu.memory_space<vmem>>, vector<1x16xf32>,
      %parallel_loop3A_350 = vector.shape_cast %parallel_loop3A_349 : vector<1x16xf32> to vector<16xf32>
      %parallel_loop3A_351 = arith.subf %parallel_loop3A_342, %parallel_loop3A_350 : vector<16xf32>
      %parallel_loop3A_352 = arith.constant 64 : i32
      %parallel_loop3A_353 = arith.addi %parallel_loop3A_352, %parallel_loop3A_144 : i32
      %parallel_loop3A_354 = arith.constant 1 : i32
      %parallel_loop3A_355 = arith.addi %parallel_loop3A_353, %parallel_loop3A_354 : i32
      %parallel_loop3A_356 = arith.index_cast %parallel_loop3A_355 : i32 to index
      %parallel_loop3A_357 = arith.constant 0 : index
      %parallel_loop3A_358 = tpu.vector_load %arg8[%parallel_loop3A_356, %parallel_loop3A_357] {strides = array<i32>} : memref<128x128xf32, #tpu.memory_space<vmem>>, vector<1x16xf32>,
      %parallel_loop3A_359 = vector.shape_cast %parallel_loop3A_358 : vector<1x16xf32> to vector<16xf32>
      %parallel_loop3A_360 = vector.shape_cast %parallel_loop3A_351 : vector<16xf32> to vector<1x16xf32>
      tpu.vector_store %arg8[%parallel_loop3A_356, %parallel_loop3A_357], %parallel_loop3A_360 {strides = array<i32>} : memref<128x128xf32, #tpu.memory_space<vmem>>, vector<1x16xf32>,
      %parallel_loop3A_361 = arith.constant 1 : i32
      %parallel_loop3A_362 = arith.addi %parallel_loop3A_144, %parallel_loop3A_361 : i32
      %parallel_loop3A_363 = arith.index_cast %parallel_loop3A_362 : i32 to index
      %parallel_loop3A_364 = arith.constant 16 : index
      %parallel_loop3A_365 = tpu.vector_load %arg8[%parallel_loop3A_363, %parallel_loop3A_364] {strides = array<i32>} : memref<128x128xf32, #tpu.memory_space<vmem>>, vector<1x16xf32>,
      %parallel_loop3A_366 = vector.shape_cast %parallel_loop3A_365 : vector<1x16xf32> to vector<16xf32>
      %parallel_loop3A_367 = arith.constant 64 : i32
      %parallel_loop3A_368 = arith.addi %parallel_loop3A_367, %parallel_loop3A_144 : i32
      %parallel_loop3A_369 = arith.constant 1 : i32
      %parallel_loop3A_370 = arith.addi %parallel_loop3A_368, %parallel_loop3A_369 : i32
      %parallel_loop3A_371 = arith.index_cast %parallel_loop3A_370 : i32 to index
      %parallel_loop3A_372 = arith.constant 16 : index
      %parallel_loop3A_373 = tpu.vector_load %arg8[%parallel_loop3A_371, %parallel_loop3A_372] {strides = array<i32>} : memref<128x128xf32, #tpu.memory_space<vmem>>, vector<1x16xf32>,
      %parallel_loop3A_374 = vector.shape_cast %parallel_loop3A_373 : vector<1x16xf32> to vector<16xf32>
      %parallel_loop3A_375 = arith.subf %parallel_loop3A_366, %parallel_loop3A_374 : vector<16xf32>
      %parallel_loop3A_376 = arith.constant 64 : i32
      %parallel_loop3A_377 = arith.addi %parallel_loop3A_376, %parallel_loop3A_144 : i32
      %parallel_loop3A_378 = arith.constant 1 : i32
      %parallel_loop3A_379 = arith.addi %parallel_loop3A_377, %parallel_loop3A_378 : i32
      %parallel_loop3A_380 = arith.index_cast %parallel_loop3A_379 : i32 to index
      %parallel_loop3A_381 = arith.constant 16 : index
      %parallel_loop3A_382 = tpu.vector_load %arg8[%parallel_loop3A_380, %parallel_loop3A_381] {strides = array<i32>} : memref<128x128xf32, #tpu.memory_space<vmem>>, vector<1x16xf32>,
      %parallel_loop3A_383 = vector.shape_cast %parallel_loop3A_382 : vector<1x16xf32> to vector<16xf32>
      %parallel_loop3A_384 = vector.shape_cast %parallel_loop3A_375 : vector<16xf32> to vector<1x16xf32>
      tpu.vector_store %arg8[%parallel_loop3A_380, %parallel_loop3A_381], %parallel_loop3A_384 {strides = array<i32>} : memref<128x128xf32, #tpu.memory_space<vmem>>, vector<1x16xf32>,
      %parallel_loop3A_385 = arith.constant 1 : i32
      %parallel_loop3A_386 = arith.addi %parallel_loop3A_144, %parallel_loop3A_385 : i32
      %parallel_loop3A_387 = arith.index_cast %parallel_loop3A_386 : i32 to index
      %parallel_loop3A_388 = arith.constant 32 : index
      %parallel_loop3A_389 = tpu.vector_load %arg8[%parallel_loop3A_387, %parallel_loop3A_388] {strides = array<i32>} : memref<128x128xf32, #tpu.memory_space<vmem>>, vector<1x16xf32>,
      %parallel_loop3A_390 = vector.shape_cast %parallel_loop3A_389 : vector<1x16xf32> to vector<16xf32>
      %parallel_loop3A_391 = arith.constant 64 : i32
      %parallel_loop3A_392 = arith.addi %parallel_loop3A_391, %parallel_loop3A_144 : i32
      %parallel_loop3A_393 = arith.constant 1 : i32
      %parallel_loop3A_394 = arith.addi %parallel_loop3A_392, %parallel_loop3A_393 : i32
      %parallel_loop3A_395 = arith.index_cast %parallel_loop3A_394 : i32 to index
      %parallel_loop3A_396 = arith.constant 32 : index
      %parallel_loop3A_397 = tpu.vector_load %arg8[%parallel_loop3A_395, %parallel_loop3A_396] {strides = array<i32>} : memref<128x128xf32, #tpu.memory_space<vmem>>, vector<1x16xf32>,
      %parallel_loop3A_398 = vector.shape_cast %parallel_loop3A_397 : vector<1x16xf32> to vector<16xf32>
      %parallel_loop3A_399 = arith.subf %parallel_loop3A_390, %parallel_loop3A_398 : vector<16xf32>
      %parallel_loop3A_400 = arith.constant 64 : i32
      %parallel_loop3A_401 = arith.addi %parallel_loop3A_400, %parallel_loop3A_144 : i32
      %parallel_loop3A_402 = arith.constant 1 : i32
      %parallel_loop3A_403 = arith.addi %parallel_loop3A_401, %parallel_loop3A_402 : i32
      %parallel_loop3A_404 = arith.index_cast %parallel_loop3A_403 : i32 to index
      %parallel_loop3A_405 = arith.constant 32 : index
      %parallel_loop3A_406 = tpu.vector_load %arg8[%parallel_loop3A_404, %parallel_loop3A_405] {strides = array<i32>} : memref<128x128xf32, #tpu.memory_space<vmem>>, vector<1x16xf32>,
      %parallel_loop3A_407 = vector.shape_cast %parallel_loop3A_406 : vector<1x16xf32> to vector<16xf32>
      %parallel_loop3A_408 = vector.shape_cast %parallel_loop3A_399 : vector<16xf32> to vector<1x16xf32>
      tpu.vector_store %arg8[%parallel_loop3A_404, %parallel_loop3A_405], %parallel_loop3A_408 {strides = array<i32>} : memref<128x128xf32, #tpu.memory_space<vmem>>, vector<1x16xf32>,
      %parallel_loop3A_409 = arith.constant 1 : i32
      %parallel_loop3A_410 = arith.addi %parallel_loop3A_144, %parallel_loop3A_409 : i32
      %parallel_loop3A_411 = arith.index_cast %parallel_loop3A_410 : i32 to index
      %parallel_loop3A_412 = arith.constant 48 : index
      %parallel_loop3A_413 = tpu.vector_load %arg8[%parallel_loop3A_411, %parallel_loop3A_412] {strides = array<i32>} : memref<128x128xf32, #tpu.memory_space<vmem>>, vector<1x16xf32>,
      %parallel_loop3A_414 = vector.shape_cast %parallel_loop3A_413 : vector<1x16xf32> to vector<16xf32>
      %parallel_loop3A_415 = arith.constant 64 : i32
      %parallel_loop3A_416 = arith.addi %parallel_loop3A_415, %parallel_loop3A_144 : i32
      %parallel_loop3A_417 = arith.constant 1 : i32
      %parallel_loop3A_418 = arith.addi %parallel_loop3A_416, %parallel_loop3A_417 : i32
      %parallel_loop3A_419 = arith.index_cast %parallel_loop3A_418 : i32 to index
      %parallel_loop3A_420 = arith.constant 48 : index
      %parallel_loop3A_421 = tpu.vector_load %arg8[%parallel_loop3A_419, %parallel_loop3A_420] {strides = array<i32>} : memref<128x128xf32, #tpu.memory_space<vmem>>, vector<1x16xf32>,
      %parallel_loop3A_422 = vector.shape_cast %parallel_loop3A_421 : vector<1x16xf32> to vector<16xf32>
      %parallel_loop3A_423 = arith.subf %parallel_loop3A_414, %parallel_loop3A_422 : vector<16xf32>
      %parallel_loop3A_424 = arith.constant 64 : i32
      %parallel_loop3A_425 = arith.addi %parallel_loop3A_424, %parallel_loop3A_144 : i32
      %parallel_loop3A_426 = arith.constant 1 : i32
      %parallel_loop3A_427 = arith.addi %parallel_loop3A_425, %parallel_loop3A_426 : i32
      %parallel_loop3A_428 = arith.index_cast %parallel_loop3A_427 : i32 to index
      %parallel_loop3A_429 = arith.constant 48 : index
      %parallel_loop3A_430 = tpu.vector_load %arg8[%parallel_loop3A_428, %parallel_loop3A_429] {strides = array<i32>} : memref<128x128xf32, #tpu.memory_space<vmem>>, vector<1x16xf32>,
      %parallel_loop3A_431 = vector.shape_cast %parallel_loop3A_430 : vector<1x16xf32> to vector<16xf32>
      %parallel_loop3A_432 = vector.shape_cast %parallel_loop3A_423 : vector<16xf32> to vector<1x16xf32>
      tpu.vector_store %arg8[%parallel_loop3A_428, %parallel_loop3A_429], %parallel_loop3A_432 {strides = array<i32>} : memref<128x128xf32, #tpu.memory_space<vmem>>, vector<1x16xf32>,
      %parallel_loop3A_433 = arith.constant 1 : i32
      %parallel_loop3A_434 = arith.addi %parallel_loop3A_144, %parallel_loop3A_433 : i32
      %parallel_loop3A_435 = arith.index_cast %parallel_loop3A_434 : i32 to index
      %parallel_loop3A_436 = arith.constant 64 : index
      %parallel_loop3A_437 = tpu.vector_load %arg8[%parallel_loop3A_435, %parallel_loop3A_436] {strides = array<i32>} : memref<128x128xf32, #tpu.memory_space<vmem>>, vector<1x16xf32>,
      %parallel_loop3A_438 = vector.shape_cast %parallel_loop3A_437 : vector<1x16xf32> to vector<16xf32>
      %parallel_loop3A_439 = arith.constant 64 : i32
      %parallel_loop3A_440 = arith.addi %parallel_loop3A_439, %parallel_loop3A_144 : i32
      %parallel_loop3A_441 = arith.constant 1 : i32
      %parallel_loop3A_442 = arith.addi %parallel_loop3A_440, %parallel_loop3A_441 : i32
      %parallel_loop3A_443 = arith.index_cast %parallel_loop3A_442 : i32 to index
      %parallel_loop3A_444 = arith.constant 64 : index
      %parallel_loop3A_445 = tpu.vector_load %arg8[%parallel_loop3A_443, %parallel_loop3A_444] {strides = array<i32>} : memref<128x128xf32, #tpu.memory_space<vmem>>, vector<1x16xf32>,
      %parallel_loop3A_446 = vector.shape_cast %parallel_loop3A_445 : vector<1x16xf32> to vector<16xf32>
      %parallel_loop3A_447 = arith.subf %parallel_loop3A_438, %parallel_loop3A_446 : vector<16xf32>
      %parallel_loop3A_448 = arith.constant 64 : i32
      %parallel_loop3A_449 = arith.addi %parallel_loop3A_448, %parallel_loop3A_144 : i32
      %parallel_loop3A_450 = arith.constant 1 : i32
      %parallel_loop3A_451 = arith.addi %parallel_loop3A_449, %parallel_loop3A_450 : i32
      %parallel_loop3A_452 = arith.index_cast %parallel_loop3A_451 : i32 to index
      %parallel_loop3A_453 = arith.constant 64 : index
      %parallel_loop3A_454 = tpu.vector_load %arg8[%parallel_loop3A_452, %parallel_loop3A_453] {strides = array<i32>} : memref<128x128xf32, #tpu.memory_space<vmem>>, vector<1x16xf32>,
      %parallel_loop3A_455 = vector.shape_cast %parallel_loop3A_454 : vector<1x16xf32> to vector<16xf32>
      %parallel_loop3A_456 = vector.shape_cast %parallel_loop3A_447 : vector<16xf32> to vector<1x16xf32>
      tpu.vector_store %arg8[%parallel_loop3A_452, %parallel_loop3A_453], %parallel_loop3A_456 {strides = array<i32>} : memref<128x128xf32, #tpu.memory_space<vmem>>, vector<1x16xf32>,
      %parallel_loop3A_457 = arith.constant 1 : i32
      %parallel_loop3A_458 = arith.addi %parallel_loop3A_144, %parallel_loop3A_457 : i32
      %parallel_loop3A_459 = arith.index_cast %parallel_loop3A_458 : i32 to index
      %parallel_loop3A_460 = arith.constant 80 : index
      %parallel_loop3A_461 = tpu.vector_load %arg8[%parallel_loop3A_459, %parallel_loop3A_460] {strides = array<i32>} : memref<128x128xf32, #tpu.memory_space<vmem>>, vector<1x16xf32>,
      %parallel_loop3A_462 = vector.shape_cast %parallel_loop3A_461 : vector<1x16xf32> to vector<16xf32>
      %parallel_loop3A_463 = arith.constant 64 : i32
      %parallel_loop3A_464 = arith.addi %parallel_loop3A_463, %parallel_loop3A_144 : i32
      %parallel_loop3A_465 = arith.constant 1 : i32
      %parallel_loop3A_466 = arith.addi %parallel_loop3A_464, %parallel_loop3A_465 : i32
      %parallel_loop3A_467 = arith.index_cast %parallel_loop3A_466 : i32 to index
      %parallel_loop3A_468 = arith.constant 80 : index
      %parallel_loop3A_469 = tpu.vector_load %arg8[%parallel_loop3A_467, %parallel_loop3A_468] {strides = array<i32>} : memref<128x128xf32, #tpu.memory_space<vmem>>, vector<1x16xf32>,
      %parallel_loop3A_470 = vector.shape_cast %parallel_loop3A_469 : vector<1x16xf32> to vector<16xf32>
      %parallel_loop3A_471 = arith.subf %parallel_loop3A_462, %parallel_loop3A_470 : vector<16xf32>
      %parallel_loop3A_472 = arith.constant 64 : i32
      %parallel_loop3A_473 = arith.addi %parallel_loop3A_472, %parallel_loop3A_144 : i32
      %parallel_loop3A_474 = arith.constant 1 : i32
      %parallel_loop3A_475 = arith.addi %parallel_loop3A_473, %parallel_loop3A_474 : i32
      %parallel_loop3A_476 = arith.index_cast %parallel_loop3A_475 : i32 to index
      %parallel_loop3A_477 = arith.constant 80 : index
      %parallel_loop3A_478 = tpu.vector_load %arg8[%parallel_loop3A_476, %parallel_loop3A_477] {strides = array<i32>} : memref<128x128xf32, #tpu.memory_space<vmem>>, vector<1x16xf32>,
      %parallel_loop3A_479 = vector.shape_cast %parallel_loop3A_478 : vector<1x16xf32> to vector<16xf32>
      %parallel_loop3A_480 = vector.shape_cast %parallel_loop3A_471 : vector<16xf32> to vector<1x16xf32>
      tpu.vector_store %arg8[%parallel_loop3A_476, %parallel_loop3A_477], %parallel_loop3A_480 {strides = array<i32>} : memref<128x128xf32, #tpu.memory_space<vmem>>, vector<1x16xf32>,
      %parallel_loop3A_481 = arith.constant 1 : i32
      %parallel_loop3A_482 = arith.addi %parallel_loop3A_144, %parallel_loop3A_481 : i32
      %parallel_loop3A_483 = arith.index_cast %parallel_loop3A_482 : i32 to index
      %parallel_loop3A_484 = arith.constant 96 : index
      %parallel_loop3A_485 = tpu.vector_load %arg8[%parallel_loop3A_483, %parallel_loop3A_484] {strides = array<i32>} : memref<128x128xf32, #tpu.memory_space<vmem>>, vector<1x16xf32>,
      %parallel_loop3A_486 = vector.shape_cast %parallel_loop3A_485 : vector<1x16xf32> to vector<16xf32>
      %parallel_loop3A_487 = arith.constant 64 : i32
      %parallel_loop3A_488 = arith.addi %parallel_loop3A_487, %parallel_loop3A_144 : i32
      %parallel_loop3A_489 = arith.constant 1 : i32
      %parallel_loop3A_490 = arith.addi %parallel_loop3A_488, %parallel_loop3A_489 : i32
      %parallel_loop3A_491 = arith.index_cast %parallel_loop3A_490 : i32 to index
      %parallel_loop3A_492 = arith.constant 96 : index
      %parallel_loop3A_493 = tpu.vector_load %arg8[%parallel_loop3A_491, %parallel_loop3A_492] {strides = array<i32>} : memref<128x128xf32, #tpu.memory_space<vmem>>, vector<1x16xf32>,
      %parallel_loop3A_494 = vector.shape_cast %parallel_loop3A_493 : vector<1x16xf32> to vector<16xf32>
      %parallel_loop3A_495 = arith.subf %parallel_loop3A_486, %parallel_loop3A_494 : vector<16xf32>
      %parallel_loop3A_496 = arith.constant 64 : i32
      %parallel_loop3A_497 = arith.addi %parallel_loop3A_496, %parallel_loop3A_144 : i32
      %parallel_loop3A_498 = arith.constant 1 : i32
      %parallel_loop3A_499 = arith.addi %parallel_loop3A_497, %parallel_loop3A_498 : i32
      %parallel_loop3A_500 = arith.index_cast %parallel_loop3A_499 : i32 to index
      %parallel_loop3A_501 = arith.constant 96 : index
      %parallel_loop3A_502 = tpu.vector_load %arg8[%parallel_loop3A_500, %parallel_loop3A_501] {strides = array<i32>} : memref<128x128xf32, #tpu.memory_space<vmem>>, vector<1x16xf32>,
      %parallel_loop3A_503 = vector.shape_cast %parallel_loop3A_502 : vector<1x16xf32> to vector<16xf32>
      %parallel_loop3A_504 = vector.shape_cast %parallel_loop3A_495 : vector<16xf32> to vector<1x16xf32>
      tpu.vector_store %arg8[%parallel_loop3A_500, %parallel_loop3A_501], %parallel_loop3A_504 {strides = array<i32>} : memref<128x128xf32, #tpu.memory_space<vmem>>, vector<1x16xf32>,
      %parallel_loop3A_505 = arith.constant 1 : i32
      %parallel_loop3A_506 = arith.addi %parallel_loop3A_144, %parallel_loop3A_505 : i32
      %parallel_loop3A_507 = arith.index_cast %parallel_loop3A_506 : i32 to index
      %parallel_loop3A_508 = arith.constant 112 : index
      %parallel_loop3A_509 = tpu.vector_load %arg8[%parallel_loop3A_507, %parallel_loop3A_508] {strides = array<i32>} : memref<128x128xf32, #tpu.memory_space<vmem>>, vector<1x16xf32>,
      %parallel_loop3A_510 = vector.shape_cast %parallel_loop3A_509 : vector<1x16xf32> to vector<16xf32>
      %parallel_loop3A_511 = arith.constant 64 : i32
      %parallel_loop3A_512 = arith.addi %parallel_loop3A_511, %parallel_loop3A_144 : i32
      %parallel_loop3A_513 = arith.constant 1 : i32
      %parallel_loop3A_514 = arith.addi %parallel_loop3A_512, %parallel_loop3A_513 : i32
      %parallel_loop3A_515 = arith.index_cast %parallel_loop3A_514 : i32 to index
      %parallel_loop3A_516 = arith.constant 112 : index
      %parallel_loop3A_517 = tpu.vector_load %arg8[%parallel_loop3A_515, %parallel_loop3A_516] {strides = array<i32>} : memref<128x128xf32, #tpu.memory_space<vmem>>, vector<1x16xf32>,
      %parallel_loop3A_518 = vector.shape_cast %parallel_loop3A_517 : vector<1x16xf32> to vector<16xf32>
      %parallel_loop3A_519 = arith.subf %parallel_loop3A_510, %parallel_loop3A_518 : vector<16xf32>
      %parallel_loop3A_520 = arith.constant 64 : i32
      %parallel_loop3A_521 = arith.addi %parallel_loop3A_520, %parallel_loop3A_144 : i32
      %parallel_loop3A_522 = arith.constant 1 : i32
      %parallel_loop3A_523 = arith.addi %parallel_loop3A_521, %parallel_loop3A_522 : i32
      %parallel_loop3A_524 = arith.index_cast %parallel_loop3A_523 : i32 to index
      %parallel_loop3A_525 = arith.constant 112 : index
      %parallel_loop3A_526 = tpu.vector_load %arg8[%parallel_loop3A_524, %parallel_loop3A_525] {strides = array<i32>} : memref<128x128xf32, #tpu.memory_space<vmem>>, vector<1x16xf32>,
      %parallel_loop3A_527 = vector.shape_cast %parallel_loop3A_526 : vector<1x16xf32> to vector<16xf32>
      %parallel_loop3A_528 = vector.shape_cast %parallel_loop3A_519 : vector<16xf32> to vector<1x16xf32>
      tpu.vector_store %arg8[%parallel_loop3A_524, %parallel_loop3A_525], %parallel_loop3A_528 {strides = array<i32>} : memref<128x128xf32, #tpu.memory_space<vmem>>, vector<1x16xf32>,
      %parallel_loop3A_529 = arith.constant 2 : i32
      %parallel_loop3A_530 = arith.addi %parallel_loop3A_144, %parallel_loop3A_529 : i32
      %parallel_loop3A_531 = arith.index_cast %parallel_loop3A_530 : i32 to index
      %parallel_loop3A_532 = arith.constant 0 : index
      %parallel_loop3A_533 = tpu.vector_load %arg8[%parallel_loop3A_531, %parallel_loop3A_532] {strides = array<i32>} : memref<128x128xf32, #tpu.memory_space<vmem>>, vector<1x16xf32>,
      %parallel_loop3A_534 = vector.shape_cast %parallel_loop3A_533 : vector<1x16xf32> to vector<16xf32>
      %parallel_loop3A_535 = arith.constant 64 : i32
      %parallel_loop3A_536 = arith.addi %parallel_loop3A_535, %parallel_loop3A_144 : i32
      %parallel_loop3A_537 = arith.constant 2 : i32
      %parallel_loop3A_538 = arith.addi %parallel_loop3A_536, %parallel_loop3A_537 : i32
      %parallel_loop3A_539 = arith.index_cast %parallel_loop3A_538 : i32 to index
      %parallel_loop3A_540 = arith.constant 0 : index
      %parallel_loop3A_541 = tpu.vector_load %arg8[%parallel_loop3A_539, %parallel_loop3A_540] {strides = array<i32>} : memref<128x128xf32, #tpu.memory_space<vmem>>, vector<1x16xf32>,
      %parallel_loop3A_542 = vector.shape_cast %parallel_loop3A_541 : vector<1x16xf32> to vector<16xf32>
      %parallel_loop3A_543 = arith.subf %parallel_loop3A_534, %parallel_loop3A_542 : vector<16xf32>
      %parallel_loop3A_544 = arith.constant 64 : i32
      %parallel_loop3A_545 = arith.addi %parallel_loop3A_544, %parallel_loop3A_144 : i32
      %parallel_loop3A_546 = arith.constant 2 : i32
      %parallel_loop3A_547 = arith.addi %parallel_loop3A_545, %parallel_loop3A_546 : i32
      %parallel_loop3A_548 = arith.index_cast %parallel_loop3A_547 : i32 to index
      %parallel_loop3A_549 = arith.constant 0 : index
      %parallel_loop3A_550 = tpu.vector_load %arg8[%parallel_loop3A_548, %parallel_loop3A_549] {strides = array<i32>} : memref<128x128xf32, #tpu.memory_space<vmem>>, vector<1x16xf32>,
      %parallel_loop3A_551 = vector.shape_cast %parallel_loop3A_550 : vector<1x16xf32> to vector<16xf32>
      %parallel_loop3A_552 = vector.shape_cast %parallel_loop3A_543 : vector<16xf32> to vector<1x16xf32>
      tpu.vector_store %arg8[%parallel_loop3A_548, %parallel_loop3A_549], %parallel_loop3A_552 {strides = array<i32>} : memref<128x128xf32, #tpu.memory_space<vmem>>, vector<1x16xf32>,
      %parallel_loop3A_553 = arith.constant 2 : i32
      %parallel_loop3A_554 = arith.addi %parallel_loop3A_144, %parallel_loop3A_553 : i32
      %parallel_loop3A_555 = arith.index_cast %parallel_loop3A_554 : i32 to index
      %parallel_loop3A_556 = arith.constant 16 : index
      %parallel_loop3A_557 = tpu.vector_load %arg8[%parallel_loop3A_555, %parallel_loop3A_556] {strides = array<i32>} : memref<128x128xf32, #tpu.memory_space<vmem>>, vector<1x16xf32>,
      %parallel_loop3A_558 = vector.shape_cast %parallel_loop3A_557 : vector<1x16xf32> to vector<16xf32>
      %parallel_loop3A_559 = arith.constant 64 : i32
      %parallel_loop3A_560 = arith.addi %parallel_loop3A_559, %parallel_loop3A_144 : i32
      %parallel_loop3A_561 = arith.constant 2 : i32
      %parallel_loop3A_562 = arith.addi %parallel_loop3A_560, %parallel_loop3A_561 : i32
      %parallel_loop3A_563 = arith.index_cast %parallel_loop3A_562 : i32 to index
      %parallel_loop3A_564 = arith.constant 16 : index
      %parallel_loop3A_565 = tpu.vector_load %arg8[%parallel_loop3A_563, %parallel_loop3A_564] {strides = array<i32>} : memref<128x128xf32, #tpu.memory_space<vmem>>, vector<1x16xf32>,
      %parallel_loop3A_566 = vector.shape_cast %parallel_loop3A_565 : vector<1x16xf32> to vector<16xf32>
      %parallel_loop3A_567 = arith.subf %parallel_loop3A_558, %parallel_loop3A_566 : vector<16xf32>
      %parallel_loop3A_568 = arith.constant 64 : i32
      %parallel_loop3A_569 = arith.addi %parallel_loop3A_568, %parallel_loop3A_144 : i32
      %parallel_loop3A_570 = arith.constant 2 : i32
      %parallel_loop3A_571 = arith.addi %parallel_loop3A_569, %parallel_loop3A_570 : i32
      %parallel_loop3A_572 = arith.index_cast %parallel_loop3A_571 : i32 to index
      %parallel_loop3A_573 = arith.constant 16 : index
      %parallel_loop3A_574 = tpu.vector_load %arg8[%parallel_loop3A_572, %parallel_loop3A_573] {strides = array<i32>} : memref<128x128xf32, #tpu.memory_space<vmem>>, vector<1x16xf32>,
      %parallel_loop3A_575 = vector.shape_cast %parallel_loop3A_574 : vector<1x16xf32> to vector<16xf32>
      %parallel_loop3A_576 = vector.shape_cast %parallel_loop3A_567 : vector<16xf32> to vector<1x16xf32>
      tpu.vector_store %arg8[%parallel_loop3A_572, %parallel_loop3A_573], %parallel_loop3A_576 {strides = array<i32>} : memref<128x128xf32, #tpu.memory_space<vmem>>, vector<1x16xf32>,
      %parallel_loop3A_577 = arith.constant 2 : i32
      %parallel_loop3A_578 = arith.addi %parallel_loop3A_144, %parallel_loop3A_577 : i32
      %parallel_loop3A_579 = arith.index_cast %parallel_loop3A_578 : i32 to index
      %parallel_loop3A_580 = arith.constant 32 : index
      %parallel_loop3A_581 = tpu.vector_load %arg8[%parallel_loop3A_579, %parallel_loop3A_580] {strides = array<i32>} : memref<128x128xf32, #tpu.memory_space<vmem>>, vector<1x16xf32>,
      %parallel_loop3A_582 = vector.shape_cast %parallel_loop3A_581 : vector<1x16xf32> to vector<16xf32>
      %parallel_loop3A_583 = arith.constant 64 : i32
      %parallel_loop3A_584 = arith.addi %parallel_loop3A_583, %parallel_loop3A_144 : i32
      %parallel_loop3A_585 = arith.constant 2 : i32
      %parallel_loop3A_586 = arith.addi %parallel_loop3A_584, %parallel_loop3A_585 : i32
      %parallel_loop3A_587 = arith.index_cast %parallel_loop3A_586 : i32 to index
      %parallel_loop3A_588 = arith.constant 32 : index
      %parallel_loop3A_589 = tpu.vector_load %arg8[%parallel_loop3A_587, %parallel_loop3A_588] {strides = array<i32>} : memref<128x128xf32, #tpu.memory_space<vmem>>, vector<1x16xf32>,
      %parallel_loop3A_590 = vector.shape_cast %parallel_loop3A_589 : vector<1x16xf32> to vector<16xf32>
      %parallel_loop3A_591 = arith.subf %parallel_loop3A_582, %parallel_loop3A_590 : vector<16xf32>
      %parallel_loop3A_592 = arith.constant 64 : i32
      %parallel_loop3A_593 = arith.addi %parallel_loop3A_592, %parallel_loop3A_144 : i32
      %parallel_loop3A_594 = arith.constant 2 : i32
      %parallel_loop3A_595 = arith.addi %parallel_loop3A_593, %parallel_loop3A_594 : i32
      %parallel_loop3A_596 = arith.index_cast %parallel_loop3A_595 : i32 to index
      %parallel_loop3A_597 = arith.constant 32 : index
      %parallel_loop3A_598 = tpu.vector_load %arg8[%parallel_loop3A_596, %parallel_loop3A_597] {strides = array<i32>} : memref<128x128xf32, #tpu.memory_space<vmem>>, vector<1x16xf32>,
      %parallel_loop3A_599 = vector.shape_cast %parallel_loop3A_598 : vector<1x16xf32> to vector<16xf32>
      %parallel_loop3A_600 = vector.shape_cast %parallel_loop3A_591 : vector<16xf32> to vector<1x16xf32>
      tpu.vector_store %arg8[%parallel_loop3A_596, %parallel_loop3A_597], %parallel_loop3A_600 {strides = array<i32>} : memref<128x128xf32, #tpu.memory_space<vmem>>, vector<1x16xf32>,
      %parallel_loop3A_601 = arith.constant 2 : i32
      %parallel_loop3A_602 = arith.addi %parallel_loop3A_144, %parallel_loop3A_601 : i32
      %parallel_loop3A_603 = arith.index_cast %parallel_loop3A_602 : i32 to index
      %parallel_loop3A_604 = arith.constant 48 : index
      %parallel_loop3A_605 = tpu.vector_load %arg8[%parallel_loop3A_603, %parallel_loop3A_604] {strides = array<i32>} : memref<128x128xf32, #tpu.memory_space<vmem>>, vector<1x16xf32>,
      %parallel_loop3A_606 = vector.shape_cast %parallel_loop3A_605 : vector<1x16xf32> to vector<16xf32>
      %parallel_loop3A_607 = arith.constant 64 : i32
      %parallel_loop3A_608 = arith.addi %parallel_loop3A_607, %parallel_loop3A_144 : i32
      %parallel_loop3A_609 = arith.constant 2 : i32
      %parallel_loop3A_610 = arith.addi %parallel_loop3A_608, %parallel_loop3A_609 : i32
      %parallel_loop3A_611 = arith.index_cast %parallel_loop3A_610 : i32 to index
      %parallel_loop3A_612 = arith.constant 48 : index
      %parallel_loop3A_613 = tpu.vector_load %arg8[%parallel_loop3A_611, %parallel_loop3A_612] {strides = array<i32>} : memref<128x128xf32, #tpu.memory_space<vmem>>, vector<1x16xf32>,
      %parallel_loop3A_614 = vector.shape_cast %parallel_loop3A_613 : vector<1x16xf32> to vector<16xf32>
      %parallel_loop3A_615 = arith.subf %parallel_loop3A_606, %parallel_loop3A_614 : vector<16xf32>
      %parallel_loop3A_616 = arith.constant 64 : i32
      %parallel_loop3A_617 = arith.addi %parallel_loop3A_616, %parallel_loop3A_144 : i32
      %parallel_loop3A_618 = arith.constant 2 : i32
      %parallel_loop3A_619 = arith.addi %parallel_loop3A_617, %parallel_loop3A_618 : i32
      %parallel_loop3A_620 = arith.index_cast %parallel_loop3A_619 : i32 to index
      %parallel_loop3A_621 = arith.constant 48 : index
      %parallel_loop3A_622 = tpu.vector_load %arg8[%parallel_loop3A_620, %parallel_loop3A_621] {strides = array<i32>} : memref<128x128xf32, #tpu.memory_space<vmem>>, vector<1x16xf32>,
      %parallel_loop3A_623 = vector.shape_cast %parallel_loop3A_622 : vector<1x16xf32> to vector<16xf32>
      %parallel_loop3A_624 = vector.shape_cast %parallel_loop3A_615 : vector<16xf32> to vector<1x16xf32>
      tpu.vector_store %arg8[%parallel_loop3A_620, %parallel_loop3A_621], %parallel_loop3A_624 {strides = array<i32>} : memref<128x128xf32, #tpu.memory_space<vmem>>, vector<1x16xf32>,
      %parallel_loop3A_625 = arith.constant 2 : i32
      %parallel_loop3A_626 = arith.addi %parallel_loop3A_144, %parallel_loop3A_625 : i32
      %parallel_loop3A_627 = arith.index_cast %parallel_loop3A_626 : i32 to index
      %parallel_loop3A_628 = arith.constant 64 : index
      %parallel_loop3A_629 = tpu.vector_load %arg8[%parallel_loop3A_627, %parallel_loop3A_628] {strides = array<i32>} : memref<128x128xf32, #tpu.memory_space<vmem>>, vector<1x16xf32>,
      %parallel_loop3A_630 = vector.shape_cast %parallel_loop3A_629 : vector<1x16xf32> to vector<16xf32>
      %parallel_loop3A_631 = arith.constant 64 : i32
      %parallel_loop3A_632 = arith.addi %parallel_loop3A_631, %parallel_loop3A_144 : i32
      %parallel_loop3A_633 = arith.constant 2 : i32
      %parallel_loop3A_634 = arith.addi %parallel_loop3A_632, %parallel_loop3A_633 : i32
      %parallel_loop3A_635 = arith.index_cast %parallel_loop3A_634 : i32 to index
      %parallel_loop3A_636 = arith.constant 64 : index
      %parallel_loop3A_637 = tpu.vector_load %arg8[%parallel_loop3A_635, %parallel_loop3A_636] {strides = array<i32>} : memref<128x128xf32, #tpu.memory_space<vmem>>, vector<1x16xf32>,
      %parallel_loop3A_638 = vector.shape_cast %parallel_loop3A_637 : vector<1x16xf32> to vector<16xf32>
      %parallel_loop3A_639 = arith.subf %parallel_loop3A_630, %parallel_loop3A_638 : vector<16xf32>
      %parallel_loop3A_640 = arith.constant 64 : i32
      %parallel_loop3A_641 = arith.addi %parallel_loop3A_640, %parallel_loop3A_144 : i32
      %parallel_loop3A_642 = arith.constant 2 : i32
      %parallel_loop3A_643 = arith.addi %parallel_loop3A_641, %parallel_loop3A_642 : i32
      %parallel_loop3A_644 = arith.index_cast %parallel_loop3A_643 : i32 to index
      %parallel_loop3A_645 = arith.constant 64 : index
      %parallel_loop3A_646 = tpu.vector_load %arg8[%parallel_loop3A_644, %parallel_loop3A_645] {strides = array<i32>} : memref<128x128xf32, #tpu.memory_space<vmem>>, vector<1x16xf32>,
      %parallel_loop3A_647 = vector.shape_cast %parallel_loop3A_646 : vector<1x16xf32> to vector<16xf32>
      %parallel_loop3A_648 = vector.shape_cast %parallel_loop3A_639 : vector<16xf32> to vector<1x16xf32>
      tpu.vector_store %arg8[%parallel_loop3A_644, %parallel_loop3A_645], %parallel_loop3A_648 {strides = array<i32>} : memref<128x128xf32, #tpu.memory_space<vmem>>, vector<1x16xf32>,
      %parallel_loop3A_649 = arith.constant 2 : i32
      %parallel_loop3A_650 = arith.addi %parallel_loop3A_144, %parallel_loop3A_649 : i32
      %parallel_loop3A_651 = arith.index_cast %parallel_loop3A_650 : i32 to index
      %parallel_loop3A_652 = arith.constant 80 : index
      %parallel_loop3A_653 = tpu.vector_load %arg8[%parallel_loop3A_651, %parallel_loop3A_652] {strides = array<i32>} : memref<128x128xf32, #tpu.memory_space<vmem>>, vector<1x16xf32>,
      %parallel_loop3A_654 = vector.shape_cast %parallel_loop3A_653 : vector<1x16xf32> to vector<16xf32>
      %parallel_loop3A_655 = arith.constant 64 : i32
      %parallel_loop3A_656 = arith.addi %parallel_loop3A_655, %parallel_loop3A_144 : i32
      %parallel_loop3A_657 = arith.constant 2 : i32
      %parallel_loop3A_658 = arith.addi %parallel_loop3A_656, %parallel_loop3A_657 : i32
      %parallel_loop3A_659 = arith.index_cast %parallel_loop3A_658 : i32 to index
      %parallel_loop3A_660 = arith.constant 80 : index
      %parallel_loop3A_661 = tpu.vector_load %arg8[%parallel_loop3A_659, %parallel_loop3A_660] {strides = array<i32>} : memref<128x128xf32, #tpu.memory_space<vmem>>, vector<1x16xf32>,
      %parallel_loop3A_662 = vector.shape_cast %parallel_loop3A_661 : vector<1x16xf32> to vector<16xf32>
      %parallel_loop3A_663 = arith.subf %parallel_loop3A_654, %parallel_loop3A_662 : vector<16xf32>
      %parallel_loop3A_664 = arith.constant 64 : i32
      %parallel_loop3A_665 = arith.addi %parallel_loop3A_664, %parallel_loop3A_144 : i32
      %parallel_loop3A_666 = arith.constant 2 : i32
      %parallel_loop3A_667 = arith.addi %parallel_loop3A_665, %parallel_loop3A_666 : i32
      %parallel_loop3A_668 = arith.index_cast %parallel_loop3A_667 : i32 to index
      %parallel_loop3A_669 = arith.constant 80 : index
      %parallel_loop3A_670 = tpu.vector_load %arg8[%parallel_loop3A_668, %parallel_loop3A_669] {strides = array<i32>} : memref<128x128xf32, #tpu.memory_space<vmem>>, vector<1x16xf32>,
      %parallel_loop3A_671 = vector.shape_cast %parallel_loop3A_670 : vector<1x16xf32> to vector<16xf32>
      %parallel_loop3A_672 = vector.shape_cast %parallel_loop3A_663 : vector<16xf32> to vector<1x16xf32>
      tpu.vector_store %arg8[%parallel_loop3A_668, %parallel_loop3A_669], %parallel_loop3A_672 {strides = array<i32>} : memref<128x128xf32, #tpu.memory_space<vmem>>, vector<1x16xf32>,
      %parallel_loop3A_673 = arith.constant 2 : i32
      %parallel_loop3A_674 = arith.addi %parallel_loop3A_144, %parallel_loop3A_673 : i32
      %parallel_loop3A_675 = arith.index_cast %parallel_loop3A_674 : i32 to index
      %parallel_loop3A_676 = arith.constant 96 : index
      %parallel_loop3A_677 = tpu.vector_load %arg8[%parallel_loop3A_675, %parallel_loop3A_676] {strides = array<i32>} : memref<128x128xf32, #tpu.memory_space<vmem>>, vector<1x16xf32>,
      %parallel_loop3A_678 = vector.shape_cast %parallel_loop3A_677 : vector<1x16xf32> to vector<16xf32>
      %parallel_loop3A_679 = arith.constant 64 : i32
      %parallel_loop3A_680 = arith.addi %parallel_loop3A_679, %parallel_loop3A_144 : i32
      %parallel_loop3A_681 = arith.constant 2 : i32
      %parallel_loop3A_682 = arith.addi %parallel_loop3A_680, %parallel_loop3A_681 : i32
      %parallel_loop3A_683 = arith.index_cast %parallel_loop3A_682 : i32 to index
      %parallel_loop3A_684 = arith.constant 96 : index
      %parallel_loop3A_685 = tpu.vector_load %arg8[%parallel_loop3A_683, %parallel_loop3A_684] {strides = array<i32>} : memref<128x128xf32, #tpu.memory_space<vmem>>, vector<1x16xf32>,
      %parallel_loop3A_686 = vector.shape_cast %parallel_loop3A_685 : vector<1x16xf32> to vector<16xf32>
      %parallel_loop3A_687 = arith.subf %parallel_loop3A_678, %parallel_loop3A_686 : vector<16xf32>
      %parallel_loop3A_688 = arith.constant 64 : i32
      %parallel_loop3A_689 = arith.addi %parallel_loop3A_688, %parallel_loop3A_144 : i32
      %parallel_loop3A_690 = arith.constant 2 : i32
      %parallel_loop3A_691 = arith.addi %parallel_loop3A_689, %parallel_loop3A_690 : i32
      %parallel_loop3A_692 = arith.index_cast %parallel_loop3A_691 : i32 to index
      %parallel_loop3A_693 = arith.constant 96 : index
      %parallel_loop3A_694 = tpu.vector_load %arg8[%parallel_loop3A_692, %parallel_loop3A_693] {strides = array<i32>} : memref<128x128xf32, #tpu.memory_space<vmem>>, vector<1x16xf32>,
      %parallel_loop3A_695 = vector.shape_cast %parallel_loop3A_694 : vector<1x16xf32> to vector<16xf32>
      %parallel_loop3A_696 = vector.shape_cast %parallel_loop3A_687 : vector<16xf32> to vector<1x16xf32>
      tpu.vector_store %arg8[%parallel_loop3A_692, %parallel_loop3A_693], %parallel_loop3A_696 {strides = array<i32>} : memref<128x128xf32, #tpu.memory_space<vmem>>, vector<1x16xf32>,
      %parallel_loop3A_697 = arith.constant 2 : i32
      %parallel_loop3A_698 = arith.addi %parallel_loop3A_144, %parallel_loop3A_697 : i32
      %parallel_loop3A_699 = arith.index_cast %parallel_loop3A_698 : i32 to index
      %parallel_loop3A_700 = arith.constant 112 : index
      %parallel_loop3A_701 = tpu.vector_load %arg8[%parallel_loop3A_699, %parallel_loop3A_700] {strides = array<i32>} : memref<128x128xf32, #tpu.memory_space<vmem>>, vector<1x16xf32>,
      %parallel_loop3A_702 = vector.shape_cast %parallel_loop3A_701 : vector<1x16xf32> to vector<16xf32>
      %parallel_loop3A_703 = arith.constant 64 : i32
      %parallel_loop3A_704 = arith.addi %parallel_loop3A_703, %parallel_loop3A_144 : i32
      %parallel_loop3A_705 = arith.constant 2 : i32
      %parallel_loop3A_706 = arith.addi %parallel_loop3A_704, %parallel_loop3A_705 : i32
      %parallel_loop3A_707 = arith.index_cast %parallel_loop3A_706 : i32 to index
      %parallel_loop3A_708 = arith.constant 112 : index
      %parallel_loop3A_709 = tpu.vector_load %arg8[%parallel_loop3A_707, %parallel_loop3A_708] {strides = array<i32>} : memref<128x128xf32, #tpu.memory_space<vmem>>, vector<1x16xf32>,
      %parallel_loop3A_710 = vector.shape_cast %parallel_loop3A_709 : vector<1x16xf32> to vector<16xf32>
      %parallel_loop3A_711 = arith.subf %parallel_loop3A_702, %parallel_loop3A_710 : vector<16xf32>
      %parallel_loop3A_712 = arith.constant 64 : i32
      %parallel_loop3A_713 = arith.addi %parallel_loop3A_712, %parallel_loop3A_144 : i32
      %parallel_loop3A_714 = arith.constant 2 : i32
      %parallel_loop3A_715 = arith.addi %parallel_loop3A_713, %parallel_loop3A_714 : i32
      %parallel_loop3A_716 = arith.index_cast %parallel_loop3A_715 : i32 to index
      %parallel_loop3A_717 = arith.constant 112 : index
      %parallel_loop3A_718 = tpu.vector_load %arg8[%parallel_loop3A_716, %parallel_loop3A_717] {strides = array<i32>} : memref<128x128xf32, #tpu.memory_space<vmem>>, vector<1x16xf32>,
      %parallel_loop3A_719 = vector.shape_cast %parallel_loop3A_718 : vector<1x16xf32> to vector<16xf32>
      %parallel_loop3A_720 = vector.shape_cast %parallel_loop3A_711 : vector<16xf32> to vector<1x16xf32>
      tpu.vector_store %arg8[%parallel_loop3A_716, %parallel_loop3A_717], %parallel_loop3A_720 {strides = array<i32>} : memref<128x128xf32, #tpu.memory_space<vmem>>, vector<1x16xf32>,
      %parallel_loop3A_721 = arith.constant 3 : i32
      %parallel_loop3A_722 = arith.addi %parallel_loop3A_144, %parallel_loop3A_721 : i32
      %parallel_loop3A_723 = arith.index_cast %parallel_loop3A_722 : i32 to index
      %parallel_loop3A_724 = arith.constant 0 : index
      %parallel_loop3A_725 = tpu.vector_load %arg8[%parallel_loop3A_723, %parallel_loop3A_724] {strides = array<i32>} : memref<128x128xf32, #tpu.memory_space<vmem>>, vector<1x16xf32>,
      %parallel_loop3A_726 = vector.shape_cast %parallel_loop3A_725 : vector<1x16xf32> to vector<16xf32>
      %parallel_loop3A_727 = arith.constant 64 : i32
      %parallel_loop3A_728 = arith.addi %parallel_loop3A_727, %parallel_loop3A_144 : i32
      %parallel_loop3A_729 = arith.constant 3 : i32
      %parallel_loop3A_730 = arith.addi %parallel_loop3A_728, %parallel_loop3A_729 : i32
      %parallel_loop3A_731 = arith.index_cast %parallel_loop3A_730 : i32 to index
      %parallel_loop3A_732 = arith.constant 0 : index
      %parallel_loop3A_733 = tpu.vector_load %arg8[%parallel_loop3A_731, %parallel_loop3A_732] {strides = array<i32>} : memref<128x128xf32, #tpu.memory_space<vmem>>, vector<1x16xf32>,
      %parallel_loop3A_734 = vector.shape_cast %parallel_loop3A_733 : vector<1x16xf32> to vector<16xf32>
      %parallel_loop3A_735 = arith.subf %parallel_loop3A_726, %parallel_loop3A_734 : vector<16xf32>
      %parallel_loop3A_736 = arith.constant 64 : i32
      %parallel_loop3A_737 = arith.addi %parallel_loop3A_736, %parallel_loop3A_144 : i32
      %parallel_loop3A_738 = arith.constant 3 : i32
      %parallel_loop3A_739 = arith.addi %parallel_loop3A_737, %parallel_loop3A_738 : i32
      %parallel_loop3A_740 = arith.index_cast %parallel_loop3A_739 : i32 to index
      %parallel_loop3A_741 = arith.constant 0 : index
      %parallel_loop3A_742 = tpu.vector_load %arg8[%parallel_loop3A_740, %parallel_loop3A_741] {strides = array<i32>} : memref<128x128xf32, #tpu.memory_space<vmem>>, vector<1x16xf32>,
      %parallel_loop3A_743 = vector.shape_cast %parallel_loop3A_742 : vector<1x16xf32> to vector<16xf32>
      %parallel_loop3A_744 = vector.shape_cast %parallel_loop3A_735 : vector<16xf32> to vector<1x16xf32>
      tpu.vector_store %arg8[%parallel_loop3A_740, %parallel_loop3A_741], %parallel_loop3A_744 {strides = array<i32>} : memref<128x128xf32, #tpu.memory_space<vmem>>, vector<1x16xf32>,
      %parallel_loop3A_745 = arith.constant 3 : i32
      %parallel_loop3A_746 = arith.addi %parallel_loop3A_144, %parallel_loop3A_745 : i32
      %parallel_loop3A_747 = arith.index_cast %parallel_loop3A_746 : i32 to index
      %parallel_loop3A_748 = arith.constant 16 : index
      %parallel_loop3A_749 = tpu.vector_load %arg8[%parallel_loop3A_747, %parallel_loop3A_748] {strides = array<i32>} : memref<128x128xf32, #tpu.memory_space<vmem>>, vector<1x16xf32>,
      %parallel_loop3A_750 = vector.shape_cast %parallel_loop3A_749 : vector<1x16xf32> to vector<16xf32>
      %parallel_loop3A_751 = arith.constant 64 : i32
      %parallel_loop3A_752 = arith.addi %parallel_loop3A_751, %parallel_loop3A_144 : i32
      %parallel_loop3A_753 = arith.constant 3 : i32
      %parallel_loop3A_754 = arith.addi %parallel_loop3A_752, %parallel_loop3A_753 : i32
      %parallel_loop3A_755 = arith.index_cast %parallel_loop3A_754 : i32 to index
      %parallel_loop3A_756 = arith.constant 16 : index
      %parallel_loop3A_757 = tpu.vector_load %arg8[%parallel_loop3A_755, %parallel_loop3A_756] {strides = array<i32>} : memref<128x128xf32, #tpu.memory_space<vmem>>, vector<1x16xf32>,
      %parallel_loop3A_758 = vector.shape_cast %parallel_loop3A_757 : vector<1x16xf32> to vector<16xf32>
      %parallel_loop3A_759 = arith.subf %parallel_loop3A_750, %parallel_loop3A_758 : vector<16xf32>
      %parallel_loop3A_760 = arith.constant 64 : i32
      %parallel_loop3A_761 = arith.addi %parallel_loop3A_760, %parallel_loop3A_144 : i32
      %parallel_loop3A_762 = arith.constant 3 : i32
      %parallel_loop3A_763 = arith.addi %parallel_loop3A_761, %parallel_loop3A_762 : i32
      %parallel_loop3A_764 = arith.index_cast %parallel_loop3A_763 : i32 to index
      %parallel_loop3A_765 = arith.constant 16 : index
      %parallel_loop3A_766 = tpu.vector_load %arg8[%parallel_loop3A_764, %parallel_loop3A_765] {strides = array<i32>} : memref<128x128xf32, #tpu.memory_space<vmem>>, vector<1x16xf32>,
      %parallel_loop3A_767 = vector.shape_cast %parallel_loop3A_766 : vector<1x16xf32> to vector<16xf32>
      %parallel_loop3A_768 = vector.shape_cast %parallel_loop3A_759 : vector<16xf32> to vector<1x16xf32>
      tpu.vector_store %arg8[%parallel_loop3A_764, %parallel_loop3A_765], %parallel_loop3A_768 {strides = array<i32>} : memref<128x128xf32, #tpu.memory_space<vmem>>, vector<1x16xf32>,
      %parallel_loop3A_769 = arith.constant 3 : i32
      %parallel_loop3A_770 = arith.addi %parallel_loop3A_144, %parallel_loop3A_769 : i32
      %parallel_loop3A_771 = arith.index_cast %parallel_loop3A_770 : i32 to index
      %parallel_loop3A_772 = arith.constant 32 : index
      %parallel_loop3A_773 = tpu.vector_load %arg8[%parallel_loop3A_771, %parallel_loop3A_772] {strides = array<i32>} : memref<128x128xf32, #tpu.memory_space<vmem>>, vector<1x16xf32>,
      %parallel_loop3A_774 = vector.shape_cast %parallel_loop3A_773 : vector<1x16xf32> to vector<16xf32>
      %parallel_loop3A_775 = arith.constant 64 : i32
      %parallel_loop3A_776 = arith.addi %parallel_loop3A_775, %parallel_loop3A_144 : i32
      %parallel_loop3A_777 = arith.constant 3 : i32
      %parallel_loop3A_778 = arith.addi %parallel_loop3A_776, %parallel_loop3A_777 : i32
      %parallel_loop3A_779 = arith.index_cast %parallel_loop3A_778 : i32 to index
      %parallel_loop3A_780 = arith.constant 32 : index
      %parallel_loop3A_781 = tpu.vector_load %arg8[%parallel_loop3A_779, %parallel_loop3A_780] {strides = array<i32>} : memref<128x128xf32, #tpu.memory_space<vmem>>, vector<1x16xf32>,
      %parallel_loop3A_782 = vector.shape_cast %parallel_loop3A_781 : vector<1x16xf32> to vector<16xf32>
      %parallel_loop3A_783 = arith.subf %parallel_loop3A_774, %parallel_loop3A_782 : vector<16xf32>
      %parallel_loop3A_784 = arith.constant 64 : i32
      %parallel_loop3A_785 = arith.addi %parallel_loop3A_784, %parallel_loop3A_144 : i32
      %parallel_loop3A_786 = arith.constant 3 : i32
      %parallel_loop3A_787 = arith.addi %parallel_loop3A_785, %parallel_loop3A_786 : i32
      %parallel_loop3A_788 = arith.index_cast %parallel_loop3A_787 : i32 to index
      %parallel_loop3A_789 = arith.constant 32 : index
      %parallel_loop3A_790 = tpu.vector_load %arg8[%parallel_loop3A_788, %parallel_loop3A_789] {strides = array<i32>} : memref<128x128xf32, #tpu.memory_space<vmem>>, vector<1x16xf32>,
      %parallel_loop3A_791 = vector.shape_cast %parallel_loop3A_790 : vector<1x16xf32> to vector<16xf32>
      %parallel_loop3A_792 = vector.shape_cast %parallel_loop3A_783 : vector<16xf32> to vector<1x16xf32>
      tpu.vector_store %arg8[%parallel_loop3A_788, %parallel_loop3A_789], %parallel_loop3A_792 {strides = array<i32>} : memref<128x128xf32, #tpu.memory_space<vmem>>, vector<1x16xf32>,
      %parallel_loop3A_793 = arith.constant 3 : i32
      %parallel_loop3A_794 = arith.addi %parallel_loop3A_144, %parallel_loop3A_793 : i32
      %parallel_loop3A_795 = arith.index_cast %parallel_loop3A_794 : i32 to index
      %parallel_loop3A_796 = arith.constant 48 : index
      %parallel_loop3A_797 = tpu.vector_load %arg8[%parallel_loop3A_795, %parallel_loop3A_796] {strides = array<i32>} : memref<128x128xf32, #tpu.memory_space<vmem>>, vector<1x16xf32>,
      %parallel_loop3A_798 = vector.shape_cast %parallel_loop3A_797 : vector<1x16xf32> to vector<16xf32>
      %parallel_loop3A_799 = arith.constant 64 : i32
      %parallel_loop3A_800 = arith.addi %parallel_loop3A_799, %parallel_loop3A_144 : i32
      %parallel_loop3A_801 = arith.constant 3 : i32
      %parallel_loop3A_802 = arith.addi %parallel_loop3A_800, %parallel_loop3A_801 : i32
      %parallel_loop3A_803 = arith.index_cast %parallel_loop3A_802 : i32 to index
      %parallel_loop3A_804 = arith.constant 48 : index
      %parallel_loop3A_805 = tpu.vector_load %arg8[%parallel_loop3A_803, %parallel_loop3A_804] {strides = array<i32>} : memref<128x128xf32, #tpu.memory_space<vmem>>, vector<1x16xf32>,
      %parallel_loop3A_806 = vector.shape_cast %parallel_loop3A_805 : vector<1x16xf32> to vector<16xf32>
      %parallel_loop3A_807 = arith.subf %parallel_loop3A_798, %parallel_loop3A_806 : vector<16xf32>
      %parallel_loop3A_808 = arith.constant 64 : i32
      %parallel_loop3A_809 = arith.addi %parallel_loop3A_808, %parallel_loop3A_144 : i32
      %parallel_loop3A_810 = arith.constant 3 : i32
      %parallel_loop3A_811 = arith.addi %parallel_loop3A_809, %parallel_loop3A_810 : i32
      %parallel_loop3A_812 = arith.index_cast %parallel_loop3A_811 : i32 to index
      %parallel_loop3A_813 = arith.constant 48 : index
      %parallel_loop3A_814 = tpu.vector_load %arg8[%parallel_loop3A_812, %parallel_loop3A_813] {strides = array<i32>} : memref<128x128xf32, #tpu.memory_space<vmem>>, vector<1x16xf32>,
      %parallel_loop3A_815 = vector.shape_cast %parallel_loop3A_814 : vector<1x16xf32> to vector<16xf32>
      %parallel_loop3A_816 = vector.shape_cast %parallel_loop3A_807 : vector<16xf32> to vector<1x16xf32>
      tpu.vector_store %arg8[%parallel_loop3A_812, %parallel_loop3A_813], %parallel_loop3A_816 {strides = array<i32>} : memref<128x128xf32, #tpu.memory_space<vmem>>, vector<1x16xf32>,
      %parallel_loop3A_817 = arith.constant 3 : i32
      %parallel_loop3A_818 = arith.addi %parallel_loop3A_144, %parallel_loop3A_817 : i32
      %parallel_loop3A_819 = arith.index_cast %parallel_loop3A_818 : i32 to index
      %parallel_loop3A_820 = arith.constant 64 : index
      %parallel_loop3A_821 = tpu.vector_load %arg8[%parallel_loop3A_819, %parallel_loop3A_820] {strides = array<i32>} : memref<128x128xf32, #tpu.memory_space<vmem>>, vector<1x16xf32>,
      %parallel_loop3A_822 = vector.shape_cast %parallel_loop3A_821 : vector<1x16xf32> to vector<16xf32>
      %parallel_loop3A_823 = arith.constant 64 : i32
      %parallel_loop3A_824 = arith.addi %parallel_loop3A_823, %parallel_loop3A_144 : i32
      %parallel_loop3A_825 = arith.constant 3 : i32
      %parallel_loop3A_826 = arith.addi %parallel_loop3A_824, %parallel_loop3A_825 : i32
      %parallel_loop3A_827 = arith.index_cast %parallel_loop3A_826 : i32 to index
      %parallel_loop3A_828 = arith.constant 64 : index
      %parallel_loop3A_829 = tpu.vector_load %arg8[%parallel_loop3A_827, %parallel_loop3A_828] {strides = array<i32>} : memref<128x128xf32, #tpu.memory_space<vmem>>, vector<1x16xf32>,
      %parallel_loop3A_830 = vector.shape_cast %parallel_loop3A_829 : vector<1x16xf32> to vector<16xf32>
      %parallel_loop3A_831 = arith.subf %parallel_loop3A_822, %parallel_loop3A_830 : vector<16xf32>
      %parallel_loop3A_832 = arith.constant 64 : i32
      %parallel_loop3A_833 = arith.addi %parallel_loop3A_832, %parallel_loop3A_144 : i32
      %parallel_loop3A_834 = arith.constant 3 : i32
      %parallel_loop3A_835 = arith.addi %parallel_loop3A_833, %parallel_loop3A_834 : i32
      %parallel_loop3A_836 = arith.index_cast %parallel_loop3A_835 : i32 to index
      %parallel_loop3A_837 = arith.constant 64 : index
      %parallel_loop3A_838 = tpu.vector_load %arg8[%parallel_loop3A_836, %parallel_loop3A_837] {strides = array<i32>} : memref<128x128xf32, #tpu.memory_space<vmem>>, vector<1x16xf32>,
      %parallel_loop3A_839 = vector.shape_cast %parallel_loop3A_838 : vector<1x16xf32> to vector<16xf32>
      %parallel_loop3A_840 = vector.shape_cast %parallel_loop3A_831 : vector<16xf32> to vector<1x16xf32>
      tpu.vector_store %arg8[%parallel_loop3A_836, %parallel_loop3A_837], %parallel_loop3A_840 {strides = array<i32>} : memref<128x128xf32, #tpu.memory_space<vmem>>, vector<1x16xf32>,
      %parallel_loop3A_841 = arith.constant 3 : i32
      %parallel_loop3A_842 = arith.addi %parallel_loop3A_144, %parallel_loop3A_841 : i32
      %parallel_loop3A_843 = arith.index_cast %parallel_loop3A_842 : i32 to index
      %parallel_loop3A_844 = arith.constant 80 : index
      %parallel_loop3A_845 = tpu.vector_load %arg8[%parallel_loop3A_843, %parallel_loop3A_844] {strides = array<i32>} : memref<128x128xf32, #tpu.memory_space<vmem>>, vector<1x16xf32>,
      %parallel_loop3A_846 = vector.shape_cast %parallel_loop3A_845 : vector<1x16xf32> to vector<16xf32>
      %parallel_loop3A_847 = arith.constant 64 : i32
      %parallel_loop3A_848 = arith.addi %parallel_loop3A_847, %parallel_loop3A_144 : i32
      %parallel_loop3A_849 = arith.constant 3 : i32
      %parallel_loop3A_850 = arith.addi %parallel_loop3A_848, %parallel_loop3A_849 : i32
      %parallel_loop3A_851 = arith.index_cast %parallel_loop3A_850 : i32 to index
      %parallel_loop3A_852 = arith.constant 80 : index
      %parallel_loop3A_853 = tpu.vector_load %arg8[%parallel_loop3A_851, %parallel_loop3A_852] {strides = array<i32>} : memref<128x128xf32, #tpu.memory_space<vmem>>, vector<1x16xf32>,
      %parallel_loop3A_854 = vector.shape_cast %parallel_loop3A_853 : vector<1x16xf32> to vector<16xf32>
      %parallel_loop3A_855 = arith.subf %parallel_loop3A_846, %parallel_loop3A_854 : vector<16xf32>
      %parallel_loop3A_856 = arith.constant 64 : i32
      %parallel_loop3A_857 = arith.addi %parallel_loop3A_856, %parallel_loop3A_144 : i32
      %parallel_loop3A_858 = arith.constant 3 : i32
      %parallel_loop3A_859 = arith.addi %parallel_loop3A_857, %parallel_loop3A_858 : i32
      %parallel_loop3A_860 = arith.index_cast %parallel_loop3A_859 : i32 to index
      %parallel_loop3A_861 = arith.constant 80 : index
      %parallel_loop3A_862 = tpu.vector_load %arg8[%parallel_loop3A_860, %parallel_loop3A_861] {strides = array<i32>} : memref<128x128xf32, #tpu.memory_space<vmem>>, vector<1x16xf32>,
      %parallel_loop3A_863 = vector.shape_cast %parallel_loop3A_862 : vector<1x16xf32> to vector<16xf32>
      %parallel_loop3A_864 = vector.shape_cast %parallel_loop3A_855 : vector<16xf32> to vector<1x16xf32>
      tpu.vector_store %arg8[%parallel_loop3A_860, %parallel_loop3A_861], %parallel_loop3A_864 {strides = array<i32>} : memref<128x128xf32, #tpu.memory_space<vmem>>, vector<1x16xf32>,
      %parallel_loop3A_865 = arith.constant 3 : i32
      %parallel_loop3A_866 = arith.addi %parallel_loop3A_144, %parallel_loop3A_865 : i32
      %parallel_loop3A_867 = arith.index_cast %parallel_loop3A_866 : i32 to index
      %parallel_loop3A_868 = arith.constant 96 : index
      %parallel_loop3A_869 = tpu.vector_load %arg8[%parallel_loop3A_867, %parallel_loop3A_868] {strides = array<i32>} : memref<128x128xf32, #tpu.memory_space<vmem>>, vector<1x16xf32>,
      %parallel_loop3A_870 = vector.shape_cast %parallel_loop3A_869 : vector<1x16xf32> to vector<16xf32>
      %parallel_loop3A_871 = arith.constant 64 : i32
      %parallel_loop3A_872 = arith.addi %parallel_loop3A_871, %parallel_loop3A_144 : i32
      %parallel_loop3A_873 = arith.constant 3 : i32
      %parallel_loop3A_874 = arith.addi %parallel_loop3A_872, %parallel_loop3A_873 : i32
      %parallel_loop3A_875 = arith.index_cast %parallel_loop3A_874 : i32 to index
      %parallel_loop3A_876 = arith.constant 96 : index
      %parallel_loop3A_877 = tpu.vector_load %arg8[%parallel_loop3A_875, %parallel_loop3A_876] {strides = array<i32>} : memref<128x128xf32, #tpu.memory_space<vmem>>, vector<1x16xf32>,
      %parallel_loop3A_878 = vector.shape_cast %parallel_loop3A_877 : vector<1x16xf32> to vector<16xf32>
      %parallel_loop3A_879 = arith.subf %parallel_loop3A_870, %parallel_loop3A_878 : vector<16xf32>
      %parallel_loop3A_880 = arith.constant 64 : i32
      %parallel_loop3A_881 = arith.addi %parallel_loop3A_880, %parallel_loop3A_144 : i32
      %parallel_loop3A_882 = arith.constant 3 : i32
      %parallel_loop3A_883 = arith.addi %parallel_loop3A_881, %parallel_loop3A_882 : i32
      %parallel_loop3A_884 = arith.index_cast %parallel_loop3A_883 : i32 to index
      %parallel_loop3A_885 = arith.constant 96 : index
      %parallel_loop3A_886 = tpu.vector_load %arg8[%parallel_loop3A_884, %parallel_loop3A_885] {strides = array<i32>} : memref<128x128xf32, #tpu.memory_space<vmem>>, vector<1x16xf32>,
      %parallel_loop3A_887 = vector.shape_cast %parallel_loop3A_886 : vector<1x16xf32> to vector<16xf32>
      %parallel_loop3A_888 = vector.shape_cast %parallel_loop3A_879 : vector<16xf32> to vector<1x16xf32>
      tpu.vector_store %arg8[%parallel_loop3A_884, %parallel_loop3A_885], %parallel_loop3A_888 {strides = array<i32>} : memref<128x128xf32, #tpu.memory_space<vmem>>, vector<1x16xf32>,
      %parallel_loop3A_889 = arith.constant 3 : i32
      %parallel_loop3A_890 = arith.addi %parallel_loop3A_144, %parallel_loop3A_889 : i32
      %parallel_loop3A_891 = arith.index_cast %parallel_loop3A_890 : i32 to index
      %parallel_loop3A_892 = arith.constant 112 : index
      %parallel_loop3A_893 = tpu.vector_load %arg8[%parallel_loop3A_891, %parallel_loop3A_892] {strides = array<i32>} : memref<128x128xf32, #tpu.memory_space<vmem>>, vector<1x16xf32>,
      %parallel_loop3A_894 = vector.shape_cast %parallel_loop3A_893 : vector<1x16xf32> to vector<16xf32>
      %parallel_loop3A_895 = arith.constant 64 : i32
      %parallel_loop3A_896 = arith.addi %parallel_loop3A_895, %parallel_loop3A_144 : i32
      %parallel_loop3A_897 = arith.constant 3 : i32
      %parallel_loop3A_898 = arith.addi %parallel_loop3A_896, %parallel_loop3A_897 : i32
      %parallel_loop3A_899 = arith.index_cast %parallel_loop3A_898 : i32 to index
      %parallel_loop3A_900 = arith.constant 112 : index
      %parallel_loop3A_901 = tpu.vector_load %arg8[%parallel_loop3A_899, %parallel_loop3A_900] {strides = array<i32>} : memref<128x128xf32, #tpu.memory_space<vmem>>, vector<1x16xf32>,
      %parallel_loop3A_902 = vector.shape_cast %parallel_loop3A_901 : vector<1x16xf32> to vector<16xf32>
      %parallel_loop3A_903 = arith.subf %parallel_loop3A_894, %parallel_loop3A_902 : vector<16xf32>
      %parallel_loop3A_904 = arith.constant 64 : i32
      %parallel_loop3A_905 = arith.addi %parallel_loop3A_904, %parallel_loop3A_144 : i32
      %parallel_loop3A_906 = arith.constant 3 : i32
      %parallel_loop3A_907 = arith.addi %parallel_loop3A_905, %parallel_loop3A_906 : i32
      %parallel_loop3A_908 = arith.index_cast %parallel_loop3A_907 : i32 to index
      %parallel_loop3A_909 = arith.constant 112 : index
      %parallel_loop3A_910 = tpu.vector_load %arg8[%parallel_loop3A_908, %parallel_loop3A_909] {strides = array<i32>} : memref<128x128xf32, #tpu.memory_space<vmem>>, vector<1x16xf32>,
      %parallel_loop3A_911 = vector.shape_cast %parallel_loop3A_910 : vector<1x16xf32> to vector<16xf32>
      %parallel_loop3A_912 = vector.shape_cast %parallel_loop3A_903 : vector<16xf32> to vector<1x16xf32>
      tpu.vector_store %arg8[%parallel_loop3A_908, %parallel_loop3A_909], %parallel_loop3A_912 {strides = array<i32>} : memref<128x128xf32, #tpu.memory_space<vmem>>, vector<1x16xf32>,
    } {sc.loop_unroll_factor = 1 : i64, sc.parallel_access}
    %dma_start3A_72 = arith.constant 64 : i32
    %dma_start3A_73 = arith.constant 0 : i32
    %dma_start3A_74 = tpu.memref_slice %arg8[%dma_start3A_72, %dma_start3A_73] : memref<128x128xf32, #tpu.memory_space<vmem>> -> memref<64x128xf32, #tpu.memory_space<vmem>>
    %dma_start3A_75 = arith.constant 0 : i32
    %dma_start3A_76 = arith.constant 0 : i32
    %dma_start3A_77 = tpu.memref_slice %arg11[%dma_start3A_75, %dma_start3A_76] : memref<10240x128xf32, #tpu.memory_space<vmem_shared>> -> memref<10240x128xf32, #tpu.memory_space<vmem_shared>>
    tpu.enqueue_indirect_dma source(%dma_start3A_74 : memref<64x128xf32, #tpu.memory_space<vmem>>) target(%dma_start3A_77 : memref<10240x128xf32, #tpu.memory_space<vmem_shared>>) offsets(%arg7 : memref<64xi32, #tpu.memory_space<vmem>>) semaphore(%arg14 : memref<!tpu.dma_semaphore, #tpu.memory_space<semaphore_mem>>) {add = true}
    %gt3A = arith.constant 2 : i32
    %gt3A_78 = arith.cmpi sgt, %select_n3A_8, %gt3A : i32
    %convert_element_type3A_79 = arith.extui %gt3A_78 : i1 to i32
    %cond3A_80 = arith.constant 0 : i32
    %cond3A_81 = arith.cmpi ne, %convert_element_type3A_79, %cond3A_80 : i32
    scf.if %cond3A_81 {
      %dma_wait3A_144 = arith.constant 64 : i32
      %dma_wait3A_145 = arith.constant 0 : i32
      %dma_wait3A_146 = tpu.memref_slice %arg8[%dma_wait3A_144, %dma_wait3A_145] : memref<128x128xf32, #tpu.memory_space<vmem>> -> memref<64x128xf32, #tpu.memory_space<vmem>>
      %dma_wait3A_147 = arith.constant 0 : i32
      %dma_wait3A_148 = arith.constant 0 : i32
      %dma_wait3A_149 = tpu.memref_slice %arg11[%dma_wait3A_147, %dma_wait3A_148] : memref<10240x128xf32, #tpu.memory_space<vmem_shared>> -> memref<10240x128xf32, #tpu.memory_space<vmem_shared>>
      tpu.wait_indirect_dma semaphore(%arg14 : memref<!tpu.dma_semaphore, #tpu.memory_space<semaphore_mem>>) src(%dma_wait3A_146 : memref<64x128xf32, #tpu.memory_space<vmem>>) dst(%dma_wait3A_149 : memref<10240x128xf32, #tpu.memory_space<vmem_shared>>)
      %add3A_150 = arith.constant 128 : i32
      %add3A_151 = arith.addi %mul3A_40, %add3A_150 : i32
      %dma_start3A_152 = tpu.memref_slice %arg4[%add3A_151] : memref<163840xi32, #tpu.memory_space<hbm>> -> memref<64xi32, #tpu.memory_space<hbm>>
      %dma_start3A_153 = tpu.memref_slice %arg4[%add3A_151] : memref<163840xi32, #tpu.memory_space<hbm>> -> memref<64xi32, #tpu.memory_space<hbm>>
      tpu.enqueue_dma source(%dma_start3A_153 : memref<64xi32, #tpu.memory_space<hbm>>) target(%arg7 : memref<64xi32, #tpu.memory_space<vmem>>) target_semaphore(%arg12 : memref<!tpu.dma_semaphore, #tpu.memory_space<semaphore_mem>>)
      %dma_start3A_154 = arith.constant 2 : i32
      %dma_start3A_155 = arith.constant 0 : i32
      %dma_start3A_156 = tpu.memref_slice %arg6[%dma_start3A_154, %dma_start3A_155] : memref<120x128xi32, #tpu.memory_space<vmem>> -> memref<1x128xi32, #tpu.memory_space<vmem>>
      %dma_start3A_157 = tpu.memref_squeeze %dma_start3A_156 : memref<1x128xi32, #tpu.memory_space<vmem>> -> memref<128xi32, #tpu.memory_space<vmem>>
      %dma_start3A_158 = arith.constant 0 : i32
      %dma_start3A_159 = arith.constant 0 : i32
      %dma_start3A_160 = tpu.memref_slice %arg2[%dma_start3A_158, %dma_start3A_159] : memref<10200x128xf32, #tpu.memory_space<hbm>> -> memref<10200x128xf32, #tpu.memory_space<hbm>>
      tpu.enqueue_indirect_dma source(%dma_start3A_160 : memref<10200x128xf32, #tpu.memory_space<hbm>>) target(%arg8 : memref<128x128xf32, #tpu.memory_space<vmem>>) offsets(%dma_start3A_157 : memref<128xi32, #tpu.memory_space<vmem>>) semaphore(%arg12 : memref<!tpu.dma_semaphore, #tpu.memory_space<semaphore_mem>>)
    } else {
    }
    %dma_wait3A_82 = tpu.memref_slice %arg4[%mul3A_40] : memref<163840xi32, #tpu.memory_space<hbm>> -> memref<64xi32, #tpu.memory_space<hbm>>
    %dma_wait3A_83 = tpu.memref_slice %arg4[%mul3A_40] : memref<163840xi32, #tpu.memory_space<hbm>> -> memref<64xi32, #tpu.memory_space<hbm>>
    tpu.wait_dma2 semaphore(%arg13 : memref<!tpu.dma_semaphore, #tpu.memory_space<semaphore_mem>>) src(%dma_wait3A_83 : memref<64xi32, #tpu.memory_space<hbm>>) dst(%arg9 : memref<64xi32, #tpu.memory_space<vmem>>)
    %dma_wait3A_84 = arith.constant 0 : i32
    %dma_wait3A_85 = arith.constant 0 : i32
    %dma_wait3A_86 = tpu.memref_slice %arg6[%dma_wait3A_84, %dma_wait3A_85] : memref<120x128xi32, #tpu.memory_space<vmem>> -> memref<1x128xi32, #tpu.memory_space<vmem>>
    %dma_wait3A_87 = tpu.memref_squeeze %dma_wait3A_86 : memref<1x128xi32, #tpu.memory_space<vmem>> -> memref<128xi32, #tpu.memory_space<vmem>>
    %dma_wait3A_88 = arith.constant 0 : i32
    %dma_wait3A_89 = arith.constant 0 : i32
    %dma_wait3A_90 = tpu.memref_slice %arg2[%dma_wait3A_88, %dma_wait3A_89] : memref<10200x128xf32, #tpu.memory_space<hbm>> -> memref<10200x128xf32, #tpu.memory_space<hbm>>
    tpu.wait_indirect_dma semaphore(%arg13 : memref<!tpu.dma_semaphore, #tpu.memory_space<semaphore_mem>>) src(%dma_wait3A_90 : memref<10200x128xf32, #tpu.memory_space<hbm>>) dst(%arg10 : memref<128x128xf32, #tpu.memory_space<vmem>>)
    %parallel_loop3A_91 = arith.constant 0 : i32
    %parallel_loop3A_92 = arith.constant 64 : i32
    %parallel_loop3A_93 = arith.constant 4 : i32
    scf.for %parallel_loop3A_144 = %parallel_loop3A_91 to %parallel_loop3A_92 step %parallel_loop3A_93  : i32 {
      %parallel_loop3A_145 = arith.constant 0 : i32
      %parallel_loop3A_146 = arith.addi %parallel_loop3A_144, %parallel_loop3A_145 : i32
      %parallel_loop3A_147 = arith.index_cast %parallel_loop3A_146 : i32 to index
      %parallel_loop3A_148 = arith.constant 0 : index
      %parallel_loop3A_149 = tpu.vector_load %arg10[%parallel_loop3A_147, %parallel_loop3A_148] {strides = array<i32>} : memref<128x128xf32, #tpu.memory_space<vmem>>, vector<1x16xf32>,
      %parallel_loop3A_150 = vector.shape_cast %parallel_loop3A_149 : vector<1x16xf32> to vector<16xf32>
      %parallel_loop3A_151 = arith.constant 64 : i32
      %parallel_loop3A_152 = arith.addi %parallel_loop3A_151, %parallel_loop3A_144 : i32
      %parallel_loop3A_153 = arith.constant 0 : i32
      %parallel_loop3A_154 = arith.addi %parallel_loop3A_152, %parallel_loop3A_153 : i32
      %parallel_loop3A_155 = arith.index_cast %parallel_loop3A_154 : i32 to index
      %parallel_loop3A_156 = arith.constant 0 : index
      %parallel_loop3A_157 = tpu.vector_load %arg10[%parallel_loop3A_155, %parallel_loop3A_156] {strides = array<i32>} : memref<128x128xf32, #tpu.memory_space<vmem>>, vector<1x16xf32>,
      %parallel_loop3A_158 = vector.shape_cast %parallel_loop3A_157 : vector<1x16xf32> to vector<16xf32>
      %parallel_loop3A_159 = arith.subf %parallel_loop3A_150, %parallel_loop3A_158 : vector<16xf32>
      %parallel_loop3A_160 = arith.constant 64 : i32
      %parallel_loop3A_161 = arith.addi %parallel_loop3A_160, %parallel_loop3A_144 : i32
      %parallel_loop3A_162 = arith.constant 0 : i32
      %parallel_loop3A_163 = arith.addi %parallel_loop3A_161, %parallel_loop3A_162 : i32
      %parallel_loop3A_164 = arith.index_cast %parallel_loop3A_163 : i32 to index
      %parallel_loop3A_165 = arith.constant 0 : index
      %parallel_loop3A_166 = tpu.vector_load %arg10[%parallel_loop3A_164, %parallel_loop3A_165] {strides = array<i32>} : memref<128x128xf32, #tpu.memory_space<vmem>>, vector<1x16xf32>,
      %parallel_loop3A_167 = vector.shape_cast %parallel_loop3A_166 : vector<1x16xf32> to vector<16xf32>
      %parallel_loop3A_168 = vector.shape_cast %parallel_loop3A_159 : vector<16xf32> to vector<1x16xf32>
      tpu.vector_store %arg10[%parallel_loop3A_164, %parallel_loop3A_165], %parallel_loop3A_168 {strides = array<i32>} : memref<128x128xf32, #tpu.memory_space<vmem>>, vector<1x16xf32>,
      %parallel_loop3A_169 = arith.constant 0 : i32
      %parallel_loop3A_170 = arith.addi %parallel_loop3A_144, %parallel_loop3A_169 : i32
      %parallel_loop3A_171 = arith.index_cast %parallel_loop3A_170 : i32 to index
      %parallel_loop3A_172 = arith.constant 16 : index
      %parallel_loop3A_173 = tpu.vector_load %arg10[%parallel_loop3A_171, %parallel_loop3A_172] {strides = array<i32>} : memref<128x128xf32, #tpu.memory_space<vmem>>, vector<1x16xf32>,
      %parallel_loop3A_174 = vector.shape_cast %parallel_loop3A_173 : vector<1x16xf32> to vector<16xf32>
      %parallel_loop3A_175 = arith.constant 64 : i32
      %parallel_loop3A_176 = arith.addi %parallel_loop3A_175, %parallel_loop3A_144 : i32
      %parallel_loop3A_177 = arith.constant 0 : i32
      %parallel_loop3A_178 = arith.addi %parallel_loop3A_176, %parallel_loop3A_177 : i32
      %parallel_loop3A_179 = arith.index_cast %parallel_loop3A_178 : i32 to index
      %parallel_loop3A_180 = arith.constant 16 : index
      %parallel_loop3A_181 = tpu.vector_load %arg10[%parallel_loop3A_179, %parallel_loop3A_180] {strides = array<i32>} : memref<128x128xf32, #tpu.memory_space<vmem>>, vector<1x16xf32>,
      %parallel_loop3A_182 = vector.shape_cast %parallel_loop3A_181 : vector<1x16xf32> to vector<16xf32>
      %parallel_loop3A_183 = arith.subf %parallel_loop3A_174, %parallel_loop3A_182 : vector<16xf32>
      %parallel_loop3A_184 = arith.constant 64 : i32
      %parallel_loop3A_185 = arith.addi %parallel_loop3A_184, %parallel_loop3A_144 : i32
      %parallel_loop3A_186 = arith.constant 0 : i32
      %parallel_loop3A_187 = arith.addi %parallel_loop3A_185, %parallel_loop3A_186 : i32
      %parallel_loop3A_188 = arith.index_cast %parallel_loop3A_187 : i32 to index
      %parallel_loop3A_189 = arith.constant 16 : index
      %parallel_loop3A_190 = tpu.vector_load %arg10[%parallel_loop3A_188, %parallel_loop3A_189] {strides = array<i32>} : memref<128x128xf32, #tpu.memory_space<vmem>>, vector<1x16xf32>,
      %parallel_loop3A_191 = vector.shape_cast %parallel_loop3A_190 : vector<1x16xf32> to vector<16xf32>
      %parallel_loop3A_192 = vector.shape_cast %parallel_loop3A_183 : vector<16xf32> to vector<1x16xf32>
      tpu.vector_store %arg10[%parallel_loop3A_188, %parallel_loop3A_189], %parallel_loop3A_192 {strides = array<i32>} : memref<128x128xf32, #tpu.memory_space<vmem>>, vector<1x16xf32>,
      %parallel_loop3A_193 = arith.constant 0 : i32
      %parallel_loop3A_194 = arith.addi %parallel_loop3A_144, %parallel_loop3A_193 : i32
      %parallel_loop3A_195 = arith.index_cast %parallel_loop3A_194 : i32 to index
      %parallel_loop3A_196 = arith.constant 32 : index
      %parallel_loop3A_197 = tpu.vector_load %arg10[%parallel_loop3A_195, %parallel_loop3A_196] {strides = array<i32>} : memref<128x128xf32, #tpu.memory_space<vmem>>, vector<1x16xf32>,
      %parallel_loop3A_198 = vector.shape_cast %parallel_loop3A_197 : vector<1x16xf32> to vector<16xf32>
      %parallel_loop3A_199 = arith.constant 64 : i32
      %parallel_loop3A_200 = arith.addi %parallel_loop3A_199, %parallel_loop3A_144 : i32
      %parallel_loop3A_201 = arith.constant 0 : i32
      %parallel_loop3A_202 = arith.addi %parallel_loop3A_200, %parallel_loop3A_201 : i32
      %parallel_loop3A_203 = arith.index_cast %parallel_loop3A_202 : i32 to index
      %parallel_loop3A_204 = arith.constant 32 : index
      %parallel_loop3A_205 = tpu.vector_load %arg10[%parallel_loop3A_203, %parallel_loop3A_204] {strides = array<i32>} : memref<128x128xf32, #tpu.memory_space<vmem>>, vector<1x16xf32>,
      %parallel_loop3A_206 = vector.shape_cast %parallel_loop3A_205 : vector<1x16xf32> to vector<16xf32>
      %parallel_loop3A_207 = arith.subf %parallel_loop3A_198, %parallel_loop3A_206 : vector<16xf32>
      %parallel_loop3A_208 = arith.constant 64 : i32
      %parallel_loop3A_209 = arith.addi %parallel_loop3A_208, %parallel_loop3A_144 : i32
      %parallel_loop3A_210 = arith.constant 0 : i32
      %parallel_loop3A_211 = arith.addi %parallel_loop3A_209, %parallel_loop3A_210 : i32
      %parallel_loop3A_212 = arith.index_cast %parallel_loop3A_211 : i32 to index
      %parallel_loop3A_213 = arith.constant 32 : index
      %parallel_loop3A_214 = tpu.vector_load %arg10[%parallel_loop3A_212, %parallel_loop3A_213] {strides = array<i32>} : memref<128x128xf32, #tpu.memory_space<vmem>>, vector<1x16xf32>,
      %parallel_loop3A_215 = vector.shape_cast %parallel_loop3A_214 : vector<1x16xf32> to vector<16xf32>
      %parallel_loop3A_216 = vector.shape_cast %parallel_loop3A_207 : vector<16xf32> to vector<1x16xf32>
      tpu.vector_store %arg10[%parallel_loop3A_212, %parallel_loop3A_213], %parallel_loop3A_216 {strides = array<i32>} : memref<128x128xf32, #tpu.memory_space<vmem>>, vector<1x16xf32>,
      %parallel_loop3A_217 = arith.constant 0 : i32
      %parallel_loop3A_218 = arith.addi %parallel_loop3A_144, %parallel_loop3A_217 : i32
      %parallel_loop3A_219 = arith.index_cast %parallel_loop3A_218 : i32 to index
      %parallel_loop3A_220 = arith.constant 48 : index
      %parallel_loop3A_221 = tpu.vector_load %arg10[%parallel_loop3A_219, %parallel_loop3A_220] {strides = array<i32>} : memref<128x128xf32, #tpu.memory_space<vmem>>, vector<1x16xf32>,
      %parallel_loop3A_222 = vector.shape_cast %parallel_loop3A_221 : vector<1x16xf32> to vector<16xf32>
      %parallel_loop3A_223 = arith.constant 64 : i32
      %parallel_loop3A_224 = arith.addi %parallel_loop3A_223, %parallel_loop3A_144 : i32
      %parallel_loop3A_225 = arith.constant 0 : i32
      %parallel_loop3A_226 = arith.addi %parallel_loop3A_224, %parallel_loop3A_225 : i32
      %parallel_loop3A_227 = arith.index_cast %parallel_loop3A_226 : i32 to index
      %parallel_loop3A_228 = arith.constant 48 : index
      %parallel_loop3A_229 = tpu.vector_load %arg10[%parallel_loop3A_227, %parallel_loop3A_228] {strides = array<i32>} : memref<128x128xf32, #tpu.memory_space<vmem>>, vector<1x16xf32>,
      %parallel_loop3A_230 = vector.shape_cast %parallel_loop3A_229 : vector<1x16xf32> to vector<16xf32>
      %parallel_loop3A_231 = arith.subf %parallel_loop3A_222, %parallel_loop3A_230 : vector<16xf32>
      %parallel_loop3A_232 = arith.constant 64 : i32
      %parallel_loop3A_233 = arith.addi %parallel_loop3A_232, %parallel_loop3A_144 : i32
      %parallel_loop3A_234 = arith.constant 0 : i32
      %parallel_loop3A_235 = arith.addi %parallel_loop3A_233, %parallel_loop3A_234 : i32
      %parallel_loop3A_236 = arith.index_cast %parallel_loop3A_235 : i32 to index
      %parallel_loop3A_237 = arith.constant 48 : index
      %parallel_loop3A_238 = tpu.vector_load %arg10[%parallel_loop3A_236, %parallel_loop3A_237] {strides = array<i32>} : memref<128x128xf32, #tpu.memory_space<vmem>>, vector<1x16xf32>,
      %parallel_loop3A_239 = vector.shape_cast %parallel_loop3A_238 : vector<1x16xf32> to vector<16xf32>
      %parallel_loop3A_240 = vector.shape_cast %parallel_loop3A_231 : vector<16xf32> to vector<1x16xf32>
      tpu.vector_store %arg10[%parallel_loop3A_236, %parallel_loop3A_237], %parallel_loop3A_240 {strides = array<i32>} : memref<128x128xf32, #tpu.memory_space<vmem>>, vector<1x16xf32>,
      %parallel_loop3A_241 = arith.constant 0 : i32
      %parallel_loop3A_242 = arith.addi %parallel_loop3A_144, %parallel_loop3A_241 : i32
      %parallel_loop3A_243 = arith.index_cast %parallel_loop3A_242 : i32 to index
      %parallel_loop3A_244 = arith.constant 64 : index
      %parallel_loop3A_245 = tpu.vector_load %arg10[%parallel_loop3A_243, %parallel_loop3A_244] {strides = array<i32>} : memref<128x128xf32, #tpu.memory_space<vmem>>, vector<1x16xf32>,
      %parallel_loop3A_246 = vector.shape_cast %parallel_loop3A_245 : vector<1x16xf32> to vector<16xf32>
      %parallel_loop3A_247 = arith.constant 64 : i32
      %parallel_loop3A_248 = arith.addi %parallel_loop3A_247, %parallel_loop3A_144 : i32
      %parallel_loop3A_249 = arith.constant 0 : i32
      %parallel_loop3A_250 = arith.addi %parallel_loop3A_248, %parallel_loop3A_249 : i32
      %parallel_loop3A_251 = arith.index_cast %parallel_loop3A_250 : i32 to index
      %parallel_loop3A_252 = arith.constant 64 : index
      %parallel_loop3A_253 = tpu.vector_load %arg10[%parallel_loop3A_251, %parallel_loop3A_252] {strides = array<i32>} : memref<128x128xf32, #tpu.memory_space<vmem>>, vector<1x16xf32>,
      %parallel_loop3A_254 = vector.shape_cast %parallel_loop3A_253 : vector<1x16xf32> to vector<16xf32>
      %parallel_loop3A_255 = arith.subf %parallel_loop3A_246, %parallel_loop3A_254 : vector<16xf32>
      %parallel_loop3A_256 = arith.constant 64 : i32
      %parallel_loop3A_257 = arith.addi %parallel_loop3A_256, %parallel_loop3A_144 : i32
      %parallel_loop3A_258 = arith.constant 0 : i32
      %parallel_loop3A_259 = arith.addi %parallel_loop3A_257, %parallel_loop3A_258 : i32
      %parallel_loop3A_260 = arith.index_cast %parallel_loop3A_259 : i32 to index
      %parallel_loop3A_261 = arith.constant 64 : index
      %parallel_loop3A_262 = tpu.vector_load %arg10[%parallel_loop3A_260, %parallel_loop3A_261] {strides = array<i32>} : memref<128x128xf32, #tpu.memory_space<vmem>>, vector<1x16xf32>,
      %parallel_loop3A_263 = vector.shape_cast %parallel_loop3A_262 : vector<1x16xf32> to vector<16xf32>
      %parallel_loop3A_264 = vector.shape_cast %parallel_loop3A_255 : vector<16xf32> to vector<1x16xf32>
      tpu.vector_store %arg10[%parallel_loop3A_260, %parallel_loop3A_261], %parallel_loop3A_264 {strides = array<i32>} : memref<128x128xf32, #tpu.memory_space<vmem>>, vector<1x16xf32>,
      %parallel_loop3A_265 = arith.constant 0 : i32
      %parallel_loop3A_266 = arith.addi %parallel_loop3A_144, %parallel_loop3A_265 : i32
      %parallel_loop3A_267 = arith.index_cast %parallel_loop3A_266 : i32 to index
      %parallel_loop3A_268 = arith.constant 80 : index
      %parallel_loop3A_269 = tpu.vector_load %arg10[%parallel_loop3A_267, %parallel_loop3A_268] {strides = array<i32>} : memref<128x128xf32, #tpu.memory_space<vmem>>, vector<1x16xf32>,
      %parallel_loop3A_270 = vector.shape_cast %parallel_loop3A_269 : vector<1x16xf32> to vector<16xf32>
      %parallel_loop3A_271 = arith.constant 64 : i32
      %parallel_loop3A_272 = arith.addi %parallel_loop3A_271, %parallel_loop3A_144 : i32
      %parallel_loop3A_273 = arith.constant 0 : i32
      %parallel_loop3A_274 = arith.addi %parallel_loop3A_272, %parallel_loop3A_273 : i32
      %parallel_loop3A_275 = arith.index_cast %parallel_loop3A_274 : i32 to index
      %parallel_loop3A_276 = arith.constant 80 : index
      %parallel_loop3A_277 = tpu.vector_load %arg10[%parallel_loop3A_275, %parallel_loop3A_276] {strides = array<i32>} : memref<128x128xf32, #tpu.memory_space<vmem>>, vector<1x16xf32>,
      %parallel_loop3A_278 = vector.shape_cast %parallel_loop3A_277 : vector<1x16xf32> to vector<16xf32>
      %parallel_loop3A_279 = arith.subf %parallel_loop3A_270, %parallel_loop3A_278 : vector<16xf32>
      %parallel_loop3A_280 = arith.constant 64 : i32
      %parallel_loop3A_281 = arith.addi %parallel_loop3A_280, %parallel_loop3A_144 : i32
      %parallel_loop3A_282 = arith.constant 0 : i32
      %parallel_loop3A_283 = arith.addi %parallel_loop3A_281, %parallel_loop3A_282 : i32
      %parallel_loop3A_284 = arith.index_cast %parallel_loop3A_283 : i32 to index
      %parallel_loop3A_285 = arith.constant 80 : index
      %parallel_loop3A_286 = tpu.vector_load %arg10[%parallel_loop3A_284, %parallel_loop3A_285] {strides = array<i32>} : memref<128x128xf32, #tpu.memory_space<vmem>>, vector<1x16xf32>,
      %parallel_loop3A_287 = vector.shape_cast %parallel_loop3A_286 : vector<1x16xf32> to vector<16xf32>
      %parallel_loop3A_288 = vector.shape_cast %parallel_loop3A_279 : vector<16xf32> to vector<1x16xf32>
      tpu.vector_store %arg10[%parallel_loop3A_284, %parallel_loop3A_285], %parallel_loop3A_288 {strides = array<i32>} : memref<128x128xf32, #tpu.memory_space<vmem>>, vector<1x16xf32>,
      %parallel_loop3A_289 = arith.constant 0 : i32
      %parallel_loop3A_290 = arith.addi %parallel_loop3A_144, %parallel_loop3A_289 : i32
      %parallel_loop3A_291 = arith.index_cast %parallel_loop3A_290 : i32 to index
      %parallel_loop3A_292 = arith.constant 96 : index
      %parallel_loop3A_293 = tpu.vector_load %arg10[%parallel_loop3A_291, %parallel_loop3A_292] {strides = array<i32>} : memref<128x128xf32, #tpu.memory_space<vmem>>, vector<1x16xf32>,
      %parallel_loop3A_294 = vector.shape_cast %parallel_loop3A_293 : vector<1x16xf32> to vector<16xf32>
      %parallel_loop3A_295 = arith.constant 64 : i32
      %parallel_loop3A_296 = arith.addi %parallel_loop3A_295, %parallel_loop3A_144 : i32
      %parallel_loop3A_297 = arith.constant 0 : i32
      %parallel_loop3A_298 = arith.addi %parallel_loop3A_296, %parallel_loop3A_297 : i32
      %parallel_loop3A_299 = arith.index_cast %parallel_loop3A_298 : i32 to index
      %parallel_loop3A_300 = arith.constant 96 : index
      %parallel_loop3A_301 = tpu.vector_load %arg10[%parallel_loop3A_299, %parallel_loop3A_300] {strides = array<i32>} : memref<128x128xf32, #tpu.memory_space<vmem>>, vector<1x16xf32>,
      %parallel_loop3A_302 = vector.shape_cast %parallel_loop3A_301 : vector<1x16xf32> to vector<16xf32>
      %parallel_loop3A_303 = arith.subf %parallel_loop3A_294, %parallel_loop3A_302 : vector<16xf32>
      %parallel_loop3A_304 = arith.constant 64 : i32
      %parallel_loop3A_305 = arith.addi %parallel_loop3A_304, %parallel_loop3A_144 : i32
      %parallel_loop3A_306 = arith.constant 0 : i32
      %parallel_loop3A_307 = arith.addi %parallel_loop3A_305, %parallel_loop3A_306 : i32
      %parallel_loop3A_308 = arith.index_cast %parallel_loop3A_307 : i32 to index
      %parallel_loop3A_309 = arith.constant 96 : index
      %parallel_loop3A_310 = tpu.vector_load %arg10[%parallel_loop3A_308, %parallel_loop3A_309] {strides = array<i32>} : memref<128x128xf32, #tpu.memory_space<vmem>>, vector<1x16xf32>,
      %parallel_loop3A_311 = vector.shape_cast %parallel_loop3A_310 : vector<1x16xf32> to vector<16xf32>
      %parallel_loop3A_312 = vector.shape_cast %parallel_loop3A_303 : vector<16xf32> to vector<1x16xf32>
      tpu.vector_store %arg10[%parallel_loop3A_308, %parallel_loop3A_309], %parallel_loop3A_312 {strides = array<i32>} : memref<128x128xf32, #tpu.memory_space<vmem>>, vector<1x16xf32>,
      %parallel_loop3A_313 = arith.constant 0 : i32
      %parallel_loop3A_314 = arith.addi %parallel_loop3A_144, %parallel_loop3A_313 : i32
      %parallel_loop3A_315 = arith.index_cast %parallel_loop3A_314 : i32 to index
      %parallel_loop3A_316 = arith.constant 112 : index
      %parallel_loop3A_317 = tpu.vector_load %arg10[%parallel_loop3A_315, %parallel_loop3A_316] {strides = array<i32>} : memref<128x128xf32, #tpu.memory_space<vmem>>, vector<1x16xf32>,
      %parallel_loop3A_318 = vector.shape_cast %parallel_loop3A_317 : vector<1x16xf32> to vector<16xf32>
      %parallel_loop3A_319 = arith.constant 64 : i32
      %parallel_loop3A_320 = arith.addi %parallel_loop3A_319, %parallel_loop3A_144 : i32
      %parallel_loop3A_321 = arith.constant 0 : i32
      %parallel_loop3A_322 = arith.addi %parallel_loop3A_320, %parallel_loop3A_321 : i32
      %parallel_loop3A_323 = arith.index_cast %parallel_loop3A_322 : i32 to index
      %parallel_loop3A_324 = arith.constant 112 : index
      %parallel_loop3A_325 = tpu.vector_load %arg10[%parallel_loop3A_323, %parallel_loop3A_324] {strides = array<i32>} : memref<128x128xf32, #tpu.memory_space<vmem>>, vector<1x16xf32>,
      %parallel_loop3A_326 = vector.shape_cast %parallel_loop3A_325 : vector<1x16xf32> to vector<16xf32>
      %parallel_loop3A_327 = arith.subf %parallel_loop3A_318, %parallel_loop3A_326 : vector<16xf32>
      %parallel_loop3A_328 = arith.constant 64 : i32
      %parallel_loop3A_329 = arith.addi %parallel_loop3A_328, %parallel_loop3A_144 : i32
      %parallel_loop3A_330 = arith.constant 0 : i32
      %parallel_loop3A_331 = arith.addi %parallel_loop3A_329, %parallel_loop3A_330 : i32
      %parallel_loop3A_332 = arith.index_cast %parallel_loop3A_331 : i32 to index
      %parallel_loop3A_333 = arith.constant 112 : index
      %parallel_loop3A_334 = tpu.vector_load %arg10[%parallel_loop3A_332, %parallel_loop3A_333] {strides = array<i32>} : memref<128x128xf32, #tpu.memory_space<vmem>>, vector<1x16xf32>,
      %parallel_loop3A_335 = vector.shape_cast %parallel_loop3A_334 : vector<1x16xf32> to vector<16xf32>
      %parallel_loop3A_336 = vector.shape_cast %parallel_loop3A_327 : vector<16xf32> to vector<1x16xf32>
      tpu.vector_store %arg10[%parallel_loop3A_332, %parallel_loop3A_333], %parallel_loop3A_336 {strides = array<i32>} : memref<128x128xf32, #tpu.memory_space<vmem>>, vector<1x16xf32>,
      %parallel_loop3A_337 = arith.constant 1 : i32
      %parallel_loop3A_338 = arith.addi %parallel_loop3A_144, %parallel_loop3A_337 : i32
      %parallel_loop3A_339 = arith.index_cast %parallel_loop3A_338 : i32 to index
      %parallel_loop3A_340 = arith.constant 0 : index
      %parallel_loop3A_341 = tpu.vector_load %arg10[%parallel_loop3A_339, %parallel_loop3A_340] {strides = array<i32>} : memref<128x128xf32, #tpu.memory_space<vmem>>, vector<1x16xf32>,
      %parallel_loop3A_342 = vector.shape_cast %parallel_loop3A_341 : vector<1x16xf32> to vector<16xf32>
      %parallel_loop3A_343 = arith.constant 64 : i32
      %parallel_loop3A_344 = arith.addi %parallel_loop3A_343, %parallel_loop3A_144 : i32
      %parallel_loop3A_345 = arith.constant 1 : i32
      %parallel_loop3A_346 = arith.addi %parallel_loop3A_344, %parallel_loop3A_345 : i32
      %parallel_loop3A_347 = arith.index_cast %parallel_loop3A_346 : i32 to index
      %parallel_loop3A_348 = arith.constant 0 : index
      %parallel_loop3A_349 = tpu.vector_load %arg10[%parallel_loop3A_347, %parallel_loop3A_348] {strides = array<i32>} : memref<128x128xf32, #tpu.memory_space<vmem>>, vector<1x16xf32>,
      %parallel_loop3A_350 = vector.shape_cast %parallel_loop3A_349 : vector<1x16xf32> to vector<16xf32>
      %parallel_loop3A_351 = arith.subf %parallel_loop3A_342, %parallel_loop3A_350 : vector<16xf32>
      %parallel_loop3A_352 = arith.constant 64 : i32
      %parallel_loop3A_353 = arith.addi %parallel_loop3A_352, %parallel_loop3A_144 : i32
      %parallel_loop3A_354 = arith.constant 1 : i32
      %parallel_loop3A_355 = arith.addi %parallel_loop3A_353, %parallel_loop3A_354 : i32
      %parallel_loop3A_356 = arith.index_cast %parallel_loop3A_355 : i32 to index
      %parallel_loop3A_357 = arith.constant 0 : index
      %parallel_loop3A_358 = tpu.vector_load %arg10[%parallel_loop3A_356, %parallel_loop3A_357] {strides = array<i32>} : memref<128x128xf32, #tpu.memory_space<vmem>>, vector<1x16xf32>,
      %parallel_loop3A_359 = vector.shape_cast %parallel_loop3A_358 : vector<1x16xf32> to vector<16xf32>
      %parallel_loop3A_360 = vector.shape_cast %parallel_loop3A_351 : vector<16xf32> to vector<1x16xf32>
      tpu.vector_store %arg10[%parallel_loop3A_356, %parallel_loop3A_357], %parallel_loop3A_360 {strides = array<i32>} : memref<128x128xf32, #tpu.memory_space<vmem>>, vector<1x16xf32>,
      %parallel_loop3A_361 = arith.constant 1 : i32
      %parallel_loop3A_362 = arith.addi %parallel_loop3A_144, %parallel_loop3A_361 : i32
      %parallel_loop3A_363 = arith.index_cast %parallel_loop3A_362 : i32 to index
      %parallel_loop3A_364 = arith.constant 16 : index
      %parallel_loop3A_365 = tpu.vector_load %arg10[%parallel_loop3A_363, %parallel_loop3A_364] {strides = array<i32>} : memref<128x128xf32, #tpu.memory_space<vmem>>, vector<1x16xf32>,
      %parallel_loop3A_366 = vector.shape_cast %parallel_loop3A_365 : vector<1x16xf32> to vector<16xf32>
      %parallel_loop3A_367 = arith.constant 64 : i32
      %parallel_loop3A_368 = arith.addi %parallel_loop3A_367, %parallel_loop3A_144 : i32
      %parallel_loop3A_369 = arith.constant 1 : i32
      %parallel_loop3A_370 = arith.addi %parallel_loop3A_368, %parallel_loop3A_369 : i32
      %parallel_loop3A_371 = arith.index_cast %parallel_loop3A_370 : i32 to index
      %parallel_loop3A_372 = arith.constant 16 : index
      %parallel_loop3A_373 = tpu.vector_load %arg10[%parallel_loop3A_371, %parallel_loop3A_372] {strides = array<i32>} : memref<128x128xf32, #tpu.memory_space<vmem>>, vector<1x16xf32>,
      %parallel_loop3A_374 = vector.shape_cast %parallel_loop3A_373 : vector<1x16xf32> to vector<16xf32>
      %parallel_loop3A_375 = arith.subf %parallel_loop3A_366, %parallel_loop3A_374 : vector<16xf32>
      %parallel_loop3A_376 = arith.constant 64 : i32
      %parallel_loop3A_377 = arith.addi %parallel_loop3A_376, %parallel_loop3A_144 : i32
      %parallel_loop3A_378 = arith.constant 1 : i32
      %parallel_loop3A_379 = arith.addi %parallel_loop3A_377, %parallel_loop3A_378 : i32
      %parallel_loop3A_380 = arith.index_cast %parallel_loop3A_379 : i32 to index
      %parallel_loop3A_381 = arith.constant 16 : index
      %parallel_loop3A_382 = tpu.vector_load %arg10[%parallel_loop3A_380, %parallel_loop3A_381] {strides = array<i32>} : memref<128x128xf32, #tpu.memory_space<vmem>>, vector<1x16xf32>,
      %parallel_loop3A_383 = vector.shape_cast %parallel_loop3A_382 : vector<1x16xf32> to vector<16xf32>
      %parallel_loop3A_384 = vector.shape_cast %parallel_loop3A_375 : vector<16xf32> to vector<1x16xf32>
      tpu.vector_store %arg10[%parallel_loop3A_380, %parallel_loop3A_381], %parallel_loop3A_384 {strides = array<i32>} : memref<128x128xf32, #tpu.memory_space<vmem>>, vector<1x16xf32>,
      %parallel_loop3A_385 = arith.constant 1 : i32
      %parallel_loop3A_386 = arith.addi %parallel_loop3A_144, %parallel_loop3A_385 : i32
      %parallel_loop3A_387 = arith.index_cast %parallel_loop3A_386 : i32 to index
      %parallel_loop3A_388 = arith.constant 32 : index
      %parallel_loop3A_389 = tpu.vector_load %arg10[%parallel_loop3A_387, %parallel_loop3A_388] {strides = array<i32>} : memref<128x128xf32, #tpu.memory_space<vmem>>, vector<1x16xf32>,
      %parallel_loop3A_390 = vector.shape_cast %parallel_loop3A_389 : vector<1x16xf32> to vector<16xf32>
      %parallel_loop3A_391 = arith.constant 64 : i32
      %parallel_loop3A_392 = arith.addi %parallel_loop3A_391, %parallel_loop3A_144 : i32
      %parallel_loop3A_393 = arith.constant 1 : i32
      %parallel_loop3A_394 = arith.addi %parallel_loop3A_392, %parallel_loop3A_393 : i32
      %parallel_loop3A_395 = arith.index_cast %parallel_loop3A_394 : i32 to index
      %parallel_loop3A_396 = arith.constant 32 : index
      %parallel_loop3A_397 = tpu.vector_load %arg10[%parallel_loop3A_395, %parallel_loop3A_396] {strides = array<i32>} : memref<128x128xf32, #tpu.memory_space<vmem>>, vector<1x16xf32>,
      %parallel_loop3A_398 = vector.shape_cast %parallel_loop3A_397 : vector<1x16xf32> to vector<16xf32>
      %parallel_loop3A_399 = arith.subf %parallel_loop3A_390, %parallel_loop3A_398 : vector<16xf32>
      %parallel_loop3A_400 = arith.constant 64 : i32
      %parallel_loop3A_401 = arith.addi %parallel_loop3A_400, %parallel_loop3A_144 : i32
      %parallel_loop3A_402 = arith.constant 1 : i32
      %parallel_loop3A_403 = arith.addi %parallel_loop3A_401, %parallel_loop3A_402 : i32
      %parallel_loop3A_404 = arith.index_cast %parallel_loop3A_403 : i32 to index
      %parallel_loop3A_405 = arith.constant 32 : index
      %parallel_loop3A_406 = tpu.vector_load %arg10[%parallel_loop3A_404, %parallel_loop3A_405] {strides = array<i32>} : memref<128x128xf32, #tpu.memory_space<vmem>>, vector<1x16xf32>,
      %parallel_loop3A_407 = vector.shape_cast %parallel_loop3A_406 : vector<1x16xf32> to vector<16xf32>
      %parallel_loop3A_408 = vector.shape_cast %parallel_loop3A_399 : vector<16xf32> to vector<1x16xf32>
      tpu.vector_store %arg10[%parallel_loop3A_404, %parallel_loop3A_405], %parallel_loop3A_408 {strides = array<i32>} : memref<128x128xf32, #tpu.memory_space<vmem>>, vector<1x16xf32>,
      %parallel_loop3A_409 = arith.constant 1 : i32
      %parallel_loop3A_410 = arith.addi %parallel_loop3A_144, %parallel_loop3A_409 : i32
      %parallel_loop3A_411 = arith.index_cast %parallel_loop3A_410 : i32 to index
      %parallel_loop3A_412 = arith.constant 48 : index
      %parallel_loop3A_413 = tpu.vector_load %arg10[%parallel_loop3A_411, %parallel_loop3A_412] {strides = array<i32>} : memref<128x128xf32, #tpu.memory_space<vmem>>, vector<1x16xf32>,
      %parallel_loop3A_414 = vector.shape_cast %parallel_loop3A_413 : vector<1x16xf32> to vector<16xf32>
      %parallel_loop3A_415 = arith.constant 64 : i32
      %parallel_loop3A_416 = arith.addi %parallel_loop3A_415, %parallel_loop3A_144 : i32
      %parallel_loop3A_417 = arith.constant 1 : i32
      %parallel_loop3A_418 = arith.addi %parallel_loop3A_416, %parallel_loop3A_417 : i32
      %parallel_loop3A_419 = arith.index_cast %parallel_loop3A_418 : i32 to index
      %parallel_loop3A_420 = arith.constant 48 : index
      %parallel_loop3A_421 = tpu.vector_load %arg10[%parallel_loop3A_419, %parallel_loop3A_420] {strides = array<i32>} : memref<128x128xf32, #tpu.memory_space<vmem>>, vector<1x16xf32>,
      %parallel_loop3A_422 = vector.shape_cast %parallel_loop3A_421 : vector<1x16xf32> to vector<16xf32>
      %parallel_loop3A_423 = arith.subf %parallel_loop3A_414, %parallel_loop3A_422 : vector<16xf32>
      %parallel_loop3A_424 = arith.constant 64 : i32
      %parallel_loop3A_425 = arith.addi %parallel_loop3A_424, %parallel_loop3A_144 : i32
      %parallel_loop3A_426 = arith.constant 1 : i32
      %parallel_loop3A_427 = arith.addi %parallel_loop3A_425, %parallel_loop3A_426 : i32
      %parallel_loop3A_428 = arith.index_cast %parallel_loop3A_427 : i32 to index
      %parallel_loop3A_429 = arith.constant 48 : index
      %parallel_loop3A_430 = tpu.vector_load %arg10[%parallel_loop3A_428, %parallel_loop3A_429] {strides = array<i32>} : memref<128x128xf32, #tpu.memory_space<vmem>>, vector<1x16xf32>,
      %parallel_loop3A_431 = vector.shape_cast %parallel_loop3A_430 : vector<1x16xf32> to vector<16xf32>
      %parallel_loop3A_432 = vector.shape_cast %parallel_loop3A_423 : vector<16xf32> to vector<1x16xf32>
      tpu.vector_store %arg10[%parallel_loop3A_428, %parallel_loop3A_429], %parallel_loop3A_432 {strides = array<i32>} : memref<128x128xf32, #tpu.memory_space<vmem>>, vector<1x16xf32>,
      %parallel_loop3A_433 = arith.constant 1 : i32
      %parallel_loop3A_434 = arith.addi %parallel_loop3A_144, %parallel_loop3A_433 : i32
      %parallel_loop3A_435 = arith.index_cast %parallel_loop3A_434 : i32 to index
      %parallel_loop3A_436 = arith.constant 64 : index
      %parallel_loop3A_437 = tpu.vector_load %arg10[%parallel_loop3A_435, %parallel_loop3A_436] {strides = array<i32>} : memref<128x128xf32, #tpu.memory_space<vmem>>, vector<1x16xf32>,
      %parallel_loop3A_438 = vector.shape_cast %parallel_loop3A_437 : vector<1x16xf32> to vector<16xf32>
      %parallel_loop3A_439 = arith.constant 64 : i32
      %parallel_loop3A_440 = arith.addi %parallel_loop3A_439, %parallel_loop3A_144 : i32
      %parallel_loop3A_441 = arith.constant 1 : i32
      %parallel_loop3A_442 = arith.addi %parallel_loop3A_440, %parallel_loop3A_441 : i32
      %parallel_loop3A_443 = arith.index_cast %parallel_loop3A_442 : i32 to index
      %parallel_loop3A_444 = arith.constant 64 : index
      %parallel_loop3A_445 = tpu.vector_load %arg10[%parallel_loop3A_443, %parallel_loop3A_444] {strides = array<i32>} : memref<128x128xf32, #tpu.memory_space<vmem>>, vector<1x16xf32>,
      %parallel_loop3A_446 = vector.shape_cast %parallel_loop3A_445 : vector<1x16xf32> to vector<16xf32>
      %parallel_loop3A_447 = arith.subf %parallel_loop3A_438, %parallel_loop3A_446 : vector<16xf32>
      %parallel_loop3A_448 = arith.constant 64 : i32
      %parallel_loop3A_449 = arith.addi %parallel_loop3A_448, %parallel_loop3A_144 : i32
      %parallel_loop3A_450 = arith.constant 1 : i32
      %parallel_loop3A_451 = arith.addi %parallel_loop3A_449, %parallel_loop3A_450 : i32
      %parallel_loop3A_452 = arith.index_cast %parallel_loop3A_451 : i32 to index
      %parallel_loop3A_453 = arith.constant 64 : index
      %parallel_loop3A_454 = tpu.vector_load %arg10[%parallel_loop3A_452, %parallel_loop3A_453] {strides = array<i32>} : memref<128x128xf32, #tpu.memory_space<vmem>>, vector<1x16xf32>,
      %parallel_loop3A_455 = vector.shape_cast %parallel_loop3A_454 : vector<1x16xf32> to vector<16xf32>
      %parallel_loop3A_456 = vector.shape_cast %parallel_loop3A_447 : vector<16xf32> to vector<1x16xf32>
      tpu.vector_store %arg10[%parallel_loop3A_452, %parallel_loop3A_453], %parallel_loop3A_456 {strides = array<i32>} : memref<128x128xf32, #tpu.memory_space<vmem>>, vector<1x16xf32>,
      %parallel_loop3A_457 = arith.constant 1 : i32
      %parallel_loop3A_458 = arith.addi %parallel_loop3A_144, %parallel_loop3A_457 : i32
      %parallel_loop3A_459 = arith.index_cast %parallel_loop3A_458 : i32 to index
      %parallel_loop3A_460 = arith.constant 80 : index
      %parallel_loop3A_461 = tpu.vector_load %arg10[%parallel_loop3A_459, %parallel_loop3A_460] {strides = array<i32>} : memref<128x128xf32, #tpu.memory_space<vmem>>, vector<1x16xf32>,
      %parallel_loop3A_462 = vector.shape_cast %parallel_loop3A_461 : vector<1x16xf32> to vector<16xf32>
      %parallel_loop3A_463 = arith.constant 64 : i32
      %parallel_loop3A_464 = arith.addi %parallel_loop3A_463, %parallel_loop3A_144 : i32
      %parallel_loop3A_465 = arith.constant 1 : i32
      %parallel_loop3A_466 = arith.addi %parallel_loop3A_464, %parallel_loop3A_465 : i32
      %parallel_loop3A_467 = arith.index_cast %parallel_loop3A_466 : i32 to index
      %parallel_loop3A_468 = arith.constant 80 : index
      %parallel_loop3A_469 = tpu.vector_load %arg10[%parallel_loop3A_467, %parallel_loop3A_468] {strides = array<i32>} : memref<128x128xf32, #tpu.memory_space<vmem>>, vector<1x16xf32>,
      %parallel_loop3A_470 = vector.shape_cast %parallel_loop3A_469 : vector<1x16xf32> to vector<16xf32>
      %parallel_loop3A_471 = arith.subf %parallel_loop3A_462, %parallel_loop3A_470 : vector<16xf32>
      %parallel_loop3A_472 = arith.constant 64 : i32
      %parallel_loop3A_473 = arith.addi %parallel_loop3A_472, %parallel_loop3A_144 : i32
      %parallel_loop3A_474 = arith.constant 1 : i32
      %parallel_loop3A_475 = arith.addi %parallel_loop3A_473, %parallel_loop3A_474 : i32
      %parallel_loop3A_476 = arith.index_cast %parallel_loop3A_475 : i32 to index
      %parallel_loop3A_477 = arith.constant 80 : index
      %parallel_loop3A_478 = tpu.vector_load %arg10[%parallel_loop3A_476, %parallel_loop3A_477] {strides = array<i32>} : memref<128x128xf32, #tpu.memory_space<vmem>>, vector<1x16xf32>,
      %parallel_loop3A_479 = vector.shape_cast %parallel_loop3A_478 : vector<1x16xf32> to vector<16xf32>
      %parallel_loop3A_480 = vector.shape_cast %parallel_loop3A_471 : vector<16xf32> to vector<1x16xf32>
      tpu.vector_store %arg10[%parallel_loop3A_476, %parallel_loop3A_477], %parallel_loop3A_480 {strides = array<i32>} : memref<128x128xf32, #tpu.memory_space<vmem>>, vector<1x16xf32>,
      %parallel_loop3A_481 = arith.constant 1 : i32
      %parallel_loop3A_482 = arith.addi %parallel_loop3A_144, %parallel_loop3A_481 : i32
      %parallel_loop3A_483 = arith.index_cast %parallel_loop3A_482 : i32 to index
      %parallel_loop3A_484 = arith.constant 96 : index
      %parallel_loop3A_485 = tpu.vector_load %arg10[%parallel_loop3A_483, %parallel_loop3A_484] {strides = array<i32>} : memref<128x128xf32, #tpu.memory_space<vmem>>, vector<1x16xf32>,
      %parallel_loop3A_486 = vector.shape_cast %parallel_loop3A_485 : vector<1x16xf32> to vector<16xf32>
      %parallel_loop3A_487 = arith.constant 64 : i32
      %parallel_loop3A_488 = arith.addi %parallel_loop3A_487, %parallel_loop3A_144 : i32
      %parallel_loop3A_489 = arith.constant 1 : i32
      %parallel_loop3A_490 = arith.addi %parallel_loop3A_488, %parallel_loop3A_489 : i32
      %parallel_loop3A_491 = arith.index_cast %parallel_loop3A_490 : i32 to index
      %parallel_loop3A_492 = arith.constant 96 : index
      %parallel_loop3A_493 = tpu.vector_load %arg10[%parallel_loop3A_491, %parallel_loop3A_492] {strides = array<i32>} : memref<128x128xf32, #tpu.memory_space<vmem>>, vector<1x16xf32>,
      %parallel_loop3A_494 = vector.shape_cast %parallel_loop3A_493 : vector<1x16xf32> to vector<16xf32>
      %parallel_loop3A_495 = arith.subf %parallel_loop3A_486, %parallel_loop3A_494 : vector<16xf32>
      %parallel_loop3A_496 = arith.constant 64 : i32
      %parallel_loop3A_497 = arith.addi %parallel_loop3A_496, %parallel_loop3A_144 : i32
      %parallel_loop3A_498 = arith.constant 1 : i32
      %parallel_loop3A_499 = arith.addi %parallel_loop3A_497, %parallel_loop3A_498 : i32
      %parallel_loop3A_500 = arith.index_cast %parallel_loop3A_499 : i32 to index
      %parallel_loop3A_501 = arith.constant 96 : index
      %parallel_loop3A_502 = tpu.vector_load %arg10[%parallel_loop3A_500, %parallel_loop3A_501] {strides = array<i32>} : memref<128x128xf32, #tpu.memory_space<vmem>>, vector<1x16xf32>,
      %parallel_loop3A_503 = vector.shape_cast %parallel_loop3A_502 : vector<1x16xf32> to vector<16xf32>
      %parallel_loop3A_504 = vector.shape_cast %parallel_loop3A_495 : vector<16xf32> to vector<1x16xf32>
      tpu.vector_store %arg10[%parallel_loop3A_500, %parallel_loop3A_501], %parallel_loop3A_504 {strides = array<i32>} : memref<128x128xf32, #tpu.memory_space<vmem>>, vector<1x16xf32>,
      %parallel_loop3A_505 = arith.constant 1 : i32
      %parallel_loop3A_506 = arith.addi %parallel_loop3A_144, %parallel_loop3A_505 : i32
      %parallel_loop3A_507 = arith.index_cast %parallel_loop3A_506 : i32 to index
      %parallel_loop3A_508 = arith.constant 112 : index
      %parallel_loop3A_509 = tpu.vector_load %arg10[%parallel_loop3A_507, %parallel_loop3A_508] {strides = array<i32>} : memref<128x128xf32, #tpu.memory_space<vmem>>, vector<1x16xf32>,
      %parallel_loop3A_510 = vector.shape_cast %parallel_loop3A_509 : vector<1x16xf32> to vector<16xf32>
      %parallel_loop3A_511 = arith.constant 64 : i32
      %parallel_loop3A_512 = arith.addi %parallel_loop3A_511, %parallel_loop3A_144 : i32
      %parallel_loop3A_513 = arith.constant 1 : i32
      %parallel_loop3A_514 = arith.addi %parallel_loop3A_512, %parallel_loop3A_513 : i32
      %parallel_loop3A_515 = arith.index_cast %parallel_loop3A_514 : i32 to index
      %parallel_loop3A_516 = arith.constant 112 : index
      %parallel_loop3A_517 = tpu.vector_load %arg10[%parallel_loop3A_515, %parallel_loop3A_516] {strides = array<i32>} : memref<128x128xf32, #tpu.memory_space<vmem>>, vector<1x16xf32>,
      %parallel_loop3A_518 = vector.shape_cast %parallel_loop3A_517 : vector<1x16xf32> to vector<16xf32>
      %parallel_loop3A_519 = arith.subf %parallel_loop3A_510, %parallel_loop3A_518 : vector<16xf32>
      %parallel_loop3A_520 = arith.constant 64 : i32
      %parallel_loop3A_521 = arith.addi %parallel_loop3A_520, %parallel_loop3A_144 : i32
      %parallel_loop3A_522 = arith.constant 1 : i32
      %parallel_loop3A_523 = arith.addi %parallel_loop3A_521, %parallel_loop3A_522 : i32
      %parallel_loop3A_524 = arith.index_cast %parallel_loop3A_523 : i32 to index
      %parallel_loop3A_525 = arith.constant 112 : index
      %parallel_loop3A_526 = tpu.vector_load %arg10[%parallel_loop3A_524, %parallel_loop3A_525] {strides = array<i32>} : memref<128x128xf32, #tpu.memory_space<vmem>>, vector<1x16xf32>,
      %parallel_loop3A_527 = vector.shape_cast %parallel_loop3A_526 : vector<1x16xf32> to vector<16xf32>
      %parallel_loop3A_528 = vector.shape_cast %parallel_loop3A_519 : vector<16xf32> to vector<1x16xf32>
      tpu.vector_store %arg10[%parallel_loop3A_524, %parallel_loop3A_525], %parallel_loop3A_528 {strides = array<i32>} : memref<128x128xf32, #tpu.memory_space<vmem>>, vector<1x16xf32>,
      %parallel_loop3A_529 = arith.constant 2 : i32
      %parallel_loop3A_530 = arith.addi %parallel_loop3A_144, %parallel_loop3A_529 : i32
      %parallel_loop3A_531 = arith.index_cast %parallel_loop3A_530 : i32 to index
      %parallel_loop3A_532 = arith.constant 0 : index
      %parallel_loop3A_533 = tpu.vector_load %arg10[%parallel_loop3A_531, %parallel_loop3A_532] {strides = array<i32>} : memref<128x128xf32, #tpu.memory_space<vmem>>, vector<1x16xf32>,
      %parallel_loop3A_534 = vector.shape_cast %parallel_loop3A_533 : vector<1x16xf32> to vector<16xf32>
      %parallel_loop3A_535 = arith.constant 64 : i32
      %parallel_loop3A_536 = arith.addi %parallel_loop3A_535, %parallel_loop3A_144 : i32
      %parallel_loop3A_537 = arith.constant 2 : i32
      %parallel_loop3A_538 = arith.addi %parallel_loop3A_536, %parallel_loop3A_537 : i32
      %parallel_loop3A_539 = arith.index_cast %parallel_loop3A_538 : i32 to index
      %parallel_loop3A_540 = arith.constant 0 : index
      %parallel_loop3A_541 = tpu.vector_load %arg10[%parallel_loop3A_539, %parallel_loop3A_540] {strides = array<i32>} : memref<128x128xf32, #tpu.memory_space<vmem>>, vector<1x16xf32>,
      %parallel_loop3A_542 = vector.shape_cast %parallel_loop3A_541 : vector<1x16xf32> to vector<16xf32>
      %parallel_loop3A_543 = arith.subf %parallel_loop3A_534, %parallel_loop3A_542 : vector<16xf32>
      %parallel_loop3A_544 = arith.constant 64 : i32
      %parallel_loop3A_545 = arith.addi %parallel_loop3A_544, %parallel_loop3A_144 : i32
      %parallel_loop3A_546 = arith.constant 2 : i32
      %parallel_loop3A_547 = arith.addi %parallel_loop3A_545, %parallel_loop3A_546 : i32
      %parallel_loop3A_548 = arith.index_cast %parallel_loop3A_547 : i32 to index
      %parallel_loop3A_549 = arith.constant 0 : index
      %parallel_loop3A_550 = tpu.vector_load %arg10[%parallel_loop3A_548, %parallel_loop3A_549] {strides = array<i32>} : memref<128x128xf32, #tpu.memory_space<vmem>>, vector<1x16xf32>,
      %parallel_loop3A_551 = vector.shape_cast %parallel_loop3A_550 : vector<1x16xf32> to vector<16xf32>
      %parallel_loop3A_552 = vector.shape_cast %parallel_loop3A_543 : vector<16xf32> to vector<1x16xf32>
      tpu.vector_store %arg10[%parallel_loop3A_548, %parallel_loop3A_549], %parallel_loop3A_552 {strides = array<i32>} : memref<128x128xf32, #tpu.memory_space<vmem>>, vector<1x16xf32>,
      %parallel_loop3A_553 = arith.constant 2 : i32
      %parallel_loop3A_554 = arith.addi %parallel_loop3A_144, %parallel_loop3A_553 : i32
      %parallel_loop3A_555 = arith.index_cast %parallel_loop3A_554 : i32 to index
      %parallel_loop3A_556 = arith.constant 16 : index
      %parallel_loop3A_557 = tpu.vector_load %arg10[%parallel_loop3A_555, %parallel_loop3A_556] {strides = array<i32>} : memref<128x128xf32, #tpu.memory_space<vmem>>, vector<1x16xf32>,
      %parallel_loop3A_558 = vector.shape_cast %parallel_loop3A_557 : vector<1x16xf32> to vector<16xf32>
      %parallel_loop3A_559 = arith.constant 64 : i32
      %parallel_loop3A_560 = arith.addi %parallel_loop3A_559, %parallel_loop3A_144 : i32
      %parallel_loop3A_561 = arith.constant 2 : i32
      %parallel_loop3A_562 = arith.addi %parallel_loop3A_560, %parallel_loop3A_561 : i32
      %parallel_loop3A_563 = arith.index_cast %parallel_loop3A_562 : i32 to index
      %parallel_loop3A_564 = arith.constant 16 : index
      %parallel_loop3A_565 = tpu.vector_load %arg10[%parallel_loop3A_563, %parallel_loop3A_564] {strides = array<i32>} : memref<128x128xf32, #tpu.memory_space<vmem>>, vector<1x16xf32>,
      %parallel_loop3A_566 = vector.shape_cast %parallel_loop3A_565 : vector<1x16xf32> to vector<16xf32>
      %parallel_loop3A_567 = arith.subf %parallel_loop3A_558, %parallel_loop3A_566 : vector<16xf32>
      %parallel_loop3A_568 = arith.constant 64 : i32
      %parallel_loop3A_569 = arith.addi %parallel_loop3A_568, %parallel_loop3A_144 : i32
      %parallel_loop3A_570 = arith.constant 2 : i32
      %parallel_loop3A_571 = arith.addi %parallel_loop3A_569, %parallel_loop3A_570 : i32
      %parallel_loop3A_572 = arith.index_cast %parallel_loop3A_571 : i32 to index
      %parallel_loop3A_573 = arith.constant 16 : index
      %parallel_loop3A_574 = tpu.vector_load %arg10[%parallel_loop3A_572, %parallel_loop3A_573] {strides = array<i32>} : memref<128x128xf32, #tpu.memory_space<vmem>>, vector<1x16xf32>,
      %parallel_loop3A_575 = vector.shape_cast %parallel_loop3A_574 : vector<1x16xf32> to vector<16xf32>
      %parallel_loop3A_576 = vector.shape_cast %parallel_loop3A_567 : vector<16xf32> to vector<1x16xf32>
      tpu.vector_store %arg10[%parallel_loop3A_572, %parallel_loop3A_573], %parallel_loop3A_576 {strides = array<i32>} : memref<128x128xf32, #tpu.memory_space<vmem>>, vector<1x16xf32>,
      %parallel_loop3A_577 = arith.constant 2 : i32
      %parallel_loop3A_578 = arith.addi %parallel_loop3A_144, %parallel_loop3A_577 : i32
      %parallel_loop3A_579 = arith.index_cast %parallel_loop3A_578 : i32 to index
      %parallel_loop3A_580 = arith.constant 32 : index
      %parallel_loop3A_581 = tpu.vector_load %arg10[%parallel_loop3A_579, %parallel_loop3A_580] {strides = array<i32>} : memref<128x128xf32, #tpu.memory_space<vmem>>, vector<1x16xf32>,
      %parallel_loop3A_582 = vector.shape_cast %parallel_loop3A_581 : vector<1x16xf32> to vector<16xf32>
      %parallel_loop3A_583 = arith.constant 64 : i32
      %parallel_loop3A_584 = arith.addi %parallel_loop3A_583, %parallel_loop3A_144 : i32
      %parallel_loop3A_585 = arith.constant 2 : i32
      %parallel_loop3A_586 = arith.addi %parallel_loop3A_584, %parallel_loop3A_585 : i32
      %parallel_loop3A_587 = arith.index_cast %parallel_loop3A_586 : i32 to index
      %parallel_loop3A_588 = arith.constant 32 : index
      %parallel_loop3A_589 = tpu.vector_load %arg10[%parallel_loop3A_587, %parallel_loop3A_588] {strides = array<i32>} : memref<128x128xf32, #tpu.memory_space<vmem>>, vector<1x16xf32>,
      %parallel_loop3A_590 = vector.shape_cast %parallel_loop3A_589 : vector<1x16xf32> to vector<16xf32>
      %parallel_loop3A_591 = arith.subf %parallel_loop3A_582, %parallel_loop3A_590 : vector<16xf32>
      %parallel_loop3A_592 = arith.constant 64 : i32
      %parallel_loop3A_593 = arith.addi %parallel_loop3A_592, %parallel_loop3A_144 : i32
      %parallel_loop3A_594 = arith.constant 2 : i32
      %parallel_loop3A_595 = arith.addi %parallel_loop3A_593, %parallel_loop3A_594 : i32
      %parallel_loop3A_596 = arith.index_cast %parallel_loop3A_595 : i32 to index
      %parallel_loop3A_597 = arith.constant 32 : index
      %parallel_loop3A_598 = tpu.vector_load %arg10[%parallel_loop3A_596, %parallel_loop3A_597] {strides = array<i32>} : memref<128x128xf32, #tpu.memory_space<vmem>>, vector<1x16xf32>,
      %parallel_loop3A_599 = vector.shape_cast %parallel_loop3A_598 : vector<1x16xf32> to vector<16xf32>
      %parallel_loop3A_600 = vector.shape_cast %parallel_loop3A_591 : vector<16xf32> to vector<1x16xf32>
      tpu.vector_store %arg10[%parallel_loop3A_596, %parallel_loop3A_597], %parallel_loop3A_600 {strides = array<i32>} : memref<128x128xf32, #tpu.memory_space<vmem>>, vector<1x16xf32>,
      %parallel_loop3A_601 = arith.constant 2 : i32
      %parallel_loop3A_602 = arith.addi %parallel_loop3A_144, %parallel_loop3A_601 : i32
      %parallel_loop3A_603 = arith.index_cast %parallel_loop3A_602 : i32 to index
      %parallel_loop3A_604 = arith.constant 48 : index
      %parallel_loop3A_605 = tpu.vector_load %arg10[%parallel_loop3A_603, %parallel_loop3A_604] {strides = array<i32>} : memref<128x128xf32, #tpu.memory_space<vmem>>, vector<1x16xf32>,
      %parallel_loop3A_606 = vector.shape_cast %parallel_loop3A_605 : vector<1x16xf32> to vector<16xf32>
      %parallel_loop3A_607 = arith.constant 64 : i32
      %parallel_loop3A_608 = arith.addi %parallel_loop3A_607, %parallel_loop3A_144 : i32
      %parallel_loop3A_609 = arith.constant 2 : i32
      %parallel_loop3A_610 = arith.addi %parallel_loop3A_608, %parallel_loop3A_609 : i32
      %parallel_loop3A_611 = arith.index_cast %parallel_loop3A_610 : i32 to index
      %parallel_loop3A_612 = arith.constant 48 : index
      %parallel_loop3A_613 = tpu.vector_load %arg10[%parallel_loop3A_611, %parallel_loop3A_612] {strides = array<i32>} : memref<128x128xf32, #tpu.memory_space<vmem>>, vector<1x16xf32>,
      %parallel_loop3A_614 = vector.shape_cast %parallel_loop3A_613 : vector<1x16xf32> to vector<16xf32>
      %parallel_loop3A_615 = arith.subf %parallel_loop3A_606, %parallel_loop3A_614 : vector<16xf32>
      %parallel_loop3A_616 = arith.constant 64 : i32
      %parallel_loop3A_617 = arith.addi %parallel_loop3A_616, %parallel_loop3A_144 : i32
      %parallel_loop3A_618 = arith.constant 2 : i32
      %parallel_loop3A_619 = arith.addi %parallel_loop3A_617, %parallel_loop3A_618 : i32
      %parallel_loop3A_620 = arith.index_cast %parallel_loop3A_619 : i32 to index
      %parallel_loop3A_621 = arith.constant 48 : index
      %parallel_loop3A_622 = tpu.vector_load %arg10[%parallel_loop3A_620, %parallel_loop3A_621] {strides = array<i32>} : memref<128x128xf32, #tpu.memory_space<vmem>>, vector<1x16xf32>,
      %parallel_loop3A_623 = vector.shape_cast %parallel_loop3A_622 : vector<1x16xf32> to vector<16xf32>
      %parallel_loop3A_624 = vector.shape_cast %parallel_loop3A_615 : vector<16xf32> to vector<1x16xf32>
      tpu.vector_store %arg10[%parallel_loop3A_620, %parallel_loop3A_621], %parallel_loop3A_624 {strides = array<i32>} : memref<128x128xf32, #tpu.memory_space<vmem>>, vector<1x16xf32>,
      %parallel_loop3A_625 = arith.constant 2 : i32
      %parallel_loop3A_626 = arith.addi %parallel_loop3A_144, %parallel_loop3A_625 : i32
      %parallel_loop3A_627 = arith.index_cast %parallel_loop3A_626 : i32 to index
      %parallel_loop3A_628 = arith.constant 64 : index
      %parallel_loop3A_629 = tpu.vector_load %arg10[%parallel_loop3A_627, %parallel_loop3A_628] {strides = array<i32>} : memref<128x128xf32, #tpu.memory_space<vmem>>, vector<1x16xf32>,
      %parallel_loop3A_630 = vector.shape_cast %parallel_loop3A_629 : vector<1x16xf32> to vector<16xf32>
      %parallel_loop3A_631 = arith.constant 64 : i32
      %parallel_loop3A_632 = arith.addi %parallel_loop3A_631, %parallel_loop3A_144 : i32
      %parallel_loop3A_633 = arith.constant 2 : i32
      %parallel_loop3A_634 = arith.addi %parallel_loop3A_632, %parallel_loop3A_633 : i32
      %parallel_loop3A_635 = arith.index_cast %parallel_loop3A_634 : i32 to index
      %parallel_loop3A_636 = arith.constant 64 : index
      %parallel_loop3A_637 = tpu.vector_load %arg10[%parallel_loop3A_635, %parallel_loop3A_636] {strides = array<i32>} : memref<128x128xf32, #tpu.memory_space<vmem>>, vector<1x16xf32>,
      %parallel_loop3A_638 = vector.shape_cast %parallel_loop3A_637 : vector<1x16xf32> to vector<16xf32>
      %parallel_loop3A_639 = arith.subf %parallel_loop3A_630, %parallel_loop3A_638 : vector<16xf32>
      %parallel_loop3A_640 = arith.constant 64 : i32
      %parallel_loop3A_641 = arith.addi %parallel_loop3A_640, %parallel_loop3A_144 : i32
      %parallel_loop3A_642 = arith.constant 2 : i32
      %parallel_loop3A_643 = arith.addi %parallel_loop3A_641, %parallel_loop3A_642 : i32
      %parallel_loop3A_644 = arith.index_cast %parallel_loop3A_643 : i32 to index
      %parallel_loop3A_645 = arith.constant 64 : index
      %parallel_loop3A_646 = tpu.vector_load %arg10[%parallel_loop3A_644, %parallel_loop3A_645] {strides = array<i32>} : memref<128x128xf32, #tpu.memory_space<vmem>>, vector<1x16xf32>,
      %parallel_loop3A_647 = vector.shape_cast %parallel_loop3A_646 : vector<1x16xf32> to vector<16xf32>
      %parallel_loop3A_648 = vector.shape_cast %parallel_loop3A_639 : vector<16xf32> to vector<1x16xf32>
      tpu.vector_store %arg10[%parallel_loop3A_644, %parallel_loop3A_645], %parallel_loop3A_648 {strides = array<i32>} : memref<128x128xf32, #tpu.memory_space<vmem>>, vector<1x16xf32>,
      %parallel_loop3A_649 = arith.constant 2 : i32
      %parallel_loop3A_650 = arith.addi %parallel_loop3A_144, %parallel_loop3A_649 : i32
      %parallel_loop3A_651 = arith.index_cast %parallel_loop3A_650 : i32 to index
      %parallel_loop3A_652 = arith.constant 80 : index
      %parallel_loop3A_653 = tpu.vector_load %arg10[%parallel_loop3A_651, %parallel_loop3A_652] {strides = array<i32>} : memref<128x128xf32, #tpu.memory_space<vmem>>, vector<1x16xf32>,
      %parallel_loop3A_654 = vector.shape_cast %parallel_loop3A_653 : vector<1x16xf32> to vector<16xf32>
      %parallel_loop3A_655 = arith.constant 64 : i32
      %parallel_loop3A_656 = arith.addi %parallel_loop3A_655, %parallel_loop3A_144 : i32
      %parallel_loop3A_657 = arith.constant 2 : i32
      %parallel_loop3A_658 = arith.addi %parallel_loop3A_656, %parallel_loop3A_657 : i32
      %parallel_loop3A_659 = arith.index_cast %parallel_loop3A_658 : i32 to index
      %parallel_loop3A_660 = arith.constant 80 : index
      %parallel_loop3A_661 = tpu.vector_load %arg10[%parallel_loop3A_659, %parallel_loop3A_660] {strides = array<i32>} : memref<128x128xf32, #tpu.memory_space<vmem>>, vector<1x16xf32>,
      %parallel_loop3A_662 = vector.shape_cast %parallel_loop3A_661 : vector<1x16xf32> to vector<16xf32>
      %parallel_loop3A_663 = arith.subf %parallel_loop3A_654, %parallel_loop3A_662 : vector<16xf32>
      %parallel_loop3A_664 = arith.constant 64 : i32
      %parallel_loop3A_665 = arith.addi %parallel_loop3A_664, %parallel_loop3A_144 : i32
      %parallel_loop3A_666 = arith.constant 2 : i32
      %parallel_loop3A_667 = arith.addi %parallel_loop3A_665, %parallel_loop3A_666 : i32
      %parallel_loop3A_668 = arith.index_cast %parallel_loop3A_667 : i32 to index
      %parallel_loop3A_669 = arith.constant 80 : index
      %parallel_loop3A_670 = tpu.vector_load %arg10[%parallel_loop3A_668, %parallel_loop3A_669] {strides = array<i32>} : memref<128x128xf32, #tpu.memory_space<vmem>>, vector<1x16xf32>,
      %parallel_loop3A_671 = vector.shape_cast %parallel_loop3A_670 : vector<1x16xf32> to vector<16xf32>
      %parallel_loop3A_672 = vector.shape_cast %parallel_loop3A_663 : vector<16xf32> to vector<1x16xf32>
      tpu.vector_store %arg10[%parallel_loop3A_668, %parallel_loop3A_669], %parallel_loop3A_672 {strides = array<i32>} : memref<128x128xf32, #tpu.memory_space<vmem>>, vector<1x16xf32>,
      %parallel_loop3A_673 = arith.constant 2 : i32
      %parallel_loop3A_674 = arith.addi %parallel_loop3A_144, %parallel_loop3A_673 : i32
      %parallel_loop3A_675 = arith.index_cast %parallel_loop3A_674 : i32 to index
      %parallel_loop3A_676 = arith.constant 96 : index
      %parallel_loop3A_677 = tpu.vector_load %arg10[%parallel_loop3A_675, %parallel_loop3A_676] {strides = array<i32>} : memref<128x128xf32, #tpu.memory_space<vmem>>, vector<1x16xf32>,
      %parallel_loop3A_678 = vector.shape_cast %parallel_loop3A_677 : vector<1x16xf32> to vector<16xf32>
      %parallel_loop3A_679 = arith.constant 64 : i32
      %parallel_loop3A_680 = arith.addi %parallel_loop3A_679, %parallel_loop3A_144 : i32
      %parallel_loop3A_681 = arith.constant 2 : i32
      %parallel_loop3A_682 = arith.addi %parallel_loop3A_680, %parallel_loop3A_681 : i32
      %parallel_loop3A_683 = arith.index_cast %parallel_loop3A_682 : i32 to index
      %parallel_loop3A_684 = arith.constant 96 : index
      %parallel_loop3A_685 = tpu.vector_load %arg10[%parallel_loop3A_683, %parallel_loop3A_684] {strides = array<i32>} : memref<128x128xf32, #tpu.memory_space<vmem>>, vector<1x16xf32>,
      %parallel_loop3A_686 = vector.shape_cast %parallel_loop3A_685 : vector<1x16xf32> to vector<16xf32>
      %parallel_loop3A_687 = arith.subf %parallel_loop3A_678, %parallel_loop3A_686 : vector<16xf32>
      %parallel_loop3A_688 = arith.constant 64 : i32
      %parallel_loop3A_689 = arith.addi %parallel_loop3A_688, %parallel_loop3A_144 : i32
      %parallel_loop3A_690 = arith.constant 2 : i32
      %parallel_loop3A_691 = arith.addi %parallel_loop3A_689, %parallel_loop3A_690 : i32
      %parallel_loop3A_692 = arith.index_cast %parallel_loop3A_691 : i32 to index
      %parallel_loop3A_693 = arith.constant 96 : index
      %parallel_loop3A_694 = tpu.vector_load %arg10[%parallel_loop3A_692, %parallel_loop3A_693] {strides = array<i32>} : memref<128x128xf32, #tpu.memory_space<vmem>>, vector<1x16xf32>,
      %parallel_loop3A_695 = vector.shape_cast %parallel_loop3A_694 : vector<1x16xf32> to vector<16xf32>
      %parallel_loop3A_696 = vector.shape_cast %parallel_loop3A_687 : vector<16xf32> to vector<1x16xf32>
      tpu.vector_store %arg10[%parallel_loop3A_692, %parallel_loop3A_693], %parallel_loop3A_696 {strides = array<i32>} : memref<128x128xf32, #tpu.memory_space<vmem>>, vector<1x16xf32>,
      %parallel_loop3A_697 = arith.constant 2 : i32
      %parallel_loop3A_698 = arith.addi %parallel_loop3A_144, %parallel_loop3A_697 : i32
      %parallel_loop3A_699 = arith.index_cast %parallel_loop3A_698 : i32 to index
      %parallel_loop3A_700 = arith.constant 112 : index
      %parallel_loop3A_701 = tpu.vector_load %arg10[%parallel_loop3A_699, %parallel_loop3A_700] {strides = array<i32>} : memref<128x128xf32, #tpu.memory_space<vmem>>, vector<1x16xf32>,
      %parallel_loop3A_702 = vector.shape_cast %parallel_loop3A_701 : vector<1x16xf32> to vector<16xf32>
      %parallel_loop3A_703 = arith.constant 64 : i32
      %parallel_loop3A_704 = arith.addi %parallel_loop3A_703, %parallel_loop3A_144 : i32
      %parallel_loop3A_705 = arith.constant 2 : i32
      %parallel_loop3A_706 = arith.addi %parallel_loop3A_704, %parallel_loop3A_705 : i32
      %parallel_loop3A_707 = arith.index_cast %parallel_loop3A_706 : i32 to index
      %parallel_loop3A_708 = arith.constant 112 : index
      %parallel_loop3A_709 = tpu.vector_load %arg10[%parallel_loop3A_707, %parallel_loop3A_708] {strides = array<i32>} : memref<128x128xf32, #tpu.memory_space<vmem>>, vector<1x16xf32>,
      %parallel_loop3A_710 = vector.shape_cast %parallel_loop3A_709 : vector<1x16xf32> to vector<16xf32>
      %parallel_loop3A_711 = arith.subf %parallel_loop3A_702, %parallel_loop3A_710 : vector<16xf32>
      %parallel_loop3A_712 = arith.constant 64 : i32
      %parallel_loop3A_713 = arith.addi %parallel_loop3A_712, %parallel_loop3A_144 : i32
      %parallel_loop3A_714 = arith.constant 2 : i32
      %parallel_loop3A_715 = arith.addi %parallel_loop3A_713, %parallel_loop3A_714 : i32
      %parallel_loop3A_716 = arith.index_cast %parallel_loop3A_715 : i32 to index
      %parallel_loop3A_717 = arith.constant 112 : index
      %parallel_loop3A_718 = tpu.vector_load %arg10[%parallel_loop3A_716, %parallel_loop3A_717] {strides = array<i32>} : memref<128x128xf32, #tpu.memory_space<vmem>>, vector<1x16xf32>,
      %parallel_loop3A_719 = vector.shape_cast %parallel_loop3A_718 : vector<1x16xf32> to vector<16xf32>
      %parallel_loop3A_720 = vector.shape_cast %parallel_loop3A_711 : vector<16xf32> to vector<1x16xf32>
      tpu.vector_store %arg10[%parallel_loop3A_716, %parallel_loop3A_717], %parallel_loop3A_720 {strides = array<i32>} : memref<128x128xf32, #tpu.memory_space<vmem>>, vector<1x16xf32>,
      %parallel_loop3A_721 = arith.constant 3 : i32
      %parallel_loop3A_722 = arith.addi %parallel_loop3A_144, %parallel_loop3A_721 : i32
      %parallel_loop3A_723 = arith.index_cast %parallel_loop3A_722 : i32 to index
      %parallel_loop3A_724 = arith.constant 0 : index
      %parallel_loop3A_725 = tpu.vector_load %arg10[%parallel_loop3A_723, %parallel_loop3A_724] {strides = array<i32>} : memref<128x128xf32, #tpu.memory_space<vmem>>, vector<1x16xf32>,
      %parallel_loop3A_726 = vector.shape_cast %parallel_loop3A_725 : vector<1x16xf32> to vector<16xf32>
      %parallel_loop3A_727 = arith.constant 64 : i32
      %parallel_loop3A_728 = arith.addi %parallel_loop3A_727, %parallel_loop3A_144 : i32
      %parallel_loop3A_729 = arith.constant 3 : i32
      %parallel_loop3A_730 = arith.addi %parallel_loop3A_728, %parallel_loop3A_729 : i32
      %parallel_loop3A_731 = arith.index_cast %parallel_loop3A_730 : i32 to index
      %parallel_loop3A_732 = arith.constant 0 : index
      %parallel_loop3A_733 = tpu.vector_load %arg10[%parallel_loop3A_731, %parallel_loop3A_732] {strides = array<i32>} : memref<128x128xf32, #tpu.memory_space<vmem>>, vector<1x16xf32>,
      %parallel_loop3A_734 = vector.shape_cast %parallel_loop3A_733 : vector<1x16xf32> to vector<16xf32>
      %parallel_loop3A_735 = arith.subf %parallel_loop3A_726, %parallel_loop3A_734 : vector<16xf32>
      %parallel_loop3A_736 = arith.constant 64 : i32
      %parallel_loop3A_737 = arith.addi %parallel_loop3A_736, %parallel_loop3A_144 : i32
      %parallel_loop3A_738 = arith.constant 3 : i32
      %parallel_loop3A_739 = arith.addi %parallel_loop3A_737, %parallel_loop3A_738 : i32
      %parallel_loop3A_740 = arith.index_cast %parallel_loop3A_739 : i32 to index
      %parallel_loop3A_741 = arith.constant 0 : index
      %parallel_loop3A_742 = tpu.vector_load %arg10[%parallel_loop3A_740, %parallel_loop3A_741] {strides = array<i32>} : memref<128x128xf32, #tpu.memory_space<vmem>>, vector<1x16xf32>,
      %parallel_loop3A_743 = vector.shape_cast %parallel_loop3A_742 : vector<1x16xf32> to vector<16xf32>
      %parallel_loop3A_744 = vector.shape_cast %parallel_loop3A_735 : vector<16xf32> to vector<1x16xf32>
      tpu.vector_store %arg10[%parallel_loop3A_740, %parallel_loop3A_741], %parallel_loop3A_744 {strides = array<i32>} : memref<128x128xf32, #tpu.memory_space<vmem>>, vector<1x16xf32>,
      %parallel_loop3A_745 = arith.constant 3 : i32
      %parallel_loop3A_746 = arith.addi %parallel_loop3A_144, %parallel_loop3A_745 : i32
      %parallel_loop3A_747 = arith.index_cast %parallel_loop3A_746 : i32 to index
      %parallel_loop3A_748 = arith.constant 16 : index
      %parallel_loop3A_749 = tpu.vector_load %arg10[%parallel_loop3A_747, %parallel_loop3A_748] {strides = array<i32>} : memref<128x128xf32, #tpu.memory_space<vmem>>, vector<1x16xf32>,
      %parallel_loop3A_750 = vector.shape_cast %parallel_loop3A_749 : vector<1x16xf32> to vector<16xf32>
      %parallel_loop3A_751 = arith.constant 64 : i32
      %parallel_loop3A_752 = arith.addi %parallel_loop3A_751, %parallel_loop3A_144 : i32
      %parallel_loop3A_753 = arith.constant 3 : i32
      %parallel_loop3A_754 = arith.addi %parallel_loop3A_752, %parallel_loop3A_753 : i32
      %parallel_loop3A_755 = arith.index_cast %parallel_loop3A_754 : i32 to index
      %parallel_loop3A_756 = arith.constant 16 : index
      %parallel_loop3A_757 = tpu.vector_load %arg10[%parallel_loop3A_755, %parallel_loop3A_756] {strides = array<i32>} : memref<128x128xf32, #tpu.memory_space<vmem>>, vector<1x16xf32>,
      %parallel_loop3A_758 = vector.shape_cast %parallel_loop3A_757 : vector<1x16xf32> to vector<16xf32>
      %parallel_loop3A_759 = arith.subf %parallel_loop3A_750, %parallel_loop3A_758 : vector<16xf32>
      %parallel_loop3A_760 = arith.constant 64 : i32
      %parallel_loop3A_761 = arith.addi %parallel_loop3A_760, %parallel_loop3A_144 : i32
      %parallel_loop3A_762 = arith.constant 3 : i32
      %parallel_loop3A_763 = arith.addi %parallel_loop3A_761, %parallel_loop3A_762 : i32
      %parallel_loop3A_764 = arith.index_cast %parallel_loop3A_763 : i32 to index
      %parallel_loop3A_765 = arith.constant 16 : index
      %parallel_loop3A_766 = tpu.vector_load %arg10[%parallel_loop3A_764, %parallel_loop3A_765] {strides = array<i32>} : memref<128x128xf32, #tpu.memory_space<vmem>>, vector<1x16xf32>,
      %parallel_loop3A_767 = vector.shape_cast %parallel_loop3A_766 : vector<1x16xf32> to vector<16xf32>
      %parallel_loop3A_768 = vector.shape_cast %parallel_loop3A_759 : vector<16xf32> to vector<1x16xf32>
      tpu.vector_store %arg10[%parallel_loop3A_764, %parallel_loop3A_765], %parallel_loop3A_768 {strides = array<i32>} : memref<128x128xf32, #tpu.memory_space<vmem>>, vector<1x16xf32>,
      %parallel_loop3A_769 = arith.constant 3 : i32
      %parallel_loop3A_770 = arith.addi %parallel_loop3A_144, %parallel_loop3A_769 : i32
      %parallel_loop3A_771 = arith.index_cast %parallel_loop3A_770 : i32 to index
      %parallel_loop3A_772 = arith.constant 32 : index
      %parallel_loop3A_773 = tpu.vector_load %arg10[%parallel_loop3A_771, %parallel_loop3A_772] {strides = array<i32>} : memref<128x128xf32, #tpu.memory_space<vmem>>, vector<1x16xf32>,
      %parallel_loop3A_774 = vector.shape_cast %parallel_loop3A_773 : vector<1x16xf32> to vector<16xf32>
      %parallel_loop3A_775 = arith.constant 64 : i32
      %parallel_loop3A_776 = arith.addi %parallel_loop3A_775, %parallel_loop3A_144 : i32
      %parallel_loop3A_777 = arith.constant 3 : i32
      %parallel_loop3A_778 = arith.addi %parallel_loop3A_776, %parallel_loop3A_777 : i32
      %parallel_loop3A_779 = arith.index_cast %parallel_loop3A_778 : i32 to index
      %parallel_loop3A_780 = arith.constant 32 : index
      %parallel_loop3A_781 = tpu.vector_load %arg10[%parallel_loop3A_779, %parallel_loop3A_780] {strides = array<i32>} : memref<128x128xf32, #tpu.memory_space<vmem>>, vector<1x16xf32>,
      %parallel_loop3A_782 = vector.shape_cast %parallel_loop3A_781 : vector<1x16xf32> to vector<16xf32>
      %parallel_loop3A_783 = arith.subf %parallel_loop3A_774, %parallel_loop3A_782 : vector<16xf32>
      %parallel_loop3A_784 = arith.constant 64 : i32
      %parallel_loop3A_785 = arith.addi %parallel_loop3A_784, %parallel_loop3A_144 : i32
      %parallel_loop3A_786 = arith.constant 3 : i32
      %parallel_loop3A_787 = arith.addi %parallel_loop3A_785, %parallel_loop3A_786 : i32
      %parallel_loop3A_788 = arith.index_cast %parallel_loop3A_787 : i32 to index
      %parallel_loop3A_789 = arith.constant 32 : index
      %parallel_loop3A_790 = tpu.vector_load %arg10[%parallel_loop3A_788, %parallel_loop3A_789] {strides = array<i32>} : memref<128x128xf32, #tpu.memory_space<vmem>>, vector<1x16xf32>,
      %parallel_loop3A_791 = vector.shape_cast %parallel_loop3A_790 : vector<1x16xf32> to vector<16xf32>
      %parallel_loop3A_792 = vector.shape_cast %parallel_loop3A_783 : vector<16xf32> to vector<1x16xf32>
      tpu.vector_store %arg10[%parallel_loop3A_788, %parallel_loop3A_789], %parallel_loop3A_792 {strides = array<i32>} : memref<128x128xf32, #tpu.memory_space<vmem>>, vector<1x16xf32>,
      %parallel_loop3A_793 = arith.constant 3 : i32
      %parallel_loop3A_794 = arith.addi %parallel_loop3A_144, %parallel_loop3A_793 : i32
      %parallel_loop3A_795 = arith.index_cast %parallel_loop3A_794 : i32 to index
      %parallel_loop3A_796 = arith.constant 48 : index
      %parallel_loop3A_797 = tpu.vector_load %arg10[%parallel_loop3A_795, %parallel_loop3A_796] {strides = array<i32>} : memref<128x128xf32, #tpu.memory_space<vmem>>, vector<1x16xf32>,
      %parallel_loop3A_798 = vector.shape_cast %parallel_loop3A_797 : vector<1x16xf32> to vector<16xf32>
      %parallel_loop3A_799 = arith.constant 64 : i32
      %parallel_loop3A_800 = arith.addi %parallel_loop3A_799, %parallel_loop3A_144 : i32
      %parallel_loop3A_801 = arith.constant 3 : i32
      %parallel_loop3A_802 = arith.addi %parallel_loop3A_800, %parallel_loop3A_801 : i32
      %parallel_loop3A_803 = arith.index_cast %parallel_loop3A_802 : i32 to index
      %parallel_loop3A_804 = arith.constant 48 : index
      %parallel_loop3A_805 = tpu.vector_load %arg10[%parallel_loop3A_803, %parallel_loop3A_804] {strides = array<i32>} : memref<128x128xf32, #tpu.memory_space<vmem>>, vector<1x16xf32>,
      %parallel_loop3A_806 = vector.shape_cast %parallel_loop3A_805 : vector<1x16xf32> to vector<16xf32>
      %parallel_loop3A_807 = arith.subf %parallel_loop3A_798, %parallel_loop3A_806 : vector<16xf32>
      %parallel_loop3A_808 = arith.constant 64 : i32
      %parallel_loop3A_809 = arith.addi %parallel_loop3A_808, %parallel_loop3A_144 : i32
      %parallel_loop3A_810 = arith.constant 3 : i32
      %parallel_loop3A_811 = arith.addi %parallel_loop3A_809, %parallel_loop3A_810 : i32
      %parallel_loop3A_812 = arith.index_cast %parallel_loop3A_811 : i32 to index
      %parallel_loop3A_813 = arith.constant 48 : index
      %parallel_loop3A_814 = tpu.vector_load %arg10[%parallel_loop3A_812, %parallel_loop3A_813] {strides = array<i32>} : memref<128x128xf32, #tpu.memory_space<vmem>>, vector<1x16xf32>,
      %parallel_loop3A_815 = vector.shape_cast %parallel_loop3A_814 : vector<1x16xf32> to vector<16xf32>
      %parallel_loop3A_816 = vector.shape_cast %parallel_loop3A_807 : vector<16xf32> to vector<1x16xf32>
      tpu.vector_store %arg10[%parallel_loop3A_812, %parallel_loop3A_813], %parallel_loop3A_816 {strides = array<i32>} : memref<128x128xf32, #tpu.memory_space<vmem>>, vector<1x16xf32>,
      %parallel_loop3A_817 = arith.constant 3 : i32
      %parallel_loop3A_818 = arith.addi %parallel_loop3A_144, %parallel_loop3A_817 : i32
      %parallel_loop3A_819 = arith.index_cast %parallel_loop3A_818 : i32 to index
      %parallel_loop3A_820 = arith.constant 64 : index
      %parallel_loop3A_821 = tpu.vector_load %arg10[%parallel_loop3A_819, %parallel_loop3A_820] {strides = array<i32>} : memref<128x128xf32, #tpu.memory_space<vmem>>, vector<1x16xf32>,
      %parallel_loop3A_822 = vector.shape_cast %parallel_loop3A_821 : vector<1x16xf32> to vector<16xf32>
      %parallel_loop3A_823 = arith.constant 64 : i32
      %parallel_loop3A_824 = arith.addi %parallel_loop3A_823, %parallel_loop3A_144 : i32
      %parallel_loop3A_825 = arith.constant 3 : i32
      %parallel_loop3A_826 = arith.addi %parallel_loop3A_824, %parallel_loop3A_825 : i32
      %parallel_loop3A_827 = arith.index_cast %parallel_loop3A_826 : i32 to index
      %parallel_loop3A_828 = arith.constant 64 : index
      %parallel_loop3A_829 = tpu.vector_load %arg10[%parallel_loop3A_827, %parallel_loop3A_828] {strides = array<i32>} : memref<128x128xf32, #tpu.memory_space<vmem>>, vector<1x16xf32>,
      %parallel_loop3A_830 = vector.shape_cast %parallel_loop3A_829 : vector<1x16xf32> to vector<16xf32>
      %parallel_loop3A_831 = arith.subf %parallel_loop3A_822, %parallel_loop3A_830 : vector<16xf32>
      %parallel_loop3A_832 = arith.constant 64 : i32
      %parallel_loop3A_833 = arith.addi %parallel_loop3A_832, %parallel_loop3A_144 : i32
      %parallel_loop3A_834 = arith.constant 3 : i32
      %parallel_loop3A_835 = arith.addi %parallel_loop3A_833, %parallel_loop3A_834 : i32
      %parallel_loop3A_836 = arith.index_cast %parallel_loop3A_835 : i32 to index
      %parallel_loop3A_837 = arith.constant 64 : index
      %parallel_loop3A_838 = tpu.vector_load %arg10[%parallel_loop3A_836, %parallel_loop3A_837] {strides = array<i32>} : memref<128x128xf32, #tpu.memory_space<vmem>>, vector<1x16xf32>,
      %parallel_loop3A_839 = vector.shape_cast %parallel_loop3A_838 : vector<1x16xf32> to vector<16xf32>
      %parallel_loop3A_840 = vector.shape_cast %parallel_loop3A_831 : vector<16xf32> to vector<1x16xf32>
      tpu.vector_store %arg10[%parallel_loop3A_836, %parallel_loop3A_837], %parallel_loop3A_840 {strides = array<i32>} : memref<128x128xf32, #tpu.memory_space<vmem>>, vector<1x16xf32>,
      %parallel_loop3A_841 = arith.constant 3 : i32
      %parallel_loop3A_842 = arith.addi %parallel_loop3A_144, %parallel_loop3A_841 : i32
      %parallel_loop3A_843 = arith.index_cast %parallel_loop3A_842 : i32 to index
      %parallel_loop3A_844 = arith.constant 80 : index
      %parallel_loop3A_845 = tpu.vector_load %arg10[%parallel_loop3A_843, %parallel_loop3A_844] {strides = array<i32>} : memref<128x128xf32, #tpu.memory_space<vmem>>, vector<1x16xf32>,
      %parallel_loop3A_846 = vector.shape_cast %parallel_loop3A_845 : vector<1x16xf32> to vector<16xf32>
      %parallel_loop3A_847 = arith.constant 64 : i32
      %parallel_loop3A_848 = arith.addi %parallel_loop3A_847, %parallel_loop3A_144 : i32
      %parallel_loop3A_849 = arith.constant 3 : i32
      %parallel_loop3A_850 = arith.addi %parallel_loop3A_848, %parallel_loop3A_849 : i32
      %parallel_loop3A_851 = arith.index_cast %parallel_loop3A_850 : i32 to index
      %parallel_loop3A_852 = arith.constant 80 : index
      %parallel_loop3A_853 = tpu.vector_load %arg10[%parallel_loop3A_851, %parallel_loop3A_852] {strides = array<i32>} : memref<128x128xf32, #tpu.memory_space<vmem>>, vector<1x16xf32>,
      %parallel_loop3A_854 = vector.shape_cast %parallel_loop3A_853 : vector<1x16xf32> to vector<16xf32>
      %parallel_loop3A_855 = arith.subf %parallel_loop3A_846, %parallel_loop3A_854 : vector<16xf32>
      %parallel_loop3A_856 = arith.constant 64 : i32
      %parallel_loop3A_857 = arith.addi %parallel_loop3A_856, %parallel_loop3A_144 : i32
      %parallel_loop3A_858 = arith.constant 3 : i32
      %parallel_loop3A_859 = arith.addi %parallel_loop3A_857, %parallel_loop3A_858 : i32
      %parallel_loop3A_860 = arith.index_cast %parallel_loop3A_859 : i32 to index
      %parallel_loop3A_861 = arith.constant 80 : index
      %parallel_loop3A_862 = tpu.vector_load %arg10[%parallel_loop3A_860, %parallel_loop3A_861] {strides = array<i32>} : memref<128x128xf32, #tpu.memory_space<vmem>>, vector<1x16xf32>,
      %parallel_loop3A_863 = vector.shape_cast %parallel_loop3A_862 : vector<1x16xf32> to vector<16xf32>
      %parallel_loop3A_864 = vector.shape_cast %parallel_loop3A_855 : vector<16xf32> to vector<1x16xf32>
      tpu.vector_store %arg10[%parallel_loop3A_860, %parallel_loop3A_861], %parallel_loop3A_864 {strides = array<i32>} : memref<128x128xf32, #tpu.memory_space<vmem>>, vector<1x16xf32>,
      %parallel_loop3A_865 = arith.constant 3 : i32
      %parallel_loop3A_866 = arith.addi %parallel_loop3A_144, %parallel_loop3A_865 : i32
      %parallel_loop3A_867 = arith.index_cast %parallel_loop3A_866 : i32 to index
      %parallel_loop3A_868 = arith.constant 96 : index
      %parallel_loop3A_869 = tpu.vector_load %arg10[%parallel_loop3A_867, %parallel_loop3A_868] {strides = array<i32>} : memref<128x128xf32, #tpu.memory_space<vmem>>, vector<1x16xf32>,
      %parallel_loop3A_870 = vector.shape_cast %parallel_loop3A_869 : vector<1x16xf32> to vector<16xf32>
      %parallel_loop3A_871 = arith.constant 64 : i32
      %parallel_loop3A_872 = arith.addi %parallel_loop3A_871, %parallel_loop3A_144 : i32
      %parallel_loop3A_873 = arith.constant 3 : i32
      %parallel_loop3A_874 = arith.addi %parallel_loop3A_872, %parallel_loop3A_873 : i32
      %parallel_loop3A_875 = arith.index_cast %parallel_loop3A_874 : i32 to index
      %parallel_loop3A_876 = arith.constant 96 : index
      %parallel_loop3A_877 = tpu.vector_load %arg10[%parallel_loop3A_875, %parallel_loop3A_876] {strides = array<i32>} : memref<128x128xf32, #tpu.memory_space<vmem>>, vector<1x16xf32>,
      %parallel_loop3A_878 = vector.shape_cast %parallel_loop3A_877 : vector<1x16xf32> to vector<16xf32>
      %parallel_loop3A_879 = arith.subf %parallel_loop3A_870, %parallel_loop3A_878 : vector<16xf32>
      %parallel_loop3A_880 = arith.constant 64 : i32
      %parallel_loop3A_881 = arith.addi %parallel_loop3A_880, %parallel_loop3A_144 : i32
      %parallel_loop3A_882 = arith.constant 3 : i32
      %parallel_loop3A_883 = arith.addi %parallel_loop3A_881, %parallel_loop3A_882 : i32
      %parallel_loop3A_884 = arith.index_cast %parallel_loop3A_883 : i32 to index
      %parallel_loop3A_885 = arith.constant 96 : index
      %parallel_loop3A_886 = tpu.vector_load %arg10[%parallel_loop3A_884, %parallel_loop3A_885] {strides = array<i32>} : memref<128x128xf32, #tpu.memory_space<vmem>>, vector<1x16xf32>,
      %parallel_loop3A_887 = vector.shape_cast %parallel_loop3A_886 : vector<1x16xf32> to vector<16xf32>
      %parallel_loop3A_888 = vector.shape_cast %parallel_loop3A_879 : vector<16xf32> to vector<1x16xf32>
      tpu.vector_store %arg10[%parallel_loop3A_884, %parallel_loop3A_885], %parallel_loop3A_888 {strides = array<i32>} : memref<128x128xf32, #tpu.memory_space<vmem>>, vector<1x16xf32>,
      %parallel_loop3A_889 = arith.constant 3 : i32
      %parallel_loop3A_890 = arith.addi %parallel_loop3A_144, %parallel_loop3A_889 : i32
      %parallel_loop3A_891 = arith.index_cast %parallel_loop3A_890 : i32 to index
      %parallel_loop3A_892 = arith.constant 112 : index
      %parallel_loop3A_893 = tpu.vector_load %arg10[%parallel_loop3A_891, %parallel_loop3A_892] {strides = array<i32>} : memref<128x128xf32, #tpu.memory_space<vmem>>, vector<1x16xf32>,
      %parallel_loop3A_894 = vector.shape_cast %parallel_loop3A_893 : vector<1x16xf32> to vector<16xf32>
      %parallel_loop3A_895 = arith.constant 64 : i32
      %parallel_loop3A_896 = arith.addi %parallel_loop3A_895, %parallel_loop3A_144 : i32
      %parallel_loop3A_897 = arith.constant 3 : i32
      %parallel_loop3A_898 = arith.addi %parallel_loop3A_896, %parallel_loop3A_897 : i32
      %parallel_loop3A_899 = arith.index_cast %parallel_loop3A_898 : i32 to index
      %parallel_loop3A_900 = arith.constant 112 : index
      %parallel_loop3A_901 = tpu.vector_load %arg10[%parallel_loop3A_899, %parallel_loop3A_900] {strides = array<i32>} : memref<128x128xf32, #tpu.memory_space<vmem>>, vector<1x16xf32>,
      %parallel_loop3A_902 = vector.shape_cast %parallel_loop3A_901 : vector<1x16xf32> to vector<16xf32>
      %parallel_loop3A_903 = arith.subf %parallel_loop3A_894, %parallel_loop3A_902 : vector<16xf32>
      %parallel_loop3A_904 = arith.constant 64 : i32
      %parallel_loop3A_905 = arith.addi %parallel_loop3A_904, %parallel_loop3A_144 : i32
      %parallel_loop3A_906 = arith.constant 3 : i32
      %parallel_loop3A_907 = arith.addi %parallel_loop3A_905, %parallel_loop3A_906 : i32
      %parallel_loop3A_908 = arith.index_cast %parallel_loop3A_907 : i32 to index
      %parallel_loop3A_909 = arith.constant 112 : index
      %parallel_loop3A_910 = tpu.vector_load %arg10[%parallel_loop3A_908, %parallel_loop3A_909] {strides = array<i32>} : memref<128x128xf32, #tpu.memory_space<vmem>>, vector<1x16xf32>,
      %parallel_loop3A_911 = vector.shape_cast %parallel_loop3A_910 : vector<1x16xf32> to vector<16xf32>
      %parallel_loop3A_912 = vector.shape_cast %parallel_loop3A_903 : vector<16xf32> to vector<1x16xf32>
      tpu.vector_store %arg10[%parallel_loop3A_908, %parallel_loop3A_909], %parallel_loop3A_912 {strides = array<i32>} : memref<128x128xf32, #tpu.memory_space<vmem>>, vector<1x16xf32>,
    } {sc.loop_unroll_factor = 1 : i64, sc.parallel_access}
    %dma_start3A_94 = arith.constant 64 : i32
    %dma_start3A_95 = arith.constant 0 : i32
    %dma_start3A_96 = tpu.memref_slice %arg10[%dma_start3A_94, %dma_start3A_95] : memref<128x128xf32, #tpu.memory_space<vmem>> -> memref<64x128xf32, #tpu.memory_space<vmem>>
    %dma_start3A_97 = arith.constant 0 : i32
    %dma_start3A_98 = arith.constant 0 : i32
    %dma_start3A_99 = tpu.memref_slice %arg11[%dma_start3A_97, %dma_start3A_98] : memref<10240x128xf32, #tpu.memory_space<vmem_shared>> -> memref<10240x128xf32, #tpu.memory_space<vmem_shared>>
    tpu.enqueue_indirect_dma source(%dma_start3A_96 : memref<64x128xf32, #tpu.memory_space<vmem>>) target(%dma_start3A_99 : memref<10240x128xf32, #tpu.memory_space<vmem_shared>>) offsets(%arg9 : memref<64xi32, #tpu.memory_space<vmem>>) semaphore(%arg15 : memref<!tpu.dma_semaphore, #tpu.memory_space<semaphore_mem>>) {add = true}
    %jit3A_100 = arith.constant 2 : i32
    %div3A = arith.divsi %select_n3A_8, %jit3A_100 : i32
    %sign3A = arith.constant 0 : i32
    %sign3A_101 = arith.cmpi sgt, %select_n3A_8, %sign3A : i32
    %sign3A_102 = arith.extui %sign3A_101 : i1 to i32
    %sign3A_103 = arith.constant 0 : i32
    %sign3A_104 = arith.cmpi slt, %select_n3A_8, %sign3A_103 : i32
    %sign3A_105 = arith.extui %sign3A_104 : i1 to i32
    %sign3A_106 = arith.subi %sign3A_102, %sign3A_105 : i32
    %sign3A_107 = arith.constant 0 : i32
    %sign3A_108 = arith.cmpi sgt, %jit3A_100, %sign3A_107 : i32
    %sign3A_109 = arith.extui %sign3A_108 : i1 to i32
    %sign3A_110 = arith.constant 0 : i32
    %sign3A_111 = arith.cmpi slt, %jit3A_100, %sign3A_110 : i32
    %sign3A_112 = arith.extui %sign3A_111 : i1 to i32
    %sign3A_113 = arith.subi %sign3A_109, %sign3A_112 : i32
    %ne3A = arith.cmpi ne, %sign3A_106, %sign3A_113 : i32
    %rem3A = arith.remsi %select_n3A_8, %jit3A_100 : i32
    %ne3A_114 = arith.constant 0 : i32
    %ne3A_115 = arith.cmpi ne, %rem3A, %ne3A_114 : i32
    %and3A = arith.andi %ne3A, %ne3A_115 : i1
    %sub3A = arith.constant 1 : i32
    %sub3A_116 = arith.subi %div3A, %sub3A : i32
    %select_n3A_117 = arith.select %and3A, %sub3A_116, %div3A : i32
    %while3A = arith.constant 0 : i32
    %while3A_118 = arith.constant 1 : i32
    %while3A_119 = arith.subi %select_n3A_117, %while3A_118 : i32
    %while3A_120 = arith.addi %while3A_118, %while3A_119 : i32
    %while3A_121 = arith.constant 1 : i32
    %while3A_122 = arith.divsi %while3A_119, %while3A_121 : i32
    %while3A_123 = arith.muli %while3A_122, %while3A_121 : i32
    %while3A_124 = arith.addi %while3A_118, %while3A_123 : i32
    %while3A_125 = arith.constant 1 : i32
    scf.for %while3A_144 = %while3A_118 to %while3A_124 step %while3A_125  : i32 {
      %mul3A_145 = arith.constant 2 : i32
      %mul3A_146 = arith.muli %mul3A_145, %while3A_144 : i32
      %add3A_147 = arith.constant 1 : i32
      %add3A_148 = arith.addi %mul3A_146, %add3A_147 : i32
      %dma_wait3A_149 = arith.constant 64 : i32
      %dma_wait3A_150 = arith.constant 0 : i32
      %dma_wait3A_151 = tpu.memref_slice %arg10[%dma_wait3A_149, %dma_wait3A_150] : memref<128x128xf32, #tpu.memory_space<vmem>> -> memref<64x128xf32, #tpu.memory_space<vmem>>
      %dma_wait3A_152 = arith.constant 0 : i32
      %dma_wait3A_153 = arith.constant 0 : i32
      %dma_wait3A_154 = tpu.memref_slice %arg11[%dma_wait3A_152, %dma_wait3A_153] : memref<10240x128xf32, #tpu.memory_space<vmem_shared>> -> memref<10240x128xf32, #tpu.memory_space<vmem_shared>>
      tpu.wait_indirect_dma semaphore(%arg15 : memref<!tpu.dma_semaphore, #tpu.memory_space<semaphore_mem>>) src(%dma_wait3A_151 : memref<64x128xf32, #tpu.memory_space<vmem>>) dst(%dma_wait3A_154 : memref<10240x128xf32, #tpu.memory_space<vmem_shared>>)
      %mul3A_155 = arith.constant 64 : i32
      %mul3A_156 = arith.muli %add3A_148, %mul3A_155 : i32
      %add3A_157 = arith.addi %mul3A_40, %mul3A_156 : i32
      %dma_start3A_158 = tpu.memref_slice %arg4[%add3A_157] : memref<163840xi32, #tpu.memory_space<hbm>> -> memref<64xi32, #tpu.memory_space<hbm>>
      %dma_start3A_159 = tpu.memref_slice %arg4[%add3A_157] : memref<163840xi32, #tpu.memory_space<hbm>> -> memref<64xi32, #tpu.memory_space<hbm>>
      tpu.enqueue_dma source(%dma_start3A_159 : memref<64xi32, #tpu.memory_space<hbm>>) target(%arg9 : memref<64xi32, #tpu.memory_space<vmem>>) target_semaphore(%arg13 : memref<!tpu.dma_semaphore, #tpu.memory_space<semaphore_mem>>)
      %dma_start3A_160 = arith.constant 0 : i32
      %dma_start3A_161 = tpu.memref_slice %arg6[%add3A_148, %dma_start3A_160] : memref<120x128xi32, #tpu.memory_space<vmem>> -> memref<1x128xi32, #tpu.memory_space<vmem>>
      %dma_start3A_162 = tpu.memref_squeeze %dma_start3A_161 : memref<1x128xi32, #tpu.memory_space<vmem>> -> memref<128xi32, #tpu.memory_space<vmem>>
      %dma_start3A_163 = arith.constant 0 : i32
      %dma_start3A_164 = arith.constant 0 : i32
      %dma_start3A_165 = tpu.memref_slice %arg2[%dma_start3A_163, %dma_start3A_164] : memref<10200x128xf32, #tpu.memory_space<hbm>> -> memref<10200x128xf32, #tpu.memory_space<hbm>>
      tpu.enqueue_indirect_dma source(%dma_start3A_165 : memref<10200x128xf32, #tpu.memory_space<hbm>>) target(%arg10 : memref<128x128xf32, #tpu.memory_space<vmem>>) offsets(%dma_start3A_162 : memref<128xi32, #tpu.memory_space<vmem>>) semaphore(%arg13 : memref<!tpu.dma_semaphore, #tpu.memory_space<semaphore_mem>>)
      %dma_wait3A_166 = tpu.memref_slice %arg4[%mul3A_40] : memref<163840xi32, #tpu.memory_space<hbm>> -> memref<64xi32, #tpu.memory_space<hbm>>
      %dma_wait3A_167 = tpu.memref_slice %arg4[%mul3A_40] : memref<163840xi32, #tpu.memory_space<hbm>> -> memref<64xi32, #tpu.memory_space<hbm>>
      tpu.wait_dma2 semaphore(%arg12 : memref<!tpu.dma_semaphore, #tpu.memory_space<semaphore_mem>>) src(%dma_wait3A_167 : memref<64xi32, #tpu.memory_space<hbm>>) dst(%arg7 : memref<64xi32, #tpu.memory_space<vmem>>)
      %dma_wait3A_168 = arith.constant 0 : i32
      %dma_wait3A_169 = arith.constant 0 : i32
      %dma_wait3A_170 = tpu.memref_slice %arg6[%dma_wait3A_168, %dma_wait3A_169] : memref<120x128xi32, #tpu.memory_space<vmem>> -> memref<1x128xi32, #tpu.memory_space<vmem>>
      %dma_wait3A_171 = tpu.memref_squeeze %dma_wait3A_170 : memref<1x128xi32, #tpu.memory_space<vmem>> -> memref<128xi32, #tpu.memory_space<vmem>>
      %dma_wait3A_172 = arith.constant 0 : i32
      %dma_wait3A_173 = arith.constant 0 : i32
      %dma_wait3A_174 = tpu.memref_slice %arg2[%dma_wait3A_172, %dma_wait3A_173] : memref<10200x128xf32, #tpu.memory_space<hbm>> -> memref<10200x128xf32, #tpu.memory_space<hbm>>
      tpu.wait_indirect_dma semaphore(%arg12 : memref<!tpu.dma_semaphore, #tpu.memory_space<semaphore_mem>>) src(%dma_wait3A_174 : memref<10200x128xf32, #tpu.memory_space<hbm>>) dst(%arg8 : memref<128x128xf32, #tpu.memory_space<vmem>>)
      %parallel_loop3A_175 = arith.constant 0 : i32
      %parallel_loop3A_176 = arith.constant 64 : i32
      %parallel_loop3A_177 = arith.constant 4 : i32
      scf.for %parallel_loop3A_207 = %parallel_loop3A_175 to %parallel_loop3A_176 step %parallel_loop3A_177  : i32 {
        %parallel_loop3A_208 = arith.constant 0 : i32
        %parallel_loop3A_209 = arith.addi %parallel_loop3A_207, %parallel_loop3A_208 : i32
        %parallel_loop3A_210 = arith.index_cast %parallel_loop3A_209 : i32 to index
        %parallel_loop3A_211 = arith.constant 0 : index
        %parallel_loop3A_212 = tpu.vector_load %arg8[%parallel_loop3A_210, %parallel_loop3A_211] {strides = array<i32>} : memref<128x128xf32, #tpu.memory_space<vmem>>, vector<1x16xf32>,
        %parallel_loop3A_213 = vector.shape_cast %parallel_loop3A_212 : vector<1x16xf32> to vector<16xf32>
        %parallel_loop3A_214 = arith.constant 64 : i32
        %parallel_loop3A_215 = arith.addi %parallel_loop3A_214, %parallel_loop3A_207 : i32
        %parallel_loop3A_216 = arith.constant 0 : i32
        %parallel_loop3A_217 = arith.addi %parallel_loop3A_215, %parallel_loop3A_216 : i32
        %parallel_loop3A_218 = arith.index_cast %parallel_loop3A_217 : i32 to index
        %parallel_loop3A_219 = arith.constant 0 : index
        %parallel_loop3A_220 = tpu.vector_load %arg8[%parallel_loop3A_218, %parallel_loop3A_219] {strides = array<i32>} : memref<128x128xf32, #tpu.memory_space<vmem>>, vector<1x16xf32>,
        %parallel_loop3A_221 = vector.shape_cast %parallel_loop3A_220 : vector<1x16xf32> to vector<16xf32>
        %parallel_loop3A_222 = arith.subf %parallel_loop3A_213, %parallel_loop3A_221 : vector<16xf32>
        %parallel_loop3A_223 = arith.constant 64 : i32
        %parallel_loop3A_224 = arith.addi %parallel_loop3A_223, %parallel_loop3A_207 : i32
        %parallel_loop3A_225 = arith.constant 0 : i32
        %parallel_loop3A_226 = arith.addi %parallel_loop3A_224, %parallel_loop3A_225 : i32
        %parallel_loop3A_227 = arith.index_cast %parallel_loop3A_226 : i32 to index
        %parallel_loop3A_228 = arith.constant 0 : index
        %parallel_loop3A_229 = tpu.vector_load %arg8[%parallel_loop3A_227, %parallel_loop3A_228] {strides = array<i32>} : memref<128x128xf32, #tpu.memory_space<vmem>>, vector<1x16xf32>,
        %parallel_loop3A_230 = vector.shape_cast %parallel_loop3A_229 : vector<1x16xf32> to vector<16xf32>
        %parallel_loop3A_231 = vector.shape_cast %parallel_loop3A_222 : vector<16xf32> to vector<1x16xf32>
        tpu.vector_store %arg8[%parallel_loop3A_227, %parallel_loop3A_228], %parallel_loop3A_231 {strides = array<i32>} : memref<128x128xf32, #tpu.memory_space<vmem>>, vector<1x16xf32>,
        %parallel_loop3A_232 = arith.constant 0 : i32
        %parallel_loop3A_233 = arith.addi %parallel_loop3A_207, %parallel_loop3A_232 : i32
        %parallel_loop3A_234 = arith.index_cast %parallel_loop3A_233 : i32 to index
        %parallel_loop3A_235 = arith.constant 16 : index
        %parallel_loop3A_236 = tpu.vector_load %arg8[%parallel_loop3A_234, %parallel_loop3A_235] {strides = array<i32>} : memref<128x128xf32, #tpu.memory_space<vmem>>, vector<1x16xf32>,
        %parallel_loop3A_237 = vector.shape_cast %parallel_loop3A_236 : vector<1x16xf32> to vector<16xf32>
        %parallel_loop3A_238 = arith.constant 64 : i32
        %parallel_loop3A_239 = arith.addi %parallel_loop3A_238, %parallel_loop3A_207 : i32
        %parallel_loop3A_240 = arith.constant 0 : i32
        %parallel_loop3A_241 = arith.addi %parallel_loop3A_239, %parallel_loop3A_240 : i32
        %parallel_loop3A_242 = arith.index_cast %parallel_loop3A_241 : i32 to index
        %parallel_loop3A_243 = arith.constant 16 : index
        %parallel_loop3A_244 = tpu.vector_load %arg8[%parallel_loop3A_242, %parallel_loop3A_243] {strides = array<i32>} : memref<128x128xf32, #tpu.memory_space<vmem>>, vector<1x16xf32>,
        %parallel_loop3A_245 = vector.shape_cast %parallel_loop3A_244 : vector<1x16xf32> to vector<16xf32>
        %parallel_loop3A_246 = arith.subf %parallel_loop3A_237, %parallel_loop3A_245 : vector<16xf32>
        %parallel_loop3A_247 = arith.constant 64 : i32
        %parallel_loop3A_248 = arith.addi %parallel_loop3A_247, %parallel_loop3A_207 : i32
        %parallel_loop3A_249 = arith.constant 0 : i32
        %parallel_loop3A_250 = arith.addi %parallel_loop3A_248, %parallel_loop3A_249 : i32
        %parallel_loop3A_251 = arith.index_cast %parallel_loop3A_250 : i32 to index
        %parallel_loop3A_252 = arith.constant 16 : index
        %parallel_loop3A_253 = tpu.vector_load %arg8[%parallel_loop3A_251, %parallel_loop3A_252] {strides = array<i32>} : memref<128x128xf32, #tpu.memory_space<vmem>>, vector<1x16xf32>,
        %parallel_loop3A_254 = vector.shape_cast %parallel_loop3A_253 : vector<1x16xf32> to vector<16xf32>
        %parallel_loop3A_255 = vector.shape_cast %parallel_loop3A_246 : vector<16xf32> to vector<1x16xf32>
        tpu.vector_store %arg8[%parallel_loop3A_251, %parallel_loop3A_252], %parallel_loop3A_255 {strides = array<i32>} : memref<128x128xf32, #tpu.memory_space<vmem>>, vector<1x16xf32>,
        %parallel_loop3A_256 = arith.constant 0 : i32
        %parallel_loop3A_257 = arith.addi %parallel_loop3A_207, %parallel_loop3A_256 : i32
        %parallel_loop3A_258 = arith.index_cast %parallel_loop3A_257 : i32 to index
        %parallel_loop3A_259 = arith.constant 32 : index
        %parallel_loop3A_260 = tpu.vector_load %arg8[%parallel_loop3A_258, %parallel_loop3A_259] {strides = array<i32>} : memref<128x128xf32, #tpu.memory_space<vmem>>, vector<1x16xf32>,
        %parallel_loop3A_261 = vector.shape_cast %parallel_loop3A_260 : vector<1x16xf32> to vector<16xf32>
        %parallel_loop3A_262 = arith.constant 64 : i32
        %parallel_loop3A_263 = arith.addi %parallel_loop3A_262, %parallel_loop3A_207 : i32
        %parallel_loop3A_264 = arith.constant 0 : i32
        %parallel_loop3A_265 = arith.addi %parallel_loop3A_263, %parallel_loop3A_264 : i32
        %parallel_loop3A_266 = arith.index_cast %parallel_loop3A_265 : i32 to index
        %parallel_loop3A_267 = arith.constant 32 : index
        %parallel_loop3A_268 = tpu.vector_load %arg8[%parallel_loop3A_266, %parallel_loop3A_267] {strides = array<i32>} : memref<128x128xf32, #tpu.memory_space<vmem>>, vector<1x16xf32>,
        %parallel_loop3A_269 = vector.shape_cast %parallel_loop3A_268 : vector<1x16xf32> to vector<16xf32>
        %parallel_loop3A_270 = arith.subf %parallel_loop3A_261, %parallel_loop3A_269 : vector<16xf32>
        %parallel_loop3A_271 = arith.constant 64 : i32
        %parallel_loop3A_272 = arith.addi %parallel_loop3A_271, %parallel_loop3A_207 : i32
        %parallel_loop3A_273 = arith.constant 0 : i32
        %parallel_loop3A_274 = arith.addi %parallel_loop3A_272, %parallel_loop3A_273 : i32
        %parallel_loop3A_275 = arith.index_cast %parallel_loop3A_274 : i32 to index
        %parallel_loop3A_276 = arith.constant 32 : index
        %parallel_loop3A_277 = tpu.vector_load %arg8[%parallel_loop3A_275, %parallel_loop3A_276] {strides = array<i32>} : memref<128x128xf32, #tpu.memory_space<vmem>>, vector<1x16xf32>,
        %parallel_loop3A_278 = vector.shape_cast %parallel_loop3A_277 : vector<1x16xf32> to vector<16xf32>
        %parallel_loop3A_279 = vector.shape_cast %parallel_loop3A_270 : vector<16xf32> to vector<1x16xf32>
        tpu.vector_store %arg8[%parallel_loop3A_275, %parallel_loop3A_276], %parallel_loop3A_279 {strides = array<i32>} : memref<128x128xf32, #tpu.memory_space<vmem>>, vector<1x16xf32>,
        %parallel_loop3A_280 = arith.constant 0 : i32
        %parallel_loop3A_281 = arith.addi %parallel_loop3A_207, %parallel_loop3A_280 : i32
        %parallel_loop3A_282 = arith.index_cast %parallel_loop3A_281 : i32 to index
        %parallel_loop3A_283 = arith.constant 48 : index
        %parallel_loop3A_284 = tpu.vector_load %arg8[%parallel_loop3A_282, %parallel_loop3A_283] {strides = array<i32>} : memref<128x128xf32, #tpu.memory_space<vmem>>, vector<1x16xf32>,
        %parallel_loop3A_285 = vector.shape_cast %parallel_loop3A_284 : vector<1x16xf32> to vector<16xf32>
        %parallel_loop3A_286 = arith.constant 64 : i32
        %parallel_loop3A_287 = arith.addi %parallel_loop3A_286, %parallel_loop3A_207 : i32
        %parallel_loop3A_288 = arith.constant 0 : i32
        %parallel_loop3A_289 = arith.addi %parallel_loop3A_287, %parallel_loop3A_288 : i32
        %parallel_loop3A_290 = arith.index_cast %parallel_loop3A_289 : i32 to index
        %parallel_loop3A_291 = arith.constant 48 : index
        %parallel_loop3A_292 = tpu.vector_load %arg8[%parallel_loop3A_290, %parallel_loop3A_291] {strides = array<i32>} : memref<128x128xf32, #tpu.memory_space<vmem>>, vector<1x16xf32>,
        %parallel_loop3A_293 = vector.shape_cast %parallel_loop3A_292 : vector<1x16xf32> to vector<16xf32>
        %parallel_loop3A_294 = arith.subf %parallel_loop3A_285, %parallel_loop3A_293 : vector<16xf32>
        %parallel_loop3A_295 = arith.constant 64 : i32
        %parallel_loop3A_296 = arith.addi %parallel_loop3A_295, %parallel_loop3A_207 : i32
        %parallel_loop3A_297 = arith.constant 0 : i32
        %parallel_loop3A_298 = arith.addi %parallel_loop3A_296, %parallel_loop3A_297 : i32
        %parallel_loop3A_299 = arith.index_cast %parallel_loop3A_298 : i32 to index
        %parallel_loop3A_300 = arith.constant 48 : index
        %parallel_loop3A_301 = tpu.vector_load %arg8[%parallel_loop3A_299, %parallel_loop3A_300] {strides = array<i32>} : memref<128x128xf32, #tpu.memory_space<vmem>>, vector<1x16xf32>,
        %parallel_loop3A_302 = vector.shape_cast %parallel_loop3A_301 : vector<1x16xf32> to vector<16xf32>
        %parallel_loop3A_303 = vector.shape_cast %parallel_loop3A_294 : vector<16xf32> to vector<1x16xf32>
        tpu.vector_store %arg8[%parallel_loop3A_299, %parallel_loop3A_300], %parallel_loop3A_303 {strides = array<i32>} : memref<128x128xf32, #tpu.memory_space<vmem>>, vector<1x16xf32>,
        %parallel_loop3A_304 = arith.constant 0 : i32
        %parallel_loop3A_305 = arith.addi %parallel_loop3A_207, %parallel_loop3A_304 : i32
        %parallel_loop3A_306 = arith.index_cast %parallel_loop3A_305 : i32 to index
        %parallel_loop3A_307 = arith.constant 64 : index
        %parallel_loop3A_308 = tpu.vector_load %arg8[%parallel_loop3A_306, %parallel_loop3A_307] {strides = array<i32>} : memref<128x128xf32, #tpu.memory_space<vmem>>, vector<1x16xf32>,
        %parallel_loop3A_309 = vector.shape_cast %parallel_loop3A_308 : vector<1x16xf32> to vector<16xf32>
        %parallel_loop3A_310 = arith.constant 64 : i32
        %parallel_loop3A_311 = arith.addi %parallel_loop3A_310, %parallel_loop3A_207 : i32
        %parallel_loop3A_312 = arith.constant 0 : i32
        %parallel_loop3A_313 = arith.addi %parallel_loop3A_311, %parallel_loop3A_312 : i32
        %parallel_loop3A_314 = arith.index_cast %parallel_loop3A_313 : i32 to index
        %parallel_loop3A_315 = arith.constant 64 : index
        %parallel_loop3A_316 = tpu.vector_load %arg8[%parallel_loop3A_314, %parallel_loop3A_315] {strides = array<i32>} : memref<128x128xf32, #tpu.memory_space<vmem>>, vector<1x16xf32>,
        %parallel_loop3A_317 = vector.shape_cast %parallel_loop3A_316 : vector<1x16xf32> to vector<16xf32>
        %parallel_loop3A_318 = arith.subf %parallel_loop3A_309, %parallel_loop3A_317 : vector<16xf32>
        %parallel_loop3A_319 = arith.constant 64 : i32
        %parallel_loop3A_320 = arith.addi %parallel_loop3A_319, %parallel_loop3A_207 : i32
        %parallel_loop3A_321 = arith.constant 0 : i32
        %parallel_loop3A_322 = arith.addi %parallel_loop3A_320, %parallel_loop3A_321 : i32
        %parallel_loop3A_323 = arith.index_cast %parallel_loop3A_322 : i32 to index
        %parallel_loop3A_324 = arith.constant 64 : index
        %parallel_loop3A_325 = tpu.vector_load %arg8[%parallel_loop3A_323, %parallel_loop3A_324] {strides = array<i32>} : memref<128x128xf32, #tpu.memory_space<vmem>>, vector<1x16xf32>,
        %parallel_loop3A_326 = vector.shape_cast %parallel_loop3A_325 : vector<1x16xf32> to vector<16xf32>
        %parallel_loop3A_327 = vector.shape_cast %parallel_loop3A_318 : vector<16xf32> to vector<1x16xf32>
        tpu.vector_store %arg8[%parallel_loop3A_323, %parallel_loop3A_324], %parallel_loop3A_327 {strides = array<i32>} : memref<128x128xf32, #tpu.memory_space<vmem>>, vector<1x16xf32>,
        %parallel_loop3A_328 = arith.constant 0 : i32
        %parallel_loop3A_329 = arith.addi %parallel_loop3A_207, %parallel_loop3A_328 : i32
        %parallel_loop3A_330 = arith.index_cast %parallel_loop3A_329 : i32 to index
        %parallel_loop3A_331 = arith.constant 80 : index
        %parallel_loop3A_332 = tpu.vector_load %arg8[%parallel_loop3A_330, %parallel_loop3A_331] {strides = array<i32>} : memref<128x128xf32, #tpu.memory_space<vmem>>, vector<1x16xf32>,
        %parallel_loop3A_333 = vector.shape_cast %parallel_loop3A_332 : vector<1x16xf32> to vector<16xf32>
        %parallel_loop3A_334 = arith.constant 64 : i32
        %parallel_loop3A_335 = arith.addi %parallel_loop3A_334, %parallel_loop3A_207 : i32
        %parallel_loop3A_336 = arith.constant 0 : i32
        %parallel_loop3A_337 = arith.addi %parallel_loop3A_335, %parallel_loop3A_336 : i32
        %parallel_loop3A_338 = arith.index_cast %parallel_loop3A_337 : i32 to index
        %parallel_loop3A_339 = arith.constant 80 : index
        %parallel_loop3A_340 = tpu.vector_load %arg8[%parallel_loop3A_338, %parallel_loop3A_339] {strides = array<i32>} : memref<128x128xf32, #tpu.memory_space<vmem>>, vector<1x16xf32>,
        %parallel_loop3A_341 = vector.shape_cast %parallel_loop3A_340 : vector<1x16xf32> to vector<16xf32>
        %parallel_loop3A_342 = arith.subf %parallel_loop3A_333, %parallel_loop3A_341 : vector<16xf32>
        %parallel_loop3A_343 = arith.constant 64 : i32
        %parallel_loop3A_344 = arith.addi %parallel_loop3A_343, %parallel_loop3A_207 : i32
        %parallel_loop3A_345 = arith.constant 0 : i32
        %parallel_loop3A_346 = arith.addi %parallel_loop3A_344, %parallel_loop3A_345 : i32
        %parallel_loop3A_347 = arith.index_cast %parallel_loop3A_346 : i32 to index
        %parallel_loop3A_348 = arith.constant 80 : index
        %parallel_loop3A_349 = tpu.vector_load %arg8[%parallel_loop3A_347, %parallel_loop3A_348] {strides = array<i32>} : memref<128x128xf32, #tpu.memory_space<vmem>>, vector<1x16xf32>,
        %parallel_loop3A_350 = vector.shape_cast %parallel_loop3A_349 : vector<1x16xf32> to vector<16xf32>
        %parallel_loop3A_351 = vector.shape_cast %parallel_loop3A_342 : vector<16xf32> to vector<1x16xf32>
        tpu.vector_store %arg8[%parallel_loop3A_347, %parallel_loop3A_348], %parallel_loop3A_351 {strides = array<i32>} : memref<128x128xf32, #tpu.memory_space<vmem>>, vector<1x16xf32>,
        %parallel_loop3A_352 = arith.constant 0 : i32
        %parallel_loop3A_353 = arith.addi %parallel_loop3A_207, %parallel_loop3A_352 : i32
        %parallel_loop3A_354 = arith.index_cast %parallel_loop3A_353 : i32 to index
        %parallel_loop3A_355 = arith.constant 96 : index
        %parallel_loop3A_356 = tpu.vector_load %arg8[%parallel_loop3A_354, %parallel_loop3A_355] {strides = array<i32>} : memref<128x128xf32, #tpu.memory_space<vmem>>, vector<1x16xf32>,
        %parallel_loop3A_357 = vector.shape_cast %parallel_loop3A_356 : vector<1x16xf32> to vector<16xf32>
        %parallel_loop3A_358 = arith.constant 64 : i32
        %parallel_loop3A_359 = arith.addi %parallel_loop3A_358, %parallel_loop3A_207 : i32
        %parallel_loop3A_360 = arith.constant 0 : i32
        %parallel_loop3A_361 = arith.addi %parallel_loop3A_359, %parallel_loop3A_360 : i32
        %parallel_loop3A_362 = arith.index_cast %parallel_loop3A_361 : i32 to index
        %parallel_loop3A_363 = arith.constant 96 : index
        %parallel_loop3A_364 = tpu.vector_load %arg8[%parallel_loop3A_362, %parallel_loop3A_363] {strides = array<i32>} : memref<128x128xf32, #tpu.memory_space<vmem>>, vector<1x16xf32>,
        %parallel_loop3A_365 = vector.shape_cast %parallel_loop3A_364 : vector<1x16xf32> to vector<16xf32>
        %parallel_loop3A_366 = arith.subf %parallel_loop3A_357, %parallel_loop3A_365 : vector<16xf32>
        %parallel_loop3A_367 = arith.constant 64 : i32
        %parallel_loop3A_368 = arith.addi %parallel_loop3A_367, %parallel_loop3A_207 : i32
        %parallel_loop3A_369 = arith.constant 0 : i32
        %parallel_loop3A_370 = arith.addi %parallel_loop3A_368, %parallel_loop3A_369 : i32
        %parallel_loop3A_371 = arith.index_cast %parallel_loop3A_370 : i32 to index
        %parallel_loop3A_372 = arith.constant 96 : index
        %parallel_loop3A_373 = tpu.vector_load %arg8[%parallel_loop3A_371, %parallel_loop3A_372] {strides = array<i32>} : memref<128x128xf32, #tpu.memory_space<vmem>>, vector<1x16xf32>,
        %parallel_loop3A_374 = vector.shape_cast %parallel_loop3A_373 : vector<1x16xf32> to vector<16xf32>
        %parallel_loop3A_375 = vector.shape_cast %parallel_loop3A_366 : vector<16xf32> to vector<1x16xf32>
        tpu.vector_store %arg8[%parallel_loop3A_371, %parallel_loop3A_372], %parallel_loop3A_375 {strides = array<i32>} : memref<128x128xf32, #tpu.memory_space<vmem>>, vector<1x16xf32>,
        %parallel_loop3A_376 = arith.constant 0 : i32
        %parallel_loop3A_377 = arith.addi %parallel_loop3A_207, %parallel_loop3A_376 : i32
        %parallel_loop3A_378 = arith.index_cast %parallel_loop3A_377 : i32 to index
        %parallel_loop3A_379 = arith.constant 112 : index
        %parallel_loop3A_380 = tpu.vector_load %arg8[%parallel_loop3A_378, %parallel_loop3A_379] {strides = array<i32>} : memref<128x128xf32, #tpu.memory_space<vmem>>, vector<1x16xf32>,
        %parallel_loop3A_381 = vector.shape_cast %parallel_loop3A_380 : vector<1x16xf32> to vector<16xf32>
        %parallel_loop3A_382 = arith.constant 64 : i32
        %parallel_loop3A_383 = arith.addi %parallel_loop3A_382, %parallel_loop3A_207 : i32
        %parallel_loop3A_384 = arith.constant 0 : i32
        %parallel_loop3A_385 = arith.addi %parallel_loop3A_383, %parallel_loop3A_384 : i32
        %parallel_loop3A_386 = arith.index_cast %parallel_loop3A_385 : i32 to index
        %parallel_loop3A_387 = arith.constant 112 : index
        %parallel_loop3A_388 = tpu.vector_load %arg8[%parallel_loop3A_386, %parallel_loop3A_387] {strides = array<i32>} : memref<128x128xf32, #tpu.memory_space<vmem>>, vector<1x16xf32>,
        %parallel_loop3A_389 = vector.shape_cast %parallel_loop3A_388 : vector<1x16xf32> to vector<16xf32>
        %parallel_loop3A_390 = arith.subf %parallel_loop3A_381, %parallel_loop3A_389 : vector<16xf32>
        %parallel_loop3A_391 = arith.constant 64 : i32
        %parallel_loop3A_392 = arith.addi %parallel_loop3A_391, %parallel_loop3A_207 : i32
        %parallel_loop3A_393 = arith.constant 0 : i32
        %parallel_loop3A_394 = arith.addi %parallel_loop3A_392, %parallel_loop3A_393 : i32
        %parallel_loop3A_395 = arith.index_cast %parallel_loop3A_394 : i32 to index
        %parallel_loop3A_396 = arith.constant 112 : index
        %parallel_loop3A_397 = tpu.vector_load %arg8[%parallel_loop3A_395, %parallel_loop3A_396] {strides = array<i32>} : memref<128x128xf32, #tpu.memory_space<vmem>>, vector<1x16xf32>,
        %parallel_loop3A_398 = vector.shape_cast %parallel_loop3A_397 : vector<1x16xf32> to vector<16xf32>
        %parallel_loop3A_399 = vector.shape_cast %parallel_loop3A_390 : vector<16xf32> to vector<1x16xf32>
        tpu.vector_store %arg8[%parallel_loop3A_395, %parallel_loop3A_396], %parallel_loop3A_399 {strides = array<i32>} : memref<128x128xf32, #tpu.memory_space<vmem>>, vector<1x16xf32>,
        %parallel_loop3A_400 = arith.constant 1 : i32
        %parallel_loop3A_401 = arith.addi %parallel_loop3A_207, %parallel_loop3A_400 : i32
        %parallel_loop3A_402 = arith.index_cast %parallel_loop3A_401 : i32 to index
        %parallel_loop3A_403 = arith.constant 0 : index
        %parallel_loop3A_404 = tpu.vector_load %arg8[%parallel_loop3A_402, %parallel_loop3A_403] {strides = array<i32>} : memref<128x128xf32, #tpu.memory_space<vmem>>, vector<1x16xf32>,
        %parallel_loop3A_405 = vector.shape_cast %parallel_loop3A_404 : vector<1x16xf32> to vector<16xf32>
        %parallel_loop3A_406 = arith.constant 64 : i32
        %parallel_loop3A_407 = arith.addi %parallel_loop3A_406, %parallel_loop3A_207 : i32
        %parallel_loop3A_408 = arith.constant 1 : i32
        %parallel_loop3A_409 = arith.addi %parallel_loop3A_407, %parallel_loop3A_408 : i32
        %parallel_loop3A_410 = arith.index_cast %parallel_loop3A_409 : i32 to index
        %parallel_loop3A_411 = arith.constant 0 : index
        %parallel_loop3A_412 = tpu.vector_load %arg8[%parallel_loop3A_410, %parallel_loop3A_411] {strides = array<i32>} : memref<128x128xf32, #tpu.memory_space<vmem>>, vector<1x16xf32>,
        %parallel_loop3A_413 = vector.shape_cast %parallel_loop3A_412 : vector<1x16xf32> to vector<16xf32>
        %parallel_loop3A_414 = arith.subf %parallel_loop3A_405, %parallel_loop3A_413 : vector<16xf32>
        %parallel_loop3A_415 = arith.constant 64 : i32
        %parallel_loop3A_416 = arith.addi %parallel_loop3A_415, %parallel_loop3A_207 : i32
        %parallel_loop3A_417 = arith.constant 1 : i32
        %parallel_loop3A_418 = arith.addi %parallel_loop3A_416, %parallel_loop3A_417 : i32
        %parallel_loop3A_419 = arith.index_cast %parallel_loop3A_418 : i32 to index
        %parallel_loop3A_420 = arith.constant 0 : index
        %parallel_loop3A_421 = tpu.vector_load %arg8[%parallel_loop3A_419, %parallel_loop3A_420] {strides = array<i32>} : memref<128x128xf32, #tpu.memory_space<vmem>>, vector<1x16xf32>,
        %parallel_loop3A_422 = vector.shape_cast %parallel_loop3A_421 : vector<1x16xf32> to vector<16xf32>
        %parallel_loop3A_423 = vector.shape_cast %parallel_loop3A_414 : vector<16xf32> to vector<1x16xf32>
        tpu.vector_store %arg8[%parallel_loop3A_419, %parallel_loop3A_420], %parallel_loop3A_423 {strides = array<i32>} : memref<128x128xf32, #tpu.memory_space<vmem>>, vector<1x16xf32>,
        %parallel_loop3A_424 = arith.constant 1 : i32
        %parallel_loop3A_425 = arith.addi %parallel_loop3A_207, %parallel_loop3A_424 : i32
        %parallel_loop3A_426 = arith.index_cast %parallel_loop3A_425 : i32 to index
        %parallel_loop3A_427 = arith.constant 16 : index
        %parallel_loop3A_428 = tpu.vector_load %arg8[%parallel_loop3A_426, %parallel_loop3A_427] {strides = array<i32>} : memref<128x128xf32, #tpu.memory_space<vmem>>, vector<1x16xf32>,
        %parallel_loop3A_429 = vector.shape_cast %parallel_loop3A_428 : vector<1x16xf32> to vector<16xf32>
        %parallel_loop3A_430 = arith.constant 64 : i32
        %parallel_loop3A_431 = arith.addi %parallel_loop3A_430, %parallel_loop3A_207 : i32
        %parallel_loop3A_432 = arith.constant 1 : i32
        %parallel_loop3A_433 = arith.addi %parallel_loop3A_431, %parallel_loop3A_432 : i32
        %parallel_loop3A_434 = arith.index_cast %parallel_loop3A_433 : i32 to index
        %parallel_loop3A_435 = arith.constant 16 : index
        %parallel_loop3A_436 = tpu.vector_load %arg8[%parallel_loop3A_434, %parallel_loop3A_435] {strides = array<i32>} : memref<128x128xf32, #tpu.memory_space<vmem>>, vector<1x16xf32>,
        %parallel_loop3A_437 = vector.shape_cast %parallel_loop3A_436 : vector<1x16xf32> to vector<16xf32>
        %parallel_loop3A_438 = arith.subf %parallel_loop3A_429, %parallel_loop3A_437 : vector<16xf32>
        %parallel_loop3A_439 = arith.constant 64 : i32
        %parallel_loop3A_440 = arith.addi %parallel_loop3A_439, %parallel_loop3A_207 : i32
        %parallel_loop3A_441 = arith.constant 1 : i32
        %parallel_loop3A_442 = arith.addi %parallel_loop3A_440, %parallel_loop3A_441 : i32
        %parallel_loop3A_443 = arith.index_cast %parallel_loop3A_442 : i32 to index
        %parallel_loop3A_444 = arith.constant 16 : index
        %parallel_loop3A_445 = tpu.vector_load %arg8[%parallel_loop3A_443, %parallel_loop3A_444] {strides = array<i32>} : memref<128x128xf32, #tpu.memory_space<vmem>>, vector<1x16xf32>,
        %parallel_loop3A_446 = vector.shape_cast %parallel_loop3A_445 : vector<1x16xf32> to vector<16xf32>
        %parallel_loop3A_447 = vector.shape_cast %parallel_loop3A_438 : vector<16xf32> to vector<1x16xf32>
        tpu.vector_store %arg8[%parallel_loop3A_443, %parallel_loop3A_444], %parallel_loop3A_447 {strides = array<i32>} : memref<128x128xf32, #tpu.memory_space<vmem>>, vector<1x16xf32>,
        %parallel_loop3A_448 = arith.constant 1 : i32
        %parallel_loop3A_449 = arith.addi %parallel_loop3A_207, %parallel_loop3A_448 : i32
        %parallel_loop3A_450 = arith.index_cast %parallel_loop3A_449 : i32 to index
        %parallel_loop3A_451 = arith.constant 32 : index
        %parallel_loop3A_452 = tpu.vector_load %arg8[%parallel_loop3A_450, %parallel_loop3A_451] {strides = array<i32>} : memref<128x128xf32, #tpu.memory_space<vmem>>, vector<1x16xf32>,
        %parallel_loop3A_453 = vector.shape_cast %parallel_loop3A_452 : vector<1x16xf32> to vector<16xf32>
        %parallel_loop3A_454 = arith.constant 64 : i32
        %parallel_loop3A_455 = arith.addi %parallel_loop3A_454, %parallel_loop3A_207 : i32
        %parallel_loop3A_456 = arith.constant 1 : i32
        %parallel_loop3A_457 = arith.addi %parallel_loop3A_455, %parallel_loop3A_456 : i32
        %parallel_loop3A_458 = arith.index_cast %parallel_loop3A_457 : i32 to index
        %parallel_loop3A_459 = arith.constant 32 : index
        %parallel_loop3A_460 = tpu.vector_load %arg8[%parallel_loop3A_458, %parallel_loop3A_459] {strides = array<i32>} : memref<128x128xf32, #tpu.memory_space<vmem>>, vector<1x16xf32>,
        %parallel_loop3A_461 = vector.shape_cast %parallel_loop3A_460 : vector<1x16xf32> to vector<16xf32>
        %parallel_loop3A_462 = arith.subf %parallel_loop3A_453, %parallel_loop3A_461 : vector<16xf32>
        %parallel_loop3A_463 = arith.constant 64 : i32
        %parallel_loop3A_464 = arith.addi %parallel_loop3A_463, %parallel_loop3A_207 : i32
        %parallel_loop3A_465 = arith.constant 1 : i32
        %parallel_loop3A_466 = arith.addi %parallel_loop3A_464, %parallel_loop3A_465 : i32
        %parallel_loop3A_467 = arith.index_cast %parallel_loop3A_466 : i32 to index
        %parallel_loop3A_468 = arith.constant 32 : index
        %parallel_loop3A_469 = tpu.vector_load %arg8[%parallel_loop3A_467, %parallel_loop3A_468] {strides = array<i32>} : memref<128x128xf32, #tpu.memory_space<vmem>>, vector<1x16xf32>,
        %parallel_loop3A_470 = vector.shape_cast %parallel_loop3A_469 : vector<1x16xf32> to vector<16xf32>
        %parallel_loop3A_471 = vector.shape_cast %parallel_loop3A_462 : vector<16xf32> to vector<1x16xf32>
        tpu.vector_store %arg8[%parallel_loop3A_467, %parallel_loop3A_468], %parallel_loop3A_471 {strides = array<i32>} : memref<128x128xf32, #tpu.memory_space<vmem>>, vector<1x16xf32>,
        %parallel_loop3A_472 = arith.constant 1 : i32
        %parallel_loop3A_473 = arith.addi %parallel_loop3A_207, %parallel_loop3A_472 : i32
        %parallel_loop3A_474 = arith.index_cast %parallel_loop3A_473 : i32 to index
        %parallel_loop3A_475 = arith.constant 48 : index
        %parallel_loop3A_476 = tpu.vector_load %arg8[%parallel_loop3A_474, %parallel_loop3A_475] {strides = array<i32>} : memref<128x128xf32, #tpu.memory_space<vmem>>, vector<1x16xf32>,
        %parallel_loop3A_477 = vector.shape_cast %parallel_loop3A_476 : vector<1x16xf32> to vector<16xf32>
        %parallel_loop3A_478 = arith.constant 64 : i32
        %parallel_loop3A_479 = arith.addi %parallel_loop3A_478, %parallel_loop3A_207 : i32
        %parallel_loop3A_480 = arith.constant 1 : i32
        %parallel_loop3A_481 = arith.addi %parallel_loop3A_479, %parallel_loop3A_480 : i32
        %parallel_loop3A_482 = arith.index_cast %parallel_loop3A_481 : i32 to index
        %parallel_loop3A_483 = arith.constant 48 : index
        %parallel_loop3A_484 = tpu.vector_load %arg8[%parallel_loop3A_482, %parallel_loop3A_483] {strides = array<i32>} : memref<128x128xf32, #tpu.memory_space<vmem>>, vector<1x16xf32>,
        %parallel_loop3A_485 = vector.shape_cast %parallel_loop3A_484 : vector<1x16xf32> to vector<16xf32>
        %parallel_loop3A_486 = arith.subf %parallel_loop3A_477, %parallel_loop3A_485 : vector<16xf32>
        %parallel_loop3A_487 = arith.constant 64 : i32
        %parallel_loop3A_488 = arith.addi %parallel_loop3A_487, %parallel_loop3A_207 : i32
        %parallel_loop3A_489 = arith.constant 1 : i32
        %parallel_loop3A_490 = arith.addi %parallel_loop3A_488, %parallel_loop3A_489 : i32
        %parallel_loop3A_491 = arith.index_cast %parallel_loop3A_490 : i32 to index
        %parallel_loop3A_492 = arith.constant 48 : index
        %parallel_loop3A_493 = tpu.vector_load %arg8[%parallel_loop3A_491, %parallel_loop3A_492] {strides = array<i32>} : memref<128x128xf32, #tpu.memory_space<vmem>>, vector<1x16xf32>,
        %parallel_loop3A_494 = vector.shape_cast %parallel_loop3A_493 : vector<1x16xf32> to vector<16xf32>
        %parallel_loop3A_495 = vector.shape_cast %parallel_loop3A_486 : vector<16xf32> to vector<1x16xf32>
        tpu.vector_store %arg8[%parallel_loop3A_491, %parallel_loop3A_492], %parallel_loop3A_495 {strides = array<i32>} : memref<128x128xf32, #tpu.memory_space<vmem>>, vector<1x16xf32>,
        %parallel_loop3A_496 = arith.constant 1 : i32
        %parallel_loop3A_497 = arith.addi %parallel_loop3A_207, %parallel_loop3A_496 : i32
        %parallel_loop3A_498 = arith.index_cast %parallel_loop3A_497 : i32 to index
        %parallel_loop3A_499 = arith.constant 64 : index
        %parallel_loop3A_500 = tpu.vector_load %arg8[%parallel_loop3A_498, %parallel_loop3A_499] {strides = array<i32>} : memref<128x128xf32, #tpu.memory_space<vmem>>, vector<1x16xf32>,
        %parallel_loop3A_501 = vector.shape_cast %parallel_loop3A_500 : vector<1x16xf32> to vector<16xf32>
        %parallel_loop3A_502 = arith.constant 64 : i32
        %parallel_loop3A_503 = arith.addi %parallel_loop3A_502, %parallel_loop3A_207 : i32
        %parallel_loop3A_504 = arith.constant 1 : i32
        %parallel_loop3A_505 = arith.addi %parallel_loop3A_503, %parallel_loop3A_504 : i32
        %parallel_loop3A_506 = arith.index_cast %parallel_loop3A_505 : i32 to index
        %parallel_loop3A_507 = arith.constant 64 : index
        %parallel_loop3A_508 = tpu.vector_load %arg8[%parallel_loop3A_506, %parallel_loop3A_507] {strides = array<i32>} : memref<128x128xf32, #tpu.memory_space<vmem>>, vector<1x16xf32>,
        %parallel_loop3A_509 = vector.shape_cast %parallel_loop3A_508 : vector<1x16xf32> to vector<16xf32>
        %parallel_loop3A_510 = arith.subf %parallel_loop3A_501, %parallel_loop3A_509 : vector<16xf32>
        %parallel_loop3A_511 = arith.constant 64 : i32
        %parallel_loop3A_512 = arith.addi %parallel_loop3A_511, %parallel_loop3A_207 : i32
        %parallel_loop3A_513 = arith.constant 1 : i32
        %parallel_loop3A_514 = arith.addi %parallel_loop3A_512, %parallel_loop3A_513 : i32
        %parallel_loop3A_515 = arith.index_cast %parallel_loop3A_514 : i32 to index
        %parallel_loop3A_516 = arith.constant 64 : index
        %parallel_loop3A_517 = tpu.vector_load %arg8[%parallel_loop3A_515, %parallel_loop3A_516] {strides = array<i32>} : memref<128x128xf32, #tpu.memory_space<vmem>>, vector<1x16xf32>,
        %parallel_loop3A_518 = vector.shape_cast %parallel_loop3A_517 : vector<1x16xf32> to vector<16xf32>
        %parallel_loop3A_519 = vector.shape_cast %parallel_loop3A_510 : vector<16xf32> to vector<1x16xf32>
        tpu.vector_store %arg8[%parallel_loop3A_515, %parallel_loop3A_516], %parallel_loop3A_519 {strides = array<i32>} : memref<128x128xf32, #tpu.memory_space<vmem>>, vector<1x16xf32>,
        %parallel_loop3A_520 = arith.constant 1 : i32
        %parallel_loop3A_521 = arith.addi %parallel_loop3A_207, %parallel_loop3A_520 : i32
        %parallel_loop3A_522 = arith.index_cast %parallel_loop3A_521 : i32 to index
        %parallel_loop3A_523 = arith.constant 80 : index
        %parallel_loop3A_524 = tpu.vector_load %arg8[%parallel_loop3A_522, %parallel_loop3A_523] {strides = array<i32>} : memref<128x128xf32, #tpu.memory_space<vmem>>, vector<1x16xf32>,
        %parallel_loop3A_525 = vector.shape_cast %parallel_loop3A_524 : vector<1x16xf32> to vector<16xf32>
        %parallel_loop3A_526 = arith.constant 64 : i32
        %parallel_loop3A_527 = arith.addi %parallel_loop3A_526, %parallel_loop3A_207 : i32
        %parallel_loop3A_528 = arith.constant 1 : i32
        %parallel_loop3A_529 = arith.addi %parallel_loop3A_527, %parallel_loop3A_528 : i32
        %parallel_loop3A_530 = arith.index_cast %parallel_loop3A_529 : i32 to index
        %parallel_loop3A_531 = arith.constant 80 : index
        %parallel_loop3A_532 = tpu.vector_load %arg8[%parallel_loop3A_530, %parallel_loop3A_531] {strides = array<i32>} : memref<128x128xf32, #tpu.memory_space<vmem>>, vector<1x16xf32>,
        %parallel_loop3A_533 = vector.shape_cast %parallel_loop3A_532 : vector<1x16xf32> to vector<16xf32>
        %parallel_loop3A_534 = arith.subf %parallel_loop3A_525, %parallel_loop3A_533 : vector<16xf32>
        %parallel_loop3A_535 = arith.constant 64 : i32
        %parallel_loop3A_536 = arith.addi %parallel_loop3A_535, %parallel_loop3A_207 : i32
        %parallel_loop3A_537 = arith.constant 1 : i32
        %parallel_loop3A_538 = arith.addi %parallel_loop3A_536, %parallel_loop3A_537 : i32
        %parallel_loop3A_539 = arith.index_cast %parallel_loop3A_538 : i32 to index
        %parallel_loop3A_540 = arith.constant 80 : index
        %parallel_loop3A_541 = tpu.vector_load %arg8[%parallel_loop3A_539, %parallel_loop3A_540] {strides = array<i32>} : memref<128x128xf32, #tpu.memory_space<vmem>>, vector<1x16xf32>,
        %parallel_loop3A_542 = vector.shape_cast %parallel_loop3A_541 : vector<1x16xf32> to vector<16xf32>
        %parallel_loop3A_543 = vector.shape_cast %parallel_loop3A_534 : vector<16xf32> to vector<1x16xf32>
        tpu.vector_store %arg8[%parallel_loop3A_539, %parallel_loop3A_540], %parallel_loop3A_543 {strides = array<i32>} : memref<128x128xf32, #tpu.memory_space<vmem>>, vector<1x16xf32>,
        %parallel_loop3A_544 = arith.constant 1 : i32
        %parallel_loop3A_545 = arith.addi %parallel_loop3A_207, %parallel_loop3A_544 : i32
        %parallel_loop3A_546 = arith.index_cast %parallel_loop3A_545 : i32 to index
        %parallel_loop3A_547 = arith.constant 96 : index
        %parallel_loop3A_548 = tpu.vector_load %arg8[%parallel_loop3A_546, %parallel_loop3A_547] {strides = array<i32>} : memref<128x128xf32, #tpu.memory_space<vmem>>, vector<1x16xf32>,
        %parallel_loop3A_549 = vector.shape_cast %parallel_loop3A_548 : vector<1x16xf32> to vector<16xf32>
        %parallel_loop3A_550 = arith.constant 64 : i32
        %parallel_loop3A_551 = arith.addi %parallel_loop3A_550, %parallel_loop3A_207 : i32
        %parallel_loop3A_552 = arith.constant 1 : i32
        %parallel_loop3A_553 = arith.addi %parallel_loop3A_551, %parallel_loop3A_552 : i32
        %parallel_loop3A_554 = arith.index_cast %parallel_loop3A_553 : i32 to index
        %parallel_loop3A_555 = arith.constant 96 : index
        %parallel_loop3A_556 = tpu.vector_load %arg8[%parallel_loop3A_554, %parallel_loop3A_555] {strides = array<i32>} : memref<128x128xf32, #tpu.memory_space<vmem>>, vector<1x16xf32>,
        %parallel_loop3A_557 = vector.shape_cast %parallel_loop3A_556 : vector<1x16xf32> to vector<16xf32>
        %parallel_loop3A_558 = arith.subf %parallel_loop3A_549, %parallel_loop3A_557 : vector<16xf32>
        %parallel_loop3A_559 = arith.constant 64 : i32
        %parallel_loop3A_560 = arith.addi %parallel_loop3A_559, %parallel_loop3A_207 : i32
        %parallel_loop3A_561 = arith.constant 1 : i32
        %parallel_loop3A_562 = arith.addi %parallel_loop3A_560, %parallel_loop3A_561 : i32
        %parallel_loop3A_563 = arith.index_cast %parallel_loop3A_562 : i32 to index
        %parallel_loop3A_564 = arith.constant 96 : index
        %parallel_loop3A_565 = tpu.vector_load %arg8[%parallel_loop3A_563, %parallel_loop3A_564] {strides = array<i32>} : memref<128x128xf32, #tpu.memory_space<vmem>>, vector<1x16xf32>,
        %parallel_loop3A_566 = vector.shape_cast %parallel_loop3A_565 : vector<1x16xf32> to vector<16xf32>
        %parallel_loop3A_567 = vector.shape_cast %parallel_loop3A_558 : vector<16xf32> to vector<1x16xf32>
        tpu.vector_store %arg8[%parallel_loop3A_563, %parallel_loop3A_564], %parallel_loop3A_567 {strides = array<i32>} : memref<128x128xf32, #tpu.memory_space<vmem>>, vector<1x16xf32>,
        %parallel_loop3A_568 = arith.constant 1 : i32
        %parallel_loop3A_569 = arith.addi %parallel_loop3A_207, %parallel_loop3A_568 : i32
        %parallel_loop3A_570 = arith.index_cast %parallel_loop3A_569 : i32 to index
        %parallel_loop3A_571 = arith.constant 112 : index
        %parallel_loop3A_572 = tpu.vector_load %arg8[%parallel_loop3A_570, %parallel_loop3A_571] {strides = array<i32>} : memref<128x128xf32, #tpu.memory_space<vmem>>, vector<1x16xf32>,
        %parallel_loop3A_573 = vector.shape_cast %parallel_loop3A_572 : vector<1x16xf32> to vector<16xf32>
        %parallel_loop3A_574 = arith.constant 64 : i32
        %parallel_loop3A_575 = arith.addi %parallel_loop3A_574, %parallel_loop3A_207 : i32
        %parallel_loop3A_576 = arith.constant 1 : i32
        %parallel_loop3A_577 = arith.addi %parallel_loop3A_575, %parallel_loop3A_576 : i32
        %parallel_loop3A_578 = arith.index_cast %parallel_loop3A_577 : i32 to index
        %parallel_loop3A_579 = arith.constant 112 : index
        %parallel_loop3A_580 = tpu.vector_load %arg8[%parallel_loop3A_578, %parallel_loop3A_579] {strides = array<i32>} : memref<128x128xf32, #tpu.memory_space<vmem>>, vector<1x16xf32>,
        %parallel_loop3A_581 = vector.shape_cast %parallel_loop3A_580 : vector<1x16xf32> to vector<16xf32>
        %parallel_loop3A_582 = arith.subf %parallel_loop3A_573, %parallel_loop3A_581 : vector<16xf32>
        %parallel_loop3A_583 = arith.constant 64 : i32
        %parallel_loop3A_584 = arith.addi %parallel_loop3A_583, %parallel_loop3A_207 : i32
        %parallel_loop3A_585 = arith.constant 1 : i32
        %parallel_loop3A_586 = arith.addi %parallel_loop3A_584, %parallel_loop3A_585 : i32
        %parallel_loop3A_587 = arith.index_cast %parallel_loop3A_586 : i32 to index
        %parallel_loop3A_588 = arith.constant 112 : index
        %parallel_loop3A_589 = tpu.vector_load %arg8[%parallel_loop3A_587, %parallel_loop3A_588] {strides = array<i32>} : memref<128x128xf32, #tpu.memory_space<vmem>>, vector<1x16xf32>,
        %parallel_loop3A_590 = vector.shape_cast %parallel_loop3A_589 : vector<1x16xf32> to vector<16xf32>
        %parallel_loop3A_591 = vector.shape_cast %parallel_loop3A_582 : vector<16xf32> to vector<1x16xf32>
        tpu.vector_store %arg8[%parallel_loop3A_587, %parallel_loop3A_588], %parallel_loop3A_591 {strides = array<i32>} : memref<128x128xf32, #tpu.memory_space<vmem>>, vector<1x16xf32>,
        %parallel_loop3A_592 = arith.constant 2 : i32
        %parallel_loop3A_593 = arith.addi %parallel_loop3A_207, %parallel_loop3A_592 : i32
        %parallel_loop3A_594 = arith.index_cast %parallel_loop3A_593 : i32 to index
        %parallel_loop3A_595 = arith.constant 0 : index
        %parallel_loop3A_596 = tpu.vector_load %arg8[%parallel_loop3A_594, %parallel_loop3A_595] {strides = array<i32>} : memref<128x128xf32, #tpu.memory_space<vmem>>, vector<1x16xf32>,
        %parallel_loop3A_597 = vector.shape_cast %parallel_loop3A_596 : vector<1x16xf32> to vector<16xf32>
        %parallel_loop3A_598 = arith.constant 64 : i32
        %parallel_loop3A_599 = arith.addi %parallel_loop3A_598, %parallel_loop3A_207 : i32
        %parallel_loop3A_600 = arith.constant 2 : i32
        %parallel_loop3A_601 = arith.addi %parallel_loop3A_599, %parallel_loop3A_600 : i32
        %parallel_loop3A_602 = arith.index_cast %parallel_loop3A_601 : i32 to index
        %parallel_loop3A_603 = arith.constant 0 : index
        %parallel_loop3A_604 = tpu.vector_load %arg8[%parallel_loop3A_602, %parallel_loop3A_603] {strides = array<i32>} : memref<128x128xf32, #tpu.memory_space<vmem>>, vector<1x16xf32>,
        %parallel_loop3A_605 = vector.shape_cast %parallel_loop3A_604 : vector<1x16xf32> to vector<16xf32>
        %parallel_loop3A_606 = arith.subf %parallel_loop3A_597, %parallel_loop3A_605 : vector<16xf32>
        %parallel_loop3A_607 = arith.constant 64 : i32
        %parallel_loop3A_608 = arith.addi %parallel_loop3A_607, %parallel_loop3A_207 : i32
        %parallel_loop3A_609 = arith.constant 2 : i32
        %parallel_loop3A_610 = arith.addi %parallel_loop3A_608, %parallel_loop3A_609 : i32
        %parallel_loop3A_611 = arith.index_cast %parallel_loop3A_610 : i32 to index
        %parallel_loop3A_612 = arith.constant 0 : index
        %parallel_loop3A_613 = tpu.vector_load %arg8[%parallel_loop3A_611, %parallel_loop3A_612] {strides = array<i32>} : memref<128x128xf32, #tpu.memory_space<vmem>>, vector<1x16xf32>,
        %parallel_loop3A_614 = vector.shape_cast %parallel_loop3A_613 : vector<1x16xf32> to vector<16xf32>
        %parallel_loop3A_615 = vector.shape_cast %parallel_loop3A_606 : vector<16xf32> to vector<1x16xf32>
        tpu.vector_store %arg8[%parallel_loop3A_611, %parallel_loop3A_612], %parallel_loop3A_615 {strides = array<i32>} : memref<128x128xf32, #tpu.memory_space<vmem>>, vector<1x16xf32>,
        %parallel_loop3A_616 = arith.constant 2 : i32
        %parallel_loop3A_617 = arith.addi %parallel_loop3A_207, %parallel_loop3A_616 : i32
        %parallel_loop3A_618 = arith.index_cast %parallel_loop3A_617 : i32 to index
        %parallel_loop3A_619 = arith.constant 16 : index
        %parallel_loop3A_620 = tpu.vector_load %arg8[%parallel_loop3A_618, %parallel_loop3A_619] {strides = array<i32>} : memref<128x128xf32, #tpu.memory_space<vmem>>, vector<1x16xf32>,
        %parallel_loop3A_621 = vector.shape_cast %parallel_loop3A_620 : vector<1x16xf32> to vector<16xf32>
        %parallel_loop3A_622 = arith.constant 64 : i32
        %parallel_loop3A_623 = arith.addi %parallel_loop3A_622, %parallel_loop3A_207 : i32
        %parallel_loop3A_624 = arith.constant 2 : i32
        %parallel_loop3A_625 = arith.addi %parallel_loop3A_623, %parallel_loop3A_624 : i32
        %parallel_loop3A_626 = arith.index_cast %parallel_loop3A_625 : i32 to index
        %parallel_loop3A_627 = arith.constant 16 : index
        %parallel_loop3A_628 = tpu.vector_load %arg8[%parallel_loop3A_626, %parallel_loop3A_627] {strides = array<i32>} : memref<128x128xf32, #tpu.memory_space<vmem>>, vector<1x16xf32>,
        %parallel_loop3A_629 = vector.shape_cast %parallel_loop3A_628 : vector<1x16xf32> to vector<16xf32>
        %parallel_loop3A_630 = arith.subf %parallel_loop3A_621, %parallel_loop3A_629 : vector<16xf32>
        %parallel_loop3A_631 = arith.constant 64 : i32
        %parallel_loop3A_632 = arith.addi %parallel_loop3A_631, %parallel_loop3A_207 : i32
        %parallel_loop3A_633 = arith.constant 2 : i32
        %parallel_loop3A_634 = arith.addi %parallel_loop3A_632, %parallel_loop3A_633 : i32
        %parallel_loop3A_635 = arith.index_cast %parallel_loop3A_634 : i32 to index
        %parallel_loop3A_636 = arith.constant 16 : index
        %parallel_loop3A_637 = tpu.vector_load %arg8[%parallel_loop3A_635, %parallel_loop3A_636] {strides = array<i32>} : memref<128x128xf32, #tpu.memory_space<vmem>>, vector<1x16xf32>,
        %parallel_loop3A_638 = vector.shape_cast %parallel_loop3A_637 : vector<1x16xf32> to vector<16xf32>
        %parallel_loop3A_639 = vector.shape_cast %parallel_loop3A_630 : vector<16xf32> to vector<1x16xf32>
        tpu.vector_store %arg8[%parallel_loop3A_635, %parallel_loop3A_636], %parallel_loop3A_639 {strides = array<i32>} : memref<128x128xf32, #tpu.memory_space<vmem>>, vector<1x16xf32>,
        %parallel_loop3A_640 = arith.constant 2 : i32
        %parallel_loop3A_641 = arith.addi %parallel_loop3A_207, %parallel_loop3A_640 : i32
        %parallel_loop3A_642 = arith.index_cast %parallel_loop3A_641 : i32 to index
        %parallel_loop3A_643 = arith.constant 32 : index
        %parallel_loop3A_644 = tpu.vector_load %arg8[%parallel_loop3A_642, %parallel_loop3A_643] {strides = array<i32>} : memref<128x128xf32, #tpu.memory_space<vmem>>, vector<1x16xf32>,
        %parallel_loop3A_645 = vector.shape_cast %parallel_loop3A_644 : vector<1x16xf32> to vector<16xf32>
        %parallel_loop3A_646 = arith.constant 64 : i32
        %parallel_loop3A_647 = arith.addi %parallel_loop3A_646, %parallel_loop3A_207 : i32
        %parallel_loop3A_648 = arith.constant 2 : i32
        %parallel_loop3A_649 = arith.addi %parallel_loop3A_647, %parallel_loop3A_648 : i32
        %parallel_loop3A_650 = arith.index_cast %parallel_loop3A_649 : i32 to index
        %parallel_loop3A_651 = arith.constant 32 : index
        %parallel_loop3A_652 = tpu.vector_load %arg8[%parallel_loop3A_650, %parallel_loop3A_651] {strides = array<i32>} : memref<128x128xf32, #tpu.memory_space<vmem>>, vector<1x16xf32>,
        %parallel_loop3A_653 = vector.shape_cast %parallel_loop3A_652 : vector<1x16xf32> to vector<16xf32>
        %parallel_loop3A_654 = arith.subf %parallel_loop3A_645, %parallel_loop3A_653 : vector<16xf32>
        %parallel_loop3A_655 = arith.constant 64 : i32
        %parallel_loop3A_656 = arith.addi %parallel_loop3A_655, %parallel_loop3A_207 : i32
        %parallel_loop3A_657 = arith.constant 2 : i32
        %parallel_loop3A_658 = arith.addi %parallel_loop3A_656, %parallel_loop3A_657 : i32
        %parallel_loop3A_659 = arith.index_cast %parallel_loop3A_658 : i32 to index
        %parallel_loop3A_660 = arith.constant 32 : index
        %parallel_loop3A_661 = tpu.vector_load %arg8[%parallel_loop3A_659, %parallel_loop3A_660] {strides = array<i32>} : memref<128x128xf32, #tpu.memory_space<vmem>>, vector<1x16xf32>,
        %parallel_loop3A_662 = vector.shape_cast %parallel_loop3A_661 : vector<1x16xf32> to vector<16xf32>
        %parallel_loop3A_663 = vector.shape_cast %parallel_loop3A_654 : vector<16xf32> to vector<1x16xf32>
        tpu.vector_store %arg8[%parallel_loop3A_659, %parallel_loop3A_660], %parallel_loop3A_663 {strides = array<i32>} : memref<128x128xf32, #tpu.memory_space<vmem>>, vector<1x16xf32>,
        %parallel_loop3A_664 = arith.constant 2 : i32
        %parallel_loop3A_665 = arith.addi %parallel_loop3A_207, %parallel_loop3A_664 : i32
        %parallel_loop3A_666 = arith.index_cast %parallel_loop3A_665 : i32 to index
        %parallel_loop3A_667 = arith.constant 48 : index
        %parallel_loop3A_668 = tpu.vector_load %arg8[%parallel_loop3A_666, %parallel_loop3A_667] {strides = array<i32>} : memref<128x128xf32, #tpu.memory_space<vmem>>, vector<1x16xf32>,
        %parallel_loop3A_669 = vector.shape_cast %parallel_loop3A_668 : vector<1x16xf32> to vector<16xf32>
        %parallel_loop3A_670 = arith.constant 64 : i32
        %parallel_loop3A_671 = arith.addi %parallel_loop3A_670, %parallel_loop3A_207 : i32
        %parallel_loop3A_672 = arith.constant 2 : i32
        %parallel_loop3A_673 = arith.addi %parallel_loop3A_671, %parallel_loop3A_672 : i32
        %parallel_loop3A_674 = arith.index_cast %parallel_loop3A_673 : i32 to index
        %parallel_loop3A_675 = arith.constant 48 : index
        %parallel_loop3A_676 = tpu.vector_load %arg8[%parallel_loop3A_674, %parallel_loop3A_675] {strides = array<i32>} : memref<128x128xf32, #tpu.memory_space<vmem>>, vector<1x16xf32>,
        %parallel_loop3A_677 = vector.shape_cast %parallel_loop3A_676 : vector<1x16xf32> to vector<16xf32>
        %parallel_loop3A_678 = arith.subf %parallel_loop3A_669, %parallel_loop3A_677 : vector<16xf32>
        %parallel_loop3A_679 = arith.constant 64 : i32
        %parallel_loop3A_680 = arith.addi %parallel_loop3A_679, %parallel_loop3A_207 : i32
        %parallel_loop3A_681 = arith.constant 2 : i32
        %parallel_loop3A_682 = arith.addi %parallel_loop3A_680, %parallel_loop3A_681 : i32
        %parallel_loop3A_683 = arith.index_cast %parallel_loop3A_682 : i32 to index
        %parallel_loop3A_684 = arith.constant 48 : index
        %parallel_loop3A_685 = tpu.vector_load %arg8[%parallel_loop3A_683, %parallel_loop3A_684] {strides = array<i32>} : memref<128x128xf32, #tpu.memory_space<vmem>>, vector<1x16xf32>,
        %parallel_loop3A_686 = vector.shape_cast %parallel_loop3A_685 : vector<1x16xf32> to vector<16xf32>
        %parallel_loop3A_687 = vector.shape_cast %parallel_loop3A_678 : vector<16xf32> to vector<1x16xf32>
        tpu.vector_store %arg8[%parallel_loop3A_683, %parallel_loop3A_684], %parallel_loop3A_687 {strides = array<i32>} : memref<128x128xf32, #tpu.memory_space<vmem>>, vector<1x16xf32>,
        %parallel_loop3A_688 = arith.constant 2 : i32
        %parallel_loop3A_689 = arith.addi %parallel_loop3A_207, %parallel_loop3A_688 : i32
        %parallel_loop3A_690 = arith.index_cast %parallel_loop3A_689 : i32 to index
        %parallel_loop3A_691 = arith.constant 64 : index
        %parallel_loop3A_692 = tpu.vector_load %arg8[%parallel_loop3A_690, %parallel_loop3A_691] {strides = array<i32>} : memref<128x128xf32, #tpu.memory_space<vmem>>, vector<1x16xf32>,
        %parallel_loop3A_693 = vector.shape_cast %parallel_loop3A_692 : vector<1x16xf32> to vector<16xf32>
        %parallel_loop3A_694 = arith.constant 64 : i32
        %parallel_loop3A_695 = arith.addi %parallel_loop3A_694, %parallel_loop3A_207 : i32
        %parallel_loop3A_696 = arith.constant 2 : i32
        %parallel_loop3A_697 = arith.addi %parallel_loop3A_695, %parallel_loop3A_696 : i32
        %parallel_loop3A_698 = arith.index_cast %parallel_loop3A_697 : i32 to index
        %parallel_loop3A_699 = arith.constant 64 : index
        %parallel_loop3A_700 = tpu.vector_load %arg8[%parallel_loop3A_698, %parallel_loop3A_699] {strides = array<i32>} : memref<128x128xf32, #tpu.memory_space<vmem>>, vector<1x16xf32>,
        %parallel_loop3A_701 = vector.shape_cast %parallel_loop3A_700 : vector<1x16xf32> to vector<16xf32>
        %parallel_loop3A_702 = arith.subf %parallel_loop3A_693, %parallel_loop3A_701 : vector<16xf32>
        %parallel_loop3A_703 = arith.constant 64 : i32
        %parallel_loop3A_704 = arith.addi %parallel_loop3A_703, %parallel_loop3A_207 : i32
        %parallel_loop3A_705 = arith.constant 2 : i32
        %parallel_loop3A_706 = arith.addi %parallel_loop3A_704, %parallel_loop3A_705 : i32
        %parallel_loop3A_707 = arith.index_cast %parallel_loop3A_706 : i32 to index
        %parallel_loop3A_708 = arith.constant 64 : index
        %parallel_loop3A_709 = tpu.vector_load %arg8[%parallel_loop3A_707, %parallel_loop3A_708] {strides = array<i32>} : memref<128x128xf32, #tpu.memory_space<vmem>>, vector<1x16xf32>,
        %parallel_loop3A_710 = vector.shape_cast %parallel_loop3A_709 : vector<1x16xf32> to vector<16xf32>
        %parallel_loop3A_711 = vector.shape_cast %parallel_loop3A_702 : vector<16xf32> to vector<1x16xf32>
        tpu.vector_store %arg8[%parallel_loop3A_707, %parallel_loop3A_708], %parallel_loop3A_711 {strides = array<i32>} : memref<128x128xf32, #tpu.memory_space<vmem>>, vector<1x16xf32>,
        %parallel_loop3A_712 = arith.constant 2 : i32
        %parallel_loop3A_713 = arith.addi %parallel_loop3A_207, %parallel_loop3A_712 : i32
        %parallel_loop3A_714 = arith.index_cast %parallel_loop3A_713 : i32 to index
        %parallel_loop3A_715 = arith.constant 80 : index
        %parallel_loop3A_716 = tpu.vector_load %arg8[%parallel_loop3A_714, %parallel_loop3A_715] {strides = array<i32>} : memref<128x128xf32, #tpu.memory_space<vmem>>, vector<1x16xf32>,
        %parallel_loop3A_717 = vector.shape_cast %parallel_loop3A_716 : vector<1x16xf32> to vector<16xf32>
        %parallel_loop3A_718 = arith.constant 64 : i32
        %parallel_loop3A_719 = arith.addi %parallel_loop3A_718, %parallel_loop3A_207 : i32
        %parallel_loop3A_720 = arith.constant 2 : i32
        %parallel_loop3A_721 = arith.addi %parallel_loop3A_719, %parallel_loop3A_720 : i32
        %parallel_loop3A_722 = arith.index_cast %parallel_loop3A_721 : i32 to index
        %parallel_loop3A_723 = arith.constant 80 : index
        %parallel_loop3A_724 = tpu.vector_load %arg8[%parallel_loop3A_722, %parallel_loop3A_723] {strides = array<i32>} : memref<128x128xf32, #tpu.memory_space<vmem>>, vector<1x16xf32>,
        %parallel_loop3A_725 = vector.shape_cast %parallel_loop3A_724 : vector<1x16xf32> to vector<16xf32>
        %parallel_loop3A_726 = arith.subf %parallel_loop3A_717, %parallel_loop3A_725 : vector<16xf32>
        %parallel_loop3A_727 = arith.constant 64 : i32
        %parallel_loop3A_728 = arith.addi %parallel_loop3A_727, %parallel_loop3A_207 : i32
        %parallel_loop3A_729 = arith.constant 2 : i32
        %parallel_loop3A_730 = arith.addi %parallel_loop3A_728, %parallel_loop3A_729 : i32
        %parallel_loop3A_731 = arith.index_cast %parallel_loop3A_730 : i32 to index
        %parallel_loop3A_732 = arith.constant 80 : index
        %parallel_loop3A_733 = tpu.vector_load %arg8[%parallel_loop3A_731, %parallel_loop3A_732] {strides = array<i32>} : memref<128x128xf32, #tpu.memory_space<vmem>>, vector<1x16xf32>,
        %parallel_loop3A_734 = vector.shape_cast %parallel_loop3A_733 : vector<1x16xf32> to vector<16xf32>
        %parallel_loop3A_735 = vector.shape_cast %parallel_loop3A_726 : vector<16xf32> to vector<1x16xf32>
        tpu.vector_store %arg8[%parallel_loop3A_731, %parallel_loop3A_732], %parallel_loop3A_735 {strides = array<i32>} : memref<128x128xf32, #tpu.memory_space<vmem>>, vector<1x16xf32>,
        %parallel_loop3A_736 = arith.constant 2 : i32
        %parallel_loop3A_737 = arith.addi %parallel_loop3A_207, %parallel_loop3A_736 : i32
        %parallel_loop3A_738 = arith.index_cast %parallel_loop3A_737 : i32 to index
        %parallel_loop3A_739 = arith.constant 96 : index
        %parallel_loop3A_740 = tpu.vector_load %arg8[%parallel_loop3A_738, %parallel_loop3A_739] {strides = array<i32>} : memref<128x128xf32, #tpu.memory_space<vmem>>, vector<1x16xf32>,
        %parallel_loop3A_741 = vector.shape_cast %parallel_loop3A_740 : vector<1x16xf32> to vector<16xf32>
        %parallel_loop3A_742 = arith.constant 64 : i32
        %parallel_loop3A_743 = arith.addi %parallel_loop3A_742, %parallel_loop3A_207 : i32
        %parallel_loop3A_744 = arith.constant 2 : i32
        %parallel_loop3A_745 = arith.addi %parallel_loop3A_743, %parallel_loop3A_744 : i32
        %parallel_loop3A_746 = arith.index_cast %parallel_loop3A_745 : i32 to index
        %parallel_loop3A_747 = arith.constant 96 : index
        %parallel_loop3A_748 = tpu.vector_load %arg8[%parallel_loop3A_746, %parallel_loop3A_747] {strides = array<i32>} : memref<128x128xf32, #tpu.memory_space<vmem>>, vector<1x16xf32>,
        %parallel_loop3A_749 = vector.shape_cast %parallel_loop3A_748 : vector<1x16xf32> to vector<16xf32>
        %parallel_loop3A_750 = arith.subf %parallel_loop3A_741, %parallel_loop3A_749 : vector<16xf32>
        %parallel_loop3A_751 = arith.constant 64 : i32
        %parallel_loop3A_752 = arith.addi %parallel_loop3A_751, %parallel_loop3A_207 : i32
        %parallel_loop3A_753 = arith.constant 2 : i32
        %parallel_loop3A_754 = arith.addi %parallel_loop3A_752, %parallel_loop3A_753 : i32
        %parallel_loop3A_755 = arith.index_cast %parallel_loop3A_754 : i32 to index
        %parallel_loop3A_756 = arith.constant 96 : index
        %parallel_loop3A_757 = tpu.vector_load %arg8[%parallel_loop3A_755, %parallel_loop3A_756] {strides = array<i32>} : memref<128x128xf32, #tpu.memory_space<vmem>>, vector<1x16xf32>,
        %parallel_loop3A_758 = vector.shape_cast %parallel_loop3A_757 : vector<1x16xf32> to vector<16xf32>
        %parallel_loop3A_759 = vector.shape_cast %parallel_loop3A_750 : vector<16xf32> to vector<1x16xf32>
        tpu.vector_store %arg8[%parallel_loop3A_755, %parallel_loop3A_756], %parallel_loop3A_759 {strides = array<i32>} : memref<128x128xf32, #tpu.memory_space<vmem>>, vector<1x16xf32>,
        %parallel_loop3A_760 = arith.constant 2 : i32
        %parallel_loop3A_761 = arith.addi %parallel_loop3A_207, %parallel_loop3A_760 : i32
        %parallel_loop3A_762 = arith.index_cast %parallel_loop3A_761 : i32 to index
        %parallel_loop3A_763 = arith.constant 112 : index
        %parallel_loop3A_764 = tpu.vector_load %arg8[%parallel_loop3A_762, %parallel_loop3A_763] {strides = array<i32>} : memref<128x128xf32, #tpu.memory_space<vmem>>, vector<1x16xf32>,
        %parallel_loop3A_765 = vector.shape_cast %parallel_loop3A_764 : vector<1x16xf32> to vector<16xf32>
        %parallel_loop3A_766 = arith.constant 64 : i32
        %parallel_loop3A_767 = arith.addi %parallel_loop3A_766, %parallel_loop3A_207 : i32
        %parallel_loop3A_768 = arith.constant 2 : i32
        %parallel_loop3A_769 = arith.addi %parallel_loop3A_767, %parallel_loop3A_768 : i32
        %parallel_loop3A_770 = arith.index_cast %parallel_loop3A_769 : i32 to index
        %parallel_loop3A_771 = arith.constant 112 : index
        %parallel_loop3A_772 = tpu.vector_load %arg8[%parallel_loop3A_770, %parallel_loop3A_771] {strides = array<i32>} : memref<128x128xf32, #tpu.memory_space<vmem>>, vector<1x16xf32>,
        %parallel_loop3A_773 = vector.shape_cast %parallel_loop3A_772 : vector<1x16xf32> to vector<16xf32>
        %parallel_loop3A_774 = arith.subf %parallel_loop3A_765, %parallel_loop3A_773 : vector<16xf32>
        %parallel_loop3A_775 = arith.constant 64 : i32
        %parallel_loop3A_776 = arith.addi %parallel_loop3A_775, %parallel_loop3A_207 : i32
        %parallel_loop3A_777 = arith.constant 2 : i32
        %parallel_loop3A_778 = arith.addi %parallel_loop3A_776, %parallel_loop3A_777 : i32
        %parallel_loop3A_779 = arith.index_cast %parallel_loop3A_778 : i32 to index
        %parallel_loop3A_780 = arith.constant 112 : index
        %parallel_loop3A_781 = tpu.vector_load %arg8[%parallel_loop3A_779, %parallel_loop3A_780] {strides = array<i32>} : memref<128x128xf32, #tpu.memory_space<vmem>>, vector<1x16xf32>,
        %parallel_loop3A_782 = vector.shape_cast %parallel_loop3A_781 : vector<1x16xf32> to vector<16xf32>
        %parallel_loop3A_783 = vector.shape_cast %parallel_loop3A_774 : vector<16xf32> to vector<1x16xf32>
        tpu.vector_store %arg8[%parallel_loop3A_779, %parallel_loop3A_780], %parallel_loop3A_783 {strides = array<i32>} : memref<128x128xf32, #tpu.memory_space<vmem>>, vector<1x16xf32>,
        %parallel_loop3A_784 = arith.constant 3 : i32
        %parallel_loop3A_785 = arith.addi %parallel_loop3A_207, %parallel_loop3A_784 : i32
        %parallel_loop3A_786 = arith.index_cast %parallel_loop3A_785 : i32 to index
        %parallel_loop3A_787 = arith.constant 0 : index
        %parallel_loop3A_788 = tpu.vector_load %arg8[%parallel_loop3A_786, %parallel_loop3A_787] {strides = array<i32>} : memref<128x128xf32, #tpu.memory_space<vmem>>, vector<1x16xf32>,
        %parallel_loop3A_789 = vector.shape_cast %parallel_loop3A_788 : vector<1x16xf32> to vector<16xf32>
        %parallel_loop3A_790 = arith.constant 64 : i32
        %parallel_loop3A_791 = arith.addi %parallel_loop3A_790, %parallel_loop3A_207 : i32
        %parallel_loop3A_792 = arith.constant 3 : i32
        %parallel_loop3A_793 = arith.addi %parallel_loop3A_791, %parallel_loop3A_792 : i32
        %parallel_loop3A_794 = arith.index_cast %parallel_loop3A_793 : i32 to index
        %parallel_loop3A_795 = arith.constant 0 : index
        %parallel_loop3A_796 = tpu.vector_load %arg8[%parallel_loop3A_794, %parallel_loop3A_795] {strides = array<i32>} : memref<128x128xf32, #tpu.memory_space<vmem>>, vector<1x16xf32>,
        %parallel_loop3A_797 = vector.shape_cast %parallel_loop3A_796 : vector<1x16xf32> to vector<16xf32>
        %parallel_loop3A_798 = arith.subf %parallel_loop3A_789, %parallel_loop3A_797 : vector<16xf32>
        %parallel_loop3A_799 = arith.constant 64 : i32
        %parallel_loop3A_800 = arith.addi %parallel_loop3A_799, %parallel_loop3A_207 : i32
        %parallel_loop3A_801 = arith.constant 3 : i32
        %parallel_loop3A_802 = arith.addi %parallel_loop3A_800, %parallel_loop3A_801 : i32
        %parallel_loop3A_803 = arith.index_cast %parallel_loop3A_802 : i32 to index
        %parallel_loop3A_804 = arith.constant 0 : index
        %parallel_loop3A_805 = tpu.vector_load %arg8[%parallel_loop3A_803, %parallel_loop3A_804] {strides = array<i32>} : memref<128x128xf32, #tpu.memory_space<vmem>>, vector<1x16xf32>,
        %parallel_loop3A_806 = vector.shape_cast %parallel_loop3A_805 : vector<1x16xf32> to vector<16xf32>
        %parallel_loop3A_807 = vector.shape_cast %parallel_loop3A_798 : vector<16xf32> to vector<1x16xf32>
        tpu.vector_store %arg8[%parallel_loop3A_803, %parallel_loop3A_804], %parallel_loop3A_807 {strides = array<i32>} : memref<128x128xf32, #tpu.memory_space<vmem>>, vector<1x16xf32>,
        %parallel_loop3A_808 = arith.constant 3 : i32
        %parallel_loop3A_809 = arith.addi %parallel_loop3A_207, %parallel_loop3A_808 : i32
        %parallel_loop3A_810 = arith.index_cast %parallel_loop3A_809 : i32 to index
        %parallel_loop3A_811 = arith.constant 16 : index
        %parallel_loop3A_812 = tpu.vector_load %arg8[%parallel_loop3A_810, %parallel_loop3A_811] {strides = array<i32>} : memref<128x128xf32, #tpu.memory_space<vmem>>, vector<1x16xf32>,
        %parallel_loop3A_813 = vector.shape_cast %parallel_loop3A_812 : vector<1x16xf32> to vector<16xf32>
        %parallel_loop3A_814 = arith.constant 64 : i32
        %parallel_loop3A_815 = arith.addi %parallel_loop3A_814, %parallel_loop3A_207 : i32
        %parallel_loop3A_816 = arith.constant 3 : i32
        %parallel_loop3A_817 = arith.addi %parallel_loop3A_815, %parallel_loop3A_816 : i32
        %parallel_loop3A_818 = arith.index_cast %parallel_loop3A_817 : i32 to index
        %parallel_loop3A_819 = arith.constant 16 : index
        %parallel_loop3A_820 = tpu.vector_load %arg8[%parallel_loop3A_818, %parallel_loop3A_819] {strides = array<i32>} : memref<128x128xf32, #tpu.memory_space<vmem>>, vector<1x16xf32>,
        %parallel_loop3A_821 = vector.shape_cast %parallel_loop3A_820 : vector<1x16xf32> to vector<16xf32>
        %parallel_loop3A_822 = arith.subf %parallel_loop3A_813, %parallel_loop3A_821 : vector<16xf32>
        %parallel_loop3A_823 = arith.constant 64 : i32
        %parallel_loop3A_824 = arith.addi %parallel_loop3A_823, %parallel_loop3A_207 : i32
        %parallel_loop3A_825 = arith.constant 3 : i32
        %parallel_loop3A_826 = arith.addi %parallel_loop3A_824, %parallel_loop3A_825 : i32
        %parallel_loop3A_827 = arith.index_cast %parallel_loop3A_826 : i32 to index
        %parallel_loop3A_828 = arith.constant 16 : index
        %parallel_loop3A_829 = tpu.vector_load %arg8[%parallel_loop3A_827, %parallel_loop3A_828] {strides = array<i32>} : memref<128x128xf32, #tpu.memory_space<vmem>>, vector<1x16xf32>,
        %parallel_loop3A_830 = vector.shape_cast %parallel_loop3A_829 : vector<1x16xf32> to vector<16xf32>
        %parallel_loop3A_831 = vector.shape_cast %parallel_loop3A_822 : vector<16xf32> to vector<1x16xf32>
        tpu.vector_store %arg8[%parallel_loop3A_827, %parallel_loop3A_828], %parallel_loop3A_831 {strides = array<i32>} : memref<128x128xf32, #tpu.memory_space<vmem>>, vector<1x16xf32>,
        %parallel_loop3A_832 = arith.constant 3 : i32
        %parallel_loop3A_833 = arith.addi %parallel_loop3A_207, %parallel_loop3A_832 : i32
        %parallel_loop3A_834 = arith.index_cast %parallel_loop3A_833 : i32 to index
        %parallel_loop3A_835 = arith.constant 32 : index
        %parallel_loop3A_836 = tpu.vector_load %arg8[%parallel_loop3A_834, %parallel_loop3A_835] {strides = array<i32>} : memref<128x128xf32, #tpu.memory_space<vmem>>, vector<1x16xf32>,
        %parallel_loop3A_837 = vector.shape_cast %parallel_loop3A_836 : vector<1x16xf32> to vector<16xf32>
        %parallel_loop3A_838 = arith.constant 64 : i32
        %parallel_loop3A_839 = arith.addi %parallel_loop3A_838, %parallel_loop3A_207 : i32
        %parallel_loop3A_840 = arith.constant 3 : i32
        %parallel_loop3A_841 = arith.addi %parallel_loop3A_839, %parallel_loop3A_840 : i32
        %parallel_loop3A_842 = arith.index_cast %parallel_loop3A_841 : i32 to index
        %parallel_loop3A_843 = arith.constant 32 : index
        %parallel_loop3A_844 = tpu.vector_load %arg8[%parallel_loop3A_842, %parallel_loop3A_843] {strides = array<i32>} : memref<128x128xf32, #tpu.memory_space<vmem>>, vector<1x16xf32>,
        %parallel_loop3A_845 = vector.shape_cast %parallel_loop3A_844 : vector<1x16xf32> to vector<16xf32>
        %parallel_loop3A_846 = arith.subf %parallel_loop3A_837, %parallel_loop3A_845 : vector<16xf32>
        %parallel_loop3A_847 = arith.constant 64 : i32
        %parallel_loop3A_848 = arith.addi %parallel_loop3A_847, %parallel_loop3A_207 : i32
        %parallel_loop3A_849 = arith.constant 3 : i32
        %parallel_loop3A_850 = arith.addi %parallel_loop3A_848, %parallel_loop3A_849 : i32
        %parallel_loop3A_851 = arith.index_cast %parallel_loop3A_850 : i32 to index
        %parallel_loop3A_852 = arith.constant 32 : index
        %parallel_loop3A_853 = tpu.vector_load %arg8[%parallel_loop3A_851, %parallel_loop3A_852] {strides = array<i32>} : memref<128x128xf32, #tpu.memory_space<vmem>>, vector<1x16xf32>,
        %parallel_loop3A_854 = vector.shape_cast %parallel_loop3A_853 : vector<1x16xf32> to vector<16xf32>
        %parallel_loop3A_855 = vector.shape_cast %parallel_loop3A_846 : vector<16xf32> to vector<1x16xf32>
        tpu.vector_store %arg8[%parallel_loop3A_851, %parallel_loop3A_852], %parallel_loop3A_855 {strides = array<i32>} : memref<128x128xf32, #tpu.memory_space<vmem>>, vector<1x16xf32>,
        %parallel_loop3A_856 = arith.constant 3 : i32
        %parallel_loop3A_857 = arith.addi %parallel_loop3A_207, %parallel_loop3A_856 : i32
        %parallel_loop3A_858 = arith.index_cast %parallel_loop3A_857 : i32 to index
        %parallel_loop3A_859 = arith.constant 48 : index
        %parallel_loop3A_860 = tpu.vector_load %arg8[%parallel_loop3A_858, %parallel_loop3A_859] {strides = array<i32>} : memref<128x128xf32, #tpu.memory_space<vmem>>, vector<1x16xf32>,
        %parallel_loop3A_861 = vector.shape_cast %parallel_loop3A_860 : vector<1x16xf32> to vector<16xf32>
        %parallel_loop3A_862 = arith.constant 64 : i32
        %parallel_loop3A_863 = arith.addi %parallel_loop3A_862, %parallel_loop3A_207 : i32
        %parallel_loop3A_864 = arith.constant 3 : i32
        %parallel_loop3A_865 = arith.addi %parallel_loop3A_863, %parallel_loop3A_864 : i32
        %parallel_loop3A_866 = arith.index_cast %parallel_loop3A_865 : i32 to index
        %parallel_loop3A_867 = arith.constant 48 : index
        %parallel_loop3A_868 = tpu.vector_load %arg8[%parallel_loop3A_866, %parallel_loop3A_867] {strides = array<i32>} : memref<128x128xf32, #tpu.memory_space<vmem>>, vector<1x16xf32>,
        %parallel_loop3A_869 = vector.shape_cast %parallel_loop3A_868 : vector<1x16xf32> to vector<16xf32>
        %parallel_loop3A_870 = arith.subf %parallel_loop3A_861, %parallel_loop3A_869 : vector<16xf32>
        %parallel_loop3A_871 = arith.constant 64 : i32
        %parallel_loop3A_872 = arith.addi %parallel_loop3A_871, %parallel_loop3A_207 : i32
        %parallel_loop3A_873 = arith.constant 3 : i32
        %parallel_loop3A_874 = arith.addi %parallel_loop3A_872, %parallel_loop3A_873 : i32
        %parallel_loop3A_875 = arith.index_cast %parallel_loop3A_874 : i32 to index
        %parallel_loop3A_876 = arith.constant 48 : index
        %parallel_loop3A_877 = tpu.vector_load %arg8[%parallel_loop3A_875, %parallel_loop3A_876] {strides = array<i32>} : memref<128x128xf32, #tpu.memory_space<vmem>>, vector<1x16xf32>,
        %parallel_loop3A_878 = vector.shape_cast %parallel_loop3A_877 : vector<1x16xf32> to vector<16xf32>
        %parallel_loop3A_879 = vector.shape_cast %parallel_loop3A_870 : vector<16xf32> to vector<1x16xf32>
        tpu.vector_store %arg8[%parallel_loop3A_875, %parallel_loop3A_876], %parallel_loop3A_879 {strides = array<i32>} : memref<128x128xf32, #tpu.memory_space<vmem>>, vector<1x16xf32>,
        %parallel_loop3A_880 = arith.constant 3 : i32
        %parallel_loop3A_881 = arith.addi %parallel_loop3A_207, %parallel_loop3A_880 : i32
        %parallel_loop3A_882 = arith.index_cast %parallel_loop3A_881 : i32 to index
        %parallel_loop3A_883 = arith.constant 64 : index
        %parallel_loop3A_884 = tpu.vector_load %arg8[%parallel_loop3A_882, %parallel_loop3A_883] {strides = array<i32>} : memref<128x128xf32, #tpu.memory_space<vmem>>, vector<1x16xf32>,
        %parallel_loop3A_885 = vector.shape_cast %parallel_loop3A_884 : vector<1x16xf32> to vector<16xf32>
        %parallel_loop3A_886 = arith.constant 64 : i32
        %parallel_loop3A_887 = arith.addi %parallel_loop3A_886, %parallel_loop3A_207 : i32
        %parallel_loop3A_888 = arith.constant 3 : i32
        %parallel_loop3A_889 = arith.addi %parallel_loop3A_887, %parallel_loop3A_888 : i32
        %parallel_loop3A_890 = arith.index_cast %parallel_loop3A_889 : i32 to index
        %parallel_loop3A_891 = arith.constant 64 : index
        %parallel_loop3A_892 = tpu.vector_load %arg8[%parallel_loop3A_890, %parallel_loop3A_891] {strides = array<i32>} : memref<128x128xf32, #tpu.memory_space<vmem>>, vector<1x16xf32>,
        %parallel_loop3A_893 = vector.shape_cast %parallel_loop3A_892 : vector<1x16xf32> to vector<16xf32>
        %parallel_loop3A_894 = arith.subf %parallel_loop3A_885, %parallel_loop3A_893 : vector<16xf32>
        %parallel_loop3A_895 = arith.constant 64 : i32
        %parallel_loop3A_896 = arith.addi %parallel_loop3A_895, %parallel_loop3A_207 : i32
        %parallel_loop3A_897 = arith.constant 3 : i32
        %parallel_loop3A_898 = arith.addi %parallel_loop3A_896, %parallel_loop3A_897 : i32
        %parallel_loop3A_899 = arith.index_cast %parallel_loop3A_898 : i32 to index
        %parallel_loop3A_900 = arith.constant 64 : index
        %parallel_loop3A_901 = tpu.vector_load %arg8[%parallel_loop3A_899, %parallel_loop3A_900] {strides = array<i32>} : memref<128x128xf32, #tpu.memory_space<vmem>>, vector<1x16xf32>,
        %parallel_loop3A_902 = vector.shape_cast %parallel_loop3A_901 : vector<1x16xf32> to vector<16xf32>
        %parallel_loop3A_903 = vector.shape_cast %parallel_loop3A_894 : vector<16xf32> to vector<1x16xf32>
        tpu.vector_store %arg8[%parallel_loop3A_899, %parallel_loop3A_900], %parallel_loop3A_903 {strides = array<i32>} : memref<128x128xf32, #tpu.memory_space<vmem>>, vector<1x16xf32>,
        %parallel_loop3A_904 = arith.constant 3 : i32
        %parallel_loop3A_905 = arith.addi %parallel_loop3A_207, %parallel_loop3A_904 : i32
        %parallel_loop3A_906 = arith.index_cast %parallel_loop3A_905 : i32 to index
        %parallel_loop3A_907 = arith.constant 80 : index
        %parallel_loop3A_908 = tpu.vector_load %arg8[%parallel_loop3A_906, %parallel_loop3A_907] {strides = array<i32>} : memref<128x128xf32, #tpu.memory_space<vmem>>, vector<1x16xf32>,
        %parallel_loop3A_909 = vector.shape_cast %parallel_loop3A_908 : vector<1x16xf32> to vector<16xf32>
        %parallel_loop3A_910 = arith.constant 64 : i32
        %parallel_loop3A_911 = arith.addi %parallel_loop3A_910, %parallel_loop3A_207 : i32
        %parallel_loop3A_912 = arith.constant 3 : i32
        %parallel_loop3A_913 = arith.addi %parallel_loop3A_911, %parallel_loop3A_912 : i32
        %parallel_loop3A_914 = arith.index_cast %parallel_loop3A_913 : i32 to index
        %parallel_loop3A_915 = arith.constant 80 : index
        %parallel_loop3A_916 = tpu.vector_load %arg8[%parallel_loop3A_914, %parallel_loop3A_915] {strides = array<i32>} : memref<128x128xf32, #tpu.memory_space<vmem>>, vector<1x16xf32>,
        %parallel_loop3A_917 = vector.shape_cast %parallel_loop3A_916 : vector<1x16xf32> to vector<16xf32>
        %parallel_loop3A_918 = arith.subf %parallel_loop3A_909, %parallel_loop3A_917 : vector<16xf32>
        %parallel_loop3A_919 = arith.constant 64 : i32
        %parallel_loop3A_920 = arith.addi %parallel_loop3A_919, %parallel_loop3A_207 : i32
        %parallel_loop3A_921 = arith.constant 3 : i32
        %parallel_loop3A_922 = arith.addi %parallel_loop3A_920, %parallel_loop3A_921 : i32
        %parallel_loop3A_923 = arith.index_cast %parallel_loop3A_922 : i32 to index
        %parallel_loop3A_924 = arith.constant 80 : index
        %parallel_loop3A_925 = tpu.vector_load %arg8[%parallel_loop3A_923, %parallel_loop3A_924] {strides = array<i32>} : memref<128x128xf32, #tpu.memory_space<vmem>>, vector<1x16xf32>,
        %parallel_loop3A_926 = vector.shape_cast %parallel_loop3A_925 : vector<1x16xf32> to vector<16xf32>
        %parallel_loop3A_927 = vector.shape_cast %parallel_loop3A_918 : vector<16xf32> to vector<1x16xf32>
        tpu.vector_store %arg8[%parallel_loop3A_923, %parallel_loop3A_924], %parallel_loop3A_927 {strides = array<i32>} : memref<128x128xf32, #tpu.memory_space<vmem>>, vector<1x16xf32>,
        %parallel_loop3A_928 = arith.constant 3 : i32
        %parallel_loop3A_929 = arith.addi %parallel_loop3A_207, %parallel_loop3A_928 : i32
        %parallel_loop3A_930 = arith.index_cast %parallel_loop3A_929 : i32 to index
        %parallel_loop3A_931 = arith.constant 96 : index
        %parallel_loop3A_932 = tpu.vector_load %arg8[%parallel_loop3A_930, %parallel_loop3A_931] {strides = array<i32>} : memref<128x128xf32, #tpu.memory_space<vmem>>, vector<1x16xf32>,
        %parallel_loop3A_933 = vector.shape_cast %parallel_loop3A_932 : vector<1x16xf32> to vector<16xf32>
        %parallel_loop3A_934 = arith.constant 64 : i32
        %parallel_loop3A_935 = arith.addi %parallel_loop3A_934, %parallel_loop3A_207 : i32
        %parallel_loop3A_936 = arith.constant 3 : i32
        %parallel_loop3A_937 = arith.addi %parallel_loop3A_935, %parallel_loop3A_936 : i32
        %parallel_loop3A_938 = arith.index_cast %parallel_loop3A_937 : i32 to index
        %parallel_loop3A_939 = arith.constant 96 : index
        %parallel_loop3A_940 = tpu.vector_load %arg8[%parallel_loop3A_938, %parallel_loop3A_939] {strides = array<i32>} : memref<128x128xf32, #tpu.memory_space<vmem>>, vector<1x16xf32>,
        %parallel_loop3A_941 = vector.shape_cast %parallel_loop3A_940 : vector<1x16xf32> to vector<16xf32>
        %parallel_loop3A_942 = arith.subf %parallel_loop3A_933, %parallel_loop3A_941 : vector<16xf32>
        %parallel_loop3A_943 = arith.constant 64 : i32
        %parallel_loop3A_944 = arith.addi %parallel_loop3A_943, %parallel_loop3A_207 : i32
        %parallel_loop3A_945 = arith.constant 3 : i32
        %parallel_loop3A_946 = arith.addi %parallel_loop3A_944, %parallel_loop3A_945 : i32
        %parallel_loop3A_947 = arith.index_cast %parallel_loop3A_946 : i32 to index
        %parallel_loop3A_948 = arith.constant 96 : index
        %parallel_loop3A_949 = tpu.vector_load %arg8[%parallel_loop3A_947, %parallel_loop3A_948] {strides = array<i32>} : memref<128x128xf32, #tpu.memory_space<vmem>>, vector<1x16xf32>,
        %parallel_loop3A_950 = vector.shape_cast %parallel_loop3A_949 : vector<1x16xf32> to vector<16xf32>
        %parallel_loop3A_951 = vector.shape_cast %parallel_loop3A_942 : vector<16xf32> to vector<1x16xf32>
        tpu.vector_store %arg8[%parallel_loop3A_947, %parallel_loop3A_948], %parallel_loop3A_951 {strides = array<i32>} : memref<128x128xf32, #tpu.memory_space<vmem>>, vector<1x16xf32>,
        %parallel_loop3A_952 = arith.constant 3 : i32
        %parallel_loop3A_953 = arith.addi %parallel_loop3A_207, %parallel_loop3A_952 : i32
        %parallel_loop3A_954 = arith.index_cast %parallel_loop3A_953 : i32 to index
        %parallel_loop3A_955 = arith.constant 112 : index
        %parallel_loop3A_956 = tpu.vector_load %arg8[%parallel_loop3A_954, %parallel_loop3A_955] {strides = array<i32>} : memref<128x128xf32, #tpu.memory_space<vmem>>, vector<1x16xf32>,
        %parallel_loop3A_957 = vector.shape_cast %parallel_loop3A_956 : vector<1x16xf32> to vector<16xf32>
        %parallel_loop3A_958 = arith.constant 64 : i32
        %parallel_loop3A_959 = arith.addi %parallel_loop3A_958, %parallel_loop3A_207 : i32
        %parallel_loop3A_960 = arith.constant 3 : i32
        %parallel_loop3A_961 = arith.addi %parallel_loop3A_959, %parallel_loop3A_960 : i32
        %parallel_loop3A_962 = arith.index_cast %parallel_loop3A_961 : i32 to index
        %parallel_loop3A_963 = arith.constant 112 : index
        %parallel_loop3A_964 = tpu.vector_load %arg8[%parallel_loop3A_962, %parallel_loop3A_963] {strides = array<i32>} : memref<128x128xf32, #tpu.memory_space<vmem>>, vector<1x16xf32>,
        %parallel_loop3A_965 = vector.shape_cast %parallel_loop3A_964 : vector<1x16xf32> to vector<16xf32>
        %parallel_loop3A_966 = arith.subf %parallel_loop3A_957, %parallel_loop3A_965 : vector<16xf32>
        %parallel_loop3A_967 = arith.constant 64 : i32
        %parallel_loop3A_968 = arith.addi %parallel_loop3A_967, %parallel_loop3A_207 : i32
        %parallel_loop3A_969 = arith.constant 3 : i32
        %parallel_loop3A_970 = arith.addi %parallel_loop3A_968, %parallel_loop3A_969 : i32
        %parallel_loop3A_971 = arith.index_cast %parallel_loop3A_970 : i32 to index
        %parallel_loop3A_972 = arith.constant 112 : index
        %parallel_loop3A_973 = tpu.vector_load %arg8[%parallel_loop3A_971, %parallel_loop3A_972] {strides = array<i32>} : memref<128x128xf32, #tpu.memory_space<vmem>>, vector<1x16xf32>,
        %parallel_loop3A_974 = vector.shape_cast %parallel_loop3A_973 : vector<1x16xf32> to vector<16xf32>
        %parallel_loop3A_975 = vector.shape_cast %parallel_loop3A_966 : vector<16xf32> to vector<1x16xf32>
        tpu.vector_store %arg8[%parallel_loop3A_971, %parallel_loop3A_972], %parallel_loop3A_975 {strides = array<i32>} : memref<128x128xf32, #tpu.memory_space<vmem>>, vector<1x16xf32>,
      } {sc.loop_unroll_factor = 1 : i64, sc.parallel_access}
      %dma_start3A_178 = arith.constant 64 : i32
      %dma_start3A_179 = arith.constant 0 : i32
      %dma_start3A_180 = tpu.memref_slice %arg8[%dma_start3A_178, %dma_start3A_179] : memref<128x128xf32, #tpu.memory_space<vmem>> -> memref<64x128xf32, #tpu.memory_space<vmem>>
      %dma_start3A_181 = arith.constant 0 : i32
      %dma_start3A_182 = arith.constant 0 : i32
      %dma_start3A_183 = tpu.memref_slice %arg11[%dma_start3A_181, %dma_start3A_182] : memref<10240x128xf32, #tpu.memory_space<vmem_shared>> -> memref<10240x128xf32, #tpu.memory_space<vmem_shared>>
      tpu.enqueue_indirect_dma source(%dma_start3A_180 : memref<64x128xf32, #tpu.memory_space<vmem>>) target(%dma_start3A_183 : memref<10240x128xf32, #tpu.memory_space<vmem_shared>>) offsets(%arg7 : memref<64xi32, #tpu.memory_space<vmem>>) semaphore(%arg14 : memref<!tpu.dma_semaphore, #tpu.memory_space<semaphore_mem>>) {add = true}
      %add3A_184 = arith.constant 2 : i32
      %add3A_185 = arith.addi %mul3A_146, %add3A_184 : i32
      %lt3A = arith.cmpi slt, %add3A_185, %select_n3A_8 : i32
      %convert_element_type3A_186 = arith.extui %lt3A : i1 to i32
      %cond3A_187 = arith.constant 0 : i32
      %cond3A_188 = arith.cmpi ne, %convert_element_type3A_186, %cond3A_187 : i32
      scf.if %cond3A_188 {
        %add3A_207 = arith.constant 2 : i32
        %add3A_208 = arith.addi %mul3A_146, %add3A_207 : i32
        %dma_wait3A_209 = arith.constant 64 : i32
        %dma_wait3A_210 = arith.constant 0 : i32
        %dma_wait3A_211 = tpu.memref_slice %arg8[%dma_wait3A_209, %dma_wait3A_210] : memref<128x128xf32, #tpu.memory_space<vmem>> -> memref<64x128xf32, #tpu.memory_space<vmem>>
        %dma_wait3A_212 = arith.constant 0 : i32
        %dma_wait3A_213 = arith.constant 0 : i32
        %dma_wait3A_214 = tpu.memref_slice %arg11[%dma_wait3A_212, %dma_wait3A_213] : memref<10240x128xf32, #tpu.memory_space<vmem_shared>> -> memref<10240x128xf32, #tpu.memory_space<vmem_shared>>
        tpu.wait_indirect_dma semaphore(%arg14 : memref<!tpu.dma_semaphore, #tpu.memory_space<semaphore_mem>>) src(%dma_wait3A_211 : memref<64x128xf32, #tpu.memory_space<vmem>>) dst(%dma_wait3A_214 : memref<10240x128xf32, #tpu.memory_space<vmem_shared>>)
        %mul3A_215 = arith.constant 64 : i32
        %mul3A_216 = arith.muli %add3A_208, %mul3A_215 : i32
        %add3A_217 = arith.addi %mul3A_40, %mul3A_216 : i32
        %dma_start3A_218 = tpu.memref_slice %arg4[%add3A_217] : memref<163840xi32, #tpu.memory_space<hbm>> -> memref<64xi32, #tpu.memory_space<hbm>>
        %dma_start3A_219 = tpu.memref_slice %arg4[%add3A_217] : memref<163840xi32, #tpu.memory_space<hbm>> -> memref<64xi32, #tpu.memory_space<hbm>>
        tpu.enqueue_dma source(%dma_start3A_219 : memref<64xi32, #tpu.memory_space<hbm>>) target(%arg7 : memref<64xi32, #tpu.memory_space<vmem>>) target_semaphore(%arg12 : memref<!tpu.dma_semaphore, #tpu.memory_space<semaphore_mem>>)
        %dma_start3A_220 = arith.constant 0 : i32
        %dma_start3A_221 = tpu.memref_slice %arg6[%add3A_208, %dma_start3A_220] : memref<120x128xi32, #tpu.memory_space<vmem>> -> memref<1x128xi32, #tpu.memory_space<vmem>>
        %dma_start3A_222 = tpu.memref_squeeze %dma_start3A_221 : memref<1x128xi32, #tpu.memory_space<vmem>> -> memref<128xi32, #tpu.memory_space<vmem>>
        %dma_start3A_223 = arith.constant 0 : i32
        %dma_start3A_224 = arith.constant 0 : i32
        %dma_start3A_225 = tpu.memref_slice %arg2[%dma_start3A_223, %dma_start3A_224] : memref<10200x128xf32, #tpu.memory_space<hbm>> -> memref<10200x128xf32, #tpu.memory_space<hbm>>
        tpu.enqueue_indirect_dma source(%dma_start3A_225 : memref<10200x128xf32, #tpu.memory_space<hbm>>) target(%arg8 : memref<128x128xf32, #tpu.memory_space<vmem>>) offsets(%dma_start3A_222 : memref<128xi32, #tpu.memory_space<vmem>>) semaphore(%arg12 : memref<!tpu.dma_semaphore, #tpu.memory_space<semaphore_mem>>)
      } else {
      }
      %dma_wait3A_189 = tpu.memref_slice %arg4[%mul3A_40] : memref<163840xi32, #tpu.memory_space<hbm>> -> memref<64xi32, #tpu.memory_space<hbm>>
      %dma_wait3A_190 = tpu.memref_slice %arg4[%mul3A_40] : memref<163840xi32, #tpu.memory_space<hbm>> -> memref<64xi32, #tpu.memory_space<hbm>>
      tpu.wait_dma2 semaphore(%arg13 : memref<!tpu.dma_semaphore, #tpu.memory_space<semaphore_mem>>) src(%dma_wait3A_190 : memref<64xi32, #tpu.memory_space<hbm>>) dst(%arg9 : memref<64xi32, #tpu.memory_space<vmem>>)
      %dma_wait3A_191 = arith.constant 0 : i32
      %dma_wait3A_192 = arith.constant 0 : i32
      %dma_wait3A_193 = tpu.memref_slice %arg6[%dma_wait3A_191, %dma_wait3A_192] : memref<120x128xi32, #tpu.memory_space<vmem>> -> memref<1x128xi32, #tpu.memory_space<vmem>>
      %dma_wait3A_194 = tpu.memref_squeeze %dma_wait3A_193 : memref<1x128xi32, #tpu.memory_space<vmem>> -> memref<128xi32, #tpu.memory_space<vmem>>
      %dma_wait3A_195 = arith.constant 0 : i32
      %dma_wait3A_196 = arith.constant 0 : i32
      %dma_wait3A_197 = tpu.memref_slice %arg2[%dma_wait3A_195, %dma_wait3A_196] : memref<10200x128xf32, #tpu.memory_space<hbm>> -> memref<10200x128xf32, #tpu.memory_space<hbm>>
      tpu.wait_indirect_dma semaphore(%arg13 : memref<!tpu.dma_semaphore, #tpu.memory_space<semaphore_mem>>) src(%dma_wait3A_197 : memref<10200x128xf32, #tpu.memory_space<hbm>>) dst(%arg10 : memref<128x128xf32, #tpu.memory_space<vmem>>)
      %parallel_loop3A_198 = arith.constant 0 : i32
      %parallel_loop3A_199 = arith.constant 64 : i32
      %parallel_loop3A_200 = arith.constant 4 : i32
      scf.for %parallel_loop3A_207 = %parallel_loop3A_198 to %parallel_loop3A_199 step %parallel_loop3A_200  : i32 {
        %parallel_loop3A_208 = arith.constant 0 : i32
        %parallel_loop3A_209 = arith.addi %parallel_loop3A_207, %parallel_loop3A_208 : i32
        %parallel_loop3A_210 = arith.index_cast %parallel_loop3A_209 : i32 to index
        %parallel_loop3A_211 = arith.constant 0 : index
        %parallel_loop3A_212 = tpu.vector_load %arg10[%parallel_loop3A_210, %parallel_loop3A_211] {strides = array<i32>} : memref<128x128xf32, #tpu.memory_space<vmem>>, vector<1x16xf32>,
        %parallel_loop3A_213 = vector.shape_cast %parallel_loop3A_212 : vector<1x16xf32> to vector<16xf32>
        %parallel_loop3A_214 = arith.constant 64 : i32
        %parallel_loop3A_215 = arith.addi %parallel_loop3A_214, %parallel_loop3A_207 : i32
        %parallel_loop3A_216 = arith.constant 0 : i32
        %parallel_loop3A_217 = arith.addi %parallel_loop3A_215, %parallel_loop3A_216 : i32
        %parallel_loop3A_218 = arith.index_cast %parallel_loop3A_217 : i32 to index
        %parallel_loop3A_219 = arith.constant 0 : index
        %parallel_loop3A_220 = tpu.vector_load %arg10[%parallel_loop3A_218, %parallel_loop3A_219] {strides = array<i32>} : memref<128x128xf32, #tpu.memory_space<vmem>>, vector<1x16xf32>,
        %parallel_loop3A_221 = vector.shape_cast %parallel_loop3A_220 : vector<1x16xf32> to vector<16xf32>
        %parallel_loop3A_222 = arith.subf %parallel_loop3A_213, %parallel_loop3A_221 : vector<16xf32>
        %parallel_loop3A_223 = arith.constant 64 : i32
        %parallel_loop3A_224 = arith.addi %parallel_loop3A_223, %parallel_loop3A_207 : i32
        %parallel_loop3A_225 = arith.constant 0 : i32
        %parallel_loop3A_226 = arith.addi %parallel_loop3A_224, %parallel_loop3A_225 : i32
        %parallel_loop3A_227 = arith.index_cast %parallel_loop3A_226 : i32 to index
        %parallel_loop3A_228 = arith.constant 0 : index
        %parallel_loop3A_229 = tpu.vector_load %arg10[%parallel_loop3A_227, %parallel_loop3A_228] {strides = array<i32>} : memref<128x128xf32, #tpu.memory_space<vmem>>, vector<1x16xf32>,
        %parallel_loop3A_230 = vector.shape_cast %parallel_loop3A_229 : vector<1x16xf32> to vector<16xf32>
        %parallel_loop3A_231 = vector.shape_cast %parallel_loop3A_222 : vector<16xf32> to vector<1x16xf32>
        tpu.vector_store %arg10[%parallel_loop3A_227, %parallel_loop3A_228], %parallel_loop3A_231 {strides = array<i32>} : memref<128x128xf32, #tpu.memory_space<vmem>>, vector<1x16xf32>,
        %parallel_loop3A_232 = arith.constant 0 : i32
        %parallel_loop3A_233 = arith.addi %parallel_loop3A_207, %parallel_loop3A_232 : i32
        %parallel_loop3A_234 = arith.index_cast %parallel_loop3A_233 : i32 to index
        %parallel_loop3A_235 = arith.constant 16 : index
        %parallel_loop3A_236 = tpu.vector_load %arg10[%parallel_loop3A_234, %parallel_loop3A_235] {strides = array<i32>} : memref<128x128xf32, #tpu.memory_space<vmem>>, vector<1x16xf32>,
        %parallel_loop3A_237 = vector.shape_cast %parallel_loop3A_236 : vector<1x16xf32> to vector<16xf32>
        %parallel_loop3A_238 = arith.constant 64 : i32
        %parallel_loop3A_239 = arith.addi %parallel_loop3A_238, %parallel_loop3A_207 : i32
        %parallel_loop3A_240 = arith.constant 0 : i32
        %parallel_loop3A_241 = arith.addi %parallel_loop3A_239, %parallel_loop3A_240 : i32
        %parallel_loop3A_242 = arith.index_cast %parallel_loop3A_241 : i32 to index
        %parallel_loop3A_243 = arith.constant 16 : index
        %parallel_loop3A_244 = tpu.vector_load %arg10[%parallel_loop3A_242, %parallel_loop3A_243] {strides = array<i32>} : memref<128x128xf32, #tpu.memory_space<vmem>>, vector<1x16xf32>,
        %parallel_loop3A_245 = vector.shape_cast %parallel_loop3A_244 : vector<1x16xf32> to vector<16xf32>
        %parallel_loop3A_246 = arith.subf %parallel_loop3A_237, %parallel_loop3A_245 : vector<16xf32>
        %parallel_loop3A_247 = arith.constant 64 : i32
        %parallel_loop3A_248 = arith.addi %parallel_loop3A_247, %parallel_loop3A_207 : i32
        %parallel_loop3A_249 = arith.constant 0 : i32
        %parallel_loop3A_250 = arith.addi %parallel_loop3A_248, %parallel_loop3A_249 : i32
        %parallel_loop3A_251 = arith.index_cast %parallel_loop3A_250 : i32 to index
        %parallel_loop3A_252 = arith.constant 16 : index
        %parallel_loop3A_253 = tpu.vector_load %arg10[%parallel_loop3A_251, %parallel_loop3A_252] {strides = array<i32>} : memref<128x128xf32, #tpu.memory_space<vmem>>, vector<1x16xf32>,
        %parallel_loop3A_254 = vector.shape_cast %parallel_loop3A_253 : vector<1x16xf32> to vector<16xf32>
        %parallel_loop3A_255 = vector.shape_cast %parallel_loop3A_246 : vector<16xf32> to vector<1x16xf32>
        tpu.vector_store %arg10[%parallel_loop3A_251, %parallel_loop3A_252], %parallel_loop3A_255 {strides = array<i32>} : memref<128x128xf32, #tpu.memory_space<vmem>>, vector<1x16xf32>,
        %parallel_loop3A_256 = arith.constant 0 : i32
        %parallel_loop3A_257 = arith.addi %parallel_loop3A_207, %parallel_loop3A_256 : i32
        %parallel_loop3A_258 = arith.index_cast %parallel_loop3A_257 : i32 to index
        %parallel_loop3A_259 = arith.constant 32 : index
        %parallel_loop3A_260 = tpu.vector_load %arg10[%parallel_loop3A_258, %parallel_loop3A_259] {strides = array<i32>} : memref<128x128xf32, #tpu.memory_space<vmem>>, vector<1x16xf32>,
        %parallel_loop3A_261 = vector.shape_cast %parallel_loop3A_260 : vector<1x16xf32> to vector<16xf32>
        %parallel_loop3A_262 = arith.constant 64 : i32
        %parallel_loop3A_263 = arith.addi %parallel_loop3A_262, %parallel_loop3A_207 : i32
        %parallel_loop3A_264 = arith.constant 0 : i32
        %parallel_loop3A_265 = arith.addi %parallel_loop3A_263, %parallel_loop3A_264 : i32
        %parallel_loop3A_266 = arith.index_cast %parallel_loop3A_265 : i32 to index
        %parallel_loop3A_267 = arith.constant 32 : index
        %parallel_loop3A_268 = tpu.vector_load %arg10[%parallel_loop3A_266, %parallel_loop3A_267] {strides = array<i32>} : memref<128x128xf32, #tpu.memory_space<vmem>>, vector<1x16xf32>,
        %parallel_loop3A_269 = vector.shape_cast %parallel_loop3A_268 : vector<1x16xf32> to vector<16xf32>
        %parallel_loop3A_270 = arith.subf %parallel_loop3A_261, %parallel_loop3A_269 : vector<16xf32>
        %parallel_loop3A_271 = arith.constant 64 : i32
        %parallel_loop3A_272 = arith.addi %parallel_loop3A_271, %parallel_loop3A_207 : i32
        %parallel_loop3A_273 = arith.constant 0 : i32
        %parallel_loop3A_274 = arith.addi %parallel_loop3A_272, %parallel_loop3A_273 : i32
        %parallel_loop3A_275 = arith.index_cast %parallel_loop3A_274 : i32 to index
        %parallel_loop3A_276 = arith.constant 32 : index
        %parallel_loop3A_277 = tpu.vector_load %arg10[%parallel_loop3A_275, %parallel_loop3A_276] {strides = array<i32>} : memref<128x128xf32, #tpu.memory_space<vmem>>, vector<1x16xf32>,
        %parallel_loop3A_278 = vector.shape_cast %parallel_loop3A_277 : vector<1x16xf32> to vector<16xf32>
        %parallel_loop3A_279 = vector.shape_cast %parallel_loop3A_270 : vector<16xf32> to vector<1x16xf32>
        tpu.vector_store %arg10[%parallel_loop3A_275, %parallel_loop3A_276], %parallel_loop3A_279 {strides = array<i32>} : memref<128x128xf32, #tpu.memory_space<vmem>>, vector<1x16xf32>,
        %parallel_loop3A_280 = arith.constant 0 : i32
        %parallel_loop3A_281 = arith.addi %parallel_loop3A_207, %parallel_loop3A_280 : i32
        %parallel_loop3A_282 = arith.index_cast %parallel_loop3A_281 : i32 to index
        %parallel_loop3A_283 = arith.constant 48 : index
        %parallel_loop3A_284 = tpu.vector_load %arg10[%parallel_loop3A_282, %parallel_loop3A_283] {strides = array<i32>} : memref<128x128xf32, #tpu.memory_space<vmem>>, vector<1x16xf32>,
        %parallel_loop3A_285 = vector.shape_cast %parallel_loop3A_284 : vector<1x16xf32> to vector<16xf32>
        %parallel_loop3A_286 = arith.constant 64 : i32
        %parallel_loop3A_287 = arith.addi %parallel_loop3A_286, %parallel_loop3A_207 : i32
        %parallel_loop3A_288 = arith.constant 0 : i32
        %parallel_loop3A_289 = arith.addi %parallel_loop3A_287, %parallel_loop3A_288 : i32
        %parallel_loop3A_290 = arith.index_cast %parallel_loop3A_289 : i32 to index
        %parallel_loop3A_291 = arith.constant 48 : index
        %parallel_loop3A_292 = tpu.vector_load %arg10[%parallel_loop3A_290, %parallel_loop3A_291] {strides = array<i32>} : memref<128x128xf32, #tpu.memory_space<vmem>>, vector<1x16xf32>,
        %parallel_loop3A_293 = vector.shape_cast %parallel_loop3A_292 : vector<1x16xf32> to vector<16xf32>
        %parallel_loop3A_294 = arith.subf %parallel_loop3A_285, %parallel_loop3A_293 : vector<16xf32>
        %parallel_loop3A_295 = arith.constant 64 : i32
        %parallel_loop3A_296 = arith.addi %parallel_loop3A_295, %parallel_loop3A_207 : i32
        %parallel_loop3A_297 = arith.constant 0 : i32
        %parallel_loop3A_298 = arith.addi %parallel_loop3A_296, %parallel_loop3A_297 : i32
        %parallel_loop3A_299 = arith.index_cast %parallel_loop3A_298 : i32 to index
        %parallel_loop3A_300 = arith.constant 48 : index
        %parallel_loop3A_301 = tpu.vector_load %arg10[%parallel_loop3A_299, %parallel_loop3A_300] {strides = array<i32>} : memref<128x128xf32, #tpu.memory_space<vmem>>, vector<1x16xf32>,
        %parallel_loop3A_302 = vector.shape_cast %parallel_loop3A_301 : vector<1x16xf32> to vector<16xf32>
        %parallel_loop3A_303 = vector.shape_cast %parallel_loop3A_294 : vector<16xf32> to vector<1x16xf32>
        tpu.vector_store %arg10[%parallel_loop3A_299, %parallel_loop3A_300], %parallel_loop3A_303 {strides = array<i32>} : memref<128x128xf32, #tpu.memory_space<vmem>>, vector<1x16xf32>,
        %parallel_loop3A_304 = arith.constant 0 : i32
        %parallel_loop3A_305 = arith.addi %parallel_loop3A_207, %parallel_loop3A_304 : i32
        %parallel_loop3A_306 = arith.index_cast %parallel_loop3A_305 : i32 to index
        %parallel_loop3A_307 = arith.constant 64 : index
        %parallel_loop3A_308 = tpu.vector_load %arg10[%parallel_loop3A_306, %parallel_loop3A_307] {strides = array<i32>} : memref<128x128xf32, #tpu.memory_space<vmem>>, vector<1x16xf32>,
        %parallel_loop3A_309 = vector.shape_cast %parallel_loop3A_308 : vector<1x16xf32> to vector<16xf32>
        %parallel_loop3A_310 = arith.constant 64 : i32
        %parallel_loop3A_311 = arith.addi %parallel_loop3A_310, %parallel_loop3A_207 : i32
        %parallel_loop3A_312 = arith.constant 0 : i32
        %parallel_loop3A_313 = arith.addi %parallel_loop3A_311, %parallel_loop3A_312 : i32
        %parallel_loop3A_314 = arith.index_cast %parallel_loop3A_313 : i32 to index
        %parallel_loop3A_315 = arith.constant 64 : index
        %parallel_loop3A_316 = tpu.vector_load %arg10[%parallel_loop3A_314, %parallel_loop3A_315] {strides = array<i32>} : memref<128x128xf32, #tpu.memory_space<vmem>>, vector<1x16xf32>,
        %parallel_loop3A_317 = vector.shape_cast %parallel_loop3A_316 : vector<1x16xf32> to vector<16xf32>
        %parallel_loop3A_318 = arith.subf %parallel_loop3A_309, %parallel_loop3A_317 : vector<16xf32>
        %parallel_loop3A_319 = arith.constant 64 : i32
        %parallel_loop3A_320 = arith.addi %parallel_loop3A_319, %parallel_loop3A_207 : i32
        %parallel_loop3A_321 = arith.constant 0 : i32
        %parallel_loop3A_322 = arith.addi %parallel_loop3A_320, %parallel_loop3A_321 : i32
        %parallel_loop3A_323 = arith.index_cast %parallel_loop3A_322 : i32 to index
        %parallel_loop3A_324 = arith.constant 64 : index
        %parallel_loop3A_325 = tpu.vector_load %arg10[%parallel_loop3A_323, %parallel_loop3A_324] {strides = array<i32>} : memref<128x128xf32, #tpu.memory_space<vmem>>, vector<1x16xf32>,
        %parallel_loop3A_326 = vector.shape_cast %parallel_loop3A_325 : vector<1x16xf32> to vector<16xf32>
        %parallel_loop3A_327 = vector.shape_cast %parallel_loop3A_318 : vector<16xf32> to vector<1x16xf32>
        tpu.vector_store %arg10[%parallel_loop3A_323, %parallel_loop3A_324], %parallel_loop3A_327 {strides = array<i32>} : memref<128x128xf32, #tpu.memory_space<vmem>>, vector<1x16xf32>,
        %parallel_loop3A_328 = arith.constant 0 : i32
        %parallel_loop3A_329 = arith.addi %parallel_loop3A_207, %parallel_loop3A_328 : i32
        %parallel_loop3A_330 = arith.index_cast %parallel_loop3A_329 : i32 to index
        %parallel_loop3A_331 = arith.constant 80 : index
        %parallel_loop3A_332 = tpu.vector_load %arg10[%parallel_loop3A_330, %parallel_loop3A_331] {strides = array<i32>} : memref<128x128xf32, #tpu.memory_space<vmem>>, vector<1x16xf32>,
        %parallel_loop3A_333 = vector.shape_cast %parallel_loop3A_332 : vector<1x16xf32> to vector<16xf32>
        %parallel_loop3A_334 = arith.constant 64 : i32
        %parallel_loop3A_335 = arith.addi %parallel_loop3A_334, %parallel_loop3A_207 : i32
        %parallel_loop3A_336 = arith.constant 0 : i32
        %parallel_loop3A_337 = arith.addi %parallel_loop3A_335, %parallel_loop3A_336 : i32
        %parallel_loop3A_338 = arith.index_cast %parallel_loop3A_337 : i32 to index
        %parallel_loop3A_339 = arith.constant 80 : index
        %parallel_loop3A_340 = tpu.vector_load %arg10[%parallel_loop3A_338, %parallel_loop3A_339] {strides = array<i32>} : memref<128x128xf32, #tpu.memory_space<vmem>>, vector<1x16xf32>,
        %parallel_loop3A_341 = vector.shape_cast %parallel_loop3A_340 : vector<1x16xf32> to vector<16xf32>
        %parallel_loop3A_342 = arith.subf %parallel_loop3A_333, %parallel_loop3A_341 : vector<16xf32>
        %parallel_loop3A_343 = arith.constant 64 : i32
        %parallel_loop3A_344 = arith.addi %parallel_loop3A_343, %parallel_loop3A_207 : i32
        %parallel_loop3A_345 = arith.constant 0 : i32
        %parallel_loop3A_346 = arith.addi %parallel_loop3A_344, %parallel_loop3A_345 : i32
        %parallel_loop3A_347 = arith.index_cast %parallel_loop3A_346 : i32 to index
        %parallel_loop3A_348 = arith.constant 80 : index
        %parallel_loop3A_349 = tpu.vector_load %arg10[%parallel_loop3A_347, %parallel_loop3A_348] {strides = array<i32>} : memref<128x128xf32, #tpu.memory_space<vmem>>, vector<1x16xf32>,
        %parallel_loop3A_350 = vector.shape_cast %parallel_loop3A_349 : vector<1x16xf32> to vector<16xf32>
        %parallel_loop3A_351 = vector.shape_cast %parallel_loop3A_342 : vector<16xf32> to vector<1x16xf32>
        tpu.vector_store %arg10[%parallel_loop3A_347, %parallel_loop3A_348], %parallel_loop3A_351 {strides = array<i32>} : memref<128x128xf32, #tpu.memory_space<vmem>>, vector<1x16xf32>,
        %parallel_loop3A_352 = arith.constant 0 : i32
        %parallel_loop3A_353 = arith.addi %parallel_loop3A_207, %parallel_loop3A_352 : i32
        %parallel_loop3A_354 = arith.index_cast %parallel_loop3A_353 : i32 to index
        %parallel_loop3A_355 = arith.constant 96 : index
        %parallel_loop3A_356 = tpu.vector_load %arg10[%parallel_loop3A_354, %parallel_loop3A_355] {strides = array<i32>} : memref<128x128xf32, #tpu.memory_space<vmem>>, vector<1x16xf32>,
        %parallel_loop3A_357 = vector.shape_cast %parallel_loop3A_356 : vector<1x16xf32> to vector<16xf32>
        %parallel_loop3A_358 = arith.constant 64 : i32
        %parallel_loop3A_359 = arith.addi %parallel_loop3A_358, %parallel_loop3A_207 : i32
        %parallel_loop3A_360 = arith.constant 0 : i32
        %parallel_loop3A_361 = arith.addi %parallel_loop3A_359, %parallel_loop3A_360 : i32
        %parallel_loop3A_362 = arith.index_cast %parallel_loop3A_361 : i32 to index
        %parallel_loop3A_363 = arith.constant 96 : index
        %parallel_loop3A_364 = tpu.vector_load %arg10[%parallel_loop3A_362, %parallel_loop3A_363] {strides = array<i32>} : memref<128x128xf32, #tpu.memory_space<vmem>>, vector<1x16xf32>,
        %parallel_loop3A_365 = vector.shape_cast %parallel_loop3A_364 : vector<1x16xf32> to vector<16xf32>
        %parallel_loop3A_366 = arith.subf %parallel_loop3A_357, %parallel_loop3A_365 : vector<16xf32>
        %parallel_loop3A_367 = arith.constant 64 : i32
        %parallel_loop3A_368 = arith.addi %parallel_loop3A_367, %parallel_loop3A_207 : i32
        %parallel_loop3A_369 = arith.constant 0 : i32
        %parallel_loop3A_370 = arith.addi %parallel_loop3A_368, %parallel_loop3A_369 : i32
        %parallel_loop3A_371 = arith.index_cast %parallel_loop3A_370 : i32 to index
        %parallel_loop3A_372 = arith.constant 96 : index
        %parallel_loop3A_373 = tpu.vector_load %arg10[%parallel_loop3A_371, %parallel_loop3A_372] {strides = array<i32>} : memref<128x128xf32, #tpu.memory_space<vmem>>, vector<1x16xf32>,
        %parallel_loop3A_374 = vector.shape_cast %parallel_loop3A_373 : vector<1x16xf32> to vector<16xf32>
        %parallel_loop3A_375 = vector.shape_cast %parallel_loop3A_366 : vector<16xf32> to vector<1x16xf32>
        tpu.vector_store %arg10[%parallel_loop3A_371, %parallel_loop3A_372], %parallel_loop3A_375 {strides = array<i32>} : memref<128x128xf32, #tpu.memory_space<vmem>>, vector<1x16xf32>,
        %parallel_loop3A_376 = arith.constant 0 : i32
        %parallel_loop3A_377 = arith.addi %parallel_loop3A_207, %parallel_loop3A_376 : i32
        %parallel_loop3A_378 = arith.index_cast %parallel_loop3A_377 : i32 to index
        %parallel_loop3A_379 = arith.constant 112 : index
        %parallel_loop3A_380 = tpu.vector_load %arg10[%parallel_loop3A_378, %parallel_loop3A_379] {strides = array<i32>} : memref<128x128xf32, #tpu.memory_space<vmem>>, vector<1x16xf32>,
        %parallel_loop3A_381 = vector.shape_cast %parallel_loop3A_380 : vector<1x16xf32> to vector<16xf32>
        %parallel_loop3A_382 = arith.constant 64 : i32
        %parallel_loop3A_383 = arith.addi %parallel_loop3A_382, %parallel_loop3A_207 : i32
        %parallel_loop3A_384 = arith.constant 0 : i32
        %parallel_loop3A_385 = arith.addi %parallel_loop3A_383, %parallel_loop3A_384 : i32
        %parallel_loop3A_386 = arith.index_cast %parallel_loop3A_385 : i32 to index
        %parallel_loop3A_387 = arith.constant 112 : index
        %parallel_loop3A_388 = tpu.vector_load %arg10[%parallel_loop3A_386, %parallel_loop3A_387] {strides = array<i32>} : memref<128x128xf32, #tpu.memory_space<vmem>>, vector<1x16xf32>,
        %parallel_loop3A_389 = vector.shape_cast %parallel_loop3A_388 : vector<1x16xf32> to vector<16xf32>
        %parallel_loop3A_390 = arith.subf %parallel_loop3A_381, %parallel_loop3A_389 : vector<16xf32>
        %parallel_loop3A_391 = arith.constant 64 : i32
        %parallel_loop3A_392 = arith.addi %parallel_loop3A_391, %parallel_loop3A_207 : i32
        %parallel_loop3A_393 = arith.constant 0 : i32
        %parallel_loop3A_394 = arith.addi %parallel_loop3A_392, %parallel_loop3A_393 : i32
        %parallel_loop3A_395 = arith.index_cast %parallel_loop3A_394 : i32 to index
        %parallel_loop3A_396 = arith.constant 112 : index
        %parallel_loop3A_397 = tpu.vector_load %arg10[%parallel_loop3A_395, %parallel_loop3A_396] {strides = array<i32>} : memref<128x128xf32, #tpu.memory_space<vmem>>, vector<1x16xf32>,
        %parallel_loop3A_398 = vector.shape_cast %parallel_loop3A_397 : vector<1x16xf32> to vector<16xf32>
        %parallel_loop3A_399 = vector.shape_cast %parallel_loop3A_390 : vector<16xf32> to vector<1x16xf32>
        tpu.vector_store %arg10[%parallel_loop3A_395, %parallel_loop3A_396], %parallel_loop3A_399 {strides = array<i32>} : memref<128x128xf32, #tpu.memory_space<vmem>>, vector<1x16xf32>,
        %parallel_loop3A_400 = arith.constant 1 : i32
        %parallel_loop3A_401 = arith.addi %parallel_loop3A_207, %parallel_loop3A_400 : i32
        %parallel_loop3A_402 = arith.index_cast %parallel_loop3A_401 : i32 to index
        %parallel_loop3A_403 = arith.constant 0 : index
        %parallel_loop3A_404 = tpu.vector_load %arg10[%parallel_loop3A_402, %parallel_loop3A_403] {strides = array<i32>} : memref<128x128xf32, #tpu.memory_space<vmem>>, vector<1x16xf32>,
        %parallel_loop3A_405 = vector.shape_cast %parallel_loop3A_404 : vector<1x16xf32> to vector<16xf32>
        %parallel_loop3A_406 = arith.constant 64 : i32
        %parallel_loop3A_407 = arith.addi %parallel_loop3A_406, %parallel_loop3A_207 : i32
        %parallel_loop3A_408 = arith.constant 1 : i32
        %parallel_loop3A_409 = arith.addi %parallel_loop3A_407, %parallel_loop3A_408 : i32
        %parallel_loop3A_410 = arith.index_cast %parallel_loop3A_409 : i32 to index
        %parallel_loop3A_411 = arith.constant 0 : index
        %parallel_loop3A_412 = tpu.vector_load %arg10[%parallel_loop3A_410, %parallel_loop3A_411] {strides = array<i32>} : memref<128x128xf32, #tpu.memory_space<vmem>>, vector<1x16xf32>,
        %parallel_loop3A_413 = vector.shape_cast %parallel_loop3A_412 : vector<1x16xf32> to vector<16xf32>
        %parallel_loop3A_414 = arith.subf %parallel_loop3A_405, %parallel_loop3A_413 : vector<16xf32>
        %parallel_loop3A_415 = arith.constant 64 : i32
        %parallel_loop3A_416 = arith.addi %parallel_loop3A_415, %parallel_loop3A_207 : i32
        %parallel_loop3A_417 = arith.constant 1 : i32
        %parallel_loop3A_418 = arith.addi %parallel_loop3A_416, %parallel_loop3A_417 : i32
        %parallel_loop3A_419 = arith.index_cast %parallel_loop3A_418 : i32 to index
        %parallel_loop3A_420 = arith.constant 0 : index
        %parallel_loop3A_421 = tpu.vector_load %arg10[%parallel_loop3A_419, %parallel_loop3A_420] {strides = array<i32>} : memref<128x128xf32, #tpu.memory_space<vmem>>, vector<1x16xf32>,
        %parallel_loop3A_422 = vector.shape_cast %parallel_loop3A_421 : vector<1x16xf32> to vector<16xf32>
        %parallel_loop3A_423 = vector.shape_cast %parallel_loop3A_414 : vector<16xf32> to vector<1x16xf32>
        tpu.vector_store %arg10[%parallel_loop3A_419, %parallel_loop3A_420], %parallel_loop3A_423 {strides = array<i32>} : memref<128x128xf32, #tpu.memory_space<vmem>>, vector<1x16xf32>,
        %parallel_loop3A_424 = arith.constant 1 : i32
        %parallel_loop3A_425 = arith.addi %parallel_loop3A_207, %parallel_loop3A_424 : i32
        %parallel_loop3A_426 = arith.index_cast %parallel_loop3A_425 : i32 to index
        %parallel_loop3A_427 = arith.constant 16 : index
        %parallel_loop3A_428 = tpu.vector_load %arg10[%parallel_loop3A_426, %parallel_loop3A_427] {strides = array<i32>} : memref<128x128xf32, #tpu.memory_space<vmem>>, vector<1x16xf32>,
        %parallel_loop3A_429 = vector.shape_cast %parallel_loop3A_428 : vector<1x16xf32> to vector<16xf32>
        %parallel_loop3A_430 = arith.constant 64 : i32
        %parallel_loop3A_431 = arith.addi %parallel_loop3A_430, %parallel_loop3A_207 : i32
        %parallel_loop3A_432 = arith.constant 1 : i32
        %parallel_loop3A_433 = arith.addi %parallel_loop3A_431, %parallel_loop3A_432 : i32
        %parallel_loop3A_434 = arith.index_cast %parallel_loop3A_433 : i32 to index
        %parallel_loop3A_435 = arith.constant 16 : index
        %parallel_loop3A_436 = tpu.vector_load %arg10[%parallel_loop3A_434, %parallel_loop3A_435] {strides = array<i32>} : memref<128x128xf32, #tpu.memory_space<vmem>>, vector<1x16xf32>,
        %parallel_loop3A_437 = vector.shape_cast %parallel_loop3A_436 : vector<1x16xf32> to vector<16xf32>
        %parallel_loop3A_438 = arith.subf %parallel_loop3A_429, %parallel_loop3A_437 : vector<16xf32>
        %parallel_loop3A_439 = arith.constant 64 : i32
        %parallel_loop3A_440 = arith.addi %parallel_loop3A_439, %parallel_loop3A_207 : i32
        %parallel_loop3A_441 = arith.constant 1 : i32
        %parallel_loop3A_442 = arith.addi %parallel_loop3A_440, %parallel_loop3A_441 : i32
        %parallel_loop3A_443 = arith.index_cast %parallel_loop3A_442 : i32 to index
        %parallel_loop3A_444 = arith.constant 16 : index
        %parallel_loop3A_445 = tpu.vector_load %arg10[%parallel_loop3A_443, %parallel_loop3A_444] {strides = array<i32>} : memref<128x128xf32, #tpu.memory_space<vmem>>, vector<1x16xf32>,
        %parallel_loop3A_446 = vector.shape_cast %parallel_loop3A_445 : vector<1x16xf32> to vector<16xf32>
        %parallel_loop3A_447 = vector.shape_cast %parallel_loop3A_438 : vector<16xf32> to vector<1x16xf32>
        tpu.vector_store %arg10[%parallel_loop3A_443, %parallel_loop3A_444], %parallel_loop3A_447 {strides = array<i32>} : memref<128x128xf32, #tpu.memory_space<vmem>>, vector<1x16xf32>,
        %parallel_loop3A_448 = arith.constant 1 : i32
        %parallel_loop3A_449 = arith.addi %parallel_loop3A_207, %parallel_loop3A_448 : i32
        %parallel_loop3A_450 = arith.index_cast %parallel_loop3A_449 : i32 to index
        %parallel_loop3A_451 = arith.constant 32 : index
        %parallel_loop3A_452 = tpu.vector_load %arg10[%parallel_loop3A_450, %parallel_loop3A_451] {strides = array<i32>} : memref<128x128xf32, #tpu.memory_space<vmem>>, vector<1x16xf32>,
        %parallel_loop3A_453 = vector.shape_cast %parallel_loop3A_452 : vector<1x16xf32> to vector<16xf32>
        %parallel_loop3A_454 = arith.constant 64 : i32
        %parallel_loop3A_455 = arith.addi %parallel_loop3A_454, %parallel_loop3A_207 : i32
        %parallel_loop3A_456 = arith.constant 1 : i32
        %parallel_loop3A_457 = arith.addi %parallel_loop3A_455, %parallel_loop3A_456 : i32
        %parallel_loop3A_458 = arith.index_cast %parallel_loop3A_457 : i32 to index
        %parallel_loop3A_459 = arith.constant 32 : index
        %parallel_loop3A_460 = tpu.vector_load %arg10[%parallel_loop3A_458, %parallel_loop3A_459] {strides = array<i32>} : memref<128x128xf32, #tpu.memory_space<vmem>>, vector<1x16xf32>,
        %parallel_loop3A_461 = vector.shape_cast %parallel_loop3A_460 : vector<1x16xf32> to vector<16xf32>
        %parallel_loop3A_462 = arith.subf %parallel_loop3A_453, %parallel_loop3A_461 : vector<16xf32>
        %parallel_loop3A_463 = arith.constant 64 : i32
        %parallel_loop3A_464 = arith.addi %parallel_loop3A_463, %parallel_loop3A_207 : i32
        %parallel_loop3A_465 = arith.constant 1 : i32
        %parallel_loop3A_466 = arith.addi %parallel_loop3A_464, %parallel_loop3A_465 : i32
        %parallel_loop3A_467 = arith.index_cast %parallel_loop3A_466 : i32 to index
        %parallel_loop3A_468 = arith.constant 32 : index
        %parallel_loop3A_469 = tpu.vector_load %arg10[%parallel_loop3A_467, %parallel_loop3A_468] {strides = array<i32>} : memref<128x128xf32, #tpu.memory_space<vmem>>, vector<1x16xf32>,
        %parallel_loop3A_470 = vector.shape_cast %parallel_loop3A_469 : vector<1x16xf32> to vector<16xf32>
        %parallel_loop3A_471 = vector.shape_cast %parallel_loop3A_462 : vector<16xf32> to vector<1x16xf32>
        tpu.vector_store %arg10[%parallel_loop3A_467, %parallel_loop3A_468], %parallel_loop3A_471 {strides = array<i32>} : memref<128x128xf32, #tpu.memory_space<vmem>>, vector<1x16xf32>,
        %parallel_loop3A_472 = arith.constant 1 : i32
        %parallel_loop3A_473 = arith.addi %parallel_loop3A_207, %parallel_loop3A_472 : i32
        %parallel_loop3A_474 = arith.index_cast %parallel_loop3A_473 : i32 to index
        %parallel_loop3A_475 = arith.constant 48 : index
        %parallel_loop3A_476 = tpu.vector_load %arg10[%parallel_loop3A_474, %parallel_loop3A_475] {strides = array<i32>} : memref<128x128xf32, #tpu.memory_space<vmem>>, vector<1x16xf32>,
        %parallel_loop3A_477 = vector.shape_cast %parallel_loop3A_476 : vector<1x16xf32> to vector<16xf32>
        %parallel_loop3A_478 = arith.constant 64 : i32
        %parallel_loop3A_479 = arith.addi %parallel_loop3A_478, %parallel_loop3A_207 : i32
        %parallel_loop3A_480 = arith.constant 1 : i32
        %parallel_loop3A_481 = arith.addi %parallel_loop3A_479, %parallel_loop3A_480 : i32
        %parallel_loop3A_482 = arith.index_cast %parallel_loop3A_481 : i32 to index
        %parallel_loop3A_483 = arith.constant 48 : index
        %parallel_loop3A_484 = tpu.vector_load %arg10[%parallel_loop3A_482, %parallel_loop3A_483] {strides = array<i32>} : memref<128x128xf32, #tpu.memory_space<vmem>>, vector<1x16xf32>,
        %parallel_loop3A_485 = vector.shape_cast %parallel_loop3A_484 : vector<1x16xf32> to vector<16xf32>
        %parallel_loop3A_486 = arith.subf %parallel_loop3A_477, %parallel_loop3A_485 : vector<16xf32>
        %parallel_loop3A_487 = arith.constant 64 : i32
        %parallel_loop3A_488 = arith.addi %parallel_loop3A_487, %parallel_loop3A_207 : i32
        %parallel_loop3A_489 = arith.constant 1 : i32
        %parallel_loop3A_490 = arith.addi %parallel_loop3A_488, %parallel_loop3A_489 : i32
        %parallel_loop3A_491 = arith.index_cast %parallel_loop3A_490 : i32 to index
        %parallel_loop3A_492 = arith.constant 48 : index
        %parallel_loop3A_493 = tpu.vector_load %arg10[%parallel_loop3A_491, %parallel_loop3A_492] {strides = array<i32>} : memref<128x128xf32, #tpu.memory_space<vmem>>, vector<1x16xf32>,
        %parallel_loop3A_494 = vector.shape_cast %parallel_loop3A_493 : vector<1x16xf32> to vector<16xf32>
        %parallel_loop3A_495 = vector.shape_cast %parallel_loop3A_486 : vector<16xf32> to vector<1x16xf32>
        tpu.vector_store %arg10[%parallel_loop3A_491, %parallel_loop3A_492], %parallel_loop3A_495 {strides = array<i32>} : memref<128x128xf32, #tpu.memory_space<vmem>>, vector<1x16xf32>,
        %parallel_loop3A_496 = arith.constant 1 : i32
        %parallel_loop3A_497 = arith.addi %parallel_loop3A_207, %parallel_loop3A_496 : i32
        %parallel_loop3A_498 = arith.index_cast %parallel_loop3A_497 : i32 to index
        %parallel_loop3A_499 = arith.constant 64 : index
        %parallel_loop3A_500 = tpu.vector_load %arg10[%parallel_loop3A_498, %parallel_loop3A_499] {strides = array<i32>} : memref<128x128xf32, #tpu.memory_space<vmem>>, vector<1x16xf32>,
        %parallel_loop3A_501 = vector.shape_cast %parallel_loop3A_500 : vector<1x16xf32> to vector<16xf32>
        %parallel_loop3A_502 = arith.constant 64 : i32
        %parallel_loop3A_503 = arith.addi %parallel_loop3A_502, %parallel_loop3A_207 : i32
        %parallel_loop3A_504 = arith.constant 1 : i32
        %parallel_loop3A_505 = arith.addi %parallel_loop3A_503, %parallel_loop3A_504 : i32
        %parallel_loop3A_506 = arith.index_cast %parallel_loop3A_505 : i32 to index
        %parallel_loop3A_507 = arith.constant 64 : index
        %parallel_loop3A_508 = tpu.vector_load %arg10[%parallel_loop3A_506, %parallel_loop3A_507] {strides = array<i32>} : memref<128x128xf32, #tpu.memory_space<vmem>>, vector<1x16xf32>,
        %parallel_loop3A_509 = vector.shape_cast %parallel_loop3A_508 : vector<1x16xf32> to vector<16xf32>
        %parallel_loop3A_510 = arith.subf %parallel_loop3A_501, %parallel_loop3A_509 : vector<16xf32>
        %parallel_loop3A_511 = arith.constant 64 : i32
        %parallel_loop3A_512 = arith.addi %parallel_loop3A_511, %parallel_loop3A_207 : i32
        %parallel_loop3A_513 = arith.constant 1 : i32
        %parallel_loop3A_514 = arith.addi %parallel_loop3A_512, %parallel_loop3A_513 : i32
        %parallel_loop3A_515 = arith.index_cast %parallel_loop3A_514 : i32 to index
        %parallel_loop3A_516 = arith.constant 64 : index
        %parallel_loop3A_517 = tpu.vector_load %arg10[%parallel_loop3A_515, %parallel_loop3A_516] {strides = array<i32>} : memref<128x128xf32, #tpu.memory_space<vmem>>, vector<1x16xf32>,
        %parallel_loop3A_518 = vector.shape_cast %parallel_loop3A_517 : vector<1x16xf32> to vector<16xf32>
        %parallel_loop3A_519 = vector.shape_cast %parallel_loop3A_510 : vector<16xf32> to vector<1x16xf32>
        tpu.vector_store %arg10[%parallel_loop3A_515, %parallel_loop3A_516], %parallel_loop3A_519 {strides = array<i32>} : memref<128x128xf32, #tpu.memory_space<vmem>>, vector<1x16xf32>,
        %parallel_loop3A_520 = arith.constant 1 : i32
        %parallel_loop3A_521 = arith.addi %parallel_loop3A_207, %parallel_loop3A_520 : i32
        %parallel_loop3A_522 = arith.index_cast %parallel_loop3A_521 : i32 to index
        %parallel_loop3A_523 = arith.constant 80 : index
        %parallel_loop3A_524 = tpu.vector_load %arg10[%parallel_loop3A_522, %parallel_loop3A_523] {strides = array<i32>} : memref<128x128xf32, #tpu.memory_space<vmem>>, vector<1x16xf32>,
        %parallel_loop3A_525 = vector.shape_cast %parallel_loop3A_524 : vector<1x16xf32> to vector<16xf32>
        %parallel_loop3A_526 = arith.constant 64 : i32
        %parallel_loop3A_527 = arith.addi %parallel_loop3A_526, %parallel_loop3A_207 : i32
        %parallel_loop3A_528 = arith.constant 1 : i32
        %parallel_loop3A_529 = arith.addi %parallel_loop3A_527, %parallel_loop3A_528 : i32
        %parallel_loop3A_530 = arith.index_cast %parallel_loop3A_529 : i32 to index
        %parallel_loop3A_531 = arith.constant 80 : index
        %parallel_loop3A_532 = tpu.vector_load %arg10[%parallel_loop3A_530, %parallel_loop3A_531] {strides = array<i32>} : memref<128x128xf32, #tpu.memory_space<vmem>>, vector<1x16xf32>,
        %parallel_loop3A_533 = vector.shape_cast %parallel_loop3A_532 : vector<1x16xf32> to vector<16xf32>
        %parallel_loop3A_534 = arith.subf %parallel_loop3A_525, %parallel_loop3A_533 : vector<16xf32>
        %parallel_loop3A_535 = arith.constant 64 : i32
        %parallel_loop3A_536 = arith.addi %parallel_loop3A_535, %parallel_loop3A_207 : i32
        %parallel_loop3A_537 = arith.constant 1 : i32
        %parallel_loop3A_538 = arith.addi %parallel_loop3A_536, %parallel_loop3A_537 : i32
        %parallel_loop3A_539 = arith.index_cast %parallel_loop3A_538 : i32 to index
        %parallel_loop3A_540 = arith.constant 80 : index
        %parallel_loop3A_541 = tpu.vector_load %arg10[%parallel_loop3A_539, %parallel_loop3A_540] {strides = array<i32>} : memref<128x128xf32, #tpu.memory_space<vmem>>, vector<1x16xf32>,
        %parallel_loop3A_542 = vector.shape_cast %parallel_loop3A_541 : vector<1x16xf32> to vector<16xf32>
        %parallel_loop3A_543 = vector.shape_cast %parallel_loop3A_534 : vector<16xf32> to vector<1x16xf32>
        tpu.vector_store %arg10[%parallel_loop3A_539, %parallel_loop3A_540], %parallel_loop3A_543 {strides = array<i32>} : memref<128x128xf32, #tpu.memory_space<vmem>>, vector<1x16xf32>,
        %parallel_loop3A_544 = arith.constant 1 : i32
        %parallel_loop3A_545 = arith.addi %parallel_loop3A_207, %parallel_loop3A_544 : i32
        %parallel_loop3A_546 = arith.index_cast %parallel_loop3A_545 : i32 to index
        %parallel_loop3A_547 = arith.constant 96 : index
        %parallel_loop3A_548 = tpu.vector_load %arg10[%parallel_loop3A_546, %parallel_loop3A_547] {strides = array<i32>} : memref<128x128xf32, #tpu.memory_space<vmem>>, vector<1x16xf32>,
        %parallel_loop3A_549 = vector.shape_cast %parallel_loop3A_548 : vector<1x16xf32> to vector<16xf32>
        %parallel_loop3A_550 = arith.constant 64 : i32
        %parallel_loop3A_551 = arith.addi %parallel_loop3A_550, %parallel_loop3A_207 : i32
        %parallel_loop3A_552 = arith.constant 1 : i32
        %parallel_loop3A_553 = arith.addi %parallel_loop3A_551, %parallel_loop3A_552 : i32
        %parallel_loop3A_554 = arith.index_cast %parallel_loop3A_553 : i32 to index
        %parallel_loop3A_555 = arith.constant 96 : index
        %parallel_loop3A_556 = tpu.vector_load %arg10[%parallel_loop3A_554, %parallel_loop3A_555] {strides = array<i32>} : memref<128x128xf32, #tpu.memory_space<vmem>>, vector<1x16xf32>,
        %parallel_loop3A_557 = vector.shape_cast %parallel_loop3A_556 : vector<1x16xf32> to vector<16xf32>
        %parallel_loop3A_558 = arith.subf %parallel_loop3A_549, %parallel_loop3A_557 : vector<16xf32>
        %parallel_loop3A_559 = arith.constant 64 : i32
        %parallel_loop3A_560 = arith.addi %parallel_loop3A_559, %parallel_loop3A_207 : i32
        %parallel_loop3A_561 = arith.constant 1 : i32
        %parallel_loop3A_562 = arith.addi %parallel_loop3A_560, %parallel_loop3A_561 : i32
        %parallel_loop3A_563 = arith.index_cast %parallel_loop3A_562 : i32 to index
        %parallel_loop3A_564 = arith.constant 96 : index
        %parallel_loop3A_565 = tpu.vector_load %arg10[%parallel_loop3A_563, %parallel_loop3A_564] {strides = array<i32>} : memref<128x128xf32, #tpu.memory_space<vmem>>, vector<1x16xf32>,
        %parallel_loop3A_566 = vector.shape_cast %parallel_loop3A_565 : vector<1x16xf32> to vector<16xf32>
        %parallel_loop3A_567 = vector.shape_cast %parallel_loop3A_558 : vector<16xf32> to vector<1x16xf32>
        tpu.vector_store %arg10[%parallel_loop3A_563, %parallel_loop3A_564], %parallel_loop3A_567 {strides = array<i32>} : memref<128x128xf32, #tpu.memory_space<vmem>>, vector<1x16xf32>,
        %parallel_loop3A_568 = arith.constant 1 : i32
        %parallel_loop3A_569 = arith.addi %parallel_loop3A_207, %parallel_loop3A_568 : i32
        %parallel_loop3A_570 = arith.index_cast %parallel_loop3A_569 : i32 to index
        %parallel_loop3A_571 = arith.constant 112 : index
        %parallel_loop3A_572 = tpu.vector_load %arg10[%parallel_loop3A_570, %parallel_loop3A_571] {strides = array<i32>} : memref<128x128xf32, #tpu.memory_space<vmem>>, vector<1x16xf32>,
        %parallel_loop3A_573 = vector.shape_cast %parallel_loop3A_572 : vector<1x16xf32> to vector<16xf32>
        %parallel_loop3A_574 = arith.constant 64 : i32
        %parallel_loop3A_575 = arith.addi %parallel_loop3A_574, %parallel_loop3A_207 : i32
        %parallel_loop3A_576 = arith.constant 1 : i32
        %parallel_loop3A_577 = arith.addi %parallel_loop3A_575, %parallel_loop3A_576 : i32
        %parallel_loop3A_578 = arith.index_cast %parallel_loop3A_577 : i32 to index
        %parallel_loop3A_579 = arith.constant 112 : index
        %parallel_loop3A_580 = tpu.vector_load %arg10[%parallel_loop3A_578, %parallel_loop3A_579] {strides = array<i32>} : memref<128x128xf32, #tpu.memory_space<vmem>>, vector<1x16xf32>,
        %parallel_loop3A_581 = vector.shape_cast %parallel_loop3A_580 : vector<1x16xf32> to vector<16xf32>
        %parallel_loop3A_582 = arith.subf %parallel_loop3A_573, %parallel_loop3A_581 : vector<16xf32>
        %parallel_loop3A_583 = arith.constant 64 : i32
        %parallel_loop3A_584 = arith.addi %parallel_loop3A_583, %parallel_loop3A_207 : i32
        %parallel_loop3A_585 = arith.constant 1 : i32
        %parallel_loop3A_586 = arith.addi %parallel_loop3A_584, %parallel_loop3A_585 : i32
        %parallel_loop3A_587 = arith.index_cast %parallel_loop3A_586 : i32 to index
        %parallel_loop3A_588 = arith.constant 112 : index
        %parallel_loop3A_589 = tpu.vector_load %arg10[%parallel_loop3A_587, %parallel_loop3A_588] {strides = array<i32>} : memref<128x128xf32, #tpu.memory_space<vmem>>, vector<1x16xf32>,
        %parallel_loop3A_590 = vector.shape_cast %parallel_loop3A_589 : vector<1x16xf32> to vector<16xf32>
        %parallel_loop3A_591 = vector.shape_cast %parallel_loop3A_582 : vector<16xf32> to vector<1x16xf32>
        tpu.vector_store %arg10[%parallel_loop3A_587, %parallel_loop3A_588], %parallel_loop3A_591 {strides = array<i32>} : memref<128x128xf32, #tpu.memory_space<vmem>>, vector<1x16xf32>,
        %parallel_loop3A_592 = arith.constant 2 : i32
        %parallel_loop3A_593 = arith.addi %parallel_loop3A_207, %parallel_loop3A_592 : i32
        %parallel_loop3A_594 = arith.index_cast %parallel_loop3A_593 : i32 to index
        %parallel_loop3A_595 = arith.constant 0 : index
        %parallel_loop3A_596 = tpu.vector_load %arg10[%parallel_loop3A_594, %parallel_loop3A_595] {strides = array<i32>} : memref<128x128xf32, #tpu.memory_space<vmem>>, vector<1x16xf32>,
        %parallel_loop3A_597 = vector.shape_cast %parallel_loop3A_596 : vector<1x16xf32> to vector<16xf32>
        %parallel_loop3A_598 = arith.constant 64 : i32
        %parallel_loop3A_599 = arith.addi %parallel_loop3A_598, %parallel_loop3A_207 : i32
        %parallel_loop3A_600 = arith.constant 2 : i32
        %parallel_loop3A_601 = arith.addi %parallel_loop3A_599, %parallel_loop3A_600 : i32
        %parallel_loop3A_602 = arith.index_cast %parallel_loop3A_601 : i32 to index
        %parallel_loop3A_603 = arith.constant 0 : index
        %parallel_loop3A_604 = tpu.vector_load %arg10[%parallel_loop3A_602, %parallel_loop3A_603] {strides = array<i32>} : memref<128x128xf32, #tpu.memory_space<vmem>>, vector<1x16xf32>,
        %parallel_loop3A_605 = vector.shape_cast %parallel_loop3A_604 : vector<1x16xf32> to vector<16xf32>
        %parallel_loop3A_606 = arith.subf %parallel_loop3A_597, %parallel_loop3A_605 : vector<16xf32>
        %parallel_loop3A_607 = arith.constant 64 : i32
        %parallel_loop3A_608 = arith.addi %parallel_loop3A_607, %parallel_loop3A_207 : i32
        %parallel_loop3A_609 = arith.constant 2 : i32
        %parallel_loop3A_610 = arith.addi %parallel_loop3A_608, %parallel_loop3A_609 : i32
        %parallel_loop3A_611 = arith.index_cast %parallel_loop3A_610 : i32 to index
        %parallel_loop3A_612 = arith.constant 0 : index
        %parallel_loop3A_613 = tpu.vector_load %arg10[%parallel_loop3A_611, %parallel_loop3A_612] {strides = array<i32>} : memref<128x128xf32, #tpu.memory_space<vmem>>, vector<1x16xf32>,
        %parallel_loop3A_614 = vector.shape_cast %parallel_loop3A_613 : vector<1x16xf32> to vector<16xf32>
        %parallel_loop3A_615 = vector.shape_cast %parallel_loop3A_606 : vector<16xf32> to vector<1x16xf32>
        tpu.vector_store %arg10[%parallel_loop3A_611, %parallel_loop3A_612], %parallel_loop3A_615 {strides = array<i32>} : memref<128x128xf32, #tpu.memory_space<vmem>>, vector<1x16xf32>,
        %parallel_loop3A_616 = arith.constant 2 : i32
        %parallel_loop3A_617 = arith.addi %parallel_loop3A_207, %parallel_loop3A_616 : i32
        %parallel_loop3A_618 = arith.index_cast %parallel_loop3A_617 : i32 to index
        %parallel_loop3A_619 = arith.constant 16 : index
        %parallel_loop3A_620 = tpu.vector_load %arg10[%parallel_loop3A_618, %parallel_loop3A_619] {strides = array<i32>} : memref<128x128xf32, #tpu.memory_space<vmem>>, vector<1x16xf32>,
        %parallel_loop3A_621 = vector.shape_cast %parallel_loop3A_620 : vector<1x16xf32> to vector<16xf32>
        %parallel_loop3A_622 = arith.constant 64 : i32
        %parallel_loop3A_623 = arith.addi %parallel_loop3A_622, %parallel_loop3A_207 : i32
        %parallel_loop3A_624 = arith.constant 2 : i32
        %parallel_loop3A_625 = arith.addi %parallel_loop3A_623, %parallel_loop3A_624 : i32
        %parallel_loop3A_626 = arith.index_cast %parallel_loop3A_625 : i32 to index
        %parallel_loop3A_627 = arith.constant 16 : index
        %parallel_loop3A_628 = tpu.vector_load %arg10[%parallel_loop3A_626, %parallel_loop3A_627] {strides = array<i32>} : memref<128x128xf32, #tpu.memory_space<vmem>>, vector<1x16xf32>,
        %parallel_loop3A_629 = vector.shape_cast %parallel_loop3A_628 : vector<1x16xf32> to vector<16xf32>
        %parallel_loop3A_630 = arith.subf %parallel_loop3A_621, %parallel_loop3A_629 : vector<16xf32>
        %parallel_loop3A_631 = arith.constant 64 : i32
        %parallel_loop3A_632 = arith.addi %parallel_loop3A_631, %parallel_loop3A_207 : i32
        %parallel_loop3A_633 = arith.constant 2 : i32
        %parallel_loop3A_634 = arith.addi %parallel_loop3A_632, %parallel_loop3A_633 : i32
        %parallel_loop3A_635 = arith.index_cast %parallel_loop3A_634 : i32 to index
        %parallel_loop3A_636 = arith.constant 16 : index
        %parallel_loop3A_637 = tpu.vector_load %arg10[%parallel_loop3A_635, %parallel_loop3A_636] {strides = array<i32>} : memref<128x128xf32, #tpu.memory_space<vmem>>, vector<1x16xf32>,
        %parallel_loop3A_638 = vector.shape_cast %parallel_loop3A_637 : vector<1x16xf32> to vector<16xf32>
        %parallel_loop3A_639 = vector.shape_cast %parallel_loop3A_630 : vector<16xf32> to vector<1x16xf32>
        tpu.vector_store %arg10[%parallel_loop3A_635, %parallel_loop3A_636], %parallel_loop3A_639 {strides = array<i32>} : memref<128x128xf32, #tpu.memory_space<vmem>>, vector<1x16xf32>,
        %parallel_loop3A_640 = arith.constant 2 : i32
        %parallel_loop3A_641 = arith.addi %parallel_loop3A_207, %parallel_loop3A_640 : i32
        %parallel_loop3A_642 = arith.index_cast %parallel_loop3A_641 : i32 to index
        %parallel_loop3A_643 = arith.constant 32 : index
        %parallel_loop3A_644 = tpu.vector_load %arg10[%parallel_loop3A_642, %parallel_loop3A_643] {strides = array<i32>} : memref<128x128xf32, #tpu.memory_space<vmem>>, vector<1x16xf32>,
        %parallel_loop3A_645 = vector.shape_cast %parallel_loop3A_644 : vector<1x16xf32> to vector<16xf32>
        %parallel_loop3A_646 = arith.constant 64 : i32
        %parallel_loop3A_647 = arith.addi %parallel_loop3A_646, %parallel_loop3A_207 : i32
        %parallel_loop3A_648 = arith.constant 2 : i32
        %parallel_loop3A_649 = arith.addi %parallel_loop3A_647, %parallel_loop3A_648 : i32
        %parallel_loop3A_650 = arith.index_cast %parallel_loop3A_649 : i32 to index
        %parallel_loop3A_651 = arith.constant 32 : index
        %parallel_loop3A_652 = tpu.vector_load %arg10[%parallel_loop3A_650, %parallel_loop3A_651] {strides = array<i32>} : memref<128x128xf32, #tpu.memory_space<vmem>>, vector<1x16xf32>,
        %parallel_loop3A_653 = vector.shape_cast %parallel_loop3A_652 : vector<1x16xf32> to vector<16xf32>
        %parallel_loop3A_654 = arith.subf %parallel_loop3A_645, %parallel_loop3A_653 : vector<16xf32>
        %parallel_loop3A_655 = arith.constant 64 : i32
        %parallel_loop3A_656 = arith.addi %parallel_loop3A_655, %parallel_loop3A_207 : i32
        %parallel_loop3A_657 = arith.constant 2 : i32
        %parallel_loop3A_658 = arith.addi %parallel_loop3A_656, %parallel_loop3A_657 : i32
        %parallel_loop3A_659 = arith.index_cast %parallel_loop3A_658 : i32 to index
        %parallel_loop3A_660 = arith.constant 32 : index
        %parallel_loop3A_661 = tpu.vector_load %arg10[%parallel_loop3A_659, %parallel_loop3A_660] {strides = array<i32>} : memref<128x128xf32, #tpu.memory_space<vmem>>, vector<1x16xf32>,
        %parallel_loop3A_662 = vector.shape_cast %parallel_loop3A_661 : vector<1x16xf32> to vector<16xf32>
        %parallel_loop3A_663 = vector.shape_cast %parallel_loop3A_654 : vector<16xf32> to vector<1x16xf32>
        tpu.vector_store %arg10[%parallel_loop3A_659, %parallel_loop3A_660], %parallel_loop3A_663 {strides = array<i32>} : memref<128x128xf32, #tpu.memory_space<vmem>>, vector<1x16xf32>,
        %parallel_loop3A_664 = arith.constant 2 : i32
        %parallel_loop3A_665 = arith.addi %parallel_loop3A_207, %parallel_loop3A_664 : i32
        %parallel_loop3A_666 = arith.index_cast %parallel_loop3A_665 : i32 to index
        %parallel_loop3A_667 = arith.constant 48 : index
        %parallel_loop3A_668 = tpu.vector_load %arg10[%parallel_loop3A_666, %parallel_loop3A_667] {strides = array<i32>} : memref<128x128xf32, #tpu.memory_space<vmem>>, vector<1x16xf32>,
        %parallel_loop3A_669 = vector.shape_cast %parallel_loop3A_668 : vector<1x16xf32> to vector<16xf32>
        %parallel_loop3A_670 = arith.constant 64 : i32
        %parallel_loop3A_671 = arith.addi %parallel_loop3A_670, %parallel_loop3A_207 : i32
        %parallel_loop3A_672 = arith.constant 2 : i32
        %parallel_loop3A_673 = arith.addi %parallel_loop3A_671, %parallel_loop3A_672 : i32
        %parallel_loop3A_674 = arith.index_cast %parallel_loop3A_673 : i32 to index
        %parallel_loop3A_675 = arith.constant 48 : index
        %parallel_loop3A_676 = tpu.vector_load %arg10[%parallel_loop3A_674, %parallel_loop3A_675] {strides = array<i32>} : memref<128x128xf32, #tpu.memory_space<vmem>>, vector<1x16xf32>,
        %parallel_loop3A_677 = vector.shape_cast %parallel_loop3A_676 : vector<1x16xf32> to vector<16xf32>
        %parallel_loop3A_678 = arith.subf %parallel_loop3A_669, %parallel_loop3A_677 : vector<16xf32>
        %parallel_loop3A_679 = arith.constant 64 : i32
        %parallel_loop3A_680 = arith.addi %parallel_loop3A_679, %parallel_loop3A_207 : i32
        %parallel_loop3A_681 = arith.constant 2 : i32
        %parallel_loop3A_682 = arith.addi %parallel_loop3A_680, %parallel_loop3A_681 : i32
        %parallel_loop3A_683 = arith.index_cast %parallel_loop3A_682 : i32 to index
        %parallel_loop3A_684 = arith.constant 48 : index
        %parallel_loop3A_685 = tpu.vector_load %arg10[%parallel_loop3A_683, %parallel_loop3A_684] {strides = array<i32>} : memref<128x128xf32, #tpu.memory_space<vmem>>, vector<1x16xf32>,
        %parallel_loop3A_686 = vector.shape_cast %parallel_loop3A_685 : vector<1x16xf32> to vector<16xf32>
        %parallel_loop3A_687 = vector.shape_cast %parallel_loop3A_678 : vector<16xf32> to vector<1x16xf32>
        tpu.vector_store %arg10[%parallel_loop3A_683, %parallel_loop3A_684], %parallel_loop3A_687 {strides = array<i32>} : memref<128x128xf32, #tpu.memory_space<vmem>>, vector<1x16xf32>,
        %parallel_loop3A_688 = arith.constant 2 : i32
        %parallel_loop3A_689 = arith.addi %parallel_loop3A_207, %parallel_loop3A_688 : i32
        %parallel_loop3A_690 = arith.index_cast %parallel_loop3A_689 : i32 to index
        %parallel_loop3A_691 = arith.constant 64 : index
        %parallel_loop3A_692 = tpu.vector_load %arg10[%parallel_loop3A_690, %parallel_loop3A_691] {strides = array<i32>} : memref<128x128xf32, #tpu.memory_space<vmem>>, vector<1x16xf32>,
        %parallel_loop3A_693 = vector.shape_cast %parallel_loop3A_692 : vector<1x16xf32> to vector<16xf32>
        %parallel_loop3A_694 = arith.constant 64 : i32
        %parallel_loop3A_695 = arith.addi %parallel_loop3A_694, %parallel_loop3A_207 : i32
        %parallel_loop3A_696 = arith.constant 2 : i32
        %parallel_loop3A_697 = arith.addi %parallel_loop3A_695, %parallel_loop3A_696 : i32
        %parallel_loop3A_698 = arith.index_cast %parallel_loop3A_697 : i32 to index
        %parallel_loop3A_699 = arith.constant 64 : index
        %parallel_loop3A_700 = tpu.vector_load %arg10[%parallel_loop3A_698, %parallel_loop3A_699] {strides = array<i32>} : memref<128x128xf32, #tpu.memory_space<vmem>>, vector<1x16xf32>,
        %parallel_loop3A_701 = vector.shape_cast %parallel_loop3A_700 : vector<1x16xf32> to vector<16xf32>
        %parallel_loop3A_702 = arith.subf %parallel_loop3A_693, %parallel_loop3A_701 : vector<16xf32>
        %parallel_loop3A_703 = arith.constant 64 : i32
        %parallel_loop3A_704 = arith.addi %parallel_loop3A_703, %parallel_loop3A_207 : i32
        %parallel_loop3A_705 = arith.constant 2 : i32
        %parallel_loop3A_706 = arith.addi %parallel_loop3A_704, %parallel_loop3A_705 : i32
        %parallel_loop3A_707 = arith.index_cast %parallel_loop3A_706 : i32 to index
        %parallel_loop3A_708 = arith.constant 64 : index
        %parallel_loop3A_709 = tpu.vector_load %arg10[%parallel_loop3A_707, %parallel_loop3A_708] {strides = array<i32>} : memref<128x128xf32, #tpu.memory_space<vmem>>, vector<1x16xf32>,
        %parallel_loop3A_710 = vector.shape_cast %parallel_loop3A_709 : vector<1x16xf32> to vector<16xf32>
        %parallel_loop3A_711 = vector.shape_cast %parallel_loop3A_702 : vector<16xf32> to vector<1x16xf32>
        tpu.vector_store %arg10[%parallel_loop3A_707, %parallel_loop3A_708], %parallel_loop3A_711 {strides = array<i32>} : memref<128x128xf32, #tpu.memory_space<vmem>>, vector<1x16xf32>,
        %parallel_loop3A_712 = arith.constant 2 : i32
        %parallel_loop3A_713 = arith.addi %parallel_loop3A_207, %parallel_loop3A_712 : i32
        %parallel_loop3A_714 = arith.index_cast %parallel_loop3A_713 : i32 to index
        %parallel_loop3A_715 = arith.constant 80 : index
        %parallel_loop3A_716 = tpu.vector_load %arg10[%parallel_loop3A_714, %parallel_loop3A_715] {strides = array<i32>} : memref<128x128xf32, #tpu.memory_space<vmem>>, vector<1x16xf32>,
        %parallel_loop3A_717 = vector.shape_cast %parallel_loop3A_716 : vector<1x16xf32> to vector<16xf32>
        %parallel_loop3A_718 = arith.constant 64 : i32
        %parallel_loop3A_719 = arith.addi %parallel_loop3A_718, %parallel_loop3A_207 : i32
        %parallel_loop3A_720 = arith.constant 2 : i32
        %parallel_loop3A_721 = arith.addi %parallel_loop3A_719, %parallel_loop3A_720 : i32
        %parallel_loop3A_722 = arith.index_cast %parallel_loop3A_721 : i32 to index
        %parallel_loop3A_723 = arith.constant 80 : index
        %parallel_loop3A_724 = tpu.vector_load %arg10[%parallel_loop3A_722, %parallel_loop3A_723] {strides = array<i32>} : memref<128x128xf32, #tpu.memory_space<vmem>>, vector<1x16xf32>,
        %parallel_loop3A_725 = vector.shape_cast %parallel_loop3A_724 : vector<1x16xf32> to vector<16xf32>
        %parallel_loop3A_726 = arith.subf %parallel_loop3A_717, %parallel_loop3A_725 : vector<16xf32>
        %parallel_loop3A_727 = arith.constant 64 : i32
        %parallel_loop3A_728 = arith.addi %parallel_loop3A_727, %parallel_loop3A_207 : i32
        %parallel_loop3A_729 = arith.constant 2 : i32
        %parallel_loop3A_730 = arith.addi %parallel_loop3A_728, %parallel_loop3A_729 : i32
        %parallel_loop3A_731 = arith.index_cast %parallel_loop3A_730 : i32 to index
        %parallel_loop3A_732 = arith.constant 80 : index
        %parallel_loop3A_733 = tpu.vector_load %arg10[%parallel_loop3A_731, %parallel_loop3A_732] {strides = array<i32>} : memref<128x128xf32, #tpu.memory_space<vmem>>, vector<1x16xf32>,
        %parallel_loop3A_734 = vector.shape_cast %parallel_loop3A_733 : vector<1x16xf32> to vector<16xf32>
        %parallel_loop3A_735 = vector.shape_cast %parallel_loop3A_726 : vector<16xf32> to vector<1x16xf32>
        tpu.vector_store %arg10[%parallel_loop3A_731, %parallel_loop3A_732], %parallel_loop3A_735 {strides = array<i32>} : memref<128x128xf32, #tpu.memory_space<vmem>>, vector<1x16xf32>,
        %parallel_loop3A_736 = arith.constant 2 : i32
        %parallel_loop3A_737 = arith.addi %parallel_loop3A_207, %parallel_loop3A_736 : i32
        %parallel_loop3A_738 = arith.index_cast %parallel_loop3A_737 : i32 to index
        %parallel_loop3A_739 = arith.constant 96 : index
        %parallel_loop3A_740 = tpu.vector_load %arg10[%parallel_loop3A_738, %parallel_loop3A_739] {strides = array<i32>} : memref<128x128xf32, #tpu.memory_space<vmem>>, vector<1x16xf32>,
        %parallel_loop3A_741 = vector.shape_cast %parallel_loop3A_740 : vector<1x16xf32> to vector<16xf32>
        %parallel_loop3A_742 = arith.constant 64 : i32
        %parallel_loop3A_743 = arith.addi %parallel_loop3A_742, %parallel_loop3A_207 : i32
        %parallel_loop3A_744 = arith.constant 2 : i32
        %parallel_loop3A_745 = arith.addi %parallel_loop3A_743, %parallel_loop3A_744 : i32
        %parallel_loop3A_746 = arith.index_cast %parallel_loop3A_745 : i32 to index
        %parallel_loop3A_747 = arith.constant 96 : index
        %parallel_loop3A_748 = tpu.vector_load %arg10[%parallel_loop3A_746, %parallel_loop3A_747] {strides = array<i32>} : memref<128x128xf32, #tpu.memory_space<vmem>>, vector<1x16xf32>,
        %parallel_loop3A_749 = vector.shape_cast %parallel_loop3A_748 : vector<1x16xf32> to vector<16xf32>
        %parallel_loop3A_750 = arith.subf %parallel_loop3A_741, %parallel_loop3A_749 : vector<16xf32>
        %parallel_loop3A_751 = arith.constant 64 : i32
        %parallel_loop3A_752 = arith.addi %parallel_loop3A_751, %parallel_loop3A_207 : i32
        %parallel_loop3A_753 = arith.constant 2 : i32
        %parallel_loop3A_754 = arith.addi %parallel_loop3A_752, %parallel_loop3A_753 : i32
        %parallel_loop3A_755 = arith.index_cast %parallel_loop3A_754 : i32 to index
        %parallel_loop3A_756 = arith.constant 96 : index
        %parallel_loop3A_757 = tpu.vector_load %arg10[%parallel_loop3A_755, %parallel_loop3A_756] {strides = array<i32>} : memref<128x128xf32, #tpu.memory_space<vmem>>, vector<1x16xf32>,
        %parallel_loop3A_758 = vector.shape_cast %parallel_loop3A_757 : vector<1x16xf32> to vector<16xf32>
        %parallel_loop3A_759 = vector.shape_cast %parallel_loop3A_750 : vector<16xf32> to vector<1x16xf32>
        tpu.vector_store %arg10[%parallel_loop3A_755, %parallel_loop3A_756], %parallel_loop3A_759 {strides = array<i32>} : memref<128x128xf32, #tpu.memory_space<vmem>>, vector<1x16xf32>,
        %parallel_loop3A_760 = arith.constant 2 : i32
        %parallel_loop3A_761 = arith.addi %parallel_loop3A_207, %parallel_loop3A_760 : i32
        %parallel_loop3A_762 = arith.index_cast %parallel_loop3A_761 : i32 to index
        %parallel_loop3A_763 = arith.constant 112 : index
        %parallel_loop3A_764 = tpu.vector_load %arg10[%parallel_loop3A_762, %parallel_loop3A_763] {strides = array<i32>} : memref<128x128xf32, #tpu.memory_space<vmem>>, vector<1x16xf32>,
        %parallel_loop3A_765 = vector.shape_cast %parallel_loop3A_764 : vector<1x16xf32> to vector<16xf32>
        %parallel_loop3A_766 = arith.constant 64 : i32
        %parallel_loop3A_767 = arith.addi %parallel_loop3A_766, %parallel_loop3A_207 : i32
        %parallel_loop3A_768 = arith.constant 2 : i32
        %parallel_loop3A_769 = arith.addi %parallel_loop3A_767, %parallel_loop3A_768 : i32
        %parallel_loop3A_770 = arith.index_cast %parallel_loop3A_769 : i32 to index
        %parallel_loop3A_771 = arith.constant 112 : index
        %parallel_loop3A_772 = tpu.vector_load %arg10[%parallel_loop3A_770, %parallel_loop3A_771] {strides = array<i32>} : memref<128x128xf32, #tpu.memory_space<vmem>>, vector<1x16xf32>,
        %parallel_loop3A_773 = vector.shape_cast %parallel_loop3A_772 : vector<1x16xf32> to vector<16xf32>
        %parallel_loop3A_774 = arith.subf %parallel_loop3A_765, %parallel_loop3A_773 : vector<16xf32>
        %parallel_loop3A_775 = arith.constant 64 : i32
        %parallel_loop3A_776 = arith.addi %parallel_loop3A_775, %parallel_loop3A_207 : i32
        %parallel_loop3A_777 = arith.constant 2 : i32
        %parallel_loop3A_778 = arith.addi %parallel_loop3A_776, %parallel_loop3A_777 : i32
        %parallel_loop3A_779 = arith.index_cast %parallel_loop3A_778 : i32 to index
        %parallel_loop3A_780 = arith.constant 112 : index
        %parallel_loop3A_781 = tpu.vector_load %arg10[%parallel_loop3A_779, %parallel_loop3A_780] {strides = array<i32>} : memref<128x128xf32, #tpu.memory_space<vmem>>, vector<1x16xf32>,
        %parallel_loop3A_782 = vector.shape_cast %parallel_loop3A_781 : vector<1x16xf32> to vector<16xf32>
        %parallel_loop3A_783 = vector.shape_cast %parallel_loop3A_774 : vector<16xf32> to vector<1x16xf32>
        tpu.vector_store %arg10[%parallel_loop3A_779, %parallel_loop3A_780], %parallel_loop3A_783 {strides = array<i32>} : memref<128x128xf32, #tpu.memory_space<vmem>>, vector<1x16xf32>,
        %parallel_loop3A_784 = arith.constant 3 : i32
        %parallel_loop3A_785 = arith.addi %parallel_loop3A_207, %parallel_loop3A_784 : i32
        %parallel_loop3A_786 = arith.index_cast %parallel_loop3A_785 : i32 to index
        %parallel_loop3A_787 = arith.constant 0 : index
        %parallel_loop3A_788 = tpu.vector_load %arg10[%parallel_loop3A_786, %parallel_loop3A_787] {strides = array<i32>} : memref<128x128xf32, #tpu.memory_space<vmem>>, vector<1x16xf32>,
        %parallel_loop3A_789 = vector.shape_cast %parallel_loop3A_788 : vector<1x16xf32> to vector<16xf32>
        %parallel_loop3A_790 = arith.constant 64 : i32
        %parallel_loop3A_791 = arith.addi %parallel_loop3A_790, %parallel_loop3A_207 : i32
        %parallel_loop3A_792 = arith.constant 3 : i32
        %parallel_loop3A_793 = arith.addi %parallel_loop3A_791, %parallel_loop3A_792 : i32
        %parallel_loop3A_794 = arith.index_cast %parallel_loop3A_793 : i32 to index
        %parallel_loop3A_795 = arith.constant 0 : index
        %parallel_loop3A_796 = tpu.vector_load %arg10[%parallel_loop3A_794, %parallel_loop3A_795] {strides = array<i32>} : memref<128x128xf32, #tpu.memory_space<vmem>>, vector<1x16xf32>,
        %parallel_loop3A_797 = vector.shape_cast %parallel_loop3A_796 : vector<1x16xf32> to vector<16xf32>
        %parallel_loop3A_798 = arith.subf %parallel_loop3A_789, %parallel_loop3A_797 : vector<16xf32>
        %parallel_loop3A_799 = arith.constant 64 : i32
        %parallel_loop3A_800 = arith.addi %parallel_loop3A_799, %parallel_loop3A_207 : i32
        %parallel_loop3A_801 = arith.constant 3 : i32
        %parallel_loop3A_802 = arith.addi %parallel_loop3A_800, %parallel_loop3A_801 : i32
        %parallel_loop3A_803 = arith.index_cast %parallel_loop3A_802 : i32 to index
        %parallel_loop3A_804 = arith.constant 0 : index
        %parallel_loop3A_805 = tpu.vector_load %arg10[%parallel_loop3A_803, %parallel_loop3A_804] {strides = array<i32>} : memref<128x128xf32, #tpu.memory_space<vmem>>, vector<1x16xf32>,
        %parallel_loop3A_806 = vector.shape_cast %parallel_loop3A_805 : vector<1x16xf32> to vector<16xf32>
        %parallel_loop3A_807 = vector.shape_cast %parallel_loop3A_798 : vector<16xf32> to vector<1x16xf32>
        tpu.vector_store %arg10[%parallel_loop3A_803, %parallel_loop3A_804], %parallel_loop3A_807 {strides = array<i32>} : memref<128x128xf32, #tpu.memory_space<vmem>>, vector<1x16xf32>,
        %parallel_loop3A_808 = arith.constant 3 : i32
        %parallel_loop3A_809 = arith.addi %parallel_loop3A_207, %parallel_loop3A_808 : i32
        %parallel_loop3A_810 = arith.index_cast %parallel_loop3A_809 : i32 to index
        %parallel_loop3A_811 = arith.constant 16 : index
        %parallel_loop3A_812 = tpu.vector_load %arg10[%parallel_loop3A_810, %parallel_loop3A_811] {strides = array<i32>} : memref<128x128xf32, #tpu.memory_space<vmem>>, vector<1x16xf32>,
        %parallel_loop3A_813 = vector.shape_cast %parallel_loop3A_812 : vector<1x16xf32> to vector<16xf32>
        %parallel_loop3A_814 = arith.constant 64 : i32
        %parallel_loop3A_815 = arith.addi %parallel_loop3A_814, %parallel_loop3A_207 : i32
        %parallel_loop3A_816 = arith.constant 3 : i32
        %parallel_loop3A_817 = arith.addi %parallel_loop3A_815, %parallel_loop3A_816 : i32
        %parallel_loop3A_818 = arith.index_cast %parallel_loop3A_817 : i32 to index
        %parallel_loop3A_819 = arith.constant 16 : index
        %parallel_loop3A_820 = tpu.vector_load %arg10[%parallel_loop3A_818, %parallel_loop3A_819] {strides = array<i32>} : memref<128x128xf32, #tpu.memory_space<vmem>>, vector<1x16xf32>,
        %parallel_loop3A_821 = vector.shape_cast %parallel_loop3A_820 : vector<1x16xf32> to vector<16xf32>
        %parallel_loop3A_822 = arith.subf %parallel_loop3A_813, %parallel_loop3A_821 : vector<16xf32>
        %parallel_loop3A_823 = arith.constant 64 : i32
        %parallel_loop3A_824 = arith.addi %parallel_loop3A_823, %parallel_loop3A_207 : i32
        %parallel_loop3A_825 = arith.constant 3 : i32
        %parallel_loop3A_826 = arith.addi %parallel_loop3A_824, %parallel_loop3A_825 : i32
        %parallel_loop3A_827 = arith.index_cast %parallel_loop3A_826 : i32 to index
        %parallel_loop3A_828 = arith.constant 16 : index
        %parallel_loop3A_829 = tpu.vector_load %arg10[%parallel_loop3A_827, %parallel_loop3A_828] {strides = array<i32>} : memref<128x128xf32, #tpu.memory_space<vmem>>, vector<1x16xf32>,
        %parallel_loop3A_830 = vector.shape_cast %parallel_loop3A_829 : vector<1x16xf32> to vector<16xf32>
        %parallel_loop3A_831 = vector.shape_cast %parallel_loop3A_822 : vector<16xf32> to vector<1x16xf32>
        tpu.vector_store %arg10[%parallel_loop3A_827, %parallel_loop3A_828], %parallel_loop3A_831 {strides = array<i32>} : memref<128x128xf32, #tpu.memory_space<vmem>>, vector<1x16xf32>,
        %parallel_loop3A_832 = arith.constant 3 : i32
        %parallel_loop3A_833 = arith.addi %parallel_loop3A_207, %parallel_loop3A_832 : i32
        %parallel_loop3A_834 = arith.index_cast %parallel_loop3A_833 : i32 to index
        %parallel_loop3A_835 = arith.constant 32 : index
        %parallel_loop3A_836 = tpu.vector_load %arg10[%parallel_loop3A_834, %parallel_loop3A_835] {strides = array<i32>} : memref<128x128xf32, #tpu.memory_space<vmem>>, vector<1x16xf32>,
        %parallel_loop3A_837 = vector.shape_cast %parallel_loop3A_836 : vector<1x16xf32> to vector<16xf32>
        %parallel_loop3A_838 = arith.constant 64 : i32
        %parallel_loop3A_839 = arith.addi %parallel_loop3A_838, %parallel_loop3A_207 : i32
        %parallel_loop3A_840 = arith.constant 3 : i32
        %parallel_loop3A_841 = arith.addi %parallel_loop3A_839, %parallel_loop3A_840 : i32
        %parallel_loop3A_842 = arith.index_cast %parallel_loop3A_841 : i32 to index
        %parallel_loop3A_843 = arith.constant 32 : index
        %parallel_loop3A_844 = tpu.vector_load %arg10[%parallel_loop3A_842, %parallel_loop3A_843] {strides = array<i32>} : memref<128x128xf32, #tpu.memory_space<vmem>>, vector<1x16xf32>,
        %parallel_loop3A_845 = vector.shape_cast %parallel_loop3A_844 : vector<1x16xf32> to vector<16xf32>
        %parallel_loop3A_846 = arith.subf %parallel_loop3A_837, %parallel_loop3A_845 : vector<16xf32>
        %parallel_loop3A_847 = arith.constant 64 : i32
        %parallel_loop3A_848 = arith.addi %parallel_loop3A_847, %parallel_loop3A_207 : i32
        %parallel_loop3A_849 = arith.constant 3 : i32
        %parallel_loop3A_850 = arith.addi %parallel_loop3A_848, %parallel_loop3A_849 : i32
        %parallel_loop3A_851 = arith.index_cast %parallel_loop3A_850 : i32 to index
        %parallel_loop3A_852 = arith.constant 32 : index
        %parallel_loop3A_853 = tpu.vector_load %arg10[%parallel_loop3A_851, %parallel_loop3A_852] {strides = array<i32>} : memref<128x128xf32, #tpu.memory_space<vmem>>, vector<1x16xf32>,
        %parallel_loop3A_854 = vector.shape_cast %parallel_loop3A_853 : vector<1x16xf32> to vector<16xf32>
        %parallel_loop3A_855 = vector.shape_cast %parallel_loop3A_846 : vector<16xf32> to vector<1x16xf32>
        tpu.vector_store %arg10[%parallel_loop3A_851, %parallel_loop3A_852], %parallel_loop3A_855 {strides = array<i32>} : memref<128x128xf32, #tpu.memory_space<vmem>>, vector<1x16xf32>,
        %parallel_loop3A_856 = arith.constant 3 : i32
        %parallel_loop3A_857 = arith.addi %parallel_loop3A_207, %parallel_loop3A_856 : i32
        %parallel_loop3A_858 = arith.index_cast %parallel_loop3A_857 : i32 to index
        %parallel_loop3A_859 = arith.constant 48 : index
        %parallel_loop3A_860 = tpu.vector_load %arg10[%parallel_loop3A_858, %parallel_loop3A_859] {strides = array<i32>} : memref<128x128xf32, #tpu.memory_space<vmem>>, vector<1x16xf32>,
        %parallel_loop3A_861 = vector.shape_cast %parallel_loop3A_860 : vector<1x16xf32> to vector<16xf32>
        %parallel_loop3A_862 = arith.constant 64 : i32
        %parallel_loop3A_863 = arith.addi %parallel_loop3A_862, %parallel_loop3A_207 : i32
        %parallel_loop3A_864 = arith.constant 3 : i32
        %parallel_loop3A_865 = arith.addi %parallel_loop3A_863, %parallel_loop3A_864 : i32
        %parallel_loop3A_866 = arith.index_cast %parallel_loop3A_865 : i32 to index
        %parallel_loop3A_867 = arith.constant 48 : index
        %parallel_loop3A_868 = tpu.vector_load %arg10[%parallel_loop3A_866, %parallel_loop3A_867] {strides = array<i32>} : memref<128x128xf32, #tpu.memory_space<vmem>>, vector<1x16xf32>,
        %parallel_loop3A_869 = vector.shape_cast %parallel_loop3A_868 : vector<1x16xf32> to vector<16xf32>
        %parallel_loop3A_870 = arith.subf %parallel_loop3A_861, %parallel_loop3A_869 : vector<16xf32>
        %parallel_loop3A_871 = arith.constant 64 : i32
        %parallel_loop3A_872 = arith.addi %parallel_loop3A_871, %parallel_loop3A_207 : i32
        %parallel_loop3A_873 = arith.constant 3 : i32
        %parallel_loop3A_874 = arith.addi %parallel_loop3A_872, %parallel_loop3A_873 : i32
        %parallel_loop3A_875 = arith.index_cast %parallel_loop3A_874 : i32 to index
        %parallel_loop3A_876 = arith.constant 48 : index
        %parallel_loop3A_877 = tpu.vector_load %arg10[%parallel_loop3A_875, %parallel_loop3A_876] {strides = array<i32>} : memref<128x128xf32, #tpu.memory_space<vmem>>, vector<1x16xf32>,
        %parallel_loop3A_878 = vector.shape_cast %parallel_loop3A_877 : vector<1x16xf32> to vector<16xf32>
        %parallel_loop3A_879 = vector.shape_cast %parallel_loop3A_870 : vector<16xf32> to vector<1x16xf32>
        tpu.vector_store %arg10[%parallel_loop3A_875, %parallel_loop3A_876], %parallel_loop3A_879 {strides = array<i32>} : memref<128x128xf32, #tpu.memory_space<vmem>>, vector<1x16xf32>,
        %parallel_loop3A_880 = arith.constant 3 : i32
        %parallel_loop3A_881 = arith.addi %parallel_loop3A_207, %parallel_loop3A_880 : i32
        %parallel_loop3A_882 = arith.index_cast %parallel_loop3A_881 : i32 to index
        %parallel_loop3A_883 = arith.constant 64 : index
        %parallel_loop3A_884 = tpu.vector_load %arg10[%parallel_loop3A_882, %parallel_loop3A_883] {strides = array<i32>} : memref<128x128xf32, #tpu.memory_space<vmem>>, vector<1x16xf32>,
        %parallel_loop3A_885 = vector.shape_cast %parallel_loop3A_884 : vector<1x16xf32> to vector<16xf32>
        %parallel_loop3A_886 = arith.constant 64 : i32
        %parallel_loop3A_887 = arith.addi %parallel_loop3A_886, %parallel_loop3A_207 : i32
        %parallel_loop3A_888 = arith.constant 3 : i32
        %parallel_loop3A_889 = arith.addi %parallel_loop3A_887, %parallel_loop3A_888 : i32
        %parallel_loop3A_890 = arith.index_cast %parallel_loop3A_889 : i32 to index
        %parallel_loop3A_891 = arith.constant 64 : index
        %parallel_loop3A_892 = tpu.vector_load %arg10[%parallel_loop3A_890, %parallel_loop3A_891] {strides = array<i32>} : memref<128x128xf32, #tpu.memory_space<vmem>>, vector<1x16xf32>,
        %parallel_loop3A_893 = vector.shape_cast %parallel_loop3A_892 : vector<1x16xf32> to vector<16xf32>
        %parallel_loop3A_894 = arith.subf %parallel_loop3A_885, %parallel_loop3A_893 : vector<16xf32>
        %parallel_loop3A_895 = arith.constant 64 : i32
        %parallel_loop3A_896 = arith.addi %parallel_loop3A_895, %parallel_loop3A_207 : i32
        %parallel_loop3A_897 = arith.constant 3 : i32
        %parallel_loop3A_898 = arith.addi %parallel_loop3A_896, %parallel_loop3A_897 : i32
        %parallel_loop3A_899 = arith.index_cast %parallel_loop3A_898 : i32 to index
        %parallel_loop3A_900 = arith.constant 64 : index
        %parallel_loop3A_901 = tpu.vector_load %arg10[%parallel_loop3A_899, %parallel_loop3A_900] {strides = array<i32>} : memref<128x128xf32, #tpu.memory_space<vmem>>, vector<1x16xf32>,
        %parallel_loop3A_902 = vector.shape_cast %parallel_loop3A_901 : vector<1x16xf32> to vector<16xf32>
        %parallel_loop3A_903 = vector.shape_cast %parallel_loop3A_894 : vector<16xf32> to vector<1x16xf32>
        tpu.vector_store %arg10[%parallel_loop3A_899, %parallel_loop3A_900], %parallel_loop3A_903 {strides = array<i32>} : memref<128x128xf32, #tpu.memory_space<vmem>>, vector<1x16xf32>,
        %parallel_loop3A_904 = arith.constant 3 : i32
        %parallel_loop3A_905 = arith.addi %parallel_loop3A_207, %parallel_loop3A_904 : i32
        %parallel_loop3A_906 = arith.index_cast %parallel_loop3A_905 : i32 to index
        %parallel_loop3A_907 = arith.constant 80 : index
        %parallel_loop3A_908 = tpu.vector_load %arg10[%parallel_loop3A_906, %parallel_loop3A_907] {strides = array<i32>} : memref<128x128xf32, #tpu.memory_space<vmem>>, vector<1x16xf32>,
        %parallel_loop3A_909 = vector.shape_cast %parallel_loop3A_908 : vector<1x16xf32> to vector<16xf32>
        %parallel_loop3A_910 = arith.constant 64 : i32
        %parallel_loop3A_911 = arith.addi %parallel_loop3A_910, %parallel_loop3A_207 : i32
        %parallel_loop3A_912 = arith.constant 3 : i32
        %parallel_loop3A_913 = arith.addi %parallel_loop3A_911, %parallel_loop3A_912 : i32
        %parallel_loop3A_914 = arith.index_cast %parallel_loop3A_913 : i32 to index
        %parallel_loop3A_915 = arith.constant 80 : index
        %parallel_loop3A_916 = tpu.vector_load %arg10[%parallel_loop3A_914, %parallel_loop3A_915] {strides = array<i32>} : memref<128x128xf32, #tpu.memory_space<vmem>>, vector<1x16xf32>,
        %parallel_loop3A_917 = vector.shape_cast %parallel_loop3A_916 : vector<1x16xf32> to vector<16xf32>
        %parallel_loop3A_918 = arith.subf %parallel_loop3A_909, %parallel_loop3A_917 : vector<16xf32>
        %parallel_loop3A_919 = arith.constant 64 : i32
        %parallel_loop3A_920 = arith.addi %parallel_loop3A_919, %parallel_loop3A_207 : i32
        %parallel_loop3A_921 = arith.constant 3 : i32
        %parallel_loop3A_922 = arith.addi %parallel_loop3A_920, %parallel_loop3A_921 : i32
        %parallel_loop3A_923 = arith.index_cast %parallel_loop3A_922 : i32 to index
        %parallel_loop3A_924 = arith.constant 80 : index
        %parallel_loop3A_925 = tpu.vector_load %arg10[%parallel_loop3A_923, %parallel_loop3A_924] {strides = array<i32>} : memref<128x128xf32, #tpu.memory_space<vmem>>, vector<1x16xf32>,
        %parallel_loop3A_926 = vector.shape_cast %parallel_loop3A_925 : vector<1x16xf32> to vector<16xf32>
        %parallel_loop3A_927 = vector.shape_cast %parallel_loop3A_918 : vector<16xf32> to vector<1x16xf32>
        tpu.vector_store %arg10[%parallel_loop3A_923, %parallel_loop3A_924], %parallel_loop3A_927 {strides = array<i32>} : memref<128x128xf32, #tpu.memory_space<vmem>>, vector<1x16xf32>,
        %parallel_loop3A_928 = arith.constant 3 : i32
        %parallel_loop3A_929 = arith.addi %parallel_loop3A_207, %parallel_loop3A_928 : i32
        %parallel_loop3A_930 = arith.index_cast %parallel_loop3A_929 : i32 to index
        %parallel_loop3A_931 = arith.constant 96 : index
        %parallel_loop3A_932 = tpu.vector_load %arg10[%parallel_loop3A_930, %parallel_loop3A_931] {strides = array<i32>} : memref<128x128xf32, #tpu.memory_space<vmem>>, vector<1x16xf32>,
        %parallel_loop3A_933 = vector.shape_cast %parallel_loop3A_932 : vector<1x16xf32> to vector<16xf32>
        %parallel_loop3A_934 = arith.constant 64 : i32
        %parallel_loop3A_935 = arith.addi %parallel_loop3A_934, %parallel_loop3A_207 : i32
        %parallel_loop3A_936 = arith.constant 3 : i32
        %parallel_loop3A_937 = arith.addi %parallel_loop3A_935, %parallel_loop3A_936 : i32
        %parallel_loop3A_938 = arith.index_cast %parallel_loop3A_937 : i32 to index
        %parallel_loop3A_939 = arith.constant 96 : index
        %parallel_loop3A_940 = tpu.vector_load %arg10[%parallel_loop3A_938, %parallel_loop3A_939] {strides = array<i32>} : memref<128x128xf32, #tpu.memory_space<vmem>>, vector<1x16xf32>,
        %parallel_loop3A_941 = vector.shape_cast %parallel_loop3A_940 : vector<1x16xf32> to vector<16xf32>
        %parallel_loop3A_942 = arith.subf %parallel_loop3A_933, %parallel_loop3A_941 : vector<16xf32>
        %parallel_loop3A_943 = arith.constant 64 : i32
        %parallel_loop3A_944 = arith.addi %parallel_loop3A_943, %parallel_loop3A_207 : i32
        %parallel_loop3A_945 = arith.constant 3 : i32
        %parallel_loop3A_946 = arith.addi %parallel_loop3A_944, %parallel_loop3A_945 : i32
        %parallel_loop3A_947 = arith.index_cast %parallel_loop3A_946 : i32 to index
        %parallel_loop3A_948 = arith.constant 96 : index
        %parallel_loop3A_949 = tpu.vector_load %arg10[%parallel_loop3A_947, %parallel_loop3A_948] {strides = array<i32>} : memref<128x128xf32, #tpu.memory_space<vmem>>, vector<1x16xf32>,
        %parallel_loop3A_950 = vector.shape_cast %parallel_loop3A_949 : vector<1x16xf32> to vector<16xf32>
        %parallel_loop3A_951 = vector.shape_cast %parallel_loop3A_942 : vector<16xf32> to vector<1x16xf32>
        tpu.vector_store %arg10[%parallel_loop3A_947, %parallel_loop3A_948], %parallel_loop3A_951 {strides = array<i32>} : memref<128x128xf32, #tpu.memory_space<vmem>>, vector<1x16xf32>,
        %parallel_loop3A_952 = arith.constant 3 : i32
        %parallel_loop3A_953 = arith.addi %parallel_loop3A_207, %parallel_loop3A_952 : i32
        %parallel_loop3A_954 = arith.index_cast %parallel_loop3A_953 : i32 to index
        %parallel_loop3A_955 = arith.constant 112 : index
        %parallel_loop3A_956 = tpu.vector_load %arg10[%parallel_loop3A_954, %parallel_loop3A_955] {strides = array<i32>} : memref<128x128xf32, #tpu.memory_space<vmem>>, vector<1x16xf32>,
        %parallel_loop3A_957 = vector.shape_cast %parallel_loop3A_956 : vector<1x16xf32> to vector<16xf32>
        %parallel_loop3A_958 = arith.constant 64 : i32
        %parallel_loop3A_959 = arith.addi %parallel_loop3A_958, %parallel_loop3A_207 : i32
        %parallel_loop3A_960 = arith.constant 3 : i32
        %parallel_loop3A_961 = arith.addi %parallel_loop3A_959, %parallel_loop3A_960 : i32
        %parallel_loop3A_962 = arith.index_cast %parallel_loop3A_961 : i32 to index
        %parallel_loop3A_963 = arith.constant 112 : index
        %parallel_loop3A_964 = tpu.vector_load %arg10[%parallel_loop3A_962, %parallel_loop3A_963] {strides = array<i32>} : memref<128x128xf32, #tpu.memory_space<vmem>>, vector<1x16xf32>,
        %parallel_loop3A_965 = vector.shape_cast %parallel_loop3A_964 : vector<1x16xf32> to vector<16xf32>
        %parallel_loop3A_966 = arith.subf %parallel_loop3A_957, %parallel_loop3A_965 : vector<16xf32>
        %parallel_loop3A_967 = arith.constant 64 : i32
        %parallel_loop3A_968 = arith.addi %parallel_loop3A_967, %parallel_loop3A_207 : i32
        %parallel_loop3A_969 = arith.constant 3 : i32
        %parallel_loop3A_970 = arith.addi %parallel_loop3A_968, %parallel_loop3A_969 : i32
        %parallel_loop3A_971 = arith.index_cast %parallel_loop3A_970 : i32 to index
        %parallel_loop3A_972 = arith.constant 112 : index
        %parallel_loop3A_973 = tpu.vector_load %arg10[%parallel_loop3A_971, %parallel_loop3A_972] {strides = array<i32>} : memref<128x128xf32, #tpu.memory_space<vmem>>, vector<1x16xf32>,
        %parallel_loop3A_974 = vector.shape_cast %parallel_loop3A_973 : vector<1x16xf32> to vector<16xf32>
        %parallel_loop3A_975 = vector.shape_cast %parallel_loop3A_966 : vector<16xf32> to vector<1x16xf32>
        tpu.vector_store %arg10[%parallel_loop3A_971, %parallel_loop3A_972], %parallel_loop3A_975 {strides = array<i32>} : memref<128x128xf32, #tpu.memory_space<vmem>>, vector<1x16xf32>,
      } {sc.loop_unroll_factor = 1 : i64, sc.parallel_access}
      %dma_start3A_201 = arith.constant 64 : i32
      %dma_start3A_202 = arith.constant 0 : i32
      %dma_start3A_203 = tpu.memref_slice %arg10[%dma_start3A_201, %dma_start3A_202] : memref<128x128xf32, #tpu.memory_space<vmem>> -> memref<64x128xf32, #tpu.memory_space<vmem>>
      %dma_start3A_204 = arith.constant 0 : i32
      %dma_start3A_205 = arith.constant 0 : i32
      %dma_start3A_206 = tpu.memref_slice %arg11[%dma_start3A_204, %dma_start3A_205] : memref<10240x128xf32, #tpu.memory_space<vmem_shared>> -> memref<10240x128xf32, #tpu.memory_space<vmem_shared>>
      tpu.enqueue_indirect_dma source(%dma_start3A_203 : memref<64x128xf32, #tpu.memory_space<vmem>>) target(%dma_start3A_206 : memref<10240x128xf32, #tpu.memory_space<vmem_shared>>) offsets(%arg9 : memref<64xi32, #tpu.memory_space<vmem>>) semaphore(%arg15 : memref<!tpu.dma_semaphore, #tpu.memory_space<semaphore_mem>>) {add = true}
    }
    %while3A_126 = arith.constant 1 : i32
    scf.for %while3A_144 = %while3A_124 to %while3A_120 step %while3A_126  : i32 {
      %mul3A_145 = arith.constant 2 : i32
      %mul3A_146 = arith.muli %mul3A_145, %while3A_144 : i32
      %add3A_147 = arith.constant 1 : i32
      %add3A_148 = arith.addi %mul3A_146, %add3A_147 : i32
      %dma_wait3A_149 = arith.constant 64 : i32
      %dma_wait3A_150 = arith.constant 0 : i32
      %dma_wait3A_151 = tpu.memref_slice %arg10[%dma_wait3A_149, %dma_wait3A_150] : memref<128x128xf32, #tpu.memory_space<vmem>> -> memref<64x128xf32, #tpu.memory_space<vmem>>
      %dma_wait3A_152 = arith.constant 0 : i32
      %dma_wait3A_153 = arith.constant 0 : i32
      %dma_wait3A_154 = tpu.memref_slice %arg11[%dma_wait3A_152, %dma_wait3A_153] : memref<10240x128xf32, #tpu.memory_space<vmem_shared>> -> memref<10240x128xf32, #tpu.memory_space<vmem_shared>>
      tpu.wait_indirect_dma semaphore(%arg15 : memref<!tpu.dma_semaphore, #tpu.memory_space<semaphore_mem>>) src(%dma_wait3A_151 : memref<64x128xf32, #tpu.memory_space<vmem>>) dst(%dma_wait3A_154 : memref<10240x128xf32, #tpu.memory_space<vmem_shared>>)
      %mul3A_155 = arith.constant 64 : i32
      %mul3A_156 = arith.muli %add3A_148, %mul3A_155 : i32
      %add3A_157 = arith.addi %mul3A_40, %mul3A_156 : i32
      %dma_start3A_158 = tpu.memref_slice %arg4[%add3A_157] : memref<163840xi32, #tpu.memory_space<hbm>> -> memref<64xi32, #tpu.memory_space<hbm>>
      %dma_start3A_159 = tpu.memref_slice %arg4[%add3A_157] : memref<163840xi32, #tpu.memory_space<hbm>> -> memref<64xi32, #tpu.memory_space<hbm>>
      tpu.enqueue_dma source(%dma_start3A_159 : memref<64xi32, #tpu.memory_space<hbm>>) target(%arg9 : memref<64xi32, #tpu.memory_space<vmem>>) target_semaphore(%arg13 : memref<!tpu.dma_semaphore, #tpu.memory_space<semaphore_mem>>)
      %dma_start3A_160 = arith.constant 0 : i32
      %dma_start3A_161 = tpu.memref_slice %arg6[%add3A_148, %dma_start3A_160] : memref<120x128xi32, #tpu.memory_space<vmem>> -> memref<1x128xi32, #tpu.memory_space<vmem>>
      %dma_start3A_162 = tpu.memref_squeeze %dma_start3A_161 : memref<1x128xi32, #tpu.memory_space<vmem>> -> memref<128xi32, #tpu.memory_space<vmem>>
      %dma_start3A_163 = arith.constant 0 : i32
      %dma_start3A_164 = arith.constant 0 : i32
      %dma_start3A_165 = tpu.memref_slice %arg2[%dma_start3A_163, %dma_start3A_164] : memref<10200x128xf32, #tpu.memory_space<hbm>> -> memref<10200x128xf32, #tpu.memory_space<hbm>>
      tpu.enqueue_indirect_dma source(%dma_start3A_165 : memref<10200x128xf32, #tpu.memory_space<hbm>>) target(%arg10 : memref<128x128xf32, #tpu.memory_space<vmem>>) offsets(%dma_start3A_162 : memref<128xi32, #tpu.memory_space<vmem>>) semaphore(%arg13 : memref<!tpu.dma_semaphore, #tpu.memory_space<semaphore_mem>>)
      %dma_wait3A_166 = tpu.memref_slice %arg4[%mul3A_40] : memref<163840xi32, #tpu.memory_space<hbm>> -> memref<64xi32, #tpu.memory_space<hbm>>
      %dma_wait3A_167 = tpu.memref_slice %arg4[%mul3A_40] : memref<163840xi32, #tpu.memory_space<hbm>> -> memref<64xi32, #tpu.memory_space<hbm>>
      tpu.wait_dma2 semaphore(%arg12 : memref<!tpu.dma_semaphore, #tpu.memory_space<semaphore_mem>>) src(%dma_wait3A_167 : memref<64xi32, #tpu.memory_space<hbm>>) dst(%arg7 : memref<64xi32, #tpu.memory_space<vmem>>)
      %dma_wait3A_168 = arith.constant 0 : i32
      %dma_wait3A_169 = arith.constant 0 : i32
      %dma_wait3A_170 = tpu.memref_slice %arg6[%dma_wait3A_168, %dma_wait3A_169] : memref<120x128xi32, #tpu.memory_space<vmem>> -> memref<1x128xi32, #tpu.memory_space<vmem>>
      %dma_wait3A_171 = tpu.memref_squeeze %dma_wait3A_170 : memref<1x128xi32, #tpu.memory_space<vmem>> -> memref<128xi32, #tpu.memory_space<vmem>>
      %dma_wait3A_172 = arith.constant 0 : i32
      %dma_wait3A_173 = arith.constant 0 : i32
      %dma_wait3A_174 = tpu.memref_slice %arg2[%dma_wait3A_172, %dma_wait3A_173] : memref<10200x128xf32, #tpu.memory_space<hbm>> -> memref<10200x128xf32, #tpu.memory_space<hbm>>
      tpu.wait_indirect_dma semaphore(%arg12 : memref<!tpu.dma_semaphore, #tpu.memory_space<semaphore_mem>>) src(%dma_wait3A_174 : memref<10200x128xf32, #tpu.memory_space<hbm>>) dst(%arg8 : memref<128x128xf32, #tpu.memory_space<vmem>>)
      %parallel_loop3A_175 = arith.constant 0 : i32
      %parallel_loop3A_176 = arith.constant 64 : i32
      %parallel_loop3A_177 = arith.constant 4 : i32
      scf.for %parallel_loop3A_207 = %parallel_loop3A_175 to %parallel_loop3A_176 step %parallel_loop3A_177  : i32 {
        %parallel_loop3A_208 = arith.constant 0 : i32
        %parallel_loop3A_209 = arith.addi %parallel_loop3A_207, %parallel_loop3A_208 : i32
        %parallel_loop3A_210 = arith.index_cast %parallel_loop3A_209 : i32 to index
        %parallel_loop3A_211 = arith.constant 0 : index
        %parallel_loop3A_212 = tpu.vector_load %arg8[%parallel_loop3A_210, %parallel_loop3A_211] {strides = array<i32>} : memref<128x128xf32, #tpu.memory_space<vmem>>, vector<1x16xf32>,
        %parallel_loop3A_213 = vector.shape_cast %parallel_loop3A_212 : vector<1x16xf32> to vector<16xf32>
        %parallel_loop3A_214 = arith.constant 64 : i32
        %parallel_loop3A_215 = arith.addi %parallel_loop3A_214, %parallel_loop3A_207 : i32
        %parallel_loop3A_216 = arith.constant 0 : i32
        %parallel_loop3A_217 = arith.addi %parallel_loop3A_215, %parallel_loop3A_216 : i32
        %parallel_loop3A_218 = arith.index_cast %parallel_loop3A_217 : i32 to index
        %parallel_loop3A_219 = arith.constant 0 : index
        %parallel_loop3A_220 = tpu.vector_load %arg8[%parallel_loop3A_218, %parallel_loop3A_219] {strides = array<i32>} : memref<128x128xf32, #tpu.memory_space<vmem>>, vector<1x16xf32>,
        %parallel_loop3A_221 = vector.shape_cast %parallel_loop3A_220 : vector<1x16xf32> to vector<16xf32>
        %parallel_loop3A_222 = arith.subf %parallel_loop3A_213, %parallel_loop3A_221 : vector<16xf32>
        %parallel_loop3A_223 = arith.constant 64 : i32
        %parallel_loop3A_224 = arith.addi %parallel_loop3A_223, %parallel_loop3A_207 : i32
        %parallel_loop3A_225 = arith.constant 0 : i32
        %parallel_loop3A_226 = arith.addi %parallel_loop3A_224, %parallel_loop3A_225 : i32
        %parallel_loop3A_227 = arith.index_cast %parallel_loop3A_226 : i32 to index
        %parallel_loop3A_228 = arith.constant 0 : index
        %parallel_loop3A_229 = tpu.vector_load %arg8[%parallel_loop3A_227, %parallel_loop3A_228] {strides = array<i32>} : memref<128x128xf32, #tpu.memory_space<vmem>>, vector<1x16xf32>,
        %parallel_loop3A_230 = vector.shape_cast %parallel_loop3A_229 : vector<1x16xf32> to vector<16xf32>
        %parallel_loop3A_231 = vector.shape_cast %parallel_loop3A_222 : vector<16xf32> to vector<1x16xf32>
        tpu.vector_store %arg8[%parallel_loop3A_227, %parallel_loop3A_228], %parallel_loop3A_231 {strides = array<i32>} : memref<128x128xf32, #tpu.memory_space<vmem>>, vector<1x16xf32>,
        %parallel_loop3A_232 = arith.constant 0 : i32
        %parallel_loop3A_233 = arith.addi %parallel_loop3A_207, %parallel_loop3A_232 : i32
        %parallel_loop3A_234 = arith.index_cast %parallel_loop3A_233 : i32 to index
        %parallel_loop3A_235 = arith.constant 16 : index
        %parallel_loop3A_236 = tpu.vector_load %arg8[%parallel_loop3A_234, %parallel_loop3A_235] {strides = array<i32>} : memref<128x128xf32, #tpu.memory_space<vmem>>, vector<1x16xf32>,
        %parallel_loop3A_237 = vector.shape_cast %parallel_loop3A_236 : vector<1x16xf32> to vector<16xf32>
        %parallel_loop3A_238 = arith.constant 64 : i32
        %parallel_loop3A_239 = arith.addi %parallel_loop3A_238, %parallel_loop3A_207 : i32
        %parallel_loop3A_240 = arith.constant 0 : i32
        %parallel_loop3A_241 = arith.addi %parallel_loop3A_239, %parallel_loop3A_240 : i32
        %parallel_loop3A_242 = arith.index_cast %parallel_loop3A_241 : i32 to index
        %parallel_loop3A_243 = arith.constant 16 : index
        %parallel_loop3A_244 = tpu.vector_load %arg8[%parallel_loop3A_242, %parallel_loop3A_243] {strides = array<i32>} : memref<128x128xf32, #tpu.memory_space<vmem>>, vector<1x16xf32>,
        %parallel_loop3A_245 = vector.shape_cast %parallel_loop3A_244 : vector<1x16xf32> to vector<16xf32>
        %parallel_loop3A_246 = arith.subf %parallel_loop3A_237, %parallel_loop3A_245 : vector<16xf32>
        %parallel_loop3A_247 = arith.constant 64 : i32
        %parallel_loop3A_248 = arith.addi %parallel_loop3A_247, %parallel_loop3A_207 : i32
        %parallel_loop3A_249 = arith.constant 0 : i32
        %parallel_loop3A_250 = arith.addi %parallel_loop3A_248, %parallel_loop3A_249 : i32
        %parallel_loop3A_251 = arith.index_cast %parallel_loop3A_250 : i32 to index
        %parallel_loop3A_252 = arith.constant 16 : index
        %parallel_loop3A_253 = tpu.vector_load %arg8[%parallel_loop3A_251, %parallel_loop3A_252] {strides = array<i32>} : memref<128x128xf32, #tpu.memory_space<vmem>>, vector<1x16xf32>,
        %parallel_loop3A_254 = vector.shape_cast %parallel_loop3A_253 : vector<1x16xf32> to vector<16xf32>
        %parallel_loop3A_255 = vector.shape_cast %parallel_loop3A_246 : vector<16xf32> to vector<1x16xf32>
        tpu.vector_store %arg8[%parallel_loop3A_251, %parallel_loop3A_252], %parallel_loop3A_255 {strides = array<i32>} : memref<128x128xf32, #tpu.memory_space<vmem>>, vector<1x16xf32>,
        %parallel_loop3A_256 = arith.constant 0 : i32
        %parallel_loop3A_257 = arith.addi %parallel_loop3A_207, %parallel_loop3A_256 : i32
        %parallel_loop3A_258 = arith.index_cast %parallel_loop3A_257 : i32 to index
        %parallel_loop3A_259 = arith.constant 32 : index
        %parallel_loop3A_260 = tpu.vector_load %arg8[%parallel_loop3A_258, %parallel_loop3A_259] {strides = array<i32>} : memref<128x128xf32, #tpu.memory_space<vmem>>, vector<1x16xf32>,
        %parallel_loop3A_261 = vector.shape_cast %parallel_loop3A_260 : vector<1x16xf32> to vector<16xf32>
        %parallel_loop3A_262 = arith.constant 64 : i32
        %parallel_loop3A_263 = arith.addi %parallel_loop3A_262, %parallel_loop3A_207 : i32
        %parallel_loop3A_264 = arith.constant 0 : i32
        %parallel_loop3A_265 = arith.addi %parallel_loop3A_263, %parallel_loop3A_264 : i32
        %parallel_loop3A_266 = arith.index_cast %parallel_loop3A_265 : i32 to index
        %parallel_loop3A_267 = arith.constant 32 : index
        %parallel_loop3A_268 = tpu.vector_load %arg8[%parallel_loop3A_266, %parallel_loop3A_267] {strides = array<i32>} : memref<128x128xf32, #tpu.memory_space<vmem>>, vector<1x16xf32>,
        %parallel_loop3A_269 = vector.shape_cast %parallel_loop3A_268 : vector<1x16xf32> to vector<16xf32>
        %parallel_loop3A_270 = arith.subf %parallel_loop3A_261, %parallel_loop3A_269 : vector<16xf32>
        %parallel_loop3A_271 = arith.constant 64 : i32
        %parallel_loop3A_272 = arith.addi %parallel_loop3A_271, %parallel_loop3A_207 : i32
        %parallel_loop3A_273 = arith.constant 0 : i32
        %parallel_loop3A_274 = arith.addi %parallel_loop3A_272, %parallel_loop3A_273 : i32
        %parallel_loop3A_275 = arith.index_cast %parallel_loop3A_274 : i32 to index
        %parallel_loop3A_276 = arith.constant 32 : index
        %parallel_loop3A_277 = tpu.vector_load %arg8[%parallel_loop3A_275, %parallel_loop3A_276] {strides = array<i32>} : memref<128x128xf32, #tpu.memory_space<vmem>>, vector<1x16xf32>,
        %parallel_loop3A_278 = vector.shape_cast %parallel_loop3A_277 : vector<1x16xf32> to vector<16xf32>
        %parallel_loop3A_279 = vector.shape_cast %parallel_loop3A_270 : vector<16xf32> to vector<1x16xf32>
        tpu.vector_store %arg8[%parallel_loop3A_275, %parallel_loop3A_276], %parallel_loop3A_279 {strides = array<i32>} : memref<128x128xf32, #tpu.memory_space<vmem>>, vector<1x16xf32>,
        %parallel_loop3A_280 = arith.constant 0 : i32
        %parallel_loop3A_281 = arith.addi %parallel_loop3A_207, %parallel_loop3A_280 : i32
        %parallel_loop3A_282 = arith.index_cast %parallel_loop3A_281 : i32 to index
        %parallel_loop3A_283 = arith.constant 48 : index
        %parallel_loop3A_284 = tpu.vector_load %arg8[%parallel_loop3A_282, %parallel_loop3A_283] {strides = array<i32>} : memref<128x128xf32, #tpu.memory_space<vmem>>, vector<1x16xf32>,
        %parallel_loop3A_285 = vector.shape_cast %parallel_loop3A_284 : vector<1x16xf32> to vector<16xf32>
        %parallel_loop3A_286 = arith.constant 64 : i32
        %parallel_loop3A_287 = arith.addi %parallel_loop3A_286, %parallel_loop3A_207 : i32
        %parallel_loop3A_288 = arith.constant 0 : i32
        %parallel_loop3A_289 = arith.addi %parallel_loop3A_287, %parallel_loop3A_288 : i32
        %parallel_loop3A_290 = arith.index_cast %parallel_loop3A_289 : i32 to index
        %parallel_loop3A_291 = arith.constant 48 : index
        %parallel_loop3A_292 = tpu.vector_load %arg8[%parallel_loop3A_290, %parallel_loop3A_291] {strides = array<i32>} : memref<128x128xf32, #tpu.memory_space<vmem>>, vector<1x16xf32>,
        %parallel_loop3A_293 = vector.shape_cast %parallel_loop3A_292 : vector<1x16xf32> to vector<16xf32>
        %parallel_loop3A_294 = arith.subf %parallel_loop3A_285, %parallel_loop3A_293 : vector<16xf32>
        %parallel_loop3A_295 = arith.constant 64 : i32
        %parallel_loop3A_296 = arith.addi %parallel_loop3A_295, %parallel_loop3A_207 : i32
        %parallel_loop3A_297 = arith.constant 0 : i32
        %parallel_loop3A_298 = arith.addi %parallel_loop3A_296, %parallel_loop3A_297 : i32
        %parallel_loop3A_299 = arith.index_cast %parallel_loop3A_298 : i32 to index
        %parallel_loop3A_300 = arith.constant 48 : index
        %parallel_loop3A_301 = tpu.vector_load %arg8[%parallel_loop3A_299, %parallel_loop3A_300] {strides = array<i32>} : memref<128x128xf32, #tpu.memory_space<vmem>>, vector<1x16xf32>,
        %parallel_loop3A_302 = vector.shape_cast %parallel_loop3A_301 : vector<1x16xf32> to vector<16xf32>
        %parallel_loop3A_303 = vector.shape_cast %parallel_loop3A_294 : vector<16xf32> to vector<1x16xf32>
        tpu.vector_store %arg8[%parallel_loop3A_299, %parallel_loop3A_300], %parallel_loop3A_303 {strides = array<i32>} : memref<128x128xf32, #tpu.memory_space<vmem>>, vector<1x16xf32>,
        %parallel_loop3A_304 = arith.constant 0 : i32
        %parallel_loop3A_305 = arith.addi %parallel_loop3A_207, %parallel_loop3A_304 : i32
        %parallel_loop3A_306 = arith.index_cast %parallel_loop3A_305 : i32 to index
        %parallel_loop3A_307 = arith.constant 64 : index
        %parallel_loop3A_308 = tpu.vector_load %arg8[%parallel_loop3A_306, %parallel_loop3A_307] {strides = array<i32>} : memref<128x128xf32, #tpu.memory_space<vmem>>, vector<1x16xf32>,
        %parallel_loop3A_309 = vector.shape_cast %parallel_loop3A_308 : vector<1x16xf32> to vector<16xf32>
        %parallel_loop3A_310 = arith.constant 64 : i32
        %parallel_loop3A_311 = arith.addi %parallel_loop3A_310, %parallel_loop3A_207 : i32
        %parallel_loop3A_312 = arith.constant 0 : i32
        %parallel_loop3A_313 = arith.addi %parallel_loop3A_311, %parallel_loop3A_312 : i32
        %parallel_loop3A_314 = arith.index_cast %parallel_loop3A_313 : i32 to index
        %parallel_loop3A_315 = arith.constant 64 : index
        %parallel_loop3A_316 = tpu.vector_load %arg8[%parallel_loop3A_314, %parallel_loop3A_315] {strides = array<i32>} : memref<128x128xf32, #tpu.memory_space<vmem>>, vector<1x16xf32>,
        %parallel_loop3A_317 = vector.shape_cast %parallel_loop3A_316 : vector<1x16xf32> to vector<16xf32>
        %parallel_loop3A_318 = arith.subf %parallel_loop3A_309, %parallel_loop3A_317 : vector<16xf32>
        %parallel_loop3A_319 = arith.constant 64 : i32
        %parallel_loop3A_320 = arith.addi %parallel_loop3A_319, %parallel_loop3A_207 : i32
        %parallel_loop3A_321 = arith.constant 0 : i32
        %parallel_loop3A_322 = arith.addi %parallel_loop3A_320, %parallel_loop3A_321 : i32
        %parallel_loop3A_323 = arith.index_cast %parallel_loop3A_322 : i32 to index
        %parallel_loop3A_324 = arith.constant 64 : index
        %parallel_loop3A_325 = tpu.vector_load %arg8[%parallel_loop3A_323, %parallel_loop3A_324] {strides = array<i32>} : memref<128x128xf32, #tpu.memory_space<vmem>>, vector<1x16xf32>,
        %parallel_loop3A_326 = vector.shape_cast %parallel_loop3A_325 : vector<1x16xf32> to vector<16xf32>
        %parallel_loop3A_327 = vector.shape_cast %parallel_loop3A_318 : vector<16xf32> to vector<1x16xf32>
        tpu.vector_store %arg8[%parallel_loop3A_323, %parallel_loop3A_324], %parallel_loop3A_327 {strides = array<i32>} : memref<128x128xf32, #tpu.memory_space<vmem>>, vector<1x16xf32>,
        %parallel_loop3A_328 = arith.constant 0 : i32
        %parallel_loop3A_329 = arith.addi %parallel_loop3A_207, %parallel_loop3A_328 : i32
        %parallel_loop3A_330 = arith.index_cast %parallel_loop3A_329 : i32 to index
        %parallel_loop3A_331 = arith.constant 80 : index
        %parallel_loop3A_332 = tpu.vector_load %arg8[%parallel_loop3A_330, %parallel_loop3A_331] {strides = array<i32>} : memref<128x128xf32, #tpu.memory_space<vmem>>, vector<1x16xf32>,
        %parallel_loop3A_333 = vector.shape_cast %parallel_loop3A_332 : vector<1x16xf32> to vector<16xf32>
        %parallel_loop3A_334 = arith.constant 64 : i32
        %parallel_loop3A_335 = arith.addi %parallel_loop3A_334, %parallel_loop3A_207 : i32
        %parallel_loop3A_336 = arith.constant 0 : i32
        %parallel_loop3A_337 = arith.addi %parallel_loop3A_335, %parallel_loop3A_336 : i32
        %parallel_loop3A_338 = arith.index_cast %parallel_loop3A_337 : i32 to index
        %parallel_loop3A_339 = arith.constant 80 : index
        %parallel_loop3A_340 = tpu.vector_load %arg8[%parallel_loop3A_338, %parallel_loop3A_339] {strides = array<i32>} : memref<128x128xf32, #tpu.memory_space<vmem>>, vector<1x16xf32>,
        %parallel_loop3A_341 = vector.shape_cast %parallel_loop3A_340 : vector<1x16xf32> to vector<16xf32>
        %parallel_loop3A_342 = arith.subf %parallel_loop3A_333, %parallel_loop3A_341 : vector<16xf32>
        %parallel_loop3A_343 = arith.constant 64 : i32
        %parallel_loop3A_344 = arith.addi %parallel_loop3A_343, %parallel_loop3A_207 : i32
        %parallel_loop3A_345 = arith.constant 0 : i32
        %parallel_loop3A_346 = arith.addi %parallel_loop3A_344, %parallel_loop3A_345 : i32
        %parallel_loop3A_347 = arith.index_cast %parallel_loop3A_346 : i32 to index
        %parallel_loop3A_348 = arith.constant 80 : index
        %parallel_loop3A_349 = tpu.vector_load %arg8[%parallel_loop3A_347, %parallel_loop3A_348] {strides = array<i32>} : memref<128x128xf32, #tpu.memory_space<vmem>>, vector<1x16xf32>,
        %parallel_loop3A_350 = vector.shape_cast %parallel_loop3A_349 : vector<1x16xf32> to vector<16xf32>
        %parallel_loop3A_351 = vector.shape_cast %parallel_loop3A_342 : vector<16xf32> to vector<1x16xf32>
        tpu.vector_store %arg8[%parallel_loop3A_347, %parallel_loop3A_348], %parallel_loop3A_351 {strides = array<i32>} : memref<128x128xf32, #tpu.memory_space<vmem>>, vector<1x16xf32>,
        %parallel_loop3A_352 = arith.constant 0 : i32
        %parallel_loop3A_353 = arith.addi %parallel_loop3A_207, %parallel_loop3A_352 : i32
        %parallel_loop3A_354 = arith.index_cast %parallel_loop3A_353 : i32 to index
        %parallel_loop3A_355 = arith.constant 96 : index
        %parallel_loop3A_356 = tpu.vector_load %arg8[%parallel_loop3A_354, %parallel_loop3A_355] {strides = array<i32>} : memref<128x128xf32, #tpu.memory_space<vmem>>, vector<1x16xf32>,
        %parallel_loop3A_357 = vector.shape_cast %parallel_loop3A_356 : vector<1x16xf32> to vector<16xf32>
        %parallel_loop3A_358 = arith.constant 64 : i32
        %parallel_loop3A_359 = arith.addi %parallel_loop3A_358, %parallel_loop3A_207 : i32
        %parallel_loop3A_360 = arith.constant 0 : i32
        %parallel_loop3A_361 = arith.addi %parallel_loop3A_359, %parallel_loop3A_360 : i32
        %parallel_loop3A_362 = arith.index_cast %parallel_loop3A_361 : i32 to index
        %parallel_loop3A_363 = arith.constant 96 : index
        %parallel_loop3A_364 = tpu.vector_load %arg8[%parallel_loop3A_362, %parallel_loop3A_363] {strides = array<i32>} : memref<128x128xf32, #tpu.memory_space<vmem>>, vector<1x16xf32>,
        %parallel_loop3A_365 = vector.shape_cast %parallel_loop3A_364 : vector<1x16xf32> to vector<16xf32>
        %parallel_loop3A_366 = arith.subf %parallel_loop3A_357, %parallel_loop3A_365 : vector<16xf32>
        %parallel_loop3A_367 = arith.constant 64 : i32
        %parallel_loop3A_368 = arith.addi %parallel_loop3A_367, %parallel_loop3A_207 : i32
        %parallel_loop3A_369 = arith.constant 0 : i32
        %parallel_loop3A_370 = arith.addi %parallel_loop3A_368, %parallel_loop3A_369 : i32
        %parallel_loop3A_371 = arith.index_cast %parallel_loop3A_370 : i32 to index
        %parallel_loop3A_372 = arith.constant 96 : index
        %parallel_loop3A_373 = tpu.vector_load %arg8[%parallel_loop3A_371, %parallel_loop3A_372] {strides = array<i32>} : memref<128x128xf32, #tpu.memory_space<vmem>>, vector<1x16xf32>,
        %parallel_loop3A_374 = vector.shape_cast %parallel_loop3A_373 : vector<1x16xf32> to vector<16xf32>
        %parallel_loop3A_375 = vector.shape_cast %parallel_loop3A_366 : vector<16xf32> to vector<1x16xf32>
        tpu.vector_store %arg8[%parallel_loop3A_371, %parallel_loop3A_372], %parallel_loop3A_375 {strides = array<i32>} : memref<128x128xf32, #tpu.memory_space<vmem>>, vector<1x16xf32>,
        %parallel_loop3A_376 = arith.constant 0 : i32
        %parallel_loop3A_377 = arith.addi %parallel_loop3A_207, %parallel_loop3A_376 : i32
        %parallel_loop3A_378 = arith.index_cast %parallel_loop3A_377 : i32 to index
        %parallel_loop3A_379 = arith.constant 112 : index
        %parallel_loop3A_380 = tpu.vector_load %arg8[%parallel_loop3A_378, %parallel_loop3A_379] {strides = array<i32>} : memref<128x128xf32, #tpu.memory_space<vmem>>, vector<1x16xf32>,
        %parallel_loop3A_381 = vector.shape_cast %parallel_loop3A_380 : vector<1x16xf32> to vector<16xf32>
        %parallel_loop3A_382 = arith.constant 64 : i32
        %parallel_loop3A_383 = arith.addi %parallel_loop3A_382, %parallel_loop3A_207 : i32
        %parallel_loop3A_384 = arith.constant 0 : i32
        %parallel_loop3A_385 = arith.addi %parallel_loop3A_383, %parallel_loop3A_384 : i32
        %parallel_loop3A_386 = arith.index_cast %parallel_loop3A_385 : i32 to index
        %parallel_loop3A_387 = arith.constant 112 : index
        %parallel_loop3A_388 = tpu.vector_load %arg8[%parallel_loop3A_386, %parallel_loop3A_387] {strides = array<i32>} : memref<128x128xf32, #tpu.memory_space<vmem>>, vector<1x16xf32>,
        %parallel_loop3A_389 = vector.shape_cast %parallel_loop3A_388 : vector<1x16xf32> to vector<16xf32>
        %parallel_loop3A_390 = arith.subf %parallel_loop3A_381, %parallel_loop3A_389 : vector<16xf32>
        %parallel_loop3A_391 = arith.constant 64 : i32
        %parallel_loop3A_392 = arith.addi %parallel_loop3A_391, %parallel_loop3A_207 : i32
        %parallel_loop3A_393 = arith.constant 0 : i32
        %parallel_loop3A_394 = arith.addi %parallel_loop3A_392, %parallel_loop3A_393 : i32
        %parallel_loop3A_395 = arith.index_cast %parallel_loop3A_394 : i32 to index
        %parallel_loop3A_396 = arith.constant 112 : index
        %parallel_loop3A_397 = tpu.vector_load %arg8[%parallel_loop3A_395, %parallel_loop3A_396] {strides = array<i32>} : memref<128x128xf32, #tpu.memory_space<vmem>>, vector<1x16xf32>,
        %parallel_loop3A_398 = vector.shape_cast %parallel_loop3A_397 : vector<1x16xf32> to vector<16xf32>
        %parallel_loop3A_399 = vector.shape_cast %parallel_loop3A_390 : vector<16xf32> to vector<1x16xf32>
        tpu.vector_store %arg8[%parallel_loop3A_395, %parallel_loop3A_396], %parallel_loop3A_399 {strides = array<i32>} : memref<128x128xf32, #tpu.memory_space<vmem>>, vector<1x16xf32>,
        %parallel_loop3A_400 = arith.constant 1 : i32
        %parallel_loop3A_401 = arith.addi %parallel_loop3A_207, %parallel_loop3A_400 : i32
        %parallel_loop3A_402 = arith.index_cast %parallel_loop3A_401 : i32 to index
        %parallel_loop3A_403 = arith.constant 0 : index
        %parallel_loop3A_404 = tpu.vector_load %arg8[%parallel_loop3A_402, %parallel_loop3A_403] {strides = array<i32>} : memref<128x128xf32, #tpu.memory_space<vmem>>, vector<1x16xf32>,
        %parallel_loop3A_405 = vector.shape_cast %parallel_loop3A_404 : vector<1x16xf32> to vector<16xf32>
        %parallel_loop3A_406 = arith.constant 64 : i32
        %parallel_loop3A_407 = arith.addi %parallel_loop3A_406, %parallel_loop3A_207 : i32
        %parallel_loop3A_408 = arith.constant 1 : i32
        %parallel_loop3A_409 = arith.addi %parallel_loop3A_407, %parallel_loop3A_408 : i32
        %parallel_loop3A_410 = arith.index_cast %parallel_loop3A_409 : i32 to index
        %parallel_loop3A_411 = arith.constant 0 : index
        %parallel_loop3A_412 = tpu.vector_load %arg8[%parallel_loop3A_410, %parallel_loop3A_411] {strides = array<i32>} : memref<128x128xf32, #tpu.memory_space<vmem>>, vector<1x16xf32>,
        %parallel_loop3A_413 = vector.shape_cast %parallel_loop3A_412 : vector<1x16xf32> to vector<16xf32>
        %parallel_loop3A_414 = arith.subf %parallel_loop3A_405, %parallel_loop3A_413 : vector<16xf32>
        %parallel_loop3A_415 = arith.constant 64 : i32
        %parallel_loop3A_416 = arith.addi %parallel_loop3A_415, %parallel_loop3A_207 : i32
        %parallel_loop3A_417 = arith.constant 1 : i32
        %parallel_loop3A_418 = arith.addi %parallel_loop3A_416, %parallel_loop3A_417 : i32
        %parallel_loop3A_419 = arith.index_cast %parallel_loop3A_418 : i32 to index
        %parallel_loop3A_420 = arith.constant 0 : index
        %parallel_loop3A_421 = tpu.vector_load %arg8[%parallel_loop3A_419, %parallel_loop3A_420] {strides = array<i32>} : memref<128x128xf32, #tpu.memory_space<vmem>>, vector<1x16xf32>,
        %parallel_loop3A_422 = vector.shape_cast %parallel_loop3A_421 : vector<1x16xf32> to vector<16xf32>
        %parallel_loop3A_423 = vector.shape_cast %parallel_loop3A_414 : vector<16xf32> to vector<1x16xf32>
        tpu.vector_store %arg8[%parallel_loop3A_419, %parallel_loop3A_420], %parallel_loop3A_423 {strides = array<i32>} : memref<128x128xf32, #tpu.memory_space<vmem>>, vector<1x16xf32>,
        %parallel_loop3A_424 = arith.constant 1 : i32
        %parallel_loop3A_425 = arith.addi %parallel_loop3A_207, %parallel_loop3A_424 : i32
        %parallel_loop3A_426 = arith.index_cast %parallel_loop3A_425 : i32 to index
        %parallel_loop3A_427 = arith.constant 16 : index
        %parallel_loop3A_428 = tpu.vector_load %arg8[%parallel_loop3A_426, %parallel_loop3A_427] {strides = array<i32>} : memref<128x128xf32, #tpu.memory_space<vmem>>, vector<1x16xf32>,
        %parallel_loop3A_429 = vector.shape_cast %parallel_loop3A_428 : vector<1x16xf32> to vector<16xf32>
        %parallel_loop3A_430 = arith.constant 64 : i32
        %parallel_loop3A_431 = arith.addi %parallel_loop3A_430, %parallel_loop3A_207 : i32
        %parallel_loop3A_432 = arith.constant 1 : i32
        %parallel_loop3A_433 = arith.addi %parallel_loop3A_431, %parallel_loop3A_432 : i32
        %parallel_loop3A_434 = arith.index_cast %parallel_loop3A_433 : i32 to index
        %parallel_loop3A_435 = arith.constant 16 : index
        %parallel_loop3A_436 = tpu.vector_load %arg8[%parallel_loop3A_434, %parallel_loop3A_435] {strides = array<i32>} : memref<128x128xf32, #tpu.memory_space<vmem>>, vector<1x16xf32>,
        %parallel_loop3A_437 = vector.shape_cast %parallel_loop3A_436 : vector<1x16xf32> to vector<16xf32>
        %parallel_loop3A_438 = arith.subf %parallel_loop3A_429, %parallel_loop3A_437 : vector<16xf32>
        %parallel_loop3A_439 = arith.constant 64 : i32
        %parallel_loop3A_440 = arith.addi %parallel_loop3A_439, %parallel_loop3A_207 : i32
        %parallel_loop3A_441 = arith.constant 1 : i32
        %parallel_loop3A_442 = arith.addi %parallel_loop3A_440, %parallel_loop3A_441 : i32
        %parallel_loop3A_443 = arith.index_cast %parallel_loop3A_442 : i32 to index
        %parallel_loop3A_444 = arith.constant 16 : index
        %parallel_loop3A_445 = tpu.vector_load %arg8[%parallel_loop3A_443, %parallel_loop3A_444] {strides = array<i32>} : memref<128x128xf32, #tpu.memory_space<vmem>>, vector<1x16xf32>,
        %parallel_loop3A_446 = vector.shape_cast %parallel_loop3A_445 : vector<1x16xf32> to vector<16xf32>
        %parallel_loop3A_447 = vector.shape_cast %parallel_loop3A_438 : vector<16xf32> to vector<1x16xf32>
        tpu.vector_store %arg8[%parallel_loop3A_443, %parallel_loop3A_444], %parallel_loop3A_447 {strides = array<i32>} : memref<128x128xf32, #tpu.memory_space<vmem>>, vector<1x16xf32>,
        %parallel_loop3A_448 = arith.constant 1 : i32
        %parallel_loop3A_449 = arith.addi %parallel_loop3A_207, %parallel_loop3A_448 : i32
        %parallel_loop3A_450 = arith.index_cast %parallel_loop3A_449 : i32 to index
        %parallel_loop3A_451 = arith.constant 32 : index
        %parallel_loop3A_452 = tpu.vector_load %arg8[%parallel_loop3A_450, %parallel_loop3A_451] {strides = array<i32>} : memref<128x128xf32, #tpu.memory_space<vmem>>, vector<1x16xf32>,
        %parallel_loop3A_453 = vector.shape_cast %parallel_loop3A_452 : vector<1x16xf32> to vector<16xf32>
        %parallel_loop3A_454 = arith.constant 64 : i32
        %parallel_loop3A_455 = arith.addi %parallel_loop3A_454, %parallel_loop3A_207 : i32
        %parallel_loop3A_456 = arith.constant 1 : i32
        %parallel_loop3A_457 = arith.addi %parallel_loop3A_455, %parallel_loop3A_456 : i32
        %parallel_loop3A_458 = arith.index_cast %parallel_loop3A_457 : i32 to index
        %parallel_loop3A_459 = arith.constant 32 : index
        %parallel_loop3A_460 = tpu.vector_load %arg8[%parallel_loop3A_458, %parallel_loop3A_459] {strides = array<i32>} : memref<128x128xf32, #tpu.memory_space<vmem>>, vector<1x16xf32>,
        %parallel_loop3A_461 = vector.shape_cast %parallel_loop3A_460 : vector<1x16xf32> to vector<16xf32>
        %parallel_loop3A_462 = arith.subf %parallel_loop3A_453, %parallel_loop3A_461 : vector<16xf32>
        %parallel_loop3A_463 = arith.constant 64 : i32
        %parallel_loop3A_464 = arith.addi %parallel_loop3A_463, %parallel_loop3A_207 : i32
        %parallel_loop3A_465 = arith.constant 1 : i32
        %parallel_loop3A_466 = arith.addi %parallel_loop3A_464, %parallel_loop3A_465 : i32
        %parallel_loop3A_467 = arith.index_cast %parallel_loop3A_466 : i32 to index
        %parallel_loop3A_468 = arith.constant 32 : index
        %parallel_loop3A_469 = tpu.vector_load %arg8[%parallel_loop3A_467, %parallel_loop3A_468] {strides = array<i32>} : memref<128x128xf32, #tpu.memory_space<vmem>>, vector<1x16xf32>,
        %parallel_loop3A_470 = vector.shape_cast %parallel_loop3A_469 : vector<1x16xf32> to vector<16xf32>
        %parallel_loop3A_471 = vector.shape_cast %parallel_loop3A_462 : vector<16xf32> to vector<1x16xf32>
        tpu.vector_store %arg8[%parallel_loop3A_467, %parallel_loop3A_468], %parallel_loop3A_471 {strides = array<i32>} : memref<128x128xf32, #tpu.memory_space<vmem>>, vector<1x16xf32>,
        %parallel_loop3A_472 = arith.constant 1 : i32
        %parallel_loop3A_473 = arith.addi %parallel_loop3A_207, %parallel_loop3A_472 : i32
        %parallel_loop3A_474 = arith.index_cast %parallel_loop3A_473 : i32 to index
        %parallel_loop3A_475 = arith.constant 48 : index
        %parallel_loop3A_476 = tpu.vector_load %arg8[%parallel_loop3A_474, %parallel_loop3A_475] {strides = array<i32>} : memref<128x128xf32, #tpu.memory_space<vmem>>, vector<1x16xf32>,
        %parallel_loop3A_477 = vector.shape_cast %parallel_loop3A_476 : vector<1x16xf32> to vector<16xf32>
        %parallel_loop3A_478 = arith.constant 64 : i32
        %parallel_loop3A_479 = arith.addi %parallel_loop3A_478, %parallel_loop3A_207 : i32
        %parallel_loop3A_480 = arith.constant 1 : i32
        %parallel_loop3A_481 = arith.addi %parallel_loop3A_479, %parallel_loop3A_480 : i32
        %parallel_loop3A_482 = arith.index_cast %parallel_loop3A_481 : i32 to index
        %parallel_loop3A_483 = arith.constant 48 : index
        %parallel_loop3A_484 = tpu.vector_load %arg8[%parallel_loop3A_482, %parallel_loop3A_483] {strides = array<i32>} : memref<128x128xf32, #tpu.memory_space<vmem>>, vector<1x16xf32>,
        %parallel_loop3A_485 = vector.shape_cast %parallel_loop3A_484 : vector<1x16xf32> to vector<16xf32>
        %parallel_loop3A_486 = arith.subf %parallel_loop3A_477, %parallel_loop3A_485 : vector<16xf32>
        %parallel_loop3A_487 = arith.constant 64 : i32
        %parallel_loop3A_488 = arith.addi %parallel_loop3A_487, %parallel_loop3A_207 : i32
        %parallel_loop3A_489 = arith.constant 1 : i32
        %parallel_loop3A_490 = arith.addi %parallel_loop3A_488, %parallel_loop3A_489 : i32
        %parallel_loop3A_491 = arith.index_cast %parallel_loop3A_490 : i32 to index
        %parallel_loop3A_492 = arith.constant 48 : index
        %parallel_loop3A_493 = tpu.vector_load %arg8[%parallel_loop3A_491, %parallel_loop3A_492] {strides = array<i32>} : memref<128x128xf32, #tpu.memory_space<vmem>>, vector<1x16xf32>,
        %parallel_loop3A_494 = vector.shape_cast %parallel_loop3A_493 : vector<1x16xf32> to vector<16xf32>
        %parallel_loop3A_495 = vector.shape_cast %parallel_loop3A_486 : vector<16xf32> to vector<1x16xf32>
        tpu.vector_store %arg8[%parallel_loop3A_491, %parallel_loop3A_492], %parallel_loop3A_495 {strides = array<i32>} : memref<128x128xf32, #tpu.memory_space<vmem>>, vector<1x16xf32>,
        %parallel_loop3A_496 = arith.constant 1 : i32
        %parallel_loop3A_497 = arith.addi %parallel_loop3A_207, %parallel_loop3A_496 : i32
        %parallel_loop3A_498 = arith.index_cast %parallel_loop3A_497 : i32 to index
        %parallel_loop3A_499 = arith.constant 64 : index
        %parallel_loop3A_500 = tpu.vector_load %arg8[%parallel_loop3A_498, %parallel_loop3A_499] {strides = array<i32>} : memref<128x128xf32, #tpu.memory_space<vmem>>, vector<1x16xf32>,
        %parallel_loop3A_501 = vector.shape_cast %parallel_loop3A_500 : vector<1x16xf32> to vector<16xf32>
        %parallel_loop3A_502 = arith.constant 64 : i32
        %parallel_loop3A_503 = arith.addi %parallel_loop3A_502, %parallel_loop3A_207 : i32
        %parallel_loop3A_504 = arith.constant 1 : i32
        %parallel_loop3A_505 = arith.addi %parallel_loop3A_503, %parallel_loop3A_504 : i32
        %parallel_loop3A_506 = arith.index_cast %parallel_loop3A_505 : i32 to index
        %parallel_loop3A_507 = arith.constant 64 : index
        %parallel_loop3A_508 = tpu.vector_load %arg8[%parallel_loop3A_506, %parallel_loop3A_507] {strides = array<i32>} : memref<128x128xf32, #tpu.memory_space<vmem>>, vector<1x16xf32>,
        %parallel_loop3A_509 = vector.shape_cast %parallel_loop3A_508 : vector<1x16xf32> to vector<16xf32>
        %parallel_loop3A_510 = arith.subf %parallel_loop3A_501, %parallel_loop3A_509 : vector<16xf32>
        %parallel_loop3A_511 = arith.constant 64 : i32
        %parallel_loop3A_512 = arith.addi %parallel_loop3A_511, %parallel_loop3A_207 : i32
        %parallel_loop3A_513 = arith.constant 1 : i32
        %parallel_loop3A_514 = arith.addi %parallel_loop3A_512, %parallel_loop3A_513 : i32
        %parallel_loop3A_515 = arith.index_cast %parallel_loop3A_514 : i32 to index
        %parallel_loop3A_516 = arith.constant 64 : index
        %parallel_loop3A_517 = tpu.vector_load %arg8[%parallel_loop3A_515, %parallel_loop3A_516] {strides = array<i32>} : memref<128x128xf32, #tpu.memory_space<vmem>>, vector<1x16xf32>,
        %parallel_loop3A_518 = vector.shape_cast %parallel_loop3A_517 : vector<1x16xf32> to vector<16xf32>
        %parallel_loop3A_519 = vector.shape_cast %parallel_loop3A_510 : vector<16xf32> to vector<1x16xf32>
        tpu.vector_store %arg8[%parallel_loop3A_515, %parallel_loop3A_516], %parallel_loop3A_519 {strides = array<i32>} : memref<128x128xf32, #tpu.memory_space<vmem>>, vector<1x16xf32>,
        %parallel_loop3A_520 = arith.constant 1 : i32
        %parallel_loop3A_521 = arith.addi %parallel_loop3A_207, %parallel_loop3A_520 : i32
        %parallel_loop3A_522 = arith.index_cast %parallel_loop3A_521 : i32 to index
        %parallel_loop3A_523 = arith.constant 80 : index
        %parallel_loop3A_524 = tpu.vector_load %arg8[%parallel_loop3A_522, %parallel_loop3A_523] {strides = array<i32>} : memref<128x128xf32, #tpu.memory_space<vmem>>, vector<1x16xf32>,
        %parallel_loop3A_525 = vector.shape_cast %parallel_loop3A_524 : vector<1x16xf32> to vector<16xf32>
        %parallel_loop3A_526 = arith.constant 64 : i32
        %parallel_loop3A_527 = arith.addi %parallel_loop3A_526, %parallel_loop3A_207 : i32
        %parallel_loop3A_528 = arith.constant 1 : i32
        %parallel_loop3A_529 = arith.addi %parallel_loop3A_527, %parallel_loop3A_528 : i32
        %parallel_loop3A_530 = arith.index_cast %parallel_loop3A_529 : i32 to index
        %parallel_loop3A_531 = arith.constant 80 : index
        %parallel_loop3A_532 = tpu.vector_load %arg8[%parallel_loop3A_530, %parallel_loop3A_531] {strides = array<i32>} : memref<128x128xf32, #tpu.memory_space<vmem>>, vector<1x16xf32>,
        %parallel_loop3A_533 = vector.shape_cast %parallel_loop3A_532 : vector<1x16xf32> to vector<16xf32>
        %parallel_loop3A_534 = arith.subf %parallel_loop3A_525, %parallel_loop3A_533 : vector<16xf32>
        %parallel_loop3A_535 = arith.constant 64 : i32
        %parallel_loop3A_536 = arith.addi %parallel_loop3A_535, %parallel_loop3A_207 : i32
        %parallel_loop3A_537 = arith.constant 1 : i32
        %parallel_loop3A_538 = arith.addi %parallel_loop3A_536, %parallel_loop3A_537 : i32
        %parallel_loop3A_539 = arith.index_cast %parallel_loop3A_538 : i32 to index
        %parallel_loop3A_540 = arith.constant 80 : index
        %parallel_loop3A_541 = tpu.vector_load %arg8[%parallel_loop3A_539, %parallel_loop3A_540] {strides = array<i32>} : memref<128x128xf32, #tpu.memory_space<vmem>>, vector<1x16xf32>,
        %parallel_loop3A_542 = vector.shape_cast %parallel_loop3A_541 : vector<1x16xf32> to vector<16xf32>
        %parallel_loop3A_543 = vector.shape_cast %parallel_loop3A_534 : vector<16xf32> to vector<1x16xf32>
        tpu.vector_store %arg8[%parallel_loop3A_539, %parallel_loop3A_540], %parallel_loop3A_543 {strides = array<i32>} : memref<128x128xf32, #tpu.memory_space<vmem>>, vector<1x16xf32>,
        %parallel_loop3A_544 = arith.constant 1 : i32
        %parallel_loop3A_545 = arith.addi %parallel_loop3A_207, %parallel_loop3A_544 : i32
        %parallel_loop3A_546 = arith.index_cast %parallel_loop3A_545 : i32 to index
        %parallel_loop3A_547 = arith.constant 96 : index
        %parallel_loop3A_548 = tpu.vector_load %arg8[%parallel_loop3A_546, %parallel_loop3A_547] {strides = array<i32>} : memref<128x128xf32, #tpu.memory_space<vmem>>, vector<1x16xf32>,
        %parallel_loop3A_549 = vector.shape_cast %parallel_loop3A_548 : vector<1x16xf32> to vector<16xf32>
        %parallel_loop3A_550 = arith.constant 64 : i32
        %parallel_loop3A_551 = arith.addi %parallel_loop3A_550, %parallel_loop3A_207 : i32
        %parallel_loop3A_552 = arith.constant 1 : i32
        %parallel_loop3A_553 = arith.addi %parallel_loop3A_551, %parallel_loop3A_552 : i32
        %parallel_loop3A_554 = arith.index_cast %parallel_loop3A_553 : i32 to index
        %parallel_loop3A_555 = arith.constant 96 : index
        %parallel_loop3A_556 = tpu.vector_load %arg8[%parallel_loop3A_554, %parallel_loop3A_555] {strides = array<i32>} : memref<128x128xf32, #tpu.memory_space<vmem>>, vector<1x16xf32>,
        %parallel_loop3A_557 = vector.shape_cast %parallel_loop3A_556 : vector<1x16xf32> to vector<16xf32>
        %parallel_loop3A_558 = arith.subf %parallel_loop3A_549, %parallel_loop3A_557 : vector<16xf32>
        %parallel_loop3A_559 = arith.constant 64 : i32
        %parallel_loop3A_560 = arith.addi %parallel_loop3A_559, %parallel_loop3A_207 : i32
        %parallel_loop3A_561 = arith.constant 1 : i32
        %parallel_loop3A_562 = arith.addi %parallel_loop3A_560, %parallel_loop3A_561 : i32
        %parallel_loop3A_563 = arith.index_cast %parallel_loop3A_562 : i32 to index
        %parallel_loop3A_564 = arith.constant 96 : index
        %parallel_loop3A_565 = tpu.vector_load %arg8[%parallel_loop3A_563, %parallel_loop3A_564] {strides = array<i32>} : memref<128x128xf32, #tpu.memory_space<vmem>>, vector<1x16xf32>,
        %parallel_loop3A_566 = vector.shape_cast %parallel_loop3A_565 : vector<1x16xf32> to vector<16xf32>
        %parallel_loop3A_567 = vector.shape_cast %parallel_loop3A_558 : vector<16xf32> to vector<1x16xf32>
        tpu.vector_store %arg8[%parallel_loop3A_563, %parallel_loop3A_564], %parallel_loop3A_567 {strides = array<i32>} : memref<128x128xf32, #tpu.memory_space<vmem>>, vector<1x16xf32>,
        %parallel_loop3A_568 = arith.constant 1 : i32
        %parallel_loop3A_569 = arith.addi %parallel_loop3A_207, %parallel_loop3A_568 : i32
        %parallel_loop3A_570 = arith.index_cast %parallel_loop3A_569 : i32 to index
        %parallel_loop3A_571 = arith.constant 112 : index
        %parallel_loop3A_572 = tpu.vector_load %arg8[%parallel_loop3A_570, %parallel_loop3A_571] {strides = array<i32>} : memref<128x128xf32, #tpu.memory_space<vmem>>, vector<1x16xf32>,
        %parallel_loop3A_573 = vector.shape_cast %parallel_loop3A_572 : vector<1x16xf32> to vector<16xf32>
        %parallel_loop3A_574 = arith.constant 64 : i32
        %parallel_loop3A_575 = arith.addi %parallel_loop3A_574, %parallel_loop3A_207 : i32
        %parallel_loop3A_576 = arith.constant 1 : i32
        %parallel_loop3A_577 = arith.addi %parallel_loop3A_575, %parallel_loop3A_576 : i32
        %parallel_loop3A_578 = arith.index_cast %parallel_loop3A_577 : i32 to index
        %parallel_loop3A_579 = arith.constant 112 : index
        %parallel_loop3A_580 = tpu.vector_load %arg8[%parallel_loop3A_578, %parallel_loop3A_579] {strides = array<i32>} : memref<128x128xf32, #tpu.memory_space<vmem>>, vector<1x16xf32>,
        %parallel_loop3A_581 = vector.shape_cast %parallel_loop3A_580 : vector<1x16xf32> to vector<16xf32>
        %parallel_loop3A_582 = arith.subf %parallel_loop3A_573, %parallel_loop3A_581 : vector<16xf32>
        %parallel_loop3A_583 = arith.constant 64 : i32
        %parallel_loop3A_584 = arith.addi %parallel_loop3A_583, %parallel_loop3A_207 : i32
        %parallel_loop3A_585 = arith.constant 1 : i32
        %parallel_loop3A_586 = arith.addi %parallel_loop3A_584, %parallel_loop3A_585 : i32
        %parallel_loop3A_587 = arith.index_cast %parallel_loop3A_586 : i32 to index
        %parallel_loop3A_588 = arith.constant 112 : index
        %parallel_loop3A_589 = tpu.vector_load %arg8[%parallel_loop3A_587, %parallel_loop3A_588] {strides = array<i32>} : memref<128x128xf32, #tpu.memory_space<vmem>>, vector<1x16xf32>,
        %parallel_loop3A_590 = vector.shape_cast %parallel_loop3A_589 : vector<1x16xf32> to vector<16xf32>
        %parallel_loop3A_591 = vector.shape_cast %parallel_loop3A_582 : vector<16xf32> to vector<1x16xf32>
        tpu.vector_store %arg8[%parallel_loop3A_587, %parallel_loop3A_588], %parallel_loop3A_591 {strides = array<i32>} : memref<128x128xf32, #tpu.memory_space<vmem>>, vector<1x16xf32>,
        %parallel_loop3A_592 = arith.constant 2 : i32
        %parallel_loop3A_593 = arith.addi %parallel_loop3A_207, %parallel_loop3A_592 : i32
        %parallel_loop3A_594 = arith.index_cast %parallel_loop3A_593 : i32 to index
        %parallel_loop3A_595 = arith.constant 0 : index
        %parallel_loop3A_596 = tpu.vector_load %arg8[%parallel_loop3A_594, %parallel_loop3A_595] {strides = array<i32>} : memref<128x128xf32, #tpu.memory_space<vmem>>, vector<1x16xf32>,
        %parallel_loop3A_597 = vector.shape_cast %parallel_loop3A_596 : vector<1x16xf32> to vector<16xf32>
        %parallel_loop3A_598 = arith.constant 64 : i32
        %parallel_loop3A_599 = arith.addi %parallel_loop3A_598, %parallel_loop3A_207 : i32
        %parallel_loop3A_600 = arith.constant 2 : i32
        %parallel_loop3A_601 = arith.addi %parallel_loop3A_599, %parallel_loop3A_600 : i32
        %parallel_loop3A_602 = arith.index_cast %parallel_loop3A_601 : i32 to index
        %parallel_loop3A_603 = arith.constant 0 : index
        %parallel_loop3A_604 = tpu.vector_load %arg8[%parallel_loop3A_602, %parallel_loop3A_603] {strides = array<i32>} : memref<128x128xf32, #tpu.memory_space<vmem>>, vector<1x16xf32>,
        %parallel_loop3A_605 = vector.shape_cast %parallel_loop3A_604 : vector<1x16xf32> to vector<16xf32>
        %parallel_loop3A_606 = arith.subf %parallel_loop3A_597, %parallel_loop3A_605 : vector<16xf32>
        %parallel_loop3A_607 = arith.constant 64 : i32
        %parallel_loop3A_608 = arith.addi %parallel_loop3A_607, %parallel_loop3A_207 : i32
        %parallel_loop3A_609 = arith.constant 2 : i32
        %parallel_loop3A_610 = arith.addi %parallel_loop3A_608, %parallel_loop3A_609 : i32
        %parallel_loop3A_611 = arith.index_cast %parallel_loop3A_610 : i32 to index
        %parallel_loop3A_612 = arith.constant 0 : index
        %parallel_loop3A_613 = tpu.vector_load %arg8[%parallel_loop3A_611, %parallel_loop3A_612] {strides = array<i32>} : memref<128x128xf32, #tpu.memory_space<vmem>>, vector<1x16xf32>,
        %parallel_loop3A_614 = vector.shape_cast %parallel_loop3A_613 : vector<1x16xf32> to vector<16xf32>
        %parallel_loop3A_615 = vector.shape_cast %parallel_loop3A_606 : vector<16xf32> to vector<1x16xf32>
        tpu.vector_store %arg8[%parallel_loop3A_611, %parallel_loop3A_612], %parallel_loop3A_615 {strides = array<i32>} : memref<128x128xf32, #tpu.memory_space<vmem>>, vector<1x16xf32>,
        %parallel_loop3A_616 = arith.constant 2 : i32
        %parallel_loop3A_617 = arith.addi %parallel_loop3A_207, %parallel_loop3A_616 : i32
        %parallel_loop3A_618 = arith.index_cast %parallel_loop3A_617 : i32 to index
        %parallel_loop3A_619 = arith.constant 16 : index
        %parallel_loop3A_620 = tpu.vector_load %arg8[%parallel_loop3A_618, %parallel_loop3A_619] {strides = array<i32>} : memref<128x128xf32, #tpu.memory_space<vmem>>, vector<1x16xf32>,
        %parallel_loop3A_621 = vector.shape_cast %parallel_loop3A_620 : vector<1x16xf32> to vector<16xf32>
        %parallel_loop3A_622 = arith.constant 64 : i32
        %parallel_loop3A_623 = arith.addi %parallel_loop3A_622, %parallel_loop3A_207 : i32
        %parallel_loop3A_624 = arith.constant 2 : i32
        %parallel_loop3A_625 = arith.addi %parallel_loop3A_623, %parallel_loop3A_624 : i32
        %parallel_loop3A_626 = arith.index_cast %parallel_loop3A_625 : i32 to index
        %parallel_loop3A_627 = arith.constant 16 : index
        %parallel_loop3A_628 = tpu.vector_load %arg8[%parallel_loop3A_626, %parallel_loop3A_627] {strides = array<i32>} : memref<128x128xf32, #tpu.memory_space<vmem>>, vector<1x16xf32>,
        %parallel_loop3A_629 = vector.shape_cast %parallel_loop3A_628 : vector<1x16xf32> to vector<16xf32>
        %parallel_loop3A_630 = arith.subf %parallel_loop3A_621, %parallel_loop3A_629 : vector<16xf32>
        %parallel_loop3A_631 = arith.constant 64 : i32
        %parallel_loop3A_632 = arith.addi %parallel_loop3A_631, %parallel_loop3A_207 : i32
        %parallel_loop3A_633 = arith.constant 2 : i32
        %parallel_loop3A_634 = arith.addi %parallel_loop3A_632, %parallel_loop3A_633 : i32
        %parallel_loop3A_635 = arith.index_cast %parallel_loop3A_634 : i32 to index
        %parallel_loop3A_636 = arith.constant 16 : index
        %parallel_loop3A_637 = tpu.vector_load %arg8[%parallel_loop3A_635, %parallel_loop3A_636] {strides = array<i32>} : memref<128x128xf32, #tpu.memory_space<vmem>>, vector<1x16xf32>,
        %parallel_loop3A_638 = vector.shape_cast %parallel_loop3A_637 : vector<1x16xf32> to vector<16xf32>
        %parallel_loop3A_639 = vector.shape_cast %parallel_loop3A_630 : vector<16xf32> to vector<1x16xf32>
        tpu.vector_store %arg8[%parallel_loop3A_635, %parallel_loop3A_636], %parallel_loop3A_639 {strides = array<i32>} : memref<128x128xf32, #tpu.memory_space<vmem>>, vector<1x16xf32>,
        %parallel_loop3A_640 = arith.constant 2 : i32
        %parallel_loop3A_641 = arith.addi %parallel_loop3A_207, %parallel_loop3A_640 : i32
        %parallel_loop3A_642 = arith.index_cast %parallel_loop3A_641 : i32 to index
        %parallel_loop3A_643 = arith.constant 32 : index
        %parallel_loop3A_644 = tpu.vector_load %arg8[%parallel_loop3A_642, %parallel_loop3A_643] {strides = array<i32>} : memref<128x128xf32, #tpu.memory_space<vmem>>, vector<1x16xf32>,
        %parallel_loop3A_645 = vector.shape_cast %parallel_loop3A_644 : vector<1x16xf32> to vector<16xf32>
        %parallel_loop3A_646 = arith.constant 64 : i32
        %parallel_loop3A_647 = arith.addi %parallel_loop3A_646, %parallel_loop3A_207 : i32
        %parallel_loop3A_648 = arith.constant 2 : i32
        %parallel_loop3A_649 = arith.addi %parallel_loop3A_647, %parallel_loop3A_648 : i32
        %parallel_loop3A_650 = arith.index_cast %parallel_loop3A_649 : i32 to index
        %parallel_loop3A_651 = arith.constant 32 : index
        %parallel_loop3A_652 = tpu.vector_load %arg8[%parallel_loop3A_650, %parallel_loop3A_651] {strides = array<i32>} : memref<128x128xf32, #tpu.memory_space<vmem>>, vector<1x16xf32>,
        %parallel_loop3A_653 = vector.shape_cast %parallel_loop3A_652 : vector<1x16xf32> to vector<16xf32>
        %parallel_loop3A_654 = arith.subf %parallel_loop3A_645, %parallel_loop3A_653 : vector<16xf32>
        %parallel_loop3A_655 = arith.constant 64 : i32
        %parallel_loop3A_656 = arith.addi %parallel_loop3A_655, %parallel_loop3A_207 : i32
        %parallel_loop3A_657 = arith.constant 2 : i32
        %parallel_loop3A_658 = arith.addi %parallel_loop3A_656, %parallel_loop3A_657 : i32
        %parallel_loop3A_659 = arith.index_cast %parallel_loop3A_658 : i32 to index
        %parallel_loop3A_660 = arith.constant 32 : index
        %parallel_loop3A_661 = tpu.vector_load %arg8[%parallel_loop3A_659, %parallel_loop3A_660] {strides = array<i32>} : memref<128x128xf32, #tpu.memory_space<vmem>>, vector<1x16xf32>,
        %parallel_loop3A_662 = vector.shape_cast %parallel_loop3A_661 : vector<1x16xf32> to vector<16xf32>
        %parallel_loop3A_663 = vector.shape_cast %parallel_loop3A_654 : vector<16xf32> to vector<1x16xf32>
        tpu.vector_store %arg8[%parallel_loop3A_659, %parallel_loop3A_660], %parallel_loop3A_663 {strides = array<i32>} : memref<128x128xf32, #tpu.memory_space<vmem>>, vector<1x16xf32>,
        %parallel_loop3A_664 = arith.constant 2 : i32
        %parallel_loop3A_665 = arith.addi %parallel_loop3A_207, %parallel_loop3A_664 : i32
        %parallel_loop3A_666 = arith.index_cast %parallel_loop3A_665 : i32 to index
        %parallel_loop3A_667 = arith.constant 48 : index
        %parallel_loop3A_668 = tpu.vector_load %arg8[%parallel_loop3A_666, %parallel_loop3A_667] {strides = array<i32>} : memref<128x128xf32, #tpu.memory_space<vmem>>, vector<1x16xf32>,
        %parallel_loop3A_669 = vector.shape_cast %parallel_loop3A_668 : vector<1x16xf32> to vector<16xf32>
        %parallel_loop3A_670 = arith.constant 64 : i32
        %parallel_loop3A_671 = arith.addi %parallel_loop3A_670, %parallel_loop3A_207 : i32
        %parallel_loop3A_672 = arith.constant 2 : i32
        %parallel_loop3A_673 = arith.addi %parallel_loop3A_671, %parallel_loop3A_672 : i32
        %parallel_loop3A_674 = arith.index_cast %parallel_loop3A_673 : i32 to index
        %parallel_loop3A_675 = arith.constant 48 : index
        %parallel_loop3A_676 = tpu.vector_load %arg8[%parallel_loop3A_674, %parallel_loop3A_675] {strides = array<i32>} : memref<128x128xf32, #tpu.memory_space<vmem>>, vector<1x16xf32>,
        %parallel_loop3A_677 = vector.shape_cast %parallel_loop3A_676 : vector<1x16xf32> to vector<16xf32>
        %parallel_loop3A_678 = arith.subf %parallel_loop3A_669, %parallel_loop3A_677 : vector<16xf32>
        %parallel_loop3A_679 = arith.constant 64 : i32
        %parallel_loop3A_680 = arith.addi %parallel_loop3A_679, %parallel_loop3A_207 : i32
        %parallel_loop3A_681 = arith.constant 2 : i32
        %parallel_loop3A_682 = arith.addi %parallel_loop3A_680, %parallel_loop3A_681 : i32
        %parallel_loop3A_683 = arith.index_cast %parallel_loop3A_682 : i32 to index
        %parallel_loop3A_684 = arith.constant 48 : index
        %parallel_loop3A_685 = tpu.vector_load %arg8[%parallel_loop3A_683, %parallel_loop3A_684] {strides = array<i32>} : memref<128x128xf32, #tpu.memory_space<vmem>>, vector<1x16xf32>,
        %parallel_loop3A_686 = vector.shape_cast %parallel_loop3A_685 : vector<1x16xf32> to vector<16xf32>
        %parallel_loop3A_687 = vector.shape_cast %parallel_loop3A_678 : vector<16xf32> to vector<1x16xf32>
        tpu.vector_store %arg8[%parallel_loop3A_683, %parallel_loop3A_684], %parallel_loop3A_687 {strides = array<i32>} : memref<128x128xf32, #tpu.memory_space<vmem>>, vector<1x16xf32>,
        %parallel_loop3A_688 = arith.constant 2 : i32
        %parallel_loop3A_689 = arith.addi %parallel_loop3A_207, %parallel_loop3A_688 : i32
        %parallel_loop3A_690 = arith.index_cast %parallel_loop3A_689 : i32 to index
        %parallel_loop3A_691 = arith.constant 64 : index
        %parallel_loop3A_692 = tpu.vector_load %arg8[%parallel_loop3A_690, %parallel_loop3A_691] {strides = array<i32>} : memref<128x128xf32, #tpu.memory_space<vmem>>, vector<1x16xf32>,
        %parallel_loop3A_693 = vector.shape_cast %parallel_loop3A_692 : vector<1x16xf32> to vector<16xf32>
        %parallel_loop3A_694 = arith.constant 64 : i32
        %parallel_loop3A_695 = arith.addi %parallel_loop3A_694, %parallel_loop3A_207 : i32
        %parallel_loop3A_696 = arith.constant 2 : i32
        %parallel_loop3A_697 = arith.addi %parallel_loop3A_695, %parallel_loop3A_696 : i32
        %parallel_loop3A_698 = arith.index_cast %parallel_loop3A_697 : i32 to index
        %parallel_loop3A_699 = arith.constant 64 : index
        %parallel_loop3A_700 = tpu.vector_load %arg8[%parallel_loop3A_698, %parallel_loop3A_699] {strides = array<i32>} : memref<128x128xf32, #tpu.memory_space<vmem>>, vector<1x16xf32>,
        %parallel_loop3A_701 = vector.shape_cast %parallel_loop3A_700 : vector<1x16xf32> to vector<16xf32>
        %parallel_loop3A_702 = arith.subf %parallel_loop3A_693, %parallel_loop3A_701 : vector<16xf32>
        %parallel_loop3A_703 = arith.constant 64 : i32
        %parallel_loop3A_704 = arith.addi %parallel_loop3A_703, %parallel_loop3A_207 : i32
        %parallel_loop3A_705 = arith.constant 2 : i32
        %parallel_loop3A_706 = arith.addi %parallel_loop3A_704, %parallel_loop3A_705 : i32
        %parallel_loop3A_707 = arith.index_cast %parallel_loop3A_706 : i32 to index
        %parallel_loop3A_708 = arith.constant 64 : index
        %parallel_loop3A_709 = tpu.vector_load %arg8[%parallel_loop3A_707, %parallel_loop3A_708] {strides = array<i32>} : memref<128x128xf32, #tpu.memory_space<vmem>>, vector<1x16xf32>,
        %parallel_loop3A_710 = vector.shape_cast %parallel_loop3A_709 : vector<1x16xf32> to vector<16xf32>
        %parallel_loop3A_711 = vector.shape_cast %parallel_loop3A_702 : vector<16xf32> to vector<1x16xf32>
        tpu.vector_store %arg8[%parallel_loop3A_707, %parallel_loop3A_708], %parallel_loop3A_711 {strides = array<i32>} : memref<128x128xf32, #tpu.memory_space<vmem>>, vector<1x16xf32>,
        %parallel_loop3A_712 = arith.constant 2 : i32
        %parallel_loop3A_713 = arith.addi %parallel_loop3A_207, %parallel_loop3A_712 : i32
        %parallel_loop3A_714 = arith.index_cast %parallel_loop3A_713 : i32 to index
        %parallel_loop3A_715 = arith.constant 80 : index
        %parallel_loop3A_716 = tpu.vector_load %arg8[%parallel_loop3A_714, %parallel_loop3A_715] {strides = array<i32>} : memref<128x128xf32, #tpu.memory_space<vmem>>, vector<1x16xf32>,
        %parallel_loop3A_717 = vector.shape_cast %parallel_loop3A_716 : vector<1x16xf32> to vector<16xf32>
        %parallel_loop3A_718 = arith.constant 64 : i32
        %parallel_loop3A_719 = arith.addi %parallel_loop3A_718, %parallel_loop3A_207 : i32
        %parallel_loop3A_720 = arith.constant 2 : i32
        %parallel_loop3A_721 = arith.addi %parallel_loop3A_719, %parallel_loop3A_720 : i32
        %parallel_loop3A_722 = arith.index_cast %parallel_loop3A_721 : i32 to index
        %parallel_loop3A_723 = arith.constant 80 : index
        %parallel_loop3A_724 = tpu.vector_load %arg8[%parallel_loop3A_722, %parallel_loop3A_723] {strides = array<i32>} : memref<128x128xf32, #tpu.memory_space<vmem>>, vector<1x16xf32>,
        %parallel_loop3A_725 = vector.shape_cast %parallel_loop3A_724 : vector<1x16xf32> to vector<16xf32>
        %parallel_loop3A_726 = arith.subf %parallel_loop3A_717, %parallel_loop3A_725 : vector<16xf32>
        %parallel_loop3A_727 = arith.constant 64 : i32
        %parallel_loop3A_728 = arith.addi %parallel_loop3A_727, %parallel_loop3A_207 : i32
        %parallel_loop3A_729 = arith.constant 2 : i32
        %parallel_loop3A_730 = arith.addi %parallel_loop3A_728, %parallel_loop3A_729 : i32
        %parallel_loop3A_731 = arith.index_cast %parallel_loop3A_730 : i32 to index
        %parallel_loop3A_732 = arith.constant 80 : index
        %parallel_loop3A_733 = tpu.vector_load %arg8[%parallel_loop3A_731, %parallel_loop3A_732] {strides = array<i32>} : memref<128x128xf32, #tpu.memory_space<vmem>>, vector<1x16xf32>,
        %parallel_loop3A_734 = vector.shape_cast %parallel_loop3A_733 : vector<1x16xf32> to vector<16xf32>
        %parallel_loop3A_735 = vector.shape_cast %parallel_loop3A_726 : vector<16xf32> to vector<1x16xf32>
        tpu.vector_store %arg8[%parallel_loop3A_731, %parallel_loop3A_732], %parallel_loop3A_735 {strides = array<i32>} : memref<128x128xf32, #tpu.memory_space<vmem>>, vector<1x16xf32>,
        %parallel_loop3A_736 = arith.constant 2 : i32
        %parallel_loop3A_737 = arith.addi %parallel_loop3A_207, %parallel_loop3A_736 : i32
        %parallel_loop3A_738 = arith.index_cast %parallel_loop3A_737 : i32 to index
        %parallel_loop3A_739 = arith.constant 96 : index
        %parallel_loop3A_740 = tpu.vector_load %arg8[%parallel_loop3A_738, %parallel_loop3A_739] {strides = array<i32>} : memref<128x128xf32, #tpu.memory_space<vmem>>, vector<1x16xf32>,
        %parallel_loop3A_741 = vector.shape_cast %parallel_loop3A_740 : vector<1x16xf32> to vector<16xf32>
        %parallel_loop3A_742 = arith.constant 64 : i32
        %parallel_loop3A_743 = arith.addi %parallel_loop3A_742, %parallel_loop3A_207 : i32
        %parallel_loop3A_744 = arith.constant 2 : i32
        %parallel_loop3A_745 = arith.addi %parallel_loop3A_743, %parallel_loop3A_744 : i32
        %parallel_loop3A_746 = arith.index_cast %parallel_loop3A_745 : i32 to index
        %parallel_loop3A_747 = arith.constant 96 : index
        %parallel_loop3A_748 = tpu.vector_load %arg8[%parallel_loop3A_746, %parallel_loop3A_747] {strides = array<i32>} : memref<128x128xf32, #tpu.memory_space<vmem>>, vector<1x16xf32>,
        %parallel_loop3A_749 = vector.shape_cast %parallel_loop3A_748 : vector<1x16xf32> to vector<16xf32>
        %parallel_loop3A_750 = arith.subf %parallel_loop3A_741, %parallel_loop3A_749 : vector<16xf32>
        %parallel_loop3A_751 = arith.constant 64 : i32
        %parallel_loop3A_752 = arith.addi %parallel_loop3A_751, %parallel_loop3A_207 : i32
        %parallel_loop3A_753 = arith.constant 2 : i32
        %parallel_loop3A_754 = arith.addi %parallel_loop3A_752, %parallel_loop3A_753 : i32
        %parallel_loop3A_755 = arith.index_cast %parallel_loop3A_754 : i32 to index
        %parallel_loop3A_756 = arith.constant 96 : index
        %parallel_loop3A_757 = tpu.vector_load %arg8[%parallel_loop3A_755, %parallel_loop3A_756] {strides = array<i32>} : memref<128x128xf32, #tpu.memory_space<vmem>>, vector<1x16xf32>,
        %parallel_loop3A_758 = vector.shape_cast %parallel_loop3A_757 : vector<1x16xf32> to vector<16xf32>
        %parallel_loop3A_759 = vector.shape_cast %parallel_loop3A_750 : vector<16xf32> to vector<1x16xf32>
        tpu.vector_store %arg8[%parallel_loop3A_755, %parallel_loop3A_756], %parallel_loop3A_759 {strides = array<i32>} : memref<128x128xf32, #tpu.memory_space<vmem>>, vector<1x16xf32>,
        %parallel_loop3A_760 = arith.constant 2 : i32
        %parallel_loop3A_761 = arith.addi %parallel_loop3A_207, %parallel_loop3A_760 : i32
        %parallel_loop3A_762 = arith.index_cast %parallel_loop3A_761 : i32 to index
        %parallel_loop3A_763 = arith.constant 112 : index
        %parallel_loop3A_764 = tpu.vector_load %arg8[%parallel_loop3A_762, %parallel_loop3A_763] {strides = array<i32>} : memref<128x128xf32, #tpu.memory_space<vmem>>, vector<1x16xf32>,
        %parallel_loop3A_765 = vector.shape_cast %parallel_loop3A_764 : vector<1x16xf32> to vector<16xf32>
        %parallel_loop3A_766 = arith.constant 64 : i32
        %parallel_loop3A_767 = arith.addi %parallel_loop3A_766, %parallel_loop3A_207 : i32
        %parallel_loop3A_768 = arith.constant 2 : i32
        %parallel_loop3A_769 = arith.addi %parallel_loop3A_767, %parallel_loop3A_768 : i32
        %parallel_loop3A_770 = arith.index_cast %parallel_loop3A_769 : i32 to index
        %parallel_loop3A_771 = arith.constant 112 : index
        %parallel_loop3A_772 = tpu.vector_load %arg8[%parallel_loop3A_770, %parallel_loop3A_771] {strides = array<i32>} : memref<128x128xf32, #tpu.memory_space<vmem>>, vector<1x16xf32>,
        %parallel_loop3A_773 = vector.shape_cast %parallel_loop3A_772 : vector<1x16xf32> to vector<16xf32>
        %parallel_loop3A_774 = arith.subf %parallel_loop3A_765, %parallel_loop3A_773 : vector<16xf32>
        %parallel_loop3A_775 = arith.constant 64 : i32
        %parallel_loop3A_776 = arith.addi %parallel_loop3A_775, %parallel_loop3A_207 : i32
        %parallel_loop3A_777 = arith.constant 2 : i32
        %parallel_loop3A_778 = arith.addi %parallel_loop3A_776, %parallel_loop3A_777 : i32
        %parallel_loop3A_779 = arith.index_cast %parallel_loop3A_778 : i32 to index
        %parallel_loop3A_780 = arith.constant 112 : index
        %parallel_loop3A_781 = tpu.vector_load %arg8[%parallel_loop3A_779, %parallel_loop3A_780] {strides = array<i32>} : memref<128x128xf32, #tpu.memory_space<vmem>>, vector<1x16xf32>,
        %parallel_loop3A_782 = vector.shape_cast %parallel_loop3A_781 : vector<1x16xf32> to vector<16xf32>
        %parallel_loop3A_783 = vector.shape_cast %parallel_loop3A_774 : vector<16xf32> to vector<1x16xf32>
        tpu.vector_store %arg8[%parallel_loop3A_779, %parallel_loop3A_780], %parallel_loop3A_783 {strides = array<i32>} : memref<128x128xf32, #tpu.memory_space<vmem>>, vector<1x16xf32>,
        %parallel_loop3A_784 = arith.constant 3 : i32
        %parallel_loop3A_785 = arith.addi %parallel_loop3A_207, %parallel_loop3A_784 : i32
        %parallel_loop3A_786 = arith.index_cast %parallel_loop3A_785 : i32 to index
        %parallel_loop3A_787 = arith.constant 0 : index
        %parallel_loop3A_788 = tpu.vector_load %arg8[%parallel_loop3A_786, %parallel_loop3A_787] {strides = array<i32>} : memref<128x128xf32, #tpu.memory_space<vmem>>, vector<1x16xf32>,
        %parallel_loop3A_789 = vector.shape_cast %parallel_loop3A_788 : vector<1x16xf32> to vector<16xf32>
        %parallel_loop3A_790 = arith.constant 64 : i32
        %parallel_loop3A_791 = arith.addi %parallel_loop3A_790, %parallel_loop3A_207 : i32
        %parallel_loop3A_792 = arith.constant 3 : i32
        %parallel_loop3A_793 = arith.addi %parallel_loop3A_791, %parallel_loop3A_792 : i32
        %parallel_loop3A_794 = arith.index_cast %parallel_loop3A_793 : i32 to index
        %parallel_loop3A_795 = arith.constant 0 : index
        %parallel_loop3A_796 = tpu.vector_load %arg8[%parallel_loop3A_794, %parallel_loop3A_795] {strides = array<i32>} : memref<128x128xf32, #tpu.memory_space<vmem>>, vector<1x16xf32>,
        %parallel_loop3A_797 = vector.shape_cast %parallel_loop3A_796 : vector<1x16xf32> to vector<16xf32>
        %parallel_loop3A_798 = arith.subf %parallel_loop3A_789, %parallel_loop3A_797 : vector<16xf32>
        %parallel_loop3A_799 = arith.constant 64 : i32
        %parallel_loop3A_800 = arith.addi %parallel_loop3A_799, %parallel_loop3A_207 : i32
        %parallel_loop3A_801 = arith.constant 3 : i32
        %parallel_loop3A_802 = arith.addi %parallel_loop3A_800, %parallel_loop3A_801 : i32
        %parallel_loop3A_803 = arith.index_cast %parallel_loop3A_802 : i32 to index
        %parallel_loop3A_804 = arith.constant 0 : index
        %parallel_loop3A_805 = tpu.vector_load %arg8[%parallel_loop3A_803, %parallel_loop3A_804] {strides = array<i32>} : memref<128x128xf32, #tpu.memory_space<vmem>>, vector<1x16xf32>,
        %parallel_loop3A_806 = vector.shape_cast %parallel_loop3A_805 : vector<1x16xf32> to vector<16xf32>
        %parallel_loop3A_807 = vector.shape_cast %parallel_loop3A_798 : vector<16xf32> to vector<1x16xf32>
        tpu.vector_store %arg8[%parallel_loop3A_803, %parallel_loop3A_804], %parallel_loop3A_807 {strides = array<i32>} : memref<128x128xf32, #tpu.memory_space<vmem>>, vector<1x16xf32>,
        %parallel_loop3A_808 = arith.constant 3 : i32
        %parallel_loop3A_809 = arith.addi %parallel_loop3A_207, %parallel_loop3A_808 : i32
        %parallel_loop3A_810 = arith.index_cast %parallel_loop3A_809 : i32 to index
        %parallel_loop3A_811 = arith.constant 16 : index
        %parallel_loop3A_812 = tpu.vector_load %arg8[%parallel_loop3A_810, %parallel_loop3A_811] {strides = array<i32>} : memref<128x128xf32, #tpu.memory_space<vmem>>, vector<1x16xf32>,
        %parallel_loop3A_813 = vector.shape_cast %parallel_loop3A_812 : vector<1x16xf32> to vector<16xf32>
        %parallel_loop3A_814 = arith.constant 64 : i32
        %parallel_loop3A_815 = arith.addi %parallel_loop3A_814, %parallel_loop3A_207 : i32
        %parallel_loop3A_816 = arith.constant 3 : i32
        %parallel_loop3A_817 = arith.addi %parallel_loop3A_815, %parallel_loop3A_816 : i32
        %parallel_loop3A_818 = arith.index_cast %parallel_loop3A_817 : i32 to index
        %parallel_loop3A_819 = arith.constant 16 : index
        %parallel_loop3A_820 = tpu.vector_load %arg8[%parallel_loop3A_818, %parallel_loop3A_819] {strides = array<i32>} : memref<128x128xf32, #tpu.memory_space<vmem>>, vector<1x16xf32>,
        %parallel_loop3A_821 = vector.shape_cast %parallel_loop3A_820 : vector<1x16xf32> to vector<16xf32>
        %parallel_loop3A_822 = arith.subf %parallel_loop3A_813, %parallel_loop3A_821 : vector<16xf32>
        %parallel_loop3A_823 = arith.constant 64 : i32
        %parallel_loop3A_824 = arith.addi %parallel_loop3A_823, %parallel_loop3A_207 : i32
        %parallel_loop3A_825 = arith.constant 3 : i32
        %parallel_loop3A_826 = arith.addi %parallel_loop3A_824, %parallel_loop3A_825 : i32
        %parallel_loop3A_827 = arith.index_cast %parallel_loop3A_826 : i32 to index
        %parallel_loop3A_828 = arith.constant 16 : index
        %parallel_loop3A_829 = tpu.vector_load %arg8[%parallel_loop3A_827, %parallel_loop3A_828] {strides = array<i32>} : memref<128x128xf32, #tpu.memory_space<vmem>>, vector<1x16xf32>,
        %parallel_loop3A_830 = vector.shape_cast %parallel_loop3A_829 : vector<1x16xf32> to vector<16xf32>
        %parallel_loop3A_831 = vector.shape_cast %parallel_loop3A_822 : vector<16xf32> to vector<1x16xf32>
        tpu.vector_store %arg8[%parallel_loop3A_827, %parallel_loop3A_828], %parallel_loop3A_831 {strides = array<i32>} : memref<128x128xf32, #tpu.memory_space<vmem>>, vector<1x16xf32>,
        %parallel_loop3A_832 = arith.constant 3 : i32
        %parallel_loop3A_833 = arith.addi %parallel_loop3A_207, %parallel_loop3A_832 : i32
        %parallel_loop3A_834 = arith.index_cast %parallel_loop3A_833 : i32 to index
        %parallel_loop3A_835 = arith.constant 32 : index
        %parallel_loop3A_836 = tpu.vector_load %arg8[%parallel_loop3A_834, %parallel_loop3A_835] {strides = array<i32>} : memref<128x128xf32, #tpu.memory_space<vmem>>, vector<1x16xf32>,
        %parallel_loop3A_837 = vector.shape_cast %parallel_loop3A_836 : vector<1x16xf32> to vector<16xf32>
        %parallel_loop3A_838 = arith.constant 64 : i32
        %parallel_loop3A_839 = arith.addi %parallel_loop3A_838, %parallel_loop3A_207 : i32
        %parallel_loop3A_840 = arith.constant 3 : i32
        %parallel_loop3A_841 = arith.addi %parallel_loop3A_839, %parallel_loop3A_840 : i32
        %parallel_loop3A_842 = arith.index_cast %parallel_loop3A_841 : i32 to index
        %parallel_loop3A_843 = arith.constant 32 : index
        %parallel_loop3A_844 = tpu.vector_load %arg8[%parallel_loop3A_842, %parallel_loop3A_843] {strides = array<i32>} : memref<128x128xf32, #tpu.memory_space<vmem>>, vector<1x16xf32>,
        %parallel_loop3A_845 = vector.shape_cast %parallel_loop3A_844 : vector<1x16xf32> to vector<16xf32>
        %parallel_loop3A_846 = arith.subf %parallel_loop3A_837, %parallel_loop3A_845 : vector<16xf32>
        %parallel_loop3A_847 = arith.constant 64 : i32
        %parallel_loop3A_848 = arith.addi %parallel_loop3A_847, %parallel_loop3A_207 : i32
        %parallel_loop3A_849 = arith.constant 3 : i32
        %parallel_loop3A_850 = arith.addi %parallel_loop3A_848, %parallel_loop3A_849 : i32
        %parallel_loop3A_851 = arith.index_cast %parallel_loop3A_850 : i32 to index
        %parallel_loop3A_852 = arith.constant 32 : index
        %parallel_loop3A_853 = tpu.vector_load %arg8[%parallel_loop3A_851, %parallel_loop3A_852] {strides = array<i32>} : memref<128x128xf32, #tpu.memory_space<vmem>>, vector<1x16xf32>,
        %parallel_loop3A_854 = vector.shape_cast %parallel_loop3A_853 : vector<1x16xf32> to vector<16xf32>
        %parallel_loop3A_855 = vector.shape_cast %parallel_loop3A_846 : vector<16xf32> to vector<1x16xf32>
        tpu.vector_store %arg8[%parallel_loop3A_851, %parallel_loop3A_852], %parallel_loop3A_855 {strides = array<i32>} : memref<128x128xf32, #tpu.memory_space<vmem>>, vector<1x16xf32>,
        %parallel_loop3A_856 = arith.constant 3 : i32
        %parallel_loop3A_857 = arith.addi %parallel_loop3A_207, %parallel_loop3A_856 : i32
        %parallel_loop3A_858 = arith.index_cast %parallel_loop3A_857 : i32 to index
        %parallel_loop3A_859 = arith.constant 48 : index
        %parallel_loop3A_860 = tpu.vector_load %arg8[%parallel_loop3A_858, %parallel_loop3A_859] {strides = array<i32>} : memref<128x128xf32, #tpu.memory_space<vmem>>, vector<1x16xf32>,
        %parallel_loop3A_861 = vector.shape_cast %parallel_loop3A_860 : vector<1x16xf32> to vector<16xf32>
        %parallel_loop3A_862 = arith.constant 64 : i32
        %parallel_loop3A_863 = arith.addi %parallel_loop3A_862, %parallel_loop3A_207 : i32
        %parallel_loop3A_864 = arith.constant 3 : i32
        %parallel_loop3A_865 = arith.addi %parallel_loop3A_863, %parallel_loop3A_864 : i32
        %parallel_loop3A_866 = arith.index_cast %parallel_loop3A_865 : i32 to index
        %parallel_loop3A_867 = arith.constant 48 : index
        %parallel_loop3A_868 = tpu.vector_load %arg8[%parallel_loop3A_866, %parallel_loop3A_867] {strides = array<i32>} : memref<128x128xf32, #tpu.memory_space<vmem>>, vector<1x16xf32>,
        %parallel_loop3A_869 = vector.shape_cast %parallel_loop3A_868 : vector<1x16xf32> to vector<16xf32>
        %parallel_loop3A_870 = arith.subf %parallel_loop3A_861, %parallel_loop3A_869 : vector<16xf32>
        %parallel_loop3A_871 = arith.constant 64 : i32
        %parallel_loop3A_872 = arith.addi %parallel_loop3A_871, %parallel_loop3A_207 : i32
        %parallel_loop3A_873 = arith.constant 3 : i32
        %parallel_loop3A_874 = arith.addi %parallel_loop3A_872, %parallel_loop3A_873 : i32
        %parallel_loop3A_875 = arith.index_cast %parallel_loop3A_874 : i32 to index
        %parallel_loop3A_876 = arith.constant 48 : index
        %parallel_loop3A_877 = tpu.vector_load %arg8[%parallel_loop3A_875, %parallel_loop3A_876] {strides = array<i32>} : memref<128x128xf32, #tpu.memory_space<vmem>>, vector<1x16xf32>,
        %parallel_loop3A_878 = vector.shape_cast %parallel_loop3A_877 : vector<1x16xf32> to vector<16xf32>
        %parallel_loop3A_879 = vector.shape_cast %parallel_loop3A_870 : vector<16xf32> to vector<1x16xf32>
        tpu.vector_store %arg8[%parallel_loop3A_875, %parallel_loop3A_876], %parallel_loop3A_879 {strides = array<i32>} : memref<128x128xf32, #tpu.memory_space<vmem>>, vector<1x16xf32>,
        %parallel_loop3A_880 = arith.constant 3 : i32
        %parallel_loop3A_881 = arith.addi %parallel_loop3A_207, %parallel_loop3A_880 : i32
        %parallel_loop3A_882 = arith.index_cast %parallel_loop3A_881 : i32 to index
        %parallel_loop3A_883 = arith.constant 64 : index
        %parallel_loop3A_884 = tpu.vector_load %arg8[%parallel_loop3A_882, %parallel_loop3A_883] {strides = array<i32>} : memref<128x128xf32, #tpu.memory_space<vmem>>, vector<1x16xf32>,
        %parallel_loop3A_885 = vector.shape_cast %parallel_loop3A_884 : vector<1x16xf32> to vector<16xf32>
        %parallel_loop3A_886 = arith.constant 64 : i32
        %parallel_loop3A_887 = arith.addi %parallel_loop3A_886, %parallel_loop3A_207 : i32
        %parallel_loop3A_888 = arith.constant 3 : i32
        %parallel_loop3A_889 = arith.addi %parallel_loop3A_887, %parallel_loop3A_888 : i32
        %parallel_loop3A_890 = arith.index_cast %parallel_loop3A_889 : i32 to index
        %parallel_loop3A_891 = arith.constant 64 : index
        %parallel_loop3A_892 = tpu.vector_load %arg8[%parallel_loop3A_890, %parallel_loop3A_891] {strides = array<i32>} : memref<128x128xf32, #tpu.memory_space<vmem>>, vector<1x16xf32>,
        %parallel_loop3A_893 = vector.shape_cast %parallel_loop3A_892 : vector<1x16xf32> to vector<16xf32>
        %parallel_loop3A_894 = arith.subf %parallel_loop3A_885, %parallel_loop3A_893 : vector<16xf32>
        %parallel_loop3A_895 = arith.constant 64 : i32
        %parallel_loop3A_896 = arith.addi %parallel_loop3A_895, %parallel_loop3A_207 : i32
        %parallel_loop3A_897 = arith.constant 3 : i32
        %parallel_loop3A_898 = arith.addi %parallel_loop3A_896, %parallel_loop3A_897 : i32
        %parallel_loop3A_899 = arith.index_cast %parallel_loop3A_898 : i32 to index
        %parallel_loop3A_900 = arith.constant 64 : index
        %parallel_loop3A_901 = tpu.vector_load %arg8[%parallel_loop3A_899, %parallel_loop3A_900] {strides = array<i32>} : memref<128x128xf32, #tpu.memory_space<vmem>>, vector<1x16xf32>,
        %parallel_loop3A_902 = vector.shape_cast %parallel_loop3A_901 : vector<1x16xf32> to vector<16xf32>
        %parallel_loop3A_903 = vector.shape_cast %parallel_loop3A_894 : vector<16xf32> to vector<1x16xf32>
        tpu.vector_store %arg8[%parallel_loop3A_899, %parallel_loop3A_900], %parallel_loop3A_903 {strides = array<i32>} : memref<128x128xf32, #tpu.memory_space<vmem>>, vector<1x16xf32>,
        %parallel_loop3A_904 = arith.constant 3 : i32
        %parallel_loop3A_905 = arith.addi %parallel_loop3A_207, %parallel_loop3A_904 : i32
        %parallel_loop3A_906 = arith.index_cast %parallel_loop3A_905 : i32 to index
        %parallel_loop3A_907 = arith.constant 80 : index
        %parallel_loop3A_908 = tpu.vector_load %arg8[%parallel_loop3A_906, %parallel_loop3A_907] {strides = array<i32>} : memref<128x128xf32, #tpu.memory_space<vmem>>, vector<1x16xf32>,
        %parallel_loop3A_909 = vector.shape_cast %parallel_loop3A_908 : vector<1x16xf32> to vector<16xf32>
        %parallel_loop3A_910 = arith.constant 64 : i32
        %parallel_loop3A_911 = arith.addi %parallel_loop3A_910, %parallel_loop3A_207 : i32
        %parallel_loop3A_912 = arith.constant 3 : i32
        %parallel_loop3A_913 = arith.addi %parallel_loop3A_911, %parallel_loop3A_912 : i32
        %parallel_loop3A_914 = arith.index_cast %parallel_loop3A_913 : i32 to index
        %parallel_loop3A_915 = arith.constant 80 : index
        %parallel_loop3A_916 = tpu.vector_load %arg8[%parallel_loop3A_914, %parallel_loop3A_915] {strides = array<i32>} : memref<128x128xf32, #tpu.memory_space<vmem>>, vector<1x16xf32>,
        %parallel_loop3A_917 = vector.shape_cast %parallel_loop3A_916 : vector<1x16xf32> to vector<16xf32>
        %parallel_loop3A_918 = arith.subf %parallel_loop3A_909, %parallel_loop3A_917 : vector<16xf32>
        %parallel_loop3A_919 = arith.constant 64 : i32
        %parallel_loop3A_920 = arith.addi %parallel_loop3A_919, %parallel_loop3A_207 : i32
        %parallel_loop3A_921 = arith.constant 3 : i32
        %parallel_loop3A_922 = arith.addi %parallel_loop3A_920, %parallel_loop3A_921 : i32
        %parallel_loop3A_923 = arith.index_cast %parallel_loop3A_922 : i32 to index
        %parallel_loop3A_924 = arith.constant 80 : index
        %parallel_loop3A_925 = tpu.vector_load %arg8[%parallel_loop3A_923, %parallel_loop3A_924] {strides = array<i32>} : memref<128x128xf32, #tpu.memory_space<vmem>>, vector<1x16xf32>,
        %parallel_loop3A_926 = vector.shape_cast %parallel_loop3A_925 : vector<1x16xf32> to vector<16xf32>
        %parallel_loop3A_927 = vector.shape_cast %parallel_loop3A_918 : vector<16xf32> to vector<1x16xf32>
        tpu.vector_store %arg8[%parallel_loop3A_923, %parallel_loop3A_924], %parallel_loop3A_927 {strides = array<i32>} : memref<128x128xf32, #tpu.memory_space<vmem>>, vector<1x16xf32>,
        %parallel_loop3A_928 = arith.constant 3 : i32
        %parallel_loop3A_929 = arith.addi %parallel_loop3A_207, %parallel_loop3A_928 : i32
        %parallel_loop3A_930 = arith.index_cast %parallel_loop3A_929 : i32 to index
        %parallel_loop3A_931 = arith.constant 96 : index
        %parallel_loop3A_932 = tpu.vector_load %arg8[%parallel_loop3A_930, %parallel_loop3A_931] {strides = array<i32>} : memref<128x128xf32, #tpu.memory_space<vmem>>, vector<1x16xf32>,
        %parallel_loop3A_933 = vector.shape_cast %parallel_loop3A_932 : vector<1x16xf32> to vector<16xf32>
        %parallel_loop3A_934 = arith.constant 64 : i32
        %parallel_loop3A_935 = arith.addi %parallel_loop3A_934, %parallel_loop3A_207 : i32
        %parallel_loop3A_936 = arith.constant 3 : i32
        %parallel_loop3A_937 = arith.addi %parallel_loop3A_935, %parallel_loop3A_936 : i32
        %parallel_loop3A_938 = arith.index_cast %parallel_loop3A_937 : i32 to index
        %parallel_loop3A_939 = arith.constant 96 : index
        %parallel_loop3A_940 = tpu.vector_load %arg8[%parallel_loop3A_938, %parallel_loop3A_939] {strides = array<i32>} : memref<128x128xf32, #tpu.memory_space<vmem>>, vector<1x16xf32>,
        %parallel_loop3A_941 = vector.shape_cast %parallel_loop3A_940 : vector<1x16xf32> to vector<16xf32>
        %parallel_loop3A_942 = arith.subf %parallel_loop3A_933, %parallel_loop3A_941 : vector<16xf32>
        %parallel_loop3A_943 = arith.constant 64 : i32
        %parallel_loop3A_944 = arith.addi %parallel_loop3A_943, %parallel_loop3A_207 : i32
        %parallel_loop3A_945 = arith.constant 3 : i32
        %parallel_loop3A_946 = arith.addi %parallel_loop3A_944, %parallel_loop3A_945 : i32
        %parallel_loop3A_947 = arith.index_cast %parallel_loop3A_946 : i32 to index
        %parallel_loop3A_948 = arith.constant 96 : index
        %parallel_loop3A_949 = tpu.vector_load %arg8[%parallel_loop3A_947, %parallel_loop3A_948] {strides = array<i32>} : memref<128x128xf32, #tpu.memory_space<vmem>>, vector<1x16xf32>,
        %parallel_loop3A_950 = vector.shape_cast %parallel_loop3A_949 : vector<1x16xf32> to vector<16xf32>
        %parallel_loop3A_951 = vector.shape_cast %parallel_loop3A_942 : vector<16xf32> to vector<1x16xf32>
        tpu.vector_store %arg8[%parallel_loop3A_947, %parallel_loop3A_948], %parallel_loop3A_951 {strides = array<i32>} : memref<128x128xf32, #tpu.memory_space<vmem>>, vector<1x16xf32>,
        %parallel_loop3A_952 = arith.constant 3 : i32
        %parallel_loop3A_953 = arith.addi %parallel_loop3A_207, %parallel_loop3A_952 : i32
        %parallel_loop3A_954 = arith.index_cast %parallel_loop3A_953 : i32 to index
        %parallel_loop3A_955 = arith.constant 112 : index
        %parallel_loop3A_956 = tpu.vector_load %arg8[%parallel_loop3A_954, %parallel_loop3A_955] {strides = array<i32>} : memref<128x128xf32, #tpu.memory_space<vmem>>, vector<1x16xf32>,
        %parallel_loop3A_957 = vector.shape_cast %parallel_loop3A_956 : vector<1x16xf32> to vector<16xf32>
        %parallel_loop3A_958 = arith.constant 64 : i32
        %parallel_loop3A_959 = arith.addi %parallel_loop3A_958, %parallel_loop3A_207 : i32
        %parallel_loop3A_960 = arith.constant 3 : i32
        %parallel_loop3A_961 = arith.addi %parallel_loop3A_959, %parallel_loop3A_960 : i32
        %parallel_loop3A_962 = arith.index_cast %parallel_loop3A_961 : i32 to index
        %parallel_loop3A_963 = arith.constant 112 : index
        %parallel_loop3A_964 = tpu.vector_load %arg8[%parallel_loop3A_962, %parallel_loop3A_963] {strides = array<i32>} : memref<128x128xf32, #tpu.memory_space<vmem>>, vector<1x16xf32>,
        %parallel_loop3A_965 = vector.shape_cast %parallel_loop3A_964 : vector<1x16xf32> to vector<16xf32>
        %parallel_loop3A_966 = arith.subf %parallel_loop3A_957, %parallel_loop3A_965 : vector<16xf32>
        %parallel_loop3A_967 = arith.constant 64 : i32
        %parallel_loop3A_968 = arith.addi %parallel_loop3A_967, %parallel_loop3A_207 : i32
        %parallel_loop3A_969 = arith.constant 3 : i32
        %parallel_loop3A_970 = arith.addi %parallel_loop3A_968, %parallel_loop3A_969 : i32
        %parallel_loop3A_971 = arith.index_cast %parallel_loop3A_970 : i32 to index
        %parallel_loop3A_972 = arith.constant 112 : index
        %parallel_loop3A_973 = tpu.vector_load %arg8[%parallel_loop3A_971, %parallel_loop3A_972] {strides = array<i32>} : memref<128x128xf32, #tpu.memory_space<vmem>>, vector<1x16xf32>,
        %parallel_loop3A_974 = vector.shape_cast %parallel_loop3A_973 : vector<1x16xf32> to vector<16xf32>
        %parallel_loop3A_975 = vector.shape_cast %parallel_loop3A_966 : vector<16xf32> to vector<1x16xf32>
        tpu.vector_store %arg8[%parallel_loop3A_971, %parallel_loop3A_972], %parallel_loop3A_975 {strides = array<i32>} : memref<128x128xf32, #tpu.memory_space<vmem>>, vector<1x16xf32>,
      } {sc.loop_unroll_factor = 1 : i64, sc.parallel_access}
      %dma_start3A_178 = arith.constant 64 : i32
      %dma_start3A_179 = arith.constant 0 : i32
      %dma_start3A_180 = tpu.memref_slice %arg8[%dma_start3A_178, %dma_start3A_179] : memref<128x128xf32, #tpu.memory_space<vmem>> -> memref<64x128xf32, #tpu.memory_space<vmem>>
      %dma_start3A_181 = arith.constant 0 : i32
      %dma_start3A_182 = arith.constant 0 : i32
      %dma_start3A_183 = tpu.memref_slice %arg11[%dma_start3A_181, %dma_start3A_182] : memref<10240x128xf32, #tpu.memory_space<vmem_shared>> -> memref<10240x128xf32, #tpu.memory_space<vmem_shared>>
      tpu.enqueue_indirect_dma source(%dma_start3A_180 : memref<64x128xf32, #tpu.memory_space<vmem>>) target(%dma_start3A_183 : memref<10240x128xf32, #tpu.memory_space<vmem_shared>>) offsets(%arg7 : memref<64xi32, #tpu.memory_space<vmem>>) semaphore(%arg14 : memref<!tpu.dma_semaphore, #tpu.memory_space<semaphore_mem>>) {add = true}
      %add3A_184 = arith.constant 2 : i32
      %add3A_185 = arith.addi %mul3A_146, %add3A_184 : i32
      %lt3A = arith.cmpi slt, %add3A_185, %select_n3A_8 : i32
      %convert_element_type3A_186 = arith.extui %lt3A : i1 to i32
      %cond3A_187 = arith.constant 0 : i32
      %cond3A_188 = arith.cmpi ne, %convert_element_type3A_186, %cond3A_187 : i32
      scf.if %cond3A_188 {
        %add3A_207 = arith.constant 2 : i32
        %add3A_208 = arith.addi %mul3A_146, %add3A_207 : i32
        %dma_wait3A_209 = arith.constant 64 : i32
        %dma_wait3A_210 = arith.constant 0 : i32
        %dma_wait3A_211 = tpu.memref_slice %arg8[%dma_wait3A_209, %dma_wait3A_210] : memref<128x128xf32, #tpu.memory_space<vmem>> -> memref<64x128xf32, #tpu.memory_space<vmem>>
        %dma_wait3A_212 = arith.constant 0 : i32
        %dma_wait3A_213 = arith.constant 0 : i32
        %dma_wait3A_214 = tpu.memref_slice %arg11[%dma_wait3A_212, %dma_wait3A_213] : memref<10240x128xf32, #tpu.memory_space<vmem_shared>> -> memref<10240x128xf32, #tpu.memory_space<vmem_shared>>
        tpu.wait_indirect_dma semaphore(%arg14 : memref<!tpu.dma_semaphore, #tpu.memory_space<semaphore_mem>>) src(%dma_wait3A_211 : memref<64x128xf32, #tpu.memory_space<vmem>>) dst(%dma_wait3A_214 : memref<10240x128xf32, #tpu.memory_space<vmem_shared>>)
        %mul3A_215 = arith.constant 64 : i32
        %mul3A_216 = arith.muli %add3A_208, %mul3A_215 : i32
        %add3A_217 = arith.addi %mul3A_40, %mul3A_216 : i32
        %dma_start3A_218 = tpu.memref_slice %arg4[%add3A_217] : memref<163840xi32, #tpu.memory_space<hbm>> -> memref<64xi32, #tpu.memory_space<hbm>>
        %dma_start3A_219 = tpu.memref_slice %arg4[%add3A_217] : memref<163840xi32, #tpu.memory_space<hbm>> -> memref<64xi32, #tpu.memory_space<hbm>>
        tpu.enqueue_dma source(%dma_start3A_219 : memref<64xi32, #tpu.memory_space<hbm>>) target(%arg7 : memref<64xi32, #tpu.memory_space<vmem>>) target_semaphore(%arg12 : memref<!tpu.dma_semaphore, #tpu.memory_space<semaphore_mem>>)
        %dma_start3A_220 = arith.constant 0 : i32
        %dma_start3A_221 = tpu.memref_slice %arg6[%add3A_208, %dma_start3A_220] : memref<120x128xi32, #tpu.memory_space<vmem>> -> memref<1x128xi32, #tpu.memory_space<vmem>>
        %dma_start3A_222 = tpu.memref_squeeze %dma_start3A_221 : memref<1x128xi32, #tpu.memory_space<vmem>> -> memref<128xi32, #tpu.memory_space<vmem>>
        %dma_start3A_223 = arith.constant 0 : i32
        %dma_start3A_224 = arith.constant 0 : i32
        %dma_start3A_225 = tpu.memref_slice %arg2[%dma_start3A_223, %dma_start3A_224] : memref<10200x128xf32, #tpu.memory_space<hbm>> -> memref<10200x128xf32, #tpu.memory_space<hbm>>
        tpu.enqueue_indirect_dma source(%dma_start3A_225 : memref<10200x128xf32, #tpu.memory_space<hbm>>) target(%arg8 : memref<128x128xf32, #tpu.memory_space<vmem>>) offsets(%dma_start3A_222 : memref<128xi32, #tpu.memory_space<vmem>>) semaphore(%arg12 : memref<!tpu.dma_semaphore, #tpu.memory_space<semaphore_mem>>)
      } else {
      }
      %dma_wait3A_189 = tpu.memref_slice %arg4[%mul3A_40] : memref<163840xi32, #tpu.memory_space<hbm>> -> memref<64xi32, #tpu.memory_space<hbm>>
      %dma_wait3A_190 = tpu.memref_slice %arg4[%mul3A_40] : memref<163840xi32, #tpu.memory_space<hbm>> -> memref<64xi32, #tpu.memory_space<hbm>>
      tpu.wait_dma2 semaphore(%arg13 : memref<!tpu.dma_semaphore, #tpu.memory_space<semaphore_mem>>) src(%dma_wait3A_190 : memref<64xi32, #tpu.memory_space<hbm>>) dst(%arg9 : memref<64xi32, #tpu.memory_space<vmem>>)
      %dma_wait3A_191 = arith.constant 0 : i32
      %dma_wait3A_192 = arith.constant 0 : i32
      %dma_wait3A_193 = tpu.memref_slice %arg6[%dma_wait3A_191, %dma_wait3A_192] : memref<120x128xi32, #tpu.memory_space<vmem>> -> memref<1x128xi32, #tpu.memory_space<vmem>>
      %dma_wait3A_194 = tpu.memref_squeeze %dma_wait3A_193 : memref<1x128xi32, #tpu.memory_space<vmem>> -> memref<128xi32, #tpu.memory_space<vmem>>
      %dma_wait3A_195 = arith.constant 0 : i32
      %dma_wait3A_196 = arith.constant 0 : i32
      %dma_wait3A_197 = tpu.memref_slice %arg2[%dma_wait3A_195, %dma_wait3A_196] : memref<10200x128xf32, #tpu.memory_space<hbm>> -> memref<10200x128xf32, #tpu.memory_space<hbm>>
      tpu.wait_indirect_dma semaphore(%arg13 : memref<!tpu.dma_semaphore, #tpu.memory_space<semaphore_mem>>) src(%dma_wait3A_197 : memref<10200x128xf32, #tpu.memory_space<hbm>>) dst(%arg10 : memref<128x128xf32, #tpu.memory_space<vmem>>)
      %parallel_loop3A_198 = arith.constant 0 : i32
      %parallel_loop3A_199 = arith.constant 64 : i32
      %parallel_loop3A_200 = arith.constant 4 : i32
      scf.for %parallel_loop3A_207 = %parallel_loop3A_198 to %parallel_loop3A_199 step %parallel_loop3A_200  : i32 {
        %parallel_loop3A_208 = arith.constant 0 : i32
        %parallel_loop3A_209 = arith.addi %parallel_loop3A_207, %parallel_loop3A_208 : i32
        %parallel_loop3A_210 = arith.index_cast %parallel_loop3A_209 : i32 to index
        %parallel_loop3A_211 = arith.constant 0 : index
        %parallel_loop3A_212 = tpu.vector_load %arg10[%parallel_loop3A_210, %parallel_loop3A_211] {strides = array<i32>} : memref<128x128xf32, #tpu.memory_space<vmem>>, vector<1x16xf32>,
        %parallel_loop3A_213 = vector.shape_cast %parallel_loop3A_212 : vector<1x16xf32> to vector<16xf32>
        %parallel_loop3A_214 = arith.constant 64 : i32
        %parallel_loop3A_215 = arith.addi %parallel_loop3A_214, %parallel_loop3A_207 : i32
        %parallel_loop3A_216 = arith.constant 0 : i32
        %parallel_loop3A_217 = arith.addi %parallel_loop3A_215, %parallel_loop3A_216 : i32
        %parallel_loop3A_218 = arith.index_cast %parallel_loop3A_217 : i32 to index
        %parallel_loop3A_219 = arith.constant 0 : index
        %parallel_loop3A_220 = tpu.vector_load %arg10[%parallel_loop3A_218, %parallel_loop3A_219] {strides = array<i32>} : memref<128x128xf32, #tpu.memory_space<vmem>>, vector<1x16xf32>,
        %parallel_loop3A_221 = vector.shape_cast %parallel_loop3A_220 : vector<1x16xf32> to vector<16xf32>
        %parallel_loop3A_222 = arith.subf %parallel_loop3A_213, %parallel_loop3A_221 : vector<16xf32>
        %parallel_loop3A_223 = arith.constant 64 : i32
        %parallel_loop3A_224 = arith.addi %parallel_loop3A_223, %parallel_loop3A_207 : i32
        %parallel_loop3A_225 = arith.constant 0 : i32
        %parallel_loop3A_226 = arith.addi %parallel_loop3A_224, %parallel_loop3A_225 : i32
        %parallel_loop3A_227 = arith.index_cast %parallel_loop3A_226 : i32 to index
        %parallel_loop3A_228 = arith.constant 0 : index
        %parallel_loop3A_229 = tpu.vector_load %arg10[%parallel_loop3A_227, %parallel_loop3A_228] {strides = array<i32>} : memref<128x128xf32, #tpu.memory_space<vmem>>, vector<1x16xf32>,
        %parallel_loop3A_230 = vector.shape_cast %parallel_loop3A_229 : vector<1x16xf32> to vector<16xf32>
        %parallel_loop3A_231 = vector.shape_cast %parallel_loop3A_222 : vector<16xf32> to vector<1x16xf32>
        tpu.vector_store %arg10[%parallel_loop3A_227, %parallel_loop3A_228], %parallel_loop3A_231 {strides = array<i32>} : memref<128x128xf32, #tpu.memory_space<vmem>>, vector<1x16xf32>,
        %parallel_loop3A_232 = arith.constant 0 : i32
        %parallel_loop3A_233 = arith.addi %parallel_loop3A_207, %parallel_loop3A_232 : i32
        %parallel_loop3A_234 = arith.index_cast %parallel_loop3A_233 : i32 to index
        %parallel_loop3A_235 = arith.constant 16 : index
        %parallel_loop3A_236 = tpu.vector_load %arg10[%parallel_loop3A_234, %parallel_loop3A_235] {strides = array<i32>} : memref<128x128xf32, #tpu.memory_space<vmem>>, vector<1x16xf32>,
        %parallel_loop3A_237 = vector.shape_cast %parallel_loop3A_236 : vector<1x16xf32> to vector<16xf32>
        %parallel_loop3A_238 = arith.constant 64 : i32
        %parallel_loop3A_239 = arith.addi %parallel_loop3A_238, %parallel_loop3A_207 : i32
        %parallel_loop3A_240 = arith.constant 0 : i32
        %parallel_loop3A_241 = arith.addi %parallel_loop3A_239, %parallel_loop3A_240 : i32
        %parallel_loop3A_242 = arith.index_cast %parallel_loop3A_241 : i32 to index
        %parallel_loop3A_243 = arith.constant 16 : index
        %parallel_loop3A_244 = tpu.vector_load %arg10[%parallel_loop3A_242, %parallel_loop3A_243] {strides = array<i32>} : memref<128x128xf32, #tpu.memory_space<vmem>>, vector<1x16xf32>,
        %parallel_loop3A_245 = vector.shape_cast %parallel_loop3A_244 : vector<1x16xf32> to vector<16xf32>
        %parallel_loop3A_246 = arith.subf %parallel_loop3A_237, %parallel_loop3A_245 : vector<16xf32>
        %parallel_loop3A_247 = arith.constant 64 : i32
        %parallel_loop3A_248 = arith.addi %parallel_loop3A_247, %parallel_loop3A_207 : i32
        %parallel_loop3A_249 = arith.constant 0 : i32
        %parallel_loop3A_250 = arith.addi %parallel_loop3A_248, %parallel_loop3A_249 : i32
        %parallel_loop3A_251 = arith.index_cast %parallel_loop3A_250 : i32 to index
        %parallel_loop3A_252 = arith.constant 16 : index
        %parallel_loop3A_253 = tpu.vector_load %arg10[%parallel_loop3A_251, %parallel_loop3A_252] {strides = array<i32>} : memref<128x128xf32, #tpu.memory_space<vmem>>, vector<1x16xf32>,
        %parallel_loop3A_254 = vector.shape_cast %parallel_loop3A_253 : vector<1x16xf32> to vector<16xf32>
        %parallel_loop3A_255 = vector.shape_cast %parallel_loop3A_246 : vector<16xf32> to vector<1x16xf32>
        tpu.vector_store %arg10[%parallel_loop3A_251, %parallel_loop3A_252], %parallel_loop3A_255 {strides = array<i32>} : memref<128x128xf32, #tpu.memory_space<vmem>>, vector<1x16xf32>,
        %parallel_loop3A_256 = arith.constant 0 : i32
        %parallel_loop3A_257 = arith.addi %parallel_loop3A_207, %parallel_loop3A_256 : i32
        %parallel_loop3A_258 = arith.index_cast %parallel_loop3A_257 : i32 to index
        %parallel_loop3A_259 = arith.constant 32 : index
        %parallel_loop3A_260 = tpu.vector_load %arg10[%parallel_loop3A_258, %parallel_loop3A_259] {strides = array<i32>} : memref<128x128xf32, #tpu.memory_space<vmem>>, vector<1x16xf32>,
        %parallel_loop3A_261 = vector.shape_cast %parallel_loop3A_260 : vector<1x16xf32> to vector<16xf32>
        %parallel_loop3A_262 = arith.constant 64 : i32
        %parallel_loop3A_263 = arith.addi %parallel_loop3A_262, %parallel_loop3A_207 : i32
        %parallel_loop3A_264 = arith.constant 0 : i32
        %parallel_loop3A_265 = arith.addi %parallel_loop3A_263, %parallel_loop3A_264 : i32
        %parallel_loop3A_266 = arith.index_cast %parallel_loop3A_265 : i32 to index
        %parallel_loop3A_267 = arith.constant 32 : index
        %parallel_loop3A_268 = tpu.vector_load %arg10[%parallel_loop3A_266, %parallel_loop3A_267] {strides = array<i32>} : memref<128x128xf32, #tpu.memory_space<vmem>>, vector<1x16xf32>,
        %parallel_loop3A_269 = vector.shape_cast %parallel_loop3A_268 : vector<1x16xf32> to vector<16xf32>
        %parallel_loop3A_270 = arith.subf %parallel_loop3A_261, %parallel_loop3A_269 : vector<16xf32>
        %parallel_loop3A_271 = arith.constant 64 : i32
        %parallel_loop3A_272 = arith.addi %parallel_loop3A_271, %parallel_loop3A_207 : i32
        %parallel_loop3A_273 = arith.constant 0 : i32
        %parallel_loop3A_274 = arith.addi %parallel_loop3A_272, %parallel_loop3A_273 : i32
        %parallel_loop3A_275 = arith.index_cast %parallel_loop3A_274 : i32 to index
        %parallel_loop3A_276 = arith.constant 32 : index
        %parallel_loop3A_277 = tpu.vector_load %arg10[%parallel_loop3A_275, %parallel_loop3A_276] {strides = array<i32>} : memref<128x128xf32, #tpu.memory_space<vmem>>, vector<1x16xf32>,
        %parallel_loop3A_278 = vector.shape_cast %parallel_loop3A_277 : vector<1x16xf32> to vector<16xf32>
        %parallel_loop3A_279 = vector.shape_cast %parallel_loop3A_270 : vector<16xf32> to vector<1x16xf32>
        tpu.vector_store %arg10[%parallel_loop3A_275, %parallel_loop3A_276], %parallel_loop3A_279 {strides = array<i32>} : memref<128x128xf32, #tpu.memory_space<vmem>>, vector<1x16xf32>,
        %parallel_loop3A_280 = arith.constant 0 : i32
        %parallel_loop3A_281 = arith.addi %parallel_loop3A_207, %parallel_loop3A_280 : i32
        %parallel_loop3A_282 = arith.index_cast %parallel_loop3A_281 : i32 to index
        %parallel_loop3A_283 = arith.constant 48 : index
        %parallel_loop3A_284 = tpu.vector_load %arg10[%parallel_loop3A_282, %parallel_loop3A_283] {strides = array<i32>} : memref<128x128xf32, #tpu.memory_space<vmem>>, vector<1x16xf32>,
        %parallel_loop3A_285 = vector.shape_cast %parallel_loop3A_284 : vector<1x16xf32> to vector<16xf32>
        %parallel_loop3A_286 = arith.constant 64 : i32
        %parallel_loop3A_287 = arith.addi %parallel_loop3A_286, %parallel_loop3A_207 : i32
        %parallel_loop3A_288 = arith.constant 0 : i32
        %parallel_loop3A_289 = arith.addi %parallel_loop3A_287, %parallel_loop3A_288 : i32
        %parallel_loop3A_290 = arith.index_cast %parallel_loop3A_289 : i32 to index
        %parallel_loop3A_291 = arith.constant 48 : index
        %parallel_loop3A_292 = tpu.vector_load %arg10[%parallel_loop3A_290, %parallel_loop3A_291] {strides = array<i32>} : memref<128x128xf32, #tpu.memory_space<vmem>>, vector<1x16xf32>,
        %parallel_loop3A_293 = vector.shape_cast %parallel_loop3A_292 : vector<1x16xf32> to vector<16xf32>
        %parallel_loop3A_294 = arith.subf %parallel_loop3A_285, %parallel_loop3A_293 : vector<16xf32>
        %parallel_loop3A_295 = arith.constant 64 : i32
        %parallel_loop3A_296 = arith.addi %parallel_loop3A_295, %parallel_loop3A_207 : i32
        %parallel_loop3A_297 = arith.constant 0 : i32
        %parallel_loop3A_298 = arith.addi %parallel_loop3A_296, %parallel_loop3A_297 : i32
        %parallel_loop3A_299 = arith.index_cast %parallel_loop3A_298 : i32 to index
        %parallel_loop3A_300 = arith.constant 48 : index
        %parallel_loop3A_301 = tpu.vector_load %arg10[%parallel_loop3A_299, %parallel_loop3A_300] {strides = array<i32>} : memref<128x128xf32, #tpu.memory_space<vmem>>, vector<1x16xf32>,
        %parallel_loop3A_302 = vector.shape_cast %parallel_loop3A_301 : vector<1x16xf32> to vector<16xf32>
        %parallel_loop3A_303 = vector.shape_cast %parallel_loop3A_294 : vector<16xf32> to vector<1x16xf32>
        tpu.vector_store %arg10[%parallel_loop3A_299, %parallel_loop3A_300], %parallel_loop3A_303 {strides = array<i32>} : memref<128x128xf32, #tpu.memory_space<vmem>>, vector<1x16xf32>,
        %parallel_loop3A_304 = arith.constant 0 : i32
        %parallel_loop3A_305 = arith.addi %parallel_loop3A_207, %parallel_loop3A_304 : i32
        %parallel_loop3A_306 = arith.index_cast %parallel_loop3A_305 : i32 to index
        %parallel_loop3A_307 = arith.constant 64 : index
        %parallel_loop3A_308 = tpu.vector_load %arg10[%parallel_loop3A_306, %parallel_loop3A_307] {strides = array<i32>} : memref<128x128xf32, #tpu.memory_space<vmem>>, vector<1x16xf32>,
        %parallel_loop3A_309 = vector.shape_cast %parallel_loop3A_308 : vector<1x16xf32> to vector<16xf32>
        %parallel_loop3A_310 = arith.constant 64 : i32
        %parallel_loop3A_311 = arith.addi %parallel_loop3A_310, %parallel_loop3A_207 : i32
        %parallel_loop3A_312 = arith.constant 0 : i32
        %parallel_loop3A_313 = arith.addi %parallel_loop3A_311, %parallel_loop3A_312 : i32
        %parallel_loop3A_314 = arith.index_cast %parallel_loop3A_313 : i32 to index
        %parallel_loop3A_315 = arith.constant 64 : index
        %parallel_loop3A_316 = tpu.vector_load %arg10[%parallel_loop3A_314, %parallel_loop3A_315] {strides = array<i32>} : memref<128x128xf32, #tpu.memory_space<vmem>>, vector<1x16xf32>,
        %parallel_loop3A_317 = vector.shape_cast %parallel_loop3A_316 : vector<1x16xf32> to vector<16xf32>
        %parallel_loop3A_318 = arith.subf %parallel_loop3A_309, %parallel_loop3A_317 : vector<16xf32>
        %parallel_loop3A_319 = arith.constant 64 : i32
        %parallel_loop3A_320 = arith.addi %parallel_loop3A_319, %parallel_loop3A_207 : i32
        %parallel_loop3A_321 = arith.constant 0 : i32
        %parallel_loop3A_322 = arith.addi %parallel_loop3A_320, %parallel_loop3A_321 : i32
        %parallel_loop3A_323 = arith.index_cast %parallel_loop3A_322 : i32 to index
        %parallel_loop3A_324 = arith.constant 64 : index
        %parallel_loop3A_325 = tpu.vector_load %arg10[%parallel_loop3A_323, %parallel_loop3A_324] {strides = array<i32>} : memref<128x128xf32, #tpu.memory_space<vmem>>, vector<1x16xf32>,
        %parallel_loop3A_326 = vector.shape_cast %parallel_loop3A_325 : vector<1x16xf32> to vector<16xf32>
        %parallel_loop3A_327 = vector.shape_cast %parallel_loop3A_318 : vector<16xf32> to vector<1x16xf32>
        tpu.vector_store %arg10[%parallel_loop3A_323, %parallel_loop3A_324], %parallel_loop3A_327 {strides = array<i32>} : memref<128x128xf32, #tpu.memory_space<vmem>>, vector<1x16xf32>,
        %parallel_loop3A_328 = arith.constant 0 : i32
        %parallel_loop3A_329 = arith.addi %parallel_loop3A_207, %parallel_loop3A_328 : i32
        %parallel_loop3A_330 = arith.index_cast %parallel_loop3A_329 : i32 to index
        %parallel_loop3A_331 = arith.constant 80 : index
        %parallel_loop3A_332 = tpu.vector_load %arg10[%parallel_loop3A_330, %parallel_loop3A_331] {strides = array<i32>} : memref<128x128xf32, #tpu.memory_space<vmem>>, vector<1x16xf32>,
        %parallel_loop3A_333 = vector.shape_cast %parallel_loop3A_332 : vector<1x16xf32> to vector<16xf32>
        %parallel_loop3A_334 = arith.constant 64 : i32
        %parallel_loop3A_335 = arith.addi %parallel_loop3A_334, %parallel_loop3A_207 : i32
        %parallel_loop3A_336 = arith.constant 0 : i32
        %parallel_loop3A_337 = arith.addi %parallel_loop3A_335, %parallel_loop3A_336 : i32
        %parallel_loop3A_338 = arith.index_cast %parallel_loop3A_337 : i32 to index
        %parallel_loop3A_339 = arith.constant 80 : index
        %parallel_loop3A_340 = tpu.vector_load %arg10[%parallel_loop3A_338, %parallel_loop3A_339] {strides = array<i32>} : memref<128x128xf32, #tpu.memory_space<vmem>>, vector<1x16xf32>,
        %parallel_loop3A_341 = vector.shape_cast %parallel_loop3A_340 : vector<1x16xf32> to vector<16xf32>
        %parallel_loop3A_342 = arith.subf %parallel_loop3A_333, %parallel_loop3A_341 : vector<16xf32>
        %parallel_loop3A_343 = arith.constant 64 : i32
        %parallel_loop3A_344 = arith.addi %parallel_loop3A_343, %parallel_loop3A_207 : i32
        %parallel_loop3A_345 = arith.constant 0 : i32
        %parallel_loop3A_346 = arith.addi %parallel_loop3A_344, %parallel_loop3A_345 : i32
        %parallel_loop3A_347 = arith.index_cast %parallel_loop3A_346 : i32 to index
        %parallel_loop3A_348 = arith.constant 80 : index
        %parallel_loop3A_349 = tpu.vector_load %arg10[%parallel_loop3A_347, %parallel_loop3A_348] {strides = array<i32>} : memref<128x128xf32, #tpu.memory_space<vmem>>, vector<1x16xf32>,
        %parallel_loop3A_350 = vector.shape_cast %parallel_loop3A_349 : vector<1x16xf32> to vector<16xf32>
        %parallel_loop3A_351 = vector.shape_cast %parallel_loop3A_342 : vector<16xf32> to vector<1x16xf32>
        tpu.vector_store %arg10[%parallel_loop3A_347, %parallel_loop3A_348], %parallel_loop3A_351 {strides = array<i32>} : memref<128x128xf32, #tpu.memory_space<vmem>>, vector<1x16xf32>,
        %parallel_loop3A_352 = arith.constant 0 : i32
        %parallel_loop3A_353 = arith.addi %parallel_loop3A_207, %parallel_loop3A_352 : i32
        %parallel_loop3A_354 = arith.index_cast %parallel_loop3A_353 : i32 to index
        %parallel_loop3A_355 = arith.constant 96 : index
        %parallel_loop3A_356 = tpu.vector_load %arg10[%parallel_loop3A_354, %parallel_loop3A_355] {strides = array<i32>} : memref<128x128xf32, #tpu.memory_space<vmem>>, vector<1x16xf32>,
        %parallel_loop3A_357 = vector.shape_cast %parallel_loop3A_356 : vector<1x16xf32> to vector<16xf32>
        %parallel_loop3A_358 = arith.constant 64 : i32
        %parallel_loop3A_359 = arith.addi %parallel_loop3A_358, %parallel_loop3A_207 : i32
        %parallel_loop3A_360 = arith.constant 0 : i32
        %parallel_loop3A_361 = arith.addi %parallel_loop3A_359, %parallel_loop3A_360 : i32
        %parallel_loop3A_362 = arith.index_cast %parallel_loop3A_361 : i32 to index
        %parallel_loop3A_363 = arith.constant 96 : index
        %parallel_loop3A_364 = tpu.vector_load %arg10[%parallel_loop3A_362, %parallel_loop3A_363] {strides = array<i32>} : memref<128x128xf32, #tpu.memory_space<vmem>>, vector<1x16xf32>,
        %parallel_loop3A_365 = vector.shape_cast %parallel_loop3A_364 : vector<1x16xf32> to vector<16xf32>
        %parallel_loop3A_366 = arith.subf %parallel_loop3A_357, %parallel_loop3A_365 : vector<16xf32>
        %parallel_loop3A_367 = arith.constant 64 : i32
        %parallel_loop3A_368 = arith.addi %parallel_loop3A_367, %parallel_loop3A_207 : i32
        %parallel_loop3A_369 = arith.constant 0 : i32
        %parallel_loop3A_370 = arith.addi %parallel_loop3A_368, %parallel_loop3A_369 : i32
        %parallel_loop3A_371 = arith.index_cast %parallel_loop3A_370 : i32 to index
        %parallel_loop3A_372 = arith.constant 96 : index
        %parallel_loop3A_373 = tpu.vector_load %arg10[%parallel_loop3A_371, %parallel_loop3A_372] {strides = array<i32>} : memref<128x128xf32, #tpu.memory_space<vmem>>, vector<1x16xf32>,
        %parallel_loop3A_374 = vector.shape_cast %parallel_loop3A_373 : vector<1x16xf32> to vector<16xf32>
        %parallel_loop3A_375 = vector.shape_cast %parallel_loop3A_366 : vector<16xf32> to vector<1x16xf32>
        tpu.vector_store %arg10[%parallel_loop3A_371, %parallel_loop3A_372], %parallel_loop3A_375 {strides = array<i32>} : memref<128x128xf32, #tpu.memory_space<vmem>>, vector<1x16xf32>,
        %parallel_loop3A_376 = arith.constant 0 : i32
        %parallel_loop3A_377 = arith.addi %parallel_loop3A_207, %parallel_loop3A_376 : i32
        %parallel_loop3A_378 = arith.index_cast %parallel_loop3A_377 : i32 to index
        %parallel_loop3A_379 = arith.constant 112 : index
        %parallel_loop3A_380 = tpu.vector_load %arg10[%parallel_loop3A_378, %parallel_loop3A_379] {strides = array<i32>} : memref<128x128xf32, #tpu.memory_space<vmem>>, vector<1x16xf32>,
        %parallel_loop3A_381 = vector.shape_cast %parallel_loop3A_380 : vector<1x16xf32> to vector<16xf32>
        %parallel_loop3A_382 = arith.constant 64 : i32
        %parallel_loop3A_383 = arith.addi %parallel_loop3A_382, %parallel_loop3A_207 : i32
        %parallel_loop3A_384 = arith.constant 0 : i32
        %parallel_loop3A_385 = arith.addi %parallel_loop3A_383, %parallel_loop3A_384 : i32
        %parallel_loop3A_386 = arith.index_cast %parallel_loop3A_385 : i32 to index
        %parallel_loop3A_387 = arith.constant 112 : index
        %parallel_loop3A_388 = tpu.vector_load %arg10[%parallel_loop3A_386, %parallel_loop3A_387] {strides = array<i32>} : memref<128x128xf32, #tpu.memory_space<vmem>>, vector<1x16xf32>,
        %parallel_loop3A_389 = vector.shape_cast %parallel_loop3A_388 : vector<1x16xf32> to vector<16xf32>
        %parallel_loop3A_390 = arith.subf %parallel_loop3A_381, %parallel_loop3A_389 : vector<16xf32>
        %parallel_loop3A_391 = arith.constant 64 : i32
        %parallel_loop3A_392 = arith.addi %parallel_loop3A_391, %parallel_loop3A_207 : i32
        %parallel_loop3A_393 = arith.constant 0 : i32
        %parallel_loop3A_394 = arith.addi %parallel_loop3A_392, %parallel_loop3A_393 : i32
        %parallel_loop3A_395 = arith.index_cast %parallel_loop3A_394 : i32 to index
        %parallel_loop3A_396 = arith.constant 112 : index
        %parallel_loop3A_397 = tpu.vector_load %arg10[%parallel_loop3A_395, %parallel_loop3A_396] {strides = array<i32>} : memref<128x128xf32, #tpu.memory_space<vmem>>, vector<1x16xf32>,
        %parallel_loop3A_398 = vector.shape_cast %parallel_loop3A_397 : vector<1x16xf32> to vector<16xf32>
        %parallel_loop3A_399 = vector.shape_cast %parallel_loop3A_390 : vector<16xf32> to vector<1x16xf32>
        tpu.vector_store %arg10[%parallel_loop3A_395, %parallel_loop3A_396], %parallel_loop3A_399 {strides = array<i32>} : memref<128x128xf32, #tpu.memory_space<vmem>>, vector<1x16xf32>,
        %parallel_loop3A_400 = arith.constant 1 : i32
        %parallel_loop3A_401 = arith.addi %parallel_loop3A_207, %parallel_loop3A_400 : i32
        %parallel_loop3A_402 = arith.index_cast %parallel_loop3A_401 : i32 to index
        %parallel_loop3A_403 = arith.constant 0 : index
        %parallel_loop3A_404 = tpu.vector_load %arg10[%parallel_loop3A_402, %parallel_loop3A_403] {strides = array<i32>} : memref<128x128xf32, #tpu.memory_space<vmem>>, vector<1x16xf32>,
        %parallel_loop3A_405 = vector.shape_cast %parallel_loop3A_404 : vector<1x16xf32> to vector<16xf32>
        %parallel_loop3A_406 = arith.constant 64 : i32
        %parallel_loop3A_407 = arith.addi %parallel_loop3A_406, %parallel_loop3A_207 : i32
        %parallel_loop3A_408 = arith.constant 1 : i32
        %parallel_loop3A_409 = arith.addi %parallel_loop3A_407, %parallel_loop3A_408 : i32
        %parallel_loop3A_410 = arith.index_cast %parallel_loop3A_409 : i32 to index
        %parallel_loop3A_411 = arith.constant 0 : index
        %parallel_loop3A_412 = tpu.vector_load %arg10[%parallel_loop3A_410, %parallel_loop3A_411] {strides = array<i32>} : memref<128x128xf32, #tpu.memory_space<vmem>>, vector<1x16xf32>,
        %parallel_loop3A_413 = vector.shape_cast %parallel_loop3A_412 : vector<1x16xf32> to vector<16xf32>
        %parallel_loop3A_414 = arith.subf %parallel_loop3A_405, %parallel_loop3A_413 : vector<16xf32>
        %parallel_loop3A_415 = arith.constant 64 : i32
        %parallel_loop3A_416 = arith.addi %parallel_loop3A_415, %parallel_loop3A_207 : i32
        %parallel_loop3A_417 = arith.constant 1 : i32
        %parallel_loop3A_418 = arith.addi %parallel_loop3A_416, %parallel_loop3A_417 : i32
        %parallel_loop3A_419 = arith.index_cast %parallel_loop3A_418 : i32 to index
        %parallel_loop3A_420 = arith.constant 0 : index
        %parallel_loop3A_421 = tpu.vector_load %arg10[%parallel_loop3A_419, %parallel_loop3A_420] {strides = array<i32>} : memref<128x128xf32, #tpu.memory_space<vmem>>, vector<1x16xf32>,
        %parallel_loop3A_422 = vector.shape_cast %parallel_loop3A_421 : vector<1x16xf32> to vector<16xf32>
        %parallel_loop3A_423 = vector.shape_cast %parallel_loop3A_414 : vector<16xf32> to vector<1x16xf32>
        tpu.vector_store %arg10[%parallel_loop3A_419, %parallel_loop3A_420], %parallel_loop3A_423 {strides = array<i32>} : memref<128x128xf32, #tpu.memory_space<vmem>>, vector<1x16xf32>,
        %parallel_loop3A_424 = arith.constant 1 : i32
        %parallel_loop3A_425 = arith.addi %parallel_loop3A_207, %parallel_loop3A_424 : i32
        %parallel_loop3A_426 = arith.index_cast %parallel_loop3A_425 : i32 to index
        %parallel_loop3A_427 = arith.constant 16 : index
        %parallel_loop3A_428 = tpu.vector_load %arg10[%parallel_loop3A_426, %parallel_loop3A_427] {strides = array<i32>} : memref<128x128xf32, #tpu.memory_space<vmem>>, vector<1x16xf32>,
        %parallel_loop3A_429 = vector.shape_cast %parallel_loop3A_428 : vector<1x16xf32> to vector<16xf32>
        %parallel_loop3A_430 = arith.constant 64 : i32
        %parallel_loop3A_431 = arith.addi %parallel_loop3A_430, %parallel_loop3A_207 : i32
        %parallel_loop3A_432 = arith.constant 1 : i32
        %parallel_loop3A_433 = arith.addi %parallel_loop3A_431, %parallel_loop3A_432 : i32
        %parallel_loop3A_434 = arith.index_cast %parallel_loop3A_433 : i32 to index
        %parallel_loop3A_435 = arith.constant 16 : index
        %parallel_loop3A_436 = tpu.vector_load %arg10[%parallel_loop3A_434, %parallel_loop3A_435] {strides = array<i32>} : memref<128x128xf32, #tpu.memory_space<vmem>>, vector<1x16xf32>,
        %parallel_loop3A_437 = vector.shape_cast %parallel_loop3A_436 : vector<1x16xf32> to vector<16xf32>
        %parallel_loop3A_438 = arith.subf %parallel_loop3A_429, %parallel_loop3A_437 : vector<16xf32>
        %parallel_loop3A_439 = arith.constant 64 : i32
        %parallel_loop3A_440 = arith.addi %parallel_loop3A_439, %parallel_loop3A_207 : i32
        %parallel_loop3A_441 = arith.constant 1 : i32
        %parallel_loop3A_442 = arith.addi %parallel_loop3A_440, %parallel_loop3A_441 : i32
        %parallel_loop3A_443 = arith.index_cast %parallel_loop3A_442 : i32 to index
        %parallel_loop3A_444 = arith.constant 16 : index
        %parallel_loop3A_445 = tpu.vector_load %arg10[%parallel_loop3A_443, %parallel_loop3A_444] {strides = array<i32>} : memref<128x128xf32, #tpu.memory_space<vmem>>, vector<1x16xf32>,
        %parallel_loop3A_446 = vector.shape_cast %parallel_loop3A_445 : vector<1x16xf32> to vector<16xf32>
        %parallel_loop3A_447 = vector.shape_cast %parallel_loop3A_438 : vector<16xf32> to vector<1x16xf32>
        tpu.vector_store %arg10[%parallel_loop3A_443, %parallel_loop3A_444], %parallel_loop3A_447 {strides = array<i32>} : memref<128x128xf32, #tpu.memory_space<vmem>>, vector<1x16xf32>,
        %parallel_loop3A_448 = arith.constant 1 : i32
        %parallel_loop3A_449 = arith.addi %parallel_loop3A_207, %parallel_loop3A_448 : i32
        %parallel_loop3A_450 = arith.index_cast %parallel_loop3A_449 : i32 to index
        %parallel_loop3A_451 = arith.constant 32 : index
        %parallel_loop3A_452 = tpu.vector_load %arg10[%parallel_loop3A_450, %parallel_loop3A_451] {strides = array<i32>} : memref<128x128xf32, #tpu.memory_space<vmem>>, vector<1x16xf32>,
        %parallel_loop3A_453 = vector.shape_cast %parallel_loop3A_452 : vector<1x16xf32> to vector<16xf32>
        %parallel_loop3A_454 = arith.constant 64 : i32
        %parallel_loop3A_455 = arith.addi %parallel_loop3A_454, %parallel_loop3A_207 : i32
        %parallel_loop3A_456 = arith.constant 1 : i32
        %parallel_loop3A_457 = arith.addi %parallel_loop3A_455, %parallel_loop3A_456 : i32
        %parallel_loop3A_458 = arith.index_cast %parallel_loop3A_457 : i32 to index
        %parallel_loop3A_459 = arith.constant 32 : index
        %parallel_loop3A_460 = tpu.vector_load %arg10[%parallel_loop3A_458, %parallel_loop3A_459] {strides = array<i32>} : memref<128x128xf32, #tpu.memory_space<vmem>>, vector<1x16xf32>,
        %parallel_loop3A_461 = vector.shape_cast %parallel_loop3A_460 : vector<1x16xf32> to vector<16xf32>
        %parallel_loop3A_462 = arith.subf %parallel_loop3A_453, %parallel_loop3A_461 : vector<16xf32>
        %parallel_loop3A_463 = arith.constant 64 : i32
        %parallel_loop3A_464 = arith.addi %parallel_loop3A_463, %parallel_loop3A_207 : i32
        %parallel_loop3A_465 = arith.constant 1 : i32
        %parallel_loop3A_466 = arith.addi %parallel_loop3A_464, %parallel_loop3A_465 : i32
        %parallel_loop3A_467 = arith.index_cast %parallel_loop3A_466 : i32 to index
        %parallel_loop3A_468 = arith.constant 32 : index
        %parallel_loop3A_469 = tpu.vector_load %arg10[%parallel_loop3A_467, %parallel_loop3A_468] {strides = array<i32>} : memref<128x128xf32, #tpu.memory_space<vmem>>, vector<1x16xf32>,
        %parallel_loop3A_470 = vector.shape_cast %parallel_loop3A_469 : vector<1x16xf32> to vector<16xf32>
        %parallel_loop3A_471 = vector.shape_cast %parallel_loop3A_462 : vector<16xf32> to vector<1x16xf32>
        tpu.vector_store %arg10[%parallel_loop3A_467, %parallel_loop3A_468], %parallel_loop3A_471 {strides = array<i32>} : memref<128x128xf32, #tpu.memory_space<vmem>>, vector<1x16xf32>,
        %parallel_loop3A_472 = arith.constant 1 : i32
        %parallel_loop3A_473 = arith.addi %parallel_loop3A_207, %parallel_loop3A_472 : i32
        %parallel_loop3A_474 = arith.index_cast %parallel_loop3A_473 : i32 to index
        %parallel_loop3A_475 = arith.constant 48 : index
        %parallel_loop3A_476 = tpu.vector_load %arg10[%parallel_loop3A_474, %parallel_loop3A_475] {strides = array<i32>} : memref<128x128xf32, #tpu.memory_space<vmem>>, vector<1x16xf32>,
        %parallel_loop3A_477 = vector.shape_cast %parallel_loop3A_476 : vector<1x16xf32> to vector<16xf32>
        %parallel_loop3A_478 = arith.constant 64 : i32
        %parallel_loop3A_479 = arith.addi %parallel_loop3A_478, %parallel_loop3A_207 : i32
        %parallel_loop3A_480 = arith.constant 1 : i32
        %parallel_loop3A_481 = arith.addi %parallel_loop3A_479, %parallel_loop3A_480 : i32
        %parallel_loop3A_482 = arith.index_cast %parallel_loop3A_481 : i32 to index
        %parallel_loop3A_483 = arith.constant 48 : index
        %parallel_loop3A_484 = tpu.vector_load %arg10[%parallel_loop3A_482, %parallel_loop3A_483] {strides = array<i32>} : memref<128x128xf32, #tpu.memory_space<vmem>>, vector<1x16xf32>,
        %parallel_loop3A_485 = vector.shape_cast %parallel_loop3A_484 : vector<1x16xf32> to vector<16xf32>
        %parallel_loop3A_486 = arith.subf %parallel_loop3A_477, %parallel_loop3A_485 : vector<16xf32>
        %parallel_loop3A_487 = arith.constant 64 : i32
        %parallel_loop3A_488 = arith.addi %parallel_loop3A_487, %parallel_loop3A_207 : i32
        %parallel_loop3A_489 = arith.constant 1 : i32
        %parallel_loop3A_490 = arith.addi %parallel_loop3A_488, %parallel_loop3A_489 : i32
        %parallel_loop3A_491 = arith.index_cast %parallel_loop3A_490 : i32 to index
        %parallel_loop3A_492 = arith.constant 48 : index
        %parallel_loop3A_493 = tpu.vector_load %arg10[%parallel_loop3A_491, %parallel_loop3A_492] {strides = array<i32>} : memref<128x128xf32, #tpu.memory_space<vmem>>, vector<1x16xf32>,
        %parallel_loop3A_494 = vector.shape_cast %parallel_loop3A_493 : vector<1x16xf32> to vector<16xf32>
        %parallel_loop3A_495 = vector.shape_cast %parallel_loop3A_486 : vector<16xf32> to vector<1x16xf32>
        tpu.vector_store %arg10[%parallel_loop3A_491, %parallel_loop3A_492], %parallel_loop3A_495 {strides = array<i32>} : memref<128x128xf32, #tpu.memory_space<vmem>>, vector<1x16xf32>,
        %parallel_loop3A_496 = arith.constant 1 : i32
        %parallel_loop3A_497 = arith.addi %parallel_loop3A_207, %parallel_loop3A_496 : i32
        %parallel_loop3A_498 = arith.index_cast %parallel_loop3A_497 : i32 to index
        %parallel_loop3A_499 = arith.constant 64 : index
        %parallel_loop3A_500 = tpu.vector_load %arg10[%parallel_loop3A_498, %parallel_loop3A_499] {strides = array<i32>} : memref<128x128xf32, #tpu.memory_space<vmem>>, vector<1x16xf32>,
        %parallel_loop3A_501 = vector.shape_cast %parallel_loop3A_500 : vector<1x16xf32> to vector<16xf32>
        %parallel_loop3A_502 = arith.constant 64 : i32
        %parallel_loop3A_503 = arith.addi %parallel_loop3A_502, %parallel_loop3A_207 : i32
        %parallel_loop3A_504 = arith.constant 1 : i32
        %parallel_loop3A_505 = arith.addi %parallel_loop3A_503, %parallel_loop3A_504 : i32
        %parallel_loop3A_506 = arith.index_cast %parallel_loop3A_505 : i32 to index
        %parallel_loop3A_507 = arith.constant 64 : index
        %parallel_loop3A_508 = tpu.vector_load %arg10[%parallel_loop3A_506, %parallel_loop3A_507] {strides = array<i32>} : memref<128x128xf32, #tpu.memory_space<vmem>>, vector<1x16xf32>,
        %parallel_loop3A_509 = vector.shape_cast %parallel_loop3A_508 : vector<1x16xf32> to vector<16xf32>
        %parallel_loop3A_510 = arith.subf %parallel_loop3A_501, %parallel_loop3A_509 : vector<16xf32>
        %parallel_loop3A_511 = arith.constant 64 : i32
        %parallel_loop3A_512 = arith.addi %parallel_loop3A_511, %parallel_loop3A_207 : i32
        %parallel_loop3A_513 = arith.constant 1 : i32
        %parallel_loop3A_514 = arith.addi %parallel_loop3A_512, %parallel_loop3A_513 : i32
        %parallel_loop3A_515 = arith.index_cast %parallel_loop3A_514 : i32 to index
        %parallel_loop3A_516 = arith.constant 64 : index
        %parallel_loop3A_517 = tpu.vector_load %arg10[%parallel_loop3A_515, %parallel_loop3A_516] {strides = array<i32>} : memref<128x128xf32, #tpu.memory_space<vmem>>, vector<1x16xf32>,
        %parallel_loop3A_518 = vector.shape_cast %parallel_loop3A_517 : vector<1x16xf32> to vector<16xf32>
        %parallel_loop3A_519 = vector.shape_cast %parallel_loop3A_510 : vector<16xf32> to vector<1x16xf32>
        tpu.vector_store %arg10[%parallel_loop3A_515, %parallel_loop3A_516], %parallel_loop3A_519 {strides = array<i32>} : memref<128x128xf32, #tpu.memory_space<vmem>>, vector<1x16xf32>,
        %parallel_loop3A_520 = arith.constant 1 : i32
        %parallel_loop3A_521 = arith.addi %parallel_loop3A_207, %parallel_loop3A_520 : i32
        %parallel_loop3A_522 = arith.index_cast %parallel_loop3A_521 : i32 to index
        %parallel_loop3A_523 = arith.constant 80 : index
        %parallel_loop3A_524 = tpu.vector_load %arg10[%parallel_loop3A_522, %parallel_loop3A_523] {strides = array<i32>} : memref<128x128xf32, #tpu.memory_space<vmem>>, vector<1x16xf32>,
        %parallel_loop3A_525 = vector.shape_cast %parallel_loop3A_524 : vector<1x16xf32> to vector<16xf32>
        %parallel_loop3A_526 = arith.constant 64 : i32
        %parallel_loop3A_527 = arith.addi %parallel_loop3A_526, %parallel_loop3A_207 : i32
        %parallel_loop3A_528 = arith.constant 1 : i32
        %parallel_loop3A_529 = arith.addi %parallel_loop3A_527, %parallel_loop3A_528 : i32
        %parallel_loop3A_530 = arith.index_cast %parallel_loop3A_529 : i32 to index
        %parallel_loop3A_531 = arith.constant 80 : index
        %parallel_loop3A_532 = tpu.vector_load %arg10[%parallel_loop3A_530, %parallel_loop3A_531] {strides = array<i32>} : memref<128x128xf32, #tpu.memory_space<vmem>>, vector<1x16xf32>,
        %parallel_loop3A_533 = vector.shape_cast %parallel_loop3A_532 : vector<1x16xf32> to vector<16xf32>
        %parallel_loop3A_534 = arith.subf %parallel_loop3A_525, %parallel_loop3A_533 : vector<16xf32>
        %parallel_loop3A_535 = arith.constant 64 : i32
        %parallel_loop3A_536 = arith.addi %parallel_loop3A_535, %parallel_loop3A_207 : i32
        %parallel_loop3A_537 = arith.constant 1 : i32
        %parallel_loop3A_538 = arith.addi %parallel_loop3A_536, %parallel_loop3A_537 : i32
        %parallel_loop3A_539 = arith.index_cast %parallel_loop3A_538 : i32 to index
        %parallel_loop3A_540 = arith.constant 80 : index
        %parallel_loop3A_541 = tpu.vector_load %arg10[%parallel_loop3A_539, %parallel_loop3A_540] {strides = array<i32>} : memref<128x128xf32, #tpu.memory_space<vmem>>, vector<1x16xf32>,
        %parallel_loop3A_542 = vector.shape_cast %parallel_loop3A_541 : vector<1x16xf32> to vector<16xf32>
        %parallel_loop3A_543 = vector.shape_cast %parallel_loop3A_534 : vector<16xf32> to vector<1x16xf32>
        tpu.vector_store %arg10[%parallel_loop3A_539, %parallel_loop3A_540], %parallel_loop3A_543 {strides = array<i32>} : memref<128x128xf32, #tpu.memory_space<vmem>>, vector<1x16xf32>,
        %parallel_loop3A_544 = arith.constant 1 : i32
        %parallel_loop3A_545 = arith.addi %parallel_loop3A_207, %parallel_loop3A_544 : i32
        %parallel_loop3A_546 = arith.index_cast %parallel_loop3A_545 : i32 to index
        %parallel_loop3A_547 = arith.constant 96 : index
        %parallel_loop3A_548 = tpu.vector_load %arg10[%parallel_loop3A_546, %parallel_loop3A_547] {strides = array<i32>} : memref<128x128xf32, #tpu.memory_space<vmem>>, vector<1x16xf32>,
        %parallel_loop3A_549 = vector.shape_cast %parallel_loop3A_548 : vector<1x16xf32> to vector<16xf32>
        %parallel_loop3A_550 = arith.constant 64 : i32
        %parallel_loop3A_551 = arith.addi %parallel_loop3A_550, %parallel_loop3A_207 : i32
        %parallel_loop3A_552 = arith.constant 1 : i32
        %parallel_loop3A_553 = arith.addi %parallel_loop3A_551, %parallel_loop3A_552 : i32
        %parallel_loop3A_554 = arith.index_cast %parallel_loop3A_553 : i32 to index
        %parallel_loop3A_555 = arith.constant 96 : index
        %parallel_loop3A_556 = tpu.vector_load %arg10[%parallel_loop3A_554, %parallel_loop3A_555] {strides = array<i32>} : memref<128x128xf32, #tpu.memory_space<vmem>>, vector<1x16xf32>,
        %parallel_loop3A_557 = vector.shape_cast %parallel_loop3A_556 : vector<1x16xf32> to vector<16xf32>
        %parallel_loop3A_558 = arith.subf %parallel_loop3A_549, %parallel_loop3A_557 : vector<16xf32>
        %parallel_loop3A_559 = arith.constant 64 : i32
        %parallel_loop3A_560 = arith.addi %parallel_loop3A_559, %parallel_loop3A_207 : i32
        %parallel_loop3A_561 = arith.constant 1 : i32
        %parallel_loop3A_562 = arith.addi %parallel_loop3A_560, %parallel_loop3A_561 : i32
        %parallel_loop3A_563 = arith.index_cast %parallel_loop3A_562 : i32 to index
        %parallel_loop3A_564 = arith.constant 96 : index
        %parallel_loop3A_565 = tpu.vector_load %arg10[%parallel_loop3A_563, %parallel_loop3A_564] {strides = array<i32>} : memref<128x128xf32, #tpu.memory_space<vmem>>, vector<1x16xf32>,
        %parallel_loop3A_566 = vector.shape_cast %parallel_loop3A_565 : vector<1x16xf32> to vector<16xf32>
        %parallel_loop3A_567 = vector.shape_cast %parallel_loop3A_558 : vector<16xf32> to vector<1x16xf32>
        tpu.vector_store %arg10[%parallel_loop3A_563, %parallel_loop3A_564], %parallel_loop3A_567 {strides = array<i32>} : memref<128x128xf32, #tpu.memory_space<vmem>>, vector<1x16xf32>,
        %parallel_loop3A_568 = arith.constant 1 : i32
        %parallel_loop3A_569 = arith.addi %parallel_loop3A_207, %parallel_loop3A_568 : i32
        %parallel_loop3A_570 = arith.index_cast %parallel_loop3A_569 : i32 to index
        %parallel_loop3A_571 = arith.constant 112 : index
        %parallel_loop3A_572 = tpu.vector_load %arg10[%parallel_loop3A_570, %parallel_loop3A_571] {strides = array<i32>} : memref<128x128xf32, #tpu.memory_space<vmem>>, vector<1x16xf32>,
        %parallel_loop3A_573 = vector.shape_cast %parallel_loop3A_572 : vector<1x16xf32> to vector<16xf32>
        %parallel_loop3A_574 = arith.constant 64 : i32
        %parallel_loop3A_575 = arith.addi %parallel_loop3A_574, %parallel_loop3A_207 : i32
        %parallel_loop3A_576 = arith.constant 1 : i32
        %parallel_loop3A_577 = arith.addi %parallel_loop3A_575, %parallel_loop3A_576 : i32
        %parallel_loop3A_578 = arith.index_cast %parallel_loop3A_577 : i32 to index
        %parallel_loop3A_579 = arith.constant 112 : index
        %parallel_loop3A_580 = tpu.vector_load %arg10[%parallel_loop3A_578, %parallel_loop3A_579] {strides = array<i32>} : memref<128x128xf32, #tpu.memory_space<vmem>>, vector<1x16xf32>,
        %parallel_loop3A_581 = vector.shape_cast %parallel_loop3A_580 : vector<1x16xf32> to vector<16xf32>
        %parallel_loop3A_582 = arith.subf %parallel_loop3A_573, %parallel_loop3A_581 : vector<16xf32>
        %parallel_loop3A_583 = arith.constant 64 : i32
        %parallel_loop3A_584 = arith.addi %parallel_loop3A_583, %parallel_loop3A_207 : i32
        %parallel_loop3A_585 = arith.constant 1 : i32
        %parallel_loop3A_586 = arith.addi %parallel_loop3A_584, %parallel_loop3A_585 : i32
        %parallel_loop3A_587 = arith.index_cast %parallel_loop3A_586 : i32 to index
        %parallel_loop3A_588 = arith.constant 112 : index
        %parallel_loop3A_589 = tpu.vector_load %arg10[%parallel_loop3A_587, %parallel_loop3A_588] {strides = array<i32>} : memref<128x128xf32, #tpu.memory_space<vmem>>, vector<1x16xf32>,
        %parallel_loop3A_590 = vector.shape_cast %parallel_loop3A_589 : vector<1x16xf32> to vector<16xf32>
        %parallel_loop3A_591 = vector.shape_cast %parallel_loop3A_582 : vector<16xf32> to vector<1x16xf32>
        tpu.vector_store %arg10[%parallel_loop3A_587, %parallel_loop3A_588], %parallel_loop3A_591 {strides = array<i32>} : memref<128x128xf32, #tpu.memory_space<vmem>>, vector<1x16xf32>,
        %parallel_loop3A_592 = arith.constant 2 : i32
        %parallel_loop3A_593 = arith.addi %parallel_loop3A_207, %parallel_loop3A_592 : i32
        %parallel_loop3A_594 = arith.index_cast %parallel_loop3A_593 : i32 to index
        %parallel_loop3A_595 = arith.constant 0 : index
        %parallel_loop3A_596 = tpu.vector_load %arg10[%parallel_loop3A_594, %parallel_loop3A_595] {strides = array<i32>} : memref<128x128xf32, #tpu.memory_space<vmem>>, vector<1x16xf32>,
        %parallel_loop3A_597 = vector.shape_cast %parallel_loop3A_596 : vector<1x16xf32> to vector<16xf32>
        %parallel_loop3A_598 = arith.constant 64 : i32
        %parallel_loop3A_599 = arith.addi %parallel_loop3A_598, %parallel_loop3A_207 : i32
        %parallel_loop3A_600 = arith.constant 2 : i32
        %parallel_loop3A_601 = arith.addi %parallel_loop3A_599, %parallel_loop3A_600 : i32
        %parallel_loop3A_602 = arith.index_cast %parallel_loop3A_601 : i32 to index
        %parallel_loop3A_603 = arith.constant 0 : index
        %parallel_loop3A_604 = tpu.vector_load %arg10[%parallel_loop3A_602, %parallel_loop3A_603] {strides = array<i32>} : memref<128x128xf32, #tpu.memory_space<vmem>>, vector<1x16xf32>,
        %parallel_loop3A_605 = vector.shape_cast %parallel_loop3A_604 : vector<1x16xf32> to vector<16xf32>
        %parallel_loop3A_606 = arith.subf %parallel_loop3A_597, %parallel_loop3A_605 : vector<16xf32>
        %parallel_loop3A_607 = arith.constant 64 : i32
        %parallel_loop3A_608 = arith.addi %parallel_loop3A_607, %parallel_loop3A_207 : i32
        %parallel_loop3A_609 = arith.constant 2 : i32
        %parallel_loop3A_610 = arith.addi %parallel_loop3A_608, %parallel_loop3A_609 : i32
        %parallel_loop3A_611 = arith.index_cast %parallel_loop3A_610 : i32 to index
        %parallel_loop3A_612 = arith.constant 0 : index
        %parallel_loop3A_613 = tpu.vector_load %arg10[%parallel_loop3A_611, %parallel_loop3A_612] {strides = array<i32>} : memref<128x128xf32, #tpu.memory_space<vmem>>, vector<1x16xf32>,
        %parallel_loop3A_614 = vector.shape_cast %parallel_loop3A_613 : vector<1x16xf32> to vector<16xf32>
        %parallel_loop3A_615 = vector.shape_cast %parallel_loop3A_606 : vector<16xf32> to vector<1x16xf32>
        tpu.vector_store %arg10[%parallel_loop3A_611, %parallel_loop3A_612], %parallel_loop3A_615 {strides = array<i32>} : memref<128x128xf32, #tpu.memory_space<vmem>>, vector<1x16xf32>,
        %parallel_loop3A_616 = arith.constant 2 : i32
        %parallel_loop3A_617 = arith.addi %parallel_loop3A_207, %parallel_loop3A_616 : i32
        %parallel_loop3A_618 = arith.index_cast %parallel_loop3A_617 : i32 to index
        %parallel_loop3A_619 = arith.constant 16 : index
        %parallel_loop3A_620 = tpu.vector_load %arg10[%parallel_loop3A_618, %parallel_loop3A_619] {strides = array<i32>} : memref<128x128xf32, #tpu.memory_space<vmem>>, vector<1x16xf32>,
        %parallel_loop3A_621 = vector.shape_cast %parallel_loop3A_620 : vector<1x16xf32> to vector<16xf32>
        %parallel_loop3A_622 = arith.constant 64 : i32
        %parallel_loop3A_623 = arith.addi %parallel_loop3A_622, %parallel_loop3A_207 : i32
        %parallel_loop3A_624 = arith.constant 2 : i32
        %parallel_loop3A_625 = arith.addi %parallel_loop3A_623, %parallel_loop3A_624 : i32
        %parallel_loop3A_626 = arith.index_cast %parallel_loop3A_625 : i32 to index
        %parallel_loop3A_627 = arith.constant 16 : index
        %parallel_loop3A_628 = tpu.vector_load %arg10[%parallel_loop3A_626, %parallel_loop3A_627] {strides = array<i32>} : memref<128x128xf32, #tpu.memory_space<vmem>>, vector<1x16xf32>,
        %parallel_loop3A_629 = vector.shape_cast %parallel_loop3A_628 : vector<1x16xf32> to vector<16xf32>
        %parallel_loop3A_630 = arith.subf %parallel_loop3A_621, %parallel_loop3A_629 : vector<16xf32>
        %parallel_loop3A_631 = arith.constant 64 : i32
        %parallel_loop3A_632 = arith.addi %parallel_loop3A_631, %parallel_loop3A_207 : i32
        %parallel_loop3A_633 = arith.constant 2 : i32
        %parallel_loop3A_634 = arith.addi %parallel_loop3A_632, %parallel_loop3A_633 : i32
        %parallel_loop3A_635 = arith.index_cast %parallel_loop3A_634 : i32 to index
        %parallel_loop3A_636 = arith.constant 16 : index
        %parallel_loop3A_637 = tpu.vector_load %arg10[%parallel_loop3A_635, %parallel_loop3A_636] {strides = array<i32>} : memref<128x128xf32, #tpu.memory_space<vmem>>, vector<1x16xf32>,
        %parallel_loop3A_638 = vector.shape_cast %parallel_loop3A_637 : vector<1x16xf32> to vector<16xf32>
        %parallel_loop3A_639 = vector.shape_cast %parallel_loop3A_630 : vector<16xf32> to vector<1x16xf32>
        tpu.vector_store %arg10[%parallel_loop3A_635, %parallel_loop3A_636], %parallel_loop3A_639 {strides = array<i32>} : memref<128x128xf32, #tpu.memory_space<vmem>>, vector<1x16xf32>,
        %parallel_loop3A_640 = arith.constant 2 : i32
        %parallel_loop3A_641 = arith.addi %parallel_loop3A_207, %parallel_loop3A_640 : i32
        %parallel_loop3A_642 = arith.index_cast %parallel_loop3A_641 : i32 to index
        %parallel_loop3A_643 = arith.constant 32 : index
        %parallel_loop3A_644 = tpu.vector_load %arg10[%parallel_loop3A_642, %parallel_loop3A_643] {strides = array<i32>} : memref<128x128xf32, #tpu.memory_space<vmem>>, vector<1x16xf32>,
        %parallel_loop3A_645 = vector.shape_cast %parallel_loop3A_644 : vector<1x16xf32> to vector<16xf32>
        %parallel_loop3A_646 = arith.constant 64 : i32
        %parallel_loop3A_647 = arith.addi %parallel_loop3A_646, %parallel_loop3A_207 : i32
        %parallel_loop3A_648 = arith.constant 2 : i32
        %parallel_loop3A_649 = arith.addi %parallel_loop3A_647, %parallel_loop3A_648 : i32
        %parallel_loop3A_650 = arith.index_cast %parallel_loop3A_649 : i32 to index
        %parallel_loop3A_651 = arith.constant 32 : index
        %parallel_loop3A_652 = tpu.vector_load %arg10[%parallel_loop3A_650, %parallel_loop3A_651] {strides = array<i32>} : memref<128x128xf32, #tpu.memory_space<vmem>>, vector<1x16xf32>,
        %parallel_loop3A_653 = vector.shape_cast %parallel_loop3A_652 : vector<1x16xf32> to vector<16xf32>
        %parallel_loop3A_654 = arith.subf %parallel_loop3A_645, %parallel_loop3A_653 : vector<16xf32>
        %parallel_loop3A_655 = arith.constant 64 : i32
        %parallel_loop3A_656 = arith.addi %parallel_loop3A_655, %parallel_loop3A_207 : i32
        %parallel_loop3A_657 = arith.constant 2 : i32
        %parallel_loop3A_658 = arith.addi %parallel_loop3A_656, %parallel_loop3A_657 : i32
        %parallel_loop3A_659 = arith.index_cast %parallel_loop3A_658 : i32 to index
        %parallel_loop3A_660 = arith.constant 32 : index
        %parallel_loop3A_661 = tpu.vector_load %arg10[%parallel_loop3A_659, %parallel_loop3A_660] {strides = array<i32>} : memref<128x128xf32, #tpu.memory_space<vmem>>, vector<1x16xf32>,
        %parallel_loop3A_662 = vector.shape_cast %parallel_loop3A_661 : vector<1x16xf32> to vector<16xf32>
        %parallel_loop3A_663 = vector.shape_cast %parallel_loop3A_654 : vector<16xf32> to vector<1x16xf32>
        tpu.vector_store %arg10[%parallel_loop3A_659, %parallel_loop3A_660], %parallel_loop3A_663 {strides = array<i32>} : memref<128x128xf32, #tpu.memory_space<vmem>>, vector<1x16xf32>,
        %parallel_loop3A_664 = arith.constant 2 : i32
        %parallel_loop3A_665 = arith.addi %parallel_loop3A_207, %parallel_loop3A_664 : i32
        %parallel_loop3A_666 = arith.index_cast %parallel_loop3A_665 : i32 to index
        %parallel_loop3A_667 = arith.constant 48 : index
        %parallel_loop3A_668 = tpu.vector_load %arg10[%parallel_loop3A_666, %parallel_loop3A_667] {strides = array<i32>} : memref<128x128xf32, #tpu.memory_space<vmem>>, vector<1x16xf32>,
        %parallel_loop3A_669 = vector.shape_cast %parallel_loop3A_668 : vector<1x16xf32> to vector<16xf32>
        %parallel_loop3A_670 = arith.constant 64 : i32
        %parallel_loop3A_671 = arith.addi %parallel_loop3A_670, %parallel_loop3A_207 : i32
        %parallel_loop3A_672 = arith.constant 2 : i32
        %parallel_loop3A_673 = arith.addi %parallel_loop3A_671, %parallel_loop3A_672 : i32
        %parallel_loop3A_674 = arith.index_cast %parallel_loop3A_673 : i32 to index
        %parallel_loop3A_675 = arith.constant 48 : index
        %parallel_loop3A_676 = tpu.vector_load %arg10[%parallel_loop3A_674, %parallel_loop3A_675] {strides = array<i32>} : memref<128x128xf32, #tpu.memory_space<vmem>>, vector<1x16xf32>,
        %parallel_loop3A_677 = vector.shape_cast %parallel_loop3A_676 : vector<1x16xf32> to vector<16xf32>
        %parallel_loop3A_678 = arith.subf %parallel_loop3A_669, %parallel_loop3A_677 : vector<16xf32>
        %parallel_loop3A_679 = arith.constant 64 : i32
        %parallel_loop3A_680 = arith.addi %parallel_loop3A_679, %parallel_loop3A_207 : i32
        %parallel_loop3A_681 = arith.constant 2 : i32
        %parallel_loop3A_682 = arith.addi %parallel_loop3A_680, %parallel_loop3A_681 : i32
        %parallel_loop3A_683 = arith.index_cast %parallel_loop3A_682 : i32 to index
        %parallel_loop3A_684 = arith.constant 48 : index
        %parallel_loop3A_685 = tpu.vector_load %arg10[%parallel_loop3A_683, %parallel_loop3A_684] {strides = array<i32>} : memref<128x128xf32, #tpu.memory_space<vmem>>, vector<1x16xf32>,
        %parallel_loop3A_686 = vector.shape_cast %parallel_loop3A_685 : vector<1x16xf32> to vector<16xf32>
        %parallel_loop3A_687 = vector.shape_cast %parallel_loop3A_678 : vector<16xf32> to vector<1x16xf32>
        tpu.vector_store %arg10[%parallel_loop3A_683, %parallel_loop3A_684], %parallel_loop3A_687 {strides = array<i32>} : memref<128x128xf32, #tpu.memory_space<vmem>>, vector<1x16xf32>,
        %parallel_loop3A_688 = arith.constant 2 : i32
        %parallel_loop3A_689 = arith.addi %parallel_loop3A_207, %parallel_loop3A_688 : i32
        %parallel_loop3A_690 = arith.index_cast %parallel_loop3A_689 : i32 to index
        %parallel_loop3A_691 = arith.constant 64 : index
        %parallel_loop3A_692 = tpu.vector_load %arg10[%parallel_loop3A_690, %parallel_loop3A_691] {strides = array<i32>} : memref<128x128xf32, #tpu.memory_space<vmem>>, vector<1x16xf32>,
        %parallel_loop3A_693 = vector.shape_cast %parallel_loop3A_692 : vector<1x16xf32> to vector<16xf32>
        %parallel_loop3A_694 = arith.constant 64 : i32
        %parallel_loop3A_695 = arith.addi %parallel_loop3A_694, %parallel_loop3A_207 : i32
        %parallel_loop3A_696 = arith.constant 2 : i32
        %parallel_loop3A_697 = arith.addi %parallel_loop3A_695, %parallel_loop3A_696 : i32
        %parallel_loop3A_698 = arith.index_cast %parallel_loop3A_697 : i32 to index
        %parallel_loop3A_699 = arith.constant 64 : index
        %parallel_loop3A_700 = tpu.vector_load %arg10[%parallel_loop3A_698, %parallel_loop3A_699] {strides = array<i32>} : memref<128x128xf32, #tpu.memory_space<vmem>>, vector<1x16xf32>,
        %parallel_loop3A_701 = vector.shape_cast %parallel_loop3A_700 : vector<1x16xf32> to vector<16xf32>
        %parallel_loop3A_702 = arith.subf %parallel_loop3A_693, %parallel_loop3A_701 : vector<16xf32>
        %parallel_loop3A_703 = arith.constant 64 : i32
        %parallel_loop3A_704 = arith.addi %parallel_loop3A_703, %parallel_loop3A_207 : i32
        %parallel_loop3A_705 = arith.constant 2 : i32
        %parallel_loop3A_706 = arith.addi %parallel_loop3A_704, %parallel_loop3A_705 : i32
        %parallel_loop3A_707 = arith.index_cast %parallel_loop3A_706 : i32 to index
        %parallel_loop3A_708 = arith.constant 64 : index
        %parallel_loop3A_709 = tpu.vector_load %arg10[%parallel_loop3A_707, %parallel_loop3A_708] {strides = array<i32>} : memref<128x128xf32, #tpu.memory_space<vmem>>, vector<1x16xf32>,
        %parallel_loop3A_710 = vector.shape_cast %parallel_loop3A_709 : vector<1x16xf32> to vector<16xf32>
        %parallel_loop3A_711 = vector.shape_cast %parallel_loop3A_702 : vector<16xf32> to vector<1x16xf32>
        tpu.vector_store %arg10[%parallel_loop3A_707, %parallel_loop3A_708], %parallel_loop3A_711 {strides = array<i32>} : memref<128x128xf32, #tpu.memory_space<vmem>>, vector<1x16xf32>,
        %parallel_loop3A_712 = arith.constant 2 : i32
        %parallel_loop3A_713 = arith.addi %parallel_loop3A_207, %parallel_loop3A_712 : i32
        %parallel_loop3A_714 = arith.index_cast %parallel_loop3A_713 : i32 to index
        %parallel_loop3A_715 = arith.constant 80 : index
        %parallel_loop3A_716 = tpu.vector_load %arg10[%parallel_loop3A_714, %parallel_loop3A_715] {strides = array<i32>} : memref<128x128xf32, #tpu.memory_space<vmem>>, vector<1x16xf32>,
        %parallel_loop3A_717 = vector.shape_cast %parallel_loop3A_716 : vector<1x16xf32> to vector<16xf32>
        %parallel_loop3A_718 = arith.constant 64 : i32
        %parallel_loop3A_719 = arith.addi %parallel_loop3A_718, %parallel_loop3A_207 : i32
        %parallel_loop3A_720 = arith.constant 2 : i32
        %parallel_loop3A_721 = arith.addi %parallel_loop3A_719, %parallel_loop3A_720 : i32
        %parallel_loop3A_722 = arith.index_cast %parallel_loop3A_721 : i32 to index
        %parallel_loop3A_723 = arith.constant 80 : index
        %parallel_loop3A_724 = tpu.vector_load %arg10[%parallel_loop3A_722, %parallel_loop3A_723] {strides = array<i32>} : memref<128x128xf32, #tpu.memory_space<vmem>>, vector<1x16xf32>,
        %parallel_loop3A_725 = vector.shape_cast %parallel_loop3A_724 : vector<1x16xf32> to vector<16xf32>
        %parallel_loop3A_726 = arith.subf %parallel_loop3A_717, %parallel_loop3A_725 : vector<16xf32>
        %parallel_loop3A_727 = arith.constant 64 : i32
        %parallel_loop3A_728 = arith.addi %parallel_loop3A_727, %parallel_loop3A_207 : i32
        %parallel_loop3A_729 = arith.constant 2 : i32
        %parallel_loop3A_730 = arith.addi %parallel_loop3A_728, %parallel_loop3A_729 : i32
        %parallel_loop3A_731 = arith.index_cast %parallel_loop3A_730 : i32 to index
        %parallel_loop3A_732 = arith.constant 80 : index
        %parallel_loop3A_733 = tpu.vector_load %arg10[%parallel_loop3A_731, %parallel_loop3A_732] {strides = array<i32>} : memref<128x128xf32, #tpu.memory_space<vmem>>, vector<1x16xf32>,
        %parallel_loop3A_734 = vector.shape_cast %parallel_loop3A_733 : vector<1x16xf32> to vector<16xf32>
        %parallel_loop3A_735 = vector.shape_cast %parallel_loop3A_726 : vector<16xf32> to vector<1x16xf32>
        tpu.vector_store %arg10[%parallel_loop3A_731, %parallel_loop3A_732], %parallel_loop3A_735 {strides = array<i32>} : memref<128x128xf32, #tpu.memory_space<vmem>>, vector<1x16xf32>,
        %parallel_loop3A_736 = arith.constant 2 : i32
        %parallel_loop3A_737 = arith.addi %parallel_loop3A_207, %parallel_loop3A_736 : i32
        %parallel_loop3A_738 = arith.index_cast %parallel_loop3A_737 : i32 to index
        %parallel_loop3A_739 = arith.constant 96 : index
        %parallel_loop3A_740 = tpu.vector_load %arg10[%parallel_loop3A_738, %parallel_loop3A_739] {strides = array<i32>} : memref<128x128xf32, #tpu.memory_space<vmem>>, vector<1x16xf32>,
        %parallel_loop3A_741 = vector.shape_cast %parallel_loop3A_740 : vector<1x16xf32> to vector<16xf32>
        %parallel_loop3A_742 = arith.constant 64 : i32
        %parallel_loop3A_743 = arith.addi %parallel_loop3A_742, %parallel_loop3A_207 : i32
        %parallel_loop3A_744 = arith.constant 2 : i32
        %parallel_loop3A_745 = arith.addi %parallel_loop3A_743, %parallel_loop3A_744 : i32
        %parallel_loop3A_746 = arith.index_cast %parallel_loop3A_745 : i32 to index
        %parallel_loop3A_747 = arith.constant 96 : index
        %parallel_loop3A_748 = tpu.vector_load %arg10[%parallel_loop3A_746, %parallel_loop3A_747] {strides = array<i32>} : memref<128x128xf32, #tpu.memory_space<vmem>>, vector<1x16xf32>,
        %parallel_loop3A_749 = vector.shape_cast %parallel_loop3A_748 : vector<1x16xf32> to vector<16xf32>
        %parallel_loop3A_750 = arith.subf %parallel_loop3A_741, %parallel_loop3A_749 : vector<16xf32>
        %parallel_loop3A_751 = arith.constant 64 : i32
        %parallel_loop3A_752 = arith.addi %parallel_loop3A_751, %parallel_loop3A_207 : i32
        %parallel_loop3A_753 = arith.constant 2 : i32
        %parallel_loop3A_754 = arith.addi %parallel_loop3A_752, %parallel_loop3A_753 : i32
        %parallel_loop3A_755 = arith.index_cast %parallel_loop3A_754 : i32 to index
        %parallel_loop3A_756 = arith.constant 96 : index
        %parallel_loop3A_757 = tpu.vector_load %arg10[%parallel_loop3A_755, %parallel_loop3A_756] {strides = array<i32>} : memref<128x128xf32, #tpu.memory_space<vmem>>, vector<1x16xf32>,
        %parallel_loop3A_758 = vector.shape_cast %parallel_loop3A_757 : vector<1x16xf32> to vector<16xf32>
        %parallel_loop3A_759 = vector.shape_cast %parallel_loop3A_750 : vector<16xf32> to vector<1x16xf32>
        tpu.vector_store %arg10[%parallel_loop3A_755, %parallel_loop3A_756], %parallel_loop3A_759 {strides = array<i32>} : memref<128x128xf32, #tpu.memory_space<vmem>>, vector<1x16xf32>,
        %parallel_loop3A_760 = arith.constant 2 : i32
        %parallel_loop3A_761 = arith.addi %parallel_loop3A_207, %parallel_loop3A_760 : i32
        %parallel_loop3A_762 = arith.index_cast %parallel_loop3A_761 : i32 to index
        %parallel_loop3A_763 = arith.constant 112 : index
        %parallel_loop3A_764 = tpu.vector_load %arg10[%parallel_loop3A_762, %parallel_loop3A_763] {strides = array<i32>} : memref<128x128xf32, #tpu.memory_space<vmem>>, vector<1x16xf32>,
        %parallel_loop3A_765 = vector.shape_cast %parallel_loop3A_764 : vector<1x16xf32> to vector<16xf32>
        %parallel_loop3A_766 = arith.constant 64 : i32
        %parallel_loop3A_767 = arith.addi %parallel_loop3A_766, %parallel_loop3A_207 : i32
        %parallel_loop3A_768 = arith.constant 2 : i32
        %parallel_loop3A_769 = arith.addi %parallel_loop3A_767, %parallel_loop3A_768 : i32
        %parallel_loop3A_770 = arith.index_cast %parallel_loop3A_769 : i32 to index
        %parallel_loop3A_771 = arith.constant 112 : index
        %parallel_loop3A_772 = tpu.vector_load %arg10[%parallel_loop3A_770, %parallel_loop3A_771] {strides = array<i32>} : memref<128x128xf32, #tpu.memory_space<vmem>>, vector<1x16xf32>,
        %parallel_loop3A_773 = vector.shape_cast %parallel_loop3A_772 : vector<1x16xf32> to vector<16xf32>
        %parallel_loop3A_774 = arith.subf %parallel_loop3A_765, %parallel_loop3A_773 : vector<16xf32>
        %parallel_loop3A_775 = arith.constant 64 : i32
        %parallel_loop3A_776 = arith.addi %parallel_loop3A_775, %parallel_loop3A_207 : i32
        %parallel_loop3A_777 = arith.constant 2 : i32
        %parallel_loop3A_778 = arith.addi %parallel_loop3A_776, %parallel_loop3A_777 : i32
        %parallel_loop3A_779 = arith.index_cast %parallel_loop3A_778 : i32 to index
        %parallel_loop3A_780 = arith.constant 112 : index
        %parallel_loop3A_781 = tpu.vector_load %arg10[%parallel_loop3A_779, %parallel_loop3A_780] {strides = array<i32>} : memref<128x128xf32, #tpu.memory_space<vmem>>, vector<1x16xf32>,
        %parallel_loop3A_782 = vector.shape_cast %parallel_loop3A_781 : vector<1x16xf32> to vector<16xf32>
        %parallel_loop3A_783 = vector.shape_cast %parallel_loop3A_774 : vector<16xf32> to vector<1x16xf32>
        tpu.vector_store %arg10[%parallel_loop3A_779, %parallel_loop3A_780], %parallel_loop3A_783 {strides = array<i32>} : memref<128x128xf32, #tpu.memory_space<vmem>>, vector<1x16xf32>,
        %parallel_loop3A_784 = arith.constant 3 : i32
        %parallel_loop3A_785 = arith.addi %parallel_loop3A_207, %parallel_loop3A_784 : i32
        %parallel_loop3A_786 = arith.index_cast %parallel_loop3A_785 : i32 to index
        %parallel_loop3A_787 = arith.constant 0 : index
        %parallel_loop3A_788 = tpu.vector_load %arg10[%parallel_loop3A_786, %parallel_loop3A_787] {strides = array<i32>} : memref<128x128xf32, #tpu.memory_space<vmem>>, vector<1x16xf32>,
        %parallel_loop3A_789 = vector.shape_cast %parallel_loop3A_788 : vector<1x16xf32> to vector<16xf32>
        %parallel_loop3A_790 = arith.constant 64 : i32
        %parallel_loop3A_791 = arith.addi %parallel_loop3A_790, %parallel_loop3A_207 : i32
        %parallel_loop3A_792 = arith.constant 3 : i32
        %parallel_loop3A_793 = arith.addi %parallel_loop3A_791, %parallel_loop3A_792 : i32
        %parallel_loop3A_794 = arith.index_cast %parallel_loop3A_793 : i32 to index
        %parallel_loop3A_795 = arith.constant 0 : index
        %parallel_loop3A_796 = tpu.vector_load %arg10[%parallel_loop3A_794, %parallel_loop3A_795] {strides = array<i32>} : memref<128x128xf32, #tpu.memory_space<vmem>>, vector<1x16xf32>,
        %parallel_loop3A_797 = vector.shape_cast %parallel_loop3A_796 : vector<1x16xf32> to vector<16xf32>
        %parallel_loop3A_798 = arith.subf %parallel_loop3A_789, %parallel_loop3A_797 : vector<16xf32>
        %parallel_loop3A_799 = arith.constant 64 : i32
        %parallel_loop3A_800 = arith.addi %parallel_loop3A_799, %parallel_loop3A_207 : i32
        %parallel_loop3A_801 = arith.constant 3 : i32
        %parallel_loop3A_802 = arith.addi %parallel_loop3A_800, %parallel_loop3A_801 : i32
        %parallel_loop3A_803 = arith.index_cast %parallel_loop3A_802 : i32 to index
        %parallel_loop3A_804 = arith.constant 0 : index
        %parallel_loop3A_805 = tpu.vector_load %arg10[%parallel_loop3A_803, %parallel_loop3A_804] {strides = array<i32>} : memref<128x128xf32, #tpu.memory_space<vmem>>, vector<1x16xf32>,
        %parallel_loop3A_806 = vector.shape_cast %parallel_loop3A_805 : vector<1x16xf32> to vector<16xf32>
        %parallel_loop3A_807 = vector.shape_cast %parallel_loop3A_798 : vector<16xf32> to vector<1x16xf32>
        tpu.vector_store %arg10[%parallel_loop3A_803, %parallel_loop3A_804], %parallel_loop3A_807 {strides = array<i32>} : memref<128x128xf32, #tpu.memory_space<vmem>>, vector<1x16xf32>,
        %parallel_loop3A_808 = arith.constant 3 : i32
        %parallel_loop3A_809 = arith.addi %parallel_loop3A_207, %parallel_loop3A_808 : i32
        %parallel_loop3A_810 = arith.index_cast %parallel_loop3A_809 : i32 to index
        %parallel_loop3A_811 = arith.constant 16 : index
        %parallel_loop3A_812 = tpu.vector_load %arg10[%parallel_loop3A_810, %parallel_loop3A_811] {strides = array<i32>} : memref<128x128xf32, #tpu.memory_space<vmem>>, vector<1x16xf32>,
        %parallel_loop3A_813 = vector.shape_cast %parallel_loop3A_812 : vector<1x16xf32> to vector<16xf32>
        %parallel_loop3A_814 = arith.constant 64 : i32
        %parallel_loop3A_815 = arith.addi %parallel_loop3A_814, %parallel_loop3A_207 : i32
        %parallel_loop3A_816 = arith.constant 3 : i32
        %parallel_loop3A_817 = arith.addi %parallel_loop3A_815, %parallel_loop3A_816 : i32
        %parallel_loop3A_818 = arith.index_cast %parallel_loop3A_817 : i32 to index
        %parallel_loop3A_819 = arith.constant 16 : index
        %parallel_loop3A_820 = tpu.vector_load %arg10[%parallel_loop3A_818, %parallel_loop3A_819] {strides = array<i32>} : memref<128x128xf32, #tpu.memory_space<vmem>>, vector<1x16xf32>,
        %parallel_loop3A_821 = vector.shape_cast %parallel_loop3A_820 : vector<1x16xf32> to vector<16xf32>
        %parallel_loop3A_822 = arith.subf %parallel_loop3A_813, %parallel_loop3A_821 : vector<16xf32>
        %parallel_loop3A_823 = arith.constant 64 : i32
        %parallel_loop3A_824 = arith.addi %parallel_loop3A_823, %parallel_loop3A_207 : i32
        %parallel_loop3A_825 = arith.constant 3 : i32
        %parallel_loop3A_826 = arith.addi %parallel_loop3A_824, %parallel_loop3A_825 : i32
        %parallel_loop3A_827 = arith.index_cast %parallel_loop3A_826 : i32 to index
        %parallel_loop3A_828 = arith.constant 16 : index
        %parallel_loop3A_829 = tpu.vector_load %arg10[%parallel_loop3A_827, %parallel_loop3A_828] {strides = array<i32>} : memref<128x128xf32, #tpu.memory_space<vmem>>, vector<1x16xf32>,
        %parallel_loop3A_830 = vector.shape_cast %parallel_loop3A_829 : vector<1x16xf32> to vector<16xf32>
        %parallel_loop3A_831 = vector.shape_cast %parallel_loop3A_822 : vector<16xf32> to vector<1x16xf32>
        tpu.vector_store %arg10[%parallel_loop3A_827, %parallel_loop3A_828], %parallel_loop3A_831 {strides = array<i32>} : memref<128x128xf32, #tpu.memory_space<vmem>>, vector<1x16xf32>,
        %parallel_loop3A_832 = arith.constant 3 : i32
        %parallel_loop3A_833 = arith.addi %parallel_loop3A_207, %parallel_loop3A_832 : i32
        %parallel_loop3A_834 = arith.index_cast %parallel_loop3A_833 : i32 to index
        %parallel_loop3A_835 = arith.constant 32 : index
        %parallel_loop3A_836 = tpu.vector_load %arg10[%parallel_loop3A_834, %parallel_loop3A_835] {strides = array<i32>} : memref<128x128xf32, #tpu.memory_space<vmem>>, vector<1x16xf32>,
        %parallel_loop3A_837 = vector.shape_cast %parallel_loop3A_836 : vector<1x16xf32> to vector<16xf32>
        %parallel_loop3A_838 = arith.constant 64 : i32
        %parallel_loop3A_839 = arith.addi %parallel_loop3A_838, %parallel_loop3A_207 : i32
        %parallel_loop3A_840 = arith.constant 3 : i32
        %parallel_loop3A_841 = arith.addi %parallel_loop3A_839, %parallel_loop3A_840 : i32
        %parallel_loop3A_842 = arith.index_cast %parallel_loop3A_841 : i32 to index
        %parallel_loop3A_843 = arith.constant 32 : index
        %parallel_loop3A_844 = tpu.vector_load %arg10[%parallel_loop3A_842, %parallel_loop3A_843] {strides = array<i32>} : memref<128x128xf32, #tpu.memory_space<vmem>>, vector<1x16xf32>,
        %parallel_loop3A_845 = vector.shape_cast %parallel_loop3A_844 : vector<1x16xf32> to vector<16xf32>
        %parallel_loop3A_846 = arith.subf %parallel_loop3A_837, %parallel_loop3A_845 : vector<16xf32>
        %parallel_loop3A_847 = arith.constant 64 : i32
        %parallel_loop3A_848 = arith.addi %parallel_loop3A_847, %parallel_loop3A_207 : i32
        %parallel_loop3A_849 = arith.constant 3 : i32
        %parallel_loop3A_850 = arith.addi %parallel_loop3A_848, %parallel_loop3A_849 : i32
        %parallel_loop3A_851 = arith.index_cast %parallel_loop3A_850 : i32 to index
        %parallel_loop3A_852 = arith.constant 32 : index
        %parallel_loop3A_853 = tpu.vector_load %arg10[%parallel_loop3A_851, %parallel_loop3A_852] {strides = array<i32>} : memref<128x128xf32, #tpu.memory_space<vmem>>, vector<1x16xf32>,
        %parallel_loop3A_854 = vector.shape_cast %parallel_loop3A_853 : vector<1x16xf32> to vector<16xf32>
        %parallel_loop3A_855 = vector.shape_cast %parallel_loop3A_846 : vector<16xf32> to vector<1x16xf32>
        tpu.vector_store %arg10[%parallel_loop3A_851, %parallel_loop3A_852], %parallel_loop3A_855 {strides = array<i32>} : memref<128x128xf32, #tpu.memory_space<vmem>>, vector<1x16xf32>,
        %parallel_loop3A_856 = arith.constant 3 : i32
        %parallel_loop3A_857 = arith.addi %parallel_loop3A_207, %parallel_loop3A_856 : i32
        %parallel_loop3A_858 = arith.index_cast %parallel_loop3A_857 : i32 to index
        %parallel_loop3A_859 = arith.constant 48 : index
        %parallel_loop3A_860 = tpu.vector_load %arg10[%parallel_loop3A_858, %parallel_loop3A_859] {strides = array<i32>} : memref<128x128xf32, #tpu.memory_space<vmem>>, vector<1x16xf32>,
        %parallel_loop3A_861 = vector.shape_cast %parallel_loop3A_860 : vector<1x16xf32> to vector<16xf32>
        %parallel_loop3A_862 = arith.constant 64 : i32
        %parallel_loop3A_863 = arith.addi %parallel_loop3A_862, %parallel_loop3A_207 : i32
        %parallel_loop3A_864 = arith.constant 3 : i32
        %parallel_loop3A_865 = arith.addi %parallel_loop3A_863, %parallel_loop3A_864 : i32
        %parallel_loop3A_866 = arith.index_cast %parallel_loop3A_865 : i32 to index
        %parallel_loop3A_867 = arith.constant 48 : index
        %parallel_loop3A_868 = tpu.vector_load %arg10[%parallel_loop3A_866, %parallel_loop3A_867] {strides = array<i32>} : memref<128x128xf32, #tpu.memory_space<vmem>>, vector<1x16xf32>,
        %parallel_loop3A_869 = vector.shape_cast %parallel_loop3A_868 : vector<1x16xf32> to vector<16xf32>
        %parallel_loop3A_870 = arith.subf %parallel_loop3A_861, %parallel_loop3A_869 : vector<16xf32>
        %parallel_loop3A_871 = arith.constant 64 : i32
        %parallel_loop3A_872 = arith.addi %parallel_loop3A_871, %parallel_loop3A_207 : i32
        %parallel_loop3A_873 = arith.constant 3 : i32
        %parallel_loop3A_874 = arith.addi %parallel_loop3A_872, %parallel_loop3A_873 : i32
        %parallel_loop3A_875 = arith.index_cast %parallel_loop3A_874 : i32 to index
        %parallel_loop3A_876 = arith.constant 48 : index
        %parallel_loop3A_877 = tpu.vector_load %arg10[%parallel_loop3A_875, %parallel_loop3A_876] {strides = array<i32>} : memref<128x128xf32, #tpu.memory_space<vmem>>, vector<1x16xf32>,
        %parallel_loop3A_878 = vector.shape_cast %parallel_loop3A_877 : vector<1x16xf32> to vector<16xf32>
        %parallel_loop3A_879 = vector.shape_cast %parallel_loop3A_870 : vector<16xf32> to vector<1x16xf32>
        tpu.vector_store %arg10[%parallel_loop3A_875, %parallel_loop3A_876], %parallel_loop3A_879 {strides = array<i32>} : memref<128x128xf32, #tpu.memory_space<vmem>>, vector<1x16xf32>,
        %parallel_loop3A_880 = arith.constant 3 : i32
        %parallel_loop3A_881 = arith.addi %parallel_loop3A_207, %parallel_loop3A_880 : i32
        %parallel_loop3A_882 = arith.index_cast %parallel_loop3A_881 : i32 to index
        %parallel_loop3A_883 = arith.constant 64 : index
        %parallel_loop3A_884 = tpu.vector_load %arg10[%parallel_loop3A_882, %parallel_loop3A_883] {strides = array<i32>} : memref<128x128xf32, #tpu.memory_space<vmem>>, vector<1x16xf32>,
        %parallel_loop3A_885 = vector.shape_cast %parallel_loop3A_884 : vector<1x16xf32> to vector<16xf32>
        %parallel_loop3A_886 = arith.constant 64 : i32
        %parallel_loop3A_887 = arith.addi %parallel_loop3A_886, %parallel_loop3A_207 : i32
        %parallel_loop3A_888 = arith.constant 3 : i32
        %parallel_loop3A_889 = arith.addi %parallel_loop3A_887, %parallel_loop3A_888 : i32
        %parallel_loop3A_890 = arith.index_cast %parallel_loop3A_889 : i32 to index
        %parallel_loop3A_891 = arith.constant 64 : index
        %parallel_loop3A_892 = tpu.vector_load %arg10[%parallel_loop3A_890, %parallel_loop3A_891] {strides = array<i32>} : memref<128x128xf32, #tpu.memory_space<vmem>>, vector<1x16xf32>,
        %parallel_loop3A_893 = vector.shape_cast %parallel_loop3A_892 : vector<1x16xf32> to vector<16xf32>
        %parallel_loop3A_894 = arith.subf %parallel_loop3A_885, %parallel_loop3A_893 : vector<16xf32>
        %parallel_loop3A_895 = arith.constant 64 : i32
        %parallel_loop3A_896 = arith.addi %parallel_loop3A_895, %parallel_loop3A_207 : i32
        %parallel_loop3A_897 = arith.constant 3 : i32
        %parallel_loop3A_898 = arith.addi %parallel_loop3A_896, %parallel_loop3A_897 : i32
        %parallel_loop3A_899 = arith.index_cast %parallel_loop3A_898 : i32 to index
        %parallel_loop3A_900 = arith.constant 64 : index
        %parallel_loop3A_901 = tpu.vector_load %arg10[%parallel_loop3A_899, %parallel_loop3A_900] {strides = array<i32>} : memref<128x128xf32, #tpu.memory_space<vmem>>, vector<1x16xf32>,
        %parallel_loop3A_902 = vector.shape_cast %parallel_loop3A_901 : vector<1x16xf32> to vector<16xf32>
        %parallel_loop3A_903 = vector.shape_cast %parallel_loop3A_894 : vector<16xf32> to vector<1x16xf32>
        tpu.vector_store %arg10[%parallel_loop3A_899, %parallel_loop3A_900], %parallel_loop3A_903 {strides = array<i32>} : memref<128x128xf32, #tpu.memory_space<vmem>>, vector<1x16xf32>,
        %parallel_loop3A_904 = arith.constant 3 : i32
        %parallel_loop3A_905 = arith.addi %parallel_loop3A_207, %parallel_loop3A_904 : i32
        %parallel_loop3A_906 = arith.index_cast %parallel_loop3A_905 : i32 to index
        %parallel_loop3A_907 = arith.constant 80 : index
        %parallel_loop3A_908 = tpu.vector_load %arg10[%parallel_loop3A_906, %parallel_loop3A_907] {strides = array<i32>} : memref<128x128xf32, #tpu.memory_space<vmem>>, vector<1x16xf32>,
        %parallel_loop3A_909 = vector.shape_cast %parallel_loop3A_908 : vector<1x16xf32> to vector<16xf32>
        %parallel_loop3A_910 = arith.constant 64 : i32
        %parallel_loop3A_911 = arith.addi %parallel_loop3A_910, %parallel_loop3A_207 : i32
        %parallel_loop3A_912 = arith.constant 3 : i32
        %parallel_loop3A_913 = arith.addi %parallel_loop3A_911, %parallel_loop3A_912 : i32
        %parallel_loop3A_914 = arith.index_cast %parallel_loop3A_913 : i32 to index
        %parallel_loop3A_915 = arith.constant 80 : index
        %parallel_loop3A_916 = tpu.vector_load %arg10[%parallel_loop3A_914, %parallel_loop3A_915] {strides = array<i32>} : memref<128x128xf32, #tpu.memory_space<vmem>>, vector<1x16xf32>,
        %parallel_loop3A_917 = vector.shape_cast %parallel_loop3A_916 : vector<1x16xf32> to vector<16xf32>
        %parallel_loop3A_918 = arith.subf %parallel_loop3A_909, %parallel_loop3A_917 : vector<16xf32>
        %parallel_loop3A_919 = arith.constant 64 : i32
        %parallel_loop3A_920 = arith.addi %parallel_loop3A_919, %parallel_loop3A_207 : i32
        %parallel_loop3A_921 = arith.constant 3 : i32
        %parallel_loop3A_922 = arith.addi %parallel_loop3A_920, %parallel_loop3A_921 : i32
        %parallel_loop3A_923 = arith.index_cast %parallel_loop3A_922 : i32 to index
        %parallel_loop3A_924 = arith.constant 80 : index
        %parallel_loop3A_925 = tpu.vector_load %arg10[%parallel_loop3A_923, %parallel_loop3A_924] {strides = array<i32>} : memref<128x128xf32, #tpu.memory_space<vmem>>, vector<1x16xf32>,
        %parallel_loop3A_926 = vector.shape_cast %parallel_loop3A_925 : vector<1x16xf32> to vector<16xf32>
        %parallel_loop3A_927 = vector.shape_cast %parallel_loop3A_918 : vector<16xf32> to vector<1x16xf32>
        tpu.vector_store %arg10[%parallel_loop3A_923, %parallel_loop3A_924], %parallel_loop3A_927 {strides = array<i32>} : memref<128x128xf32, #tpu.memory_space<vmem>>, vector<1x16xf32>,
        %parallel_loop3A_928 = arith.constant 3 : i32
        %parallel_loop3A_929 = arith.addi %parallel_loop3A_207, %parallel_loop3A_928 : i32
        %parallel_loop3A_930 = arith.index_cast %parallel_loop3A_929 : i32 to index
        %parallel_loop3A_931 = arith.constant 96 : index
        %parallel_loop3A_932 = tpu.vector_load %arg10[%parallel_loop3A_930, %parallel_loop3A_931] {strides = array<i32>} : memref<128x128xf32, #tpu.memory_space<vmem>>, vector<1x16xf32>,
        %parallel_loop3A_933 = vector.shape_cast %parallel_loop3A_932 : vector<1x16xf32> to vector<16xf32>
        %parallel_loop3A_934 = arith.constant 64 : i32
        %parallel_loop3A_935 = arith.addi %parallel_loop3A_934, %parallel_loop3A_207 : i32
        %parallel_loop3A_936 = arith.constant 3 : i32
        %parallel_loop3A_937 = arith.addi %parallel_loop3A_935, %parallel_loop3A_936 : i32
        %parallel_loop3A_938 = arith.index_cast %parallel_loop3A_937 : i32 to index
        %parallel_loop3A_939 = arith.constant 96 : index
        %parallel_loop3A_940 = tpu.vector_load %arg10[%parallel_loop3A_938, %parallel_loop3A_939] {strides = array<i32>} : memref<128x128xf32, #tpu.memory_space<vmem>>, vector<1x16xf32>,
        %parallel_loop3A_941 = vector.shape_cast %parallel_loop3A_940 : vector<1x16xf32> to vector<16xf32>
        %parallel_loop3A_942 = arith.subf %parallel_loop3A_933, %parallel_loop3A_941 : vector<16xf32>
        %parallel_loop3A_943 = arith.constant 64 : i32
        %parallel_loop3A_944 = arith.addi %parallel_loop3A_943, %parallel_loop3A_207 : i32
        %parallel_loop3A_945 = arith.constant 3 : i32
        %parallel_loop3A_946 = arith.addi %parallel_loop3A_944, %parallel_loop3A_945 : i32
        %parallel_loop3A_947 = arith.index_cast %parallel_loop3A_946 : i32 to index
        %parallel_loop3A_948 = arith.constant 96 : index
        %parallel_loop3A_949 = tpu.vector_load %arg10[%parallel_loop3A_947, %parallel_loop3A_948] {strides = array<i32>} : memref<128x128xf32, #tpu.memory_space<vmem>>, vector<1x16xf32>,
        %parallel_loop3A_950 = vector.shape_cast %parallel_loop3A_949 : vector<1x16xf32> to vector<16xf32>
        %parallel_loop3A_951 = vector.shape_cast %parallel_loop3A_942 : vector<16xf32> to vector<1x16xf32>
        tpu.vector_store %arg10[%parallel_loop3A_947, %parallel_loop3A_948], %parallel_loop3A_951 {strides = array<i32>} : memref<128x128xf32, #tpu.memory_space<vmem>>, vector<1x16xf32>,
        %parallel_loop3A_952 = arith.constant 3 : i32
        %parallel_loop3A_953 = arith.addi %parallel_loop3A_207, %parallel_loop3A_952 : i32
        %parallel_loop3A_954 = arith.index_cast %parallel_loop3A_953 : i32 to index
        %parallel_loop3A_955 = arith.constant 112 : index
        %parallel_loop3A_956 = tpu.vector_load %arg10[%parallel_loop3A_954, %parallel_loop3A_955] {strides = array<i32>} : memref<128x128xf32, #tpu.memory_space<vmem>>, vector<1x16xf32>,
        %parallel_loop3A_957 = vector.shape_cast %parallel_loop3A_956 : vector<1x16xf32> to vector<16xf32>
        %parallel_loop3A_958 = arith.constant 64 : i32
        %parallel_loop3A_959 = arith.addi %parallel_loop3A_958, %parallel_loop3A_207 : i32
        %parallel_loop3A_960 = arith.constant 3 : i32
        %parallel_loop3A_961 = arith.addi %parallel_loop3A_959, %parallel_loop3A_960 : i32
        %parallel_loop3A_962 = arith.index_cast %parallel_loop3A_961 : i32 to index
        %parallel_loop3A_963 = arith.constant 112 : index
        %parallel_loop3A_964 = tpu.vector_load %arg10[%parallel_loop3A_962, %parallel_loop3A_963] {strides = array<i32>} : memref<128x128xf32, #tpu.memory_space<vmem>>, vector<1x16xf32>,
        %parallel_loop3A_965 = vector.shape_cast %parallel_loop3A_964 : vector<1x16xf32> to vector<16xf32>
        %parallel_loop3A_966 = arith.subf %parallel_loop3A_957, %parallel_loop3A_965 : vector<16xf32>
        %parallel_loop3A_967 = arith.constant 64 : i32
        %parallel_loop3A_968 = arith.addi %parallel_loop3A_967, %parallel_loop3A_207 : i32
        %parallel_loop3A_969 = arith.constant 3 : i32
        %parallel_loop3A_970 = arith.addi %parallel_loop3A_968, %parallel_loop3A_969 : i32
        %parallel_loop3A_971 = arith.index_cast %parallel_loop3A_970 : i32 to index
        %parallel_loop3A_972 = arith.constant 112 : index
        %parallel_loop3A_973 = tpu.vector_load %arg10[%parallel_loop3A_971, %parallel_loop3A_972] {strides = array<i32>} : memref<128x128xf32, #tpu.memory_space<vmem>>, vector<1x16xf32>,
        %parallel_loop3A_974 = vector.shape_cast %parallel_loop3A_973 : vector<1x16xf32> to vector<16xf32>
        %parallel_loop3A_975 = vector.shape_cast %parallel_loop3A_966 : vector<16xf32> to vector<1x16xf32>
        tpu.vector_store %arg10[%parallel_loop3A_971, %parallel_loop3A_972], %parallel_loop3A_975 {strides = array<i32>} : memref<128x128xf32, #tpu.memory_space<vmem>>, vector<1x16xf32>,
      } {sc.loop_unroll_factor = 1 : i64, sc.parallel_access}
      %dma_start3A_201 = arith.constant 64 : i32
      %dma_start3A_202 = arith.constant 0 : i32
      %dma_start3A_203 = tpu.memref_slice %arg10[%dma_start3A_201, %dma_start3A_202] : memref<128x128xf32, #tpu.memory_space<vmem>> -> memref<64x128xf32, #tpu.memory_space<vmem>>
      %dma_start3A_204 = arith.constant 0 : i32
      %dma_start3A_205 = arith.constant 0 : i32
      %dma_start3A_206 = tpu.memref_slice %arg11[%dma_start3A_204, %dma_start3A_205] : memref<10240x128xf32, #tpu.memory_space<vmem_shared>> -> memref<10240x128xf32, #tpu.memory_space<vmem_shared>>
      tpu.enqueue_indirect_dma source(%dma_start3A_203 : memref<64x128xf32, #tpu.memory_space<vmem>>) target(%dma_start3A_206 : memref<10240x128xf32, #tpu.memory_space<vmem_shared>>) offsets(%arg9 : memref<64xi32, #tpu.memory_space<vmem>>) semaphore(%arg15 : memref<!tpu.dma_semaphore, #tpu.memory_space<semaphore_mem>>) {add = true}
    }
    %dma_wait3A_127 = arith.constant 64 : i32
    %dma_wait3A_128 = arith.constant 0 : i32
    %dma_wait3A_129 = tpu.memref_slice %arg8[%dma_wait3A_127, %dma_wait3A_128] : memref<128x128xf32, #tpu.memory_space<vmem>> -> memref<64x128xf32, #tpu.memory_space<vmem>>
    %dma_wait3A_130 = arith.constant 0 : i32
    %dma_wait3A_131 = arith.constant 0 : i32
    %dma_wait3A_132 = tpu.memref_slice %arg11[%dma_wait3A_130, %dma_wait3A_131] : memref<10240x128xf32, #tpu.memory_space<vmem_shared>> -> memref<10240x128xf32, #tpu.memory_space<vmem_shared>>
    tpu.wait_indirect_dma semaphore(%arg14 : memref<!tpu.dma_semaphore, #tpu.memory_space<semaphore_mem>>) src(%dma_wait3A_129 : memref<64x128xf32, #tpu.memory_space<vmem>>) dst(%dma_wait3A_132 : memref<10240x128xf32, #tpu.memory_space<vmem_shared>>)
    %dma_wait3A_133 = arith.constant 64 : i32
    %dma_wait3A_134 = arith.constant 0 : i32
    %dma_wait3A_135 = tpu.memref_slice %arg10[%dma_wait3A_133, %dma_wait3A_134] : memref<128x128xf32, #tpu.memory_space<vmem>> -> memref<64x128xf32, #tpu.memory_space<vmem>>
    %dma_wait3A_136 = arith.constant 0 : i32
    %dma_wait3A_137 = arith.constant 0 : i32
    %dma_wait3A_138 = tpu.memref_slice %arg11[%dma_wait3A_136, %dma_wait3A_137] : memref<10240x128xf32, #tpu.memory_space<vmem_shared>> -> memref<10240x128xf32, #tpu.memory_space<vmem_shared>>
    tpu.wait_indirect_dma semaphore(%arg15 : memref<!tpu.dma_semaphore, #tpu.memory_space<semaphore_mem>>) src(%dma_wait3A_135 : memref<64x128xf32, #tpu.memory_space<vmem>>) dst(%dma_wait3A_138 : memref<10240x128xf32, #tpu.memory_space<vmem_shared>>)
    %barrier3A_139 = arith.constant 0 : index
    tpu.barrier barrier_id(%barrier3A_139)
    %mul3A_140 = arith.constant 640 : i32
    %mul3A_141 = arith.muli %arg1, %mul3A_140 : i32
    %mul3A_142 = arith.constant 640 : i32
    %mul3A_143 = arith.muli %arg1, %mul3A_142 : i32
    "tpu.region"() ({
      %run_scoped3A = tpu.sem_alloc : memref<!tpu.dma_semaphore, #tpu.memory_space<semaphore_mem>>
      %dma_start3A_144 = arith.constant 0 : i32
      %dma_start3A_145 = tpu.memref_slice %arg5[%arg0, %mul3A_143, %dma_start3A_144] : memref<2x10240x128xf32, #tpu.memory_space<hbm>> -> memref<1x640x128xf32, #tpu.memory_space<hbm>>
      %dma_start3A_146 = tpu.memref_squeeze %dma_start3A_145 : memref<1x640x128xf32, #tpu.memory_space<hbm>> -> memref<640x128xf32, #tpu.memory_space<hbm>>
      %dma_start3A_147 = arith.constant 0 : i32
      %dma_start3A_148 = tpu.memref_slice %arg11[%mul3A_141, %dma_start3A_147] : memref<10240x128xf32, #tpu.memory_space<vmem_shared>> -> memref<640x128xf32, #tpu.memory_space<vmem_shared>>
      tpu.enqueue_dma source(%dma_start3A_148 : memref<640x128xf32, #tpu.memory_space<vmem_shared>>) target(%dma_start3A_146 : memref<640x128xf32, #tpu.memory_space<hbm>>) target_semaphore(%run_scoped3A : memref<!tpu.dma_semaphore, #tpu.memory_space<semaphore_mem>>)
      %dma_wait3A_149 = arith.constant 0 : i32
      %dma_wait3A_150 = tpu.memref_slice %arg5[%arg0, %mul3A_143, %dma_wait3A_149] : memref<2x10240x128xf32, #tpu.memory_space<hbm>> -> memref<1x640x128xf32, #tpu.memory_space<hbm>>
      %dma_wait3A_151 = tpu.memref_squeeze %dma_wait3A_150 : memref<1x640x128xf32, #tpu.memory_space<hbm>> -> memref<640x128xf32, #tpu.memory_space<hbm>>
      %dma_wait3A_152 = arith.constant 0 : i32
      %dma_wait3A_153 = tpu.memref_slice %arg11[%mul3A_141, %dma_wait3A_152] : memref<10240x128xf32, #tpu.memory_space<vmem_shared>> -> memref<640x128xf32, #tpu.memory_space<vmem_shared>>
      tpu.wait_dma2 semaphore(%run_scoped3A : memref<!tpu.dma_semaphore, #tpu.memory_space<semaphore_mem>>) src(%dma_wait3A_153 : memref<640x128xf32, #tpu.memory_space<vmem_shared>>) dst(%dma_wait3A_151 : memref<640x128xf32, #tpu.memory_space<hbm>>)
      tpu.yield
    }) : () -> ()
    return
  }
}

module attributes {stable_mosaic.version = 14 : i64} {
  func.func @_tc_body(%arg0: i32, %arg1: memref<1000x128xf32, #tpu.memory_space<vmem>>, %arg2: memref<1x1000x128xf32, #tpu.memory_space<vmem>>, %arg3: memref<1x1000x128xf32, #tpu.memory_space<vmem>>, %arg4: memref<200x128xf32, #tpu.memory_space<vmem>>, %arg5: memref<128x128xf32, #tpu.memory_space<vmem>>, %arg6: memref<128x128xf32, #tpu.memory_space<vmem>>, %arg7: memref<128x128xf32, #tpu.memory_space<vmem>>, %arg8: memref<1x128xf32, #tpu.memory_space<vmem>>, %arg9: memref<1000x128xf32, #tpu.memory_space<vmem>>, %arg10: memref<200x128xf32, #tpu.memory_space<vmem>>) attributes {dimension_semantics = [#tpu.dimension_semantics<arbitrary>], iteration_bounds = array<i64: 10>, scalar_prefetch = 0 : i64, scratch_operands = 0 : i64, tpu.core_type = #tpu.core_type<tc>, window_params = [{transform_indices = @transform_0, window_bounds = array<i64: 1000, 128>}, {transform_indices = @transform_1, window_bounds = array<i64: 1, 1000, 128>}, {transform_indices = @transform_2, window_bounds = array<i64: 1, 1000, 128>}, {pipeline_mode = #tpu.pipeline_mode<synchronous>, transform_indices = @transform_3, window_bounds = array<i64: 200, 128>}, {pipeline_mode = #tpu.pipeline_mode<synchronous>, transform_indices = @transform_4, window_bounds = array<i64: 128, 128>}, {pipeline_mode = #tpu.pipeline_mode<synchronous>, transform_indices = @transform_5, window_bounds = array<i64: 128, 128>}, {pipeline_mode = #tpu.pipeline_mode<synchronous>, transform_indices = @transform_6, window_bounds = array<i64: 128, 128>}, {pipeline_mode = #tpu.pipeline_mode<synchronous>, transform_indices = @transform_7, window_bounds = array<i64: 1, 128>}, {transform_indices = @transform_8, window_bounds = array<i64: 1000, 128>}, {pipeline_mode = #tpu.pipeline_mode<synchronous>, transform_indices = @transform_9, window_bounds = array<i64: 200, 128>}]} {
    %get3A = arith.constant 0 : index
    %get3A_0 = arith.constant 0 : index
    %get3A_1 = arith.constant 0 : index
    %get3A_2 = vector.load %arg2[%get3A, %get3A_0, %get3A_1] : memref<1x1000x128xf32, #tpu.memory_space<vmem>>, vector<1x1000x128xf32>
    %get3A_3 = vector.shape_cast %get3A_2 : vector<1x1000x128xf32> to vector<1000x128xf32>
    %get3A_4 = arith.constant 0 : index
    %get3A_5 = arith.constant 0 : index
    %get3A_6 = arith.constant 0 : index
    %get3A_7 = vector.load %arg3[%get3A_4, %get3A_5, %get3A_6] : memref<1x1000x128xf32, #tpu.memory_space<vmem>>, vector<1x1000x128xf32>
    %get3A_8 = vector.shape_cast %get3A_7 : vector<1x1000x128xf32> to vector<1000x128xf32>
    %add3A = arith.addf %get3A_3, %get3A_8 : vector<1000x128xf32>
    %get3A_9 = arith.constant 0 : index
    %get3A_10 = arith.constant 0 : index
    %get3A_11 = vector.load %arg1[%get3A_9, %get3A_10] : memref<1000x128xf32, #tpu.memory_space<vmem>>, vector<1000x128xf32>
    %get3A_12 = arith.constant 0 : index
    %get3A_13 = arith.constant 0 : index
    %get3A_14 = vector.load %arg5[%get3A_12, %get3A_13] : memref<128x128xf32, #tpu.memory_space<vmem>>, vector<128x128xf32>
    %dot_general3A = arith.constant dense<0.000000e+00> : vector<1000x128xf32>
    %dot_general3A_15 = tpu.matmul %get3A_11, %get3A_14, %dot_general3A {dimension_numbers = #tpu.dot_dimension_numbers<[1], [0], [0], [1], [0, 0, 1, 1], [], []>, transpose_lhs_hint = false} : vector<1000x128xf32>, vector<128x128xf32>, vector<1000x128xf32> -> vector<1000x128xf32>
    %get3A_16 = arith.constant 0 : index
    %get3A_17 = arith.constant 0 : index
    %get3A_18 = vector.load %arg6[%get3A_16, %get3A_17] : memref<128x128xf32, #tpu.memory_space<vmem>>, vector<128x128xf32>
    %dot_general3A_19 = arith.constant dense<0.000000e+00> : vector<1000x128xf32>
    %dot_general3A_20 = tpu.matmul %add3A, %get3A_18, %dot_general3A_19 {dimension_numbers = #tpu.dot_dimension_numbers<[1], [0], [0], [1], [0, 0, 1, 1], [], []>, transpose_lhs_hint = false} : vector<1000x128xf32>, vector<128x128xf32>, vector<1000x128xf32> -> vector<1000x128xf32>
    %add3A_21 = arith.addf %dot_general3A_15, %dot_general3A_20 : vector<1000x128xf32>
    %get3A_22 = arith.constant 0 : index
    %get3A_23 = arith.constant 0 : index
    %get3A_24 = vector.load %arg8[%get3A_22, %get3A_23] : memref<1x128xf32, #tpu.memory_space<vmem>>, vector<1x128xf32>
    %add3A_25 = vector.broadcast %get3A_24 : vector<1x128xf32> to vector<1000x128xf32>
    %add3A_26 = arith.addf %add3A_21, %add3A_25 : vector<1000x128xf32>
    %swap3A = arith.constant 0 : index
    %swap3A_27 = arith.constant 0 : index
    %swap3A_28 = vector.load %arg9[%swap3A, %swap3A_27] : memref<1000x128xf32, #tpu.memory_space<vmem>>, vector<1000x128xf32>
    tpu.vector_store %arg9[%swap3A, %swap3A_27], %add3A_26 {strides = array<i32>} : memref<1000x128xf32, #tpu.memory_space<vmem>>, vector<1000x128xf32>,
    %eq3A = arith.constant 0 : i32
    %eq3A_29 = arith.cmpi eq, %arg0, %eq3A : i32
    %convert_element_type3A = arith.extui %eq3A_29 : i1 to i32
    %cond3A = arith.constant 0 : i32
    %cond3A_30 = arith.cmpi ne, %convert_element_type3A, %cond3A : i32
    scf.if %cond3A_30 {
      %get3A_31 = arith.constant 0 : index
      %get3A_32 = arith.constant 0 : index
      %get3A_33 = vector.load %arg4[%get3A_31, %get3A_32] : memref<200x128xf32, #tpu.memory_space<vmem>>, vector<200x128xf32>
      %get3A_34 = arith.constant 0 : index
      %get3A_35 = arith.constant 0 : index
      %get3A_36 = vector.load %arg7[%get3A_34, %get3A_35] : memref<128x128xf32, #tpu.memory_space<vmem>>, vector<128x128xf32>
      %dot_general3A_37 = arith.constant dense<0.000000e+00> : vector<200x128xf32>
      %dot_general3A_38 = tpu.matmul %get3A_33, %get3A_36, %dot_general3A_37 {dimension_numbers = #tpu.dot_dimension_numbers<[1], [0], [0], [1], [0, 0, 1, 1], [], []>, transpose_lhs_hint = false} : vector<200x128xf32>, vector<128x128xf32>, vector<200x128xf32> -> vector<200x128xf32>
      %swap3A_39 = arith.constant 0 : index
      %swap3A_40 = arith.constant 0 : index
      %swap3A_41 = vector.load %arg10[%swap3A_39, %swap3A_40] : memref<200x128xf32, #tpu.memory_space<vmem>>, vector<200x128xf32>
      tpu.vector_store %arg10[%swap3A_39, %swap3A_40], %dot_general3A_38 {strides = array<i32>} : memref<200x128xf32, #tpu.memory_space<vmem>>, vector<200x128xf32>,
    } else {
    }
    return
  }
  func.func @transform_0(%arg0: i32) -> (i32, i32) {
    %c0_i32 = arith.constant 0 : i32
    %c0_i32_0 = arith.constant 0 : i32
    return %arg0, %c0_i32 : i32, i32
  }
  func.func @transform_1(%arg0: i32) -> (i32, i32, i32) {
    %c0_i32 = arith.constant 0 : i32
    %c0_i32_0 = arith.constant 0 : i32
    %c0_i32_1 = arith.constant 0 : i32
    return %c0_i32, %arg0, %c0_i32_0 : i32, i32, i32
  }
  func.func @transform_2(%arg0: i32) -> (i32, i32, i32) {
    %c1_i32 = arith.constant 1 : i32
    %c0_i32 = arith.constant 0 : i32
    %c0_i32_0 = arith.constant 0 : i32
    return %c1_i32, %arg0, %c0_i32 : i32, i32, i32
  }
  func.func @transform_3(%arg0: i32) -> (i32, i32) {
    %c0_i32 = arith.constant 0 : i32
    %c0_i32_0 = arith.constant 0 : i32
    %c0_i32_1 = arith.constant 0 : i32
    return %c0_i32, %c0_i32_0 : i32, i32
  }
  func.func @transform_4(%arg0: i32) -> (i32, i32) {
    %c0_i32 = arith.constant 0 : i32
    %c0_i32_0 = arith.constant 0 : i32
    %c0_i32_1 = arith.constant 0 : i32
    return %c0_i32, %c0_i32_0 : i32, i32
  }
  func.func @transform_5(%arg0: i32) -> (i32, i32) {
    %c0_i32 = arith.constant 0 : i32
    %c0_i32_0 = arith.constant 0 : i32
    %c0_i32_1 = arith.constant 0 : i32
    return %c0_i32, %c0_i32_0 : i32, i32
  }
  func.func @transform_6(%arg0: i32) -> (i32, i32) {
    %c0_i32 = arith.constant 0 : i32
    %c0_i32_0 = arith.constant 0 : i32
    %c0_i32_1 = arith.constant 0 : i32
    return %c0_i32, %c0_i32_0 : i32, i32
  }
  func.func @transform_7(%arg0: i32) -> (i32, i32) {
    %c0_i32 = arith.constant 0 : i32
    %c0_i32_0 = arith.constant 0 : i32
    %c0_i32_1 = arith.constant 0 : i32
    return %c0_i32, %c0_i32_0 : i32, i32
  }
  func.func @transform_8(%arg0: i32) -> (i32, i32) {
    %c0_i32 = arith.constant 0 : i32
    %c0_i32_0 = arith.constant 0 : i32
    return %arg0, %c0_i32 : i32, i32
  }
  func.func @transform_9(%arg0: i32) -> (i32, i32) {
    %c0_i32 = arith.constant 0 : i32
    %c0_i32_0 = arith.constant 0 : i32
    %c0_i32_1 = arith.constant 0 : i32
    return %c0_i32, %c0_i32_0 : i32, i32
  }
}

</mosaic_0001>

<sc_bundles>
// kernel: kernel.4.cloned.1.call-start
scs
__scs_entry_jumppad:
0x0: {  	(pc) =	sbr.rel $0x88, $3  }
0x1: {  	(tag) =	ssettag $0x0;
	lr =	simm.s32 $0x1  }
0x2: {  	[smem:$0x3F99] =	sst lr;
	_ =	strace $0xD0000000  }
0x3: {  	_ = 	snop  }
0x4: {  	_ = 	snop  }
0x5: {  	_ = 	snop  }
0x6: {  	_ = 	snop  }
0x7: {  	_ = 	snop  }
__scs_overlays_trampoline_lowered:
0x8: {  	[smem:$0x3FA8] =	sst s0  }
0x9: {  	[smem:$0x3FA9] =	sst s1  }
0xa: {  	[smem:$0x3FAA] =	sst s2  }
0xb: {  	[smem:$0x3FAB] =	sst s3  }
0xc: {  	[smem:$0x3FAC] =	sst s4  }
0xd: {  	[smem:$0x3FAD] =	sst s5  }
0xe: {  	[smem:$0x3FAE] =	sst s6  }
0xf: {  	[smem:$0x3FAF] =	sst s7  }
0x10: {  	[smem:$0x3FB0] =	sst s8  }
0x11: {  	[smem:$0x3FB1] =	sst s9;
	s0 =	simm.s32 @!p0 $0x0  }
0x12: {  	s1 =	sld [smem:$0x3F97];
	s0 =	simm.s32 @p0 $0x1  }
0x13: {  	[smem:$0x3FB2] =	sst s0;
	s0 =	simm.s32 @!p1 $0x0  }
0x14: {  	s2 =	sld [smem:$0x3F96];
	s0 =	simm.s32 @p1 $0x1  }
0x15: {  	[smem:$0x3FB3] =	sst s0;
	s0 =	simm.s32 @!p2 $0x0  }
0x16: {  	s3 =	sld [smem:$0x3FDB];
	s0 =	simm.s32 @p2 $0x1  }
0x17: {  	s4 =	simm.s32 $0x1BF5;
	[smem:$0x3FB5] =	sst s0  }
0x18: {  	s0 =	sld [smem:$0x3F98];
	_ =	swait.ge [sflag:s4], $0x0  }
0x19: {  	s7 =	sld [smem:$0x3F99]  }
0x1a: {  	s8 =	sadd.s32 $0xFFFFE003, lr  }
0x1b: {  	s9 =	sadd.s32 $0xFFFFFEF7, lr;
	s5 =	simm.s32 $0xFFFFFFFF;
	p2 =	slt.u32 s8, $0xFFFFF086  }
0x1c: {  	p1 =	slt.u32 s9, $0xF7A;
	s5 =	simm.s32 @!p2 $0x0  }
0x1d: {  	s5 =	simm.s32 @p1 $0x1;
	p0 =	seq.s32 s7, s2  }
0x1e: {  	s7 =	smul.u32 @!p0 $0xF7A, s2;
	p2 =	seq.s32 @!p0 s5, $0x0  }
0x1f: {  	s9 =	smul.u32 $0xF7A, s1;
	s8 =	simm.s32 @!p0 $0x1BF5;
	p2 =	por !p2, p0  }
0x20: {  	[sflag:s8] =	ssyncset.s32 @!p0 $0xFFFFF086;
	s6 =	sadd.s32 @!p0 s3, s7;
	s7 =	simm.s32 @!p0 $0x108  }
0x21: {  	s3 =	sadd.s32 s3, s9;
	s6 =	sadd.s32 @!p0 $0x88, s6;
	s7 =	simm.s32 @p2 $0x1082  }
0x22: {  	[simem:s7], [sflag:s8] =	dma.local @!p0 [hbm:s6], $0xF7A  }
0x23: {  	s9 =	sor.u32 $0xD0000000, s2;
	s6 =	simm.s32 $0x108;
	_ =	swait.ge @!p0 [sflag:s8], $0x0  }
0x24: {  	s3 =	sadd.s32 $0x88, s3;
	s6 =	simm.s32 @!p1 $0x1082;
	[sflag:s4] =	ssyncset.s32 $0xFFFFF086  }
0x25: {  	[simem:s6], [sflag:s4] =	dma.local [hbm:s3], $0xF7A  }
0x26: {  	[smem:$0x3F99] =	sst s1;
	(tag) =	ssettag s2;
	_ =	strace s9  }
0x27: {  	s1 =	sld [smem:$0x3FA9]  }
0x28: {  	s2 =	sld [smem:$0x3FAA]  }
0x29: {  	s4 =	sld [smem:$0x3FAC]  }
0x2a: {  	p0 =	seq.s32 s5, $0x0;
	s5 =	sld [smem:$0x3FAD]  }
0x2b: {  	s6 =	sld [smem:$0x3FAE]  }
0x2c: {  	s7 =	sld [smem:$0x3FAF]  }
0x2d: {  	s3 =	simm.s32 $0x108;
	s8 =	sld [smem:$0x3FB0]  }
0x2e: {  	s3 =	simm.s32 @!p0 $0x1082;
	s9 =	sld [smem:$0x3FB1]  }
0x2f: {  	lr =	sadd.s32 s0, s3;
	s0 =	sld [smem:$0x3FA8]  }
0x30: {  	s3 =	sld [smem:$0x3FAB]  }
0x31: {  	[smem:$0x3FB4] =	sst s10  }
0x32: {  	s10 =	sld [smem:$0x3FB2];
	_ =	sdelay $0x3  }
0x33: {  	p0 =	seq.s32 s10, $0x1;
	s10 =	sld [smem:$0x3FB4];
	_ =	sdelay $0x3  }
0x34: {  	[smem:$0x3FB4] =	sst s10  }
0x35: {  	s10 =	sld [smem:$0x3FB3];
	_ =	sdelay $0x3  }
0x36: {  	p1 =	seq.s32 s10, $0x1;
	s10 =	sld [smem:$0x3FB4];
	_ =	sdelay $0x3  }
0x37: {  	[smem:$0x3FB4] =	sst s10  }
0x38: {  	s10 =	sld [smem:$0x3FB5]  }
0x39: {  	_ = 	snop;
	(pc) =	sbr.ind lr, $3  }
0x3a: {  	_ = 	snop  }
0x3b: {  	_ = 	snop  }
0x3c: {  	p2 =	seq.s32 s10, $0x1;
	s10 =	sld [smem:$0x3FB4]  }
0x3d: {  	_ =	shalt  }
0x3e: {  	_ =	shalt  }
0x3f: {  	_ =	shalt  }
0x40: {  	_ =	shalt  }
0x41: {  	_ =	shalt  }
0x42: {  	_ =	shalt  }
0x43: {  	_ =	shalt  }
0x44: {  	_ =	shalt  }
0x45: {  	_ =	shalt  }
0x46: {  	_ =	shalt  }
0x47: {  	_ =	shalt  }
0x48: {  	_ =	shalt  }
0x49: {  	_ =	shalt  }
0x4a: {  	_ =	shalt  }
0x4b: {  	_ =	shalt  }
0x4c: {  	_ =	shalt  }
0x4d: {  	_ =	shalt  }
0x4e: {  	_ =	shalt  }
0x4f: {  	_ =	shalt  }
0x50: {  	_ =	shalt  }
0x51: {  	_ =	shalt  }
0x52: {  	_ =	shalt  }
0x53: {  	_ =	shalt  }
0x54: {  	_ =	shalt  }
0x55: {  	_ =	shalt  }
0x56: {  	_ =	shalt  }
0x57: {  	_ =	shalt  }
0x58: {  	_ =	shalt  }
0x59: {  	_ =	shalt  }
0x5a: {  	_ =	shalt  }
0x5b: {  	_ =	shalt  }
0x5c: {  	_ =	shalt  }
0x5d: {  	_ =	shalt  }
0x5e: {  	_ =	shalt  }
0x5f: {  	_ =	shalt  }
0x60: {  	_ =	shalt  }
0x61: {  	_ =	shalt  }
0x62: {  	_ =	shalt  }
0x63: {  	_ =	shalt  }
0x64: {  	_ =	shalt  }
0x65: {  	_ =	shalt  }
0x66: {  	_ =	shalt  }
0x67: {  	_ =	shalt  }
0x68: {  	_ =	shalt  }
0x69: {  	_ =	shalt  }
0x6a: {  	_ =	shalt  }
0x6b: {  	_ =	shalt  }
0x6c: {  	_ =	shalt  }
0x6d: {  	_ =	shalt  }
0x6e: {  	_ =	shalt  }
0x6f: {  	_ =	shalt  }
0x70: {  	_ =	shalt  }
0x71: {  	_ =	shalt  }
0x72: {  	_ =	shalt  }
0x73: {  	_ =	shalt  }
0x74: {  	_ =	shalt  }
0x75: {  	_ =	shalt  }
0x76: {  	_ =	shalt  }
0x77: {  	_ =	shalt  }
0x78: {  	_ =	shalt  }
0x79: {  	_ =	shalt  }
0x7a: {  	_ =	shalt  }
0x7b: {  	_ =	shalt  }
0x7c: {  	_ =	shalt  }
0x7d: {  	_ =	shalt  }
0x7e: {  	_ =	shalt  }
0x7f: {  	_ =	shalt  }
0x80: {  	_ =	shalt  }
0x81: {  	_ =	shalt  }
0x82: {  	_ =	shalt  }
0x83: {  	_ =	shalt  }
0x84: {  	_ =	shalt  }
0x85: {  	_ =	shalt  }
0x86: {  	_ =	shalt  }
0x87: {  	_ =	shalt  }
.Lfunc_end0:
.L_simem_size_0:
called_computation_lowered:
.L_overlay_start_0:
0x88: {  	s2 =	sld [smem:$0x3FD9]  }
0x89: {  	s3 =	sld [smem:$0x3FFE];
	_ =	sdelay $0x1  }
0x8a: {  	s1 =	srdreg.scid  }
0x8b: {  	s0 =	sand.u32 $0x1, s1  }
0x8c: {  	s14 =	sshll.u32 s0, $0xA;
	s2 =	sadd.s32 s3, s2  }
0x8d: {  	s2 =	sadd.s32 s2, s14  }
0x8e: {  	[smem:$0x3FC0] =	sst s2  }
0x8f: {  	_ = 	snop  }
0x90: {  	s2 =	sld [smem:$0x3FD0];
	_ =	sdelay $0x2  }
0x91: {  	s15 =	simm.s32 $0xA;
	s4 =	simm.s32 $0x10  }
0x92: {  	[smem:s4], [sflag:s15] =	dma.local [hbm:s2], $0x1  }
0x93: {  	_ =	swait.eq [sflag:s15], $0x1  }
0x94: {  	[sflag:s15] =	ssyncset.done $0x0  }
0x95: {  	[sflag:s15] =	ssyncadd.s32 $0xFFFFFFFF  }
0x96: {  	s16 =	sld [smem:$0x10];
	(tm) =	ssettm $0x1  }
0x97: {  	s17 =	sld [smem:$0x3FFB];
	_ =	sdelay $0x3  }
0x98: {  	_ =	strace s17  }
0x99: {  	s3 =	sld [smem:$0x3FFC];
	_ =	sdelay $0x3  }
0x9a: {  	_ =	strace s3  }
0x9b: {  	s3 =	sld [smem:$0x3FFD];
	_ =	sdelay $0x3  }
0x9c: {  	_ =	strace s3  }
0x9d: {  	_ =	strace $0x8FFFFFFF  }
0x9e: {  	s18 =	sld [smem:$0x3FDB];
	_ =	sdelay $0x1  }
0x9f: {  	s19 =	simm.s32 $_scs_section_size  }
0xa0: {  	s5 =	simm.s32 $_size__tile_overlayer_lowered;
	s6 =	simm.s32 $_tile_overlayer_lowered  }
0xa1: {  	s22 =	simm.s32 $0x1BFF;
	s21 =	sshll.u32 s6, $0x1;
	s3 =	sadd.s32 s19, s18  }
0xa2: {  	s7 =	simm.s32 $0x0;
	s20 =	sshll.u32 s5, $0x1;
	s5 =	sadd.s32 s21, s3  }
0xa3: {  	[timem:s7], [sflag:s22] =	dma.local [hbm:s5], s20  }
0xa4: {  	_ =	swait.ge [sflag:s22], s20  }
0xa5: {  	s4 =	ssub.s32 $0x0, s20;
	[sflag:s22] =	ssyncset.done $0x0  }
0xa6: {  	[sflag:s22] =	ssyncadd.s32 s4;
	_ =	sdelay $0x1  }
0xa7: {  	s23 =	simm.s32 $0x1B8B  }
0xa8: {  	_ =	swait.ge [sflag:s23], $0x1  }
0xa9: {  	[sflag:s23] =	ssyncset.done $0x0  }
0xaa: {  	s25 =	simm.s32 $0x1B8E;
	s24 =	sld [smem:$0x3FFE];
	[sflag:s23] =	ssyncadd.s32 $0xFFFFFFFF  }
0xab: {  	s26 =	simm.s32 $execute0_lowered;
	[smem:$0x3FD2] =	sst s25  }
0xac: {  	s5 =	sshll.u32 s26, $0x1;
	_ =	strace $0x80000046;
	[dreg:$0x1] =	wrdreg $0xFFFFFFFF  }
0xad: {  	s28 =	simm.s32 $_size_execute0_lowered;
	s3 =	sadd.s32 s3, s5;
	[dreg:$0x0] =	wrdreg $0x0  }
0xae: {  	s5 =	sshll.u32 s28, $0x1;
	[dreg:$0x2] =	wrdreg s3  }
0xaf: {  	[dreg:$0x3] =	wrdreg s5  }
0xb0: {  	[dreg:$0x4] =	wrdreg $0xC0  }
0xb1: {  	_ =	task [dreg:s7], $0x5FFFF  }
0xb2: {  	[dreg:$0x1] =	wrdreg $0xFFFFFFFF  }
0xb3: {  	[dreg:$0x0] =	wrdreg $0x60  }
0xb4: {  	[dreg:$0x2] =	wrdreg s24  }
0xb5: {  	[dreg:$0x3] =	wrdreg s16  }
0xb6: {  	[dreg:$0x4] =	wrdreg $0xBD000  }
0xb7: {  	[dreg:$0x5] =	wrdreg $0x9  }
0xb8: {  	_ =	task.clear_ibuf [dreg:s7], $0x6FFFF;
	_ =	strace $0x90000046  }
0xb9: {  	s29 =	simm.s32 $0x9;
	_ =	strace $0x80000048  }
0xba: {  	_ =	swait.ge [sflag:s29], $0x1  }
0xbb: {  	[sflag:s29] =	ssyncadd.s32 $0xFFFFFFFF  }
0xbc: {  	_ =	strace $0x90000048  }
0xbd: {  	_ =	sfence  }
0xbe: {  	s30 =	sld [smem:$0x0];
	_ =	sdelay $0x2  }
0xbf: {  	s31 =	sshll.u32 s1, $0xD;
	s1 =	sshrl.u32 s1, $0x2  }
0xc0: {  	s3 =	sand.u32 $0x4000, s31;
	s1 =	sadd.s32 s1, s30  }
0xc1: {  	s0 =	sor.u32 s3, s0;
	s1 =	sshll.u32 s1, $0x11  }
0xc2: {  	s0 =	sor.u32 s1, s0  }
0xc3: {  	s0 =	sadd.s32 $0x8F2B, s0  }
0xc4: {  	[sflag:s0] =	ssyncadd.remote.s32 $0x1  }
0xc5: {  	_ =	sfence.sel $0xFFFF  }
0xc6: {  	[dreg:$0x0] =	wrdreg $0xFFFFFFFF;
	(pc) =	sbr.abs _section_cstart, $3  }
0xc7: {  	[dreg:$0x1] =	wrdreg $0xFFFFFFFF  }
0xc8: {  	_ =	task.clear_ibuf [dreg:s7], $0x2FFFF;
	_ =	strace $0x9FFFFFFF  }
0xc9: {  	(tm) =	ssettm $0x7FFFFFFF  }
tec
execute0_lowered:
.L_overlay_start_1:
0x0: {  	(tag) =	ssettag $0x1  }
0x1: {  	s0 =	rddreg [dreg:$0x0];
	s12 =	stileid.u32  }
0x2: {  	s1 =	rddreg [dreg:$0x1];
	s5 =	smul.u32 $0x14000, s12  }
0x3: {  	s3 =	srdreg.scid;
	s7 =	smul.u32 $0x28, s12  }
0x4: {  	s2 =	rddreg [dreg:$0x2];
	s28 =	simm.s32 $0x1;
	s11 =	smul.u32 $0x78, s12  }
0x5: {  	s29 =	simm.s32 $0x40;
	s30 =	simm.s32 $0x5C80;
	s22 =	smul.u32 $0x50000, s12  }
0x6: {  	s8 =	sand.u32 $0x1, s3;
	s3 =	simm.s32 $0x0;
	s12 =	smul.u32 $0x780, s12  }
0x7: {  	s31 =	simm.s32 $0x3;
	s4 =	smul.u32 $0x140000, s8;
	[smem:$0x7FF] =	sst s3  }
0x8: {  	s9 =	ssub.s32 $0x2, s8;
	p0 =	seq.s32 s8, $0x0;
	p1 =	sne.s32 s8, $0x0  }
0x9: {  	s8 =	simm.s32 $0x4;
	_ =	strace $0x80000047;
	s10 =	sshrl.u32 s9, $0x1  }
0xa: {  	s5 =	sadd.s32 s5, s4;
	s4 =	sadd.s32 $0x6400, s0;
	s10 =	ssub.s32 s9, s10  }
0xb: {  	s6 =	sshrl.u32 s5, $0x3;
	s5 =	sadd.s32 $0x1400, s0;
	s25 =	smax.u32 s10, $0x1  }
0xc: {  	s10 =	simm.s32 $0x0;
	s0 =	sadd.s32 s6, s0;
	s6 =	sadd.s32 $0x780, s7  }
0xd: {  	s7 =	simm.s32 $0x78;
	[dreg:$0x9] =	wrdreg s25;
	s25 =	simm.s32 $0x7C80  }
0xe: {  	s21 =	sshll.u32 s6, $0x4;
	s6 =	smov.u32 @p0 s11;
	s7 =	simm.s32 @!p0 $0x28  }
0xf: {  	s11 =	sshrl.u32 s22, $0x2;
	s0 =	sadd.s32 $0x2E200, s0;
	s22 =	simm.s32 $0x6  }
0x10: {  	s13 =	sshll.u32 s6, $0x3;
	s9 =	sadd.s32 s1, s21;
	s1 =	sadd.s32 s1, s12  }
0x11: {  	s11 =	sadd.s32 s11, s2;
	s14 =	sshrl.u32 s7, $0x1;
	[dreg:$0x8] =	wrdreg s0  }
0x12: {  	s21 =	simm.s32 $0x3C80;
	s0 =	simm.s32 $0x2;
	[dreg:$0x4] =	wrdreg s9  }
0x13: {  	s9 =	sadd.s32 s5, s13;
	[dreg:$0x5] =	wrdreg s1;
	s26 =	sadd.s32 $0x4000, s11  }
0x14: {  	s18 =	sadd.s32 $0x8000, s11;
	s19 =	sadd.s32 $0xC000, s11;
	s20 =	sadd.s32 $0x10000, s11  }
0x15: {  	s1 =	simm.s32 $0x9D00;
	s23 =	sadd.s32 $0x8, s9;
	[dreg:$0xa] =	wrdreg s26  }
0x16: {  	s24 =	sadd.s32 $0x10, s9;
	s26 =	simm.s32 $0x7D00;
	[dreg:$0x6] =	wrdreg s23  }
0x17: {  	v0 =	vimm.f32 $0.0e+00;
	[dreg:$0x7] =	wrdreg s24;
	s23 =	simm.s32 $0x3C00;
	s24 =	simm.s32 $0x80  }
.LBB2_1:
0x18: {  	s12 =	simm.s32 @p1 $0x0;
	s13 =	rddreg [dreg:$0x4]  }
0x19: {  	[tilespmem:s12], [sflag:$0x5] =	stream.linear.gather @p1 [hbm4b:s13+s12], $0x1400, $0x38;
	[tilespmem:$0x1FD00] =	vst v63  }
0x1a: {  	s12 =	simm.s32 @!p1 $0x0;
	s13 =	rddreg [dreg:$0x5]  }
0x1b: {  	[tilespmem:s12], [sflag:$0x5] =	stream.linear.gather @!p1 [hbm4b:s13+s12], $0x3C00, $0x38;
	[tilespmem:$0x1FD00] =	vst v63  }
0x1c: {  	s12 =	simm.s32 @p1 $0x0  }
.LBB2_2:
0x1d: {  	s13 =	sshra.s32 s12, $0x2  }
0x1e: {  	[tilespmem:s13+$0x3C80] =	vst v0  }
0x1f: {  	[tilespmem:s13+$0x3C90] =	vst v0  }
0x20: {  	p2 =	seq.s32 s12, $0xFE00;
	[tilespmem:s13+$0x3CA0] =	vst v0  }
.Ltmp0:
0x21: {  	[tilespmem:s13+$0x3CB0] =	vst v0;
	(pc) =	sbr.rel @!p2 .LBB2_2-.Ltmp0, $4  }
0x22: {  	[tilespmem:s13+$0x3CC0] =	vst v0  }
0x23: {  	[tilespmem:s13+$0x3CD0] =	vst v0  }
0x24: {  	[tilespmem:s13+$0x3CE0] =	vst v0  }
0x25: {  	s12 =	sadd.s32 $0x200, s12;
	[tilespmem:s13+$0x3CF0] =	vst v0  }
0x26: {  	[spmem:s11] =	stream.linear.scatter [tilespmem:s21], [sflag:$0x6], $0x4000, $0x38;
	[tilespmem:$0x1FD00] =	vst v63  }
0x27: {  	_ =	swait.ge [sflag:s22], $0x4000  }
0x28: {  	[sflag:s22] =	ssyncset.done $0x0  }
0x29: {  	s12 =	rddreg [dreg:$0xa];
	[sflag:s22] =	ssyncadd.s32 $0xFFFFC000  }
0x2a: {  	[spmem:s12] =	stream.linear.scatter [tilespmem:s21], [sflag:$0x6], $0x4000, $0x38;
	[tilespmem:$0x1FD00] =	vst v63  }
0x2b: {  	_ =	swait.ge [sflag:s22], $0x4000  }
0x2c: {  	[sflag:s22] =	ssyncset.done $0x0  }
0x2d: {  	[sflag:s22] =	ssyncadd.s32 $0xFFFFC000  }
0x2e: {  	[spmem:s18] =	stream.linear.scatter [tilespmem:s21], [sflag:$0x6], $0x4000, $0x38;
	[tilespmem:$0x1FD00] =	vst v63  }
0x2f: {  	_ =	swait.ge [sflag:s22], $0x4000  }
0x30: {  	[sflag:s22] =	ssyncset.done $0x0  }
0x31: {  	[sflag:s22] =	ssyncadd.s32 $0xFFFFC000  }
0x32: {  	[spmem:s19] =	stream.linear.scatter [tilespmem:s21], [sflag:$0x6], $0x4000, $0x38;
	[tilespmem:$0x1FD00] =	vst v63  }
0x33: {  	_ =	swait.ge [sflag:s22], $0x4000  }
0x34: {  	[sflag:s22] =	ssyncset.done $0x0  }
0x35: {  	[sflag:s22] =	ssyncadd.s32 $0xFFFFC000  }
0x36: {  	[spmem:s20] =	stream.linear.scatter [tilespmem:s21], [sflag:$0x6], $0x4000, $0x38;
	[tilespmem:$0x1FD00] =	vst v63  }
0x37: {  	_ =	swait.ge [sflag:s22], $0x4000  }
0x38: {  	[sflag:s22] =	ssyncset.done $0x0  }
0x39: {  	[sflag:s22] =	ssyncadd.s32 $0xFFFFC000  }
0x3a: {  	s12 =	simm.s32 @p0 $0x5;
	[bflag:$0x0] =	sbarrier.arrive $0xFFFF  }
0x3b: {  	_ =	swait.ge @p0 [sflag:s12], $0x3C00  }
0x3c: {  	[sflag:s12] =	ssyncset.done @p0 $0x0  }
0x3d: {  	[sflag:s12] =	ssyncadd.s32 @p0 $0xFFFFC400;
	s12 =	simm.s32 @!p0 $0x5  }
0x3e: {  	_ =	swait.ge @!p0 [sflag:s12], $0x1400  }
0x3f: {  	[sflag:s12] =	ssyncset.done @!p0 $0x0  }
0x40: {  	[sflag:s12] =	ssyncadd.s32 @!p0 $0xFFFFEC00  }
0x41: {  	[tilespmem:s23], [sflag:$0x1] =	stream.linear.gather [hbm4b:s9+s3], $0x40, $0x38;
	[tilespmem:$0x1FD00] =	vst v63  }
0x42: {  	_ = 	snop  }
0x43: {  	[tilespmem:s21], [sflag:$0x1] =	stream.indirect.gather [hbm4b:s4+s24], $0x80, s3, s24, $0xb8;
	[tilespmem:$0x1FD00] =	vst v63  }
0x44: {  	s17 =	rddreg [dreg:$0x6]  }
0x45: {  	[tilespmem:s25], [sflag:$0x2] =	stream.linear.gather [hbm4b:s17+s3], $0x40, $0x38;
	[tilespmem:$0x1FD00] =	vst v63  }
0x46: {  	_ = 	snop  }
0x47: {  	[tilespmem:s26], [sflag:$0x2] =	stream.indirect.gather [hbm4b:s4+s24], $0x80, s24, s24, $0xb8;
	[tilespmem:$0x1FD00] =	vst v63  }
0x48: {  	_ =	swait.ge [sflag:s28], $0x40  }
0x49: {  	[sflag:s28] =	ssyncset.done $0x0  }
0x4a: {  	[sflag:s28] =	ssyncadd.s32 $0xFFFFFFC0  }
0x4b: {  	_ =	swait.ge [sflag:s28], $0x4000  }
0x4c: {  	[sflag:s28] =	ssyncset.done $0x0  }
0x4d: {  	s12 =	simm.s32 $0x5C80;
	[sflag:s28] =	ssyncadd.s32 $0xFFFFC000  }
0x4e: {  	v2 =	vld [tilespmem:s12+$0xFFFFE1F0]  }
0x4f: {  	v3 =	vld [tilespmem:s12+$0x1F0]  }
0x50: {  	v1 =	vld [tilespmem:s12+$0x0]  }
0x51: {  	v4 =	vld [tilespmem:s12+$0xFFFFE010]  }
0x52: {  	v5 =	vld [tilespmem:s12+$0x10]  }
0x53: {  	v6 =	vld [tilespmem:s12+$0xFFFFE020]  }
0x54: {  	v7 =	vld [tilespmem:s12+$0x20]  }
0x55: {  	v8 =	vld [tilespmem:s12+$0x30]  }
0x56: {  	v9 =	vld [tilespmem:s12+$0x1B0];
	v2 =	vsub.f32 v2, v3  }
0x57: {  	v3 =	vld [tilespmem:s12+$0xFFFFE030]  }
0x58: {  	[tilespmem:s12+$0x1F0] =	vst v2;
	v2 =	vsub.f32 v4, v5;
	v4 =	vld [tilespmem:s12+$0xFFFFE040]  }
0x59: {  	v5 =	vld [tilespmem:s12+$0x40]  }
0x5a: {  	[tilespmem:s12+$0x10] =	vst v2;
	v2 =	vsub.f32 v6, v7;
	v6 =	vld [tilespmem:s12+$0xFFFFE050]  }
0x5b: {  	v7 =	vld [tilespmem:s12+$0x50]  }
0x5c: {  	[tilespmem:s12+$0x20] =	vst v2;
	v2 =	vsub.f32 v3, v8;
	v3 =	vld [tilespmem:s12+$0xFFFFE060]  }
0x5d: {  	v8 =	vld [tilespmem:s12+$0x60]  }
0x5e: {  	[tilespmem:s12+$0x30] =	vst v2;
	v2 =	vsub.f32 v4, v5;
	v4 =	vld [tilespmem:s12+$0xFFFFE070]  }
0x5f: {  	v5 =	vld [tilespmem:s12+$0x70]  }
0x60: {  	[tilespmem:s12+$0x40] =	vst v2;
	v2 =	vsub.f32 v6, v7;
	v6 =	vld [tilespmem:s12+$0xFFFFE080]  }
0x61: {  	v7 =	vld [tilespmem:s12+$0x80]  }
0x62: {  	[tilespmem:s12+$0x50] =	vst v2;
	v2 =	vsub.f32 v3, v8;
	v3 =	vld [tilespmem:s12+$0xFFFFE090]  }
0x63: {  	v8 =	vld [tilespmem:s12+$0x90]  }
0x64: {  	[tilespmem:s12+$0x60] =	vst v2;
	v2 =	vsub.f32 v4, v5;
	v4 =	vld [tilespmem:s12+$0xFFFFE0A0]  }
0x65: {  	v5 =	vld [tilespmem:s12+$0xA0]  }
0x66: {  	[tilespmem:s12+$0x70] =	vst v2;
	v2 =	vsub.f32 v6, v7;
	v6 =	vld [tilespmem:s12+$0xFFFFE0B0]  }
0x67: {  	v7 =	vld [tilespmem:s12+$0xB0]  }
0x68: {  	[tilespmem:s12+$0x80] =	vst v2;
	v2 =	vsub.f32 v3, v8;
	v3 =	vld [tilespmem:s12+$0xFFFFE0C0]  }
0x69: {  	v8 =	vld [tilespmem:s12+$0xC0]  }
0x6a: {  	[tilespmem:s12+$0x90] =	vst v2;
	v2 =	vsub.f32 v4, v5;
	v4 =	vld [tilespmem:s12+$0xFFFFE0D0]  }
0x6b: {  	v5 =	vld [tilespmem:s12+$0xD0]  }
0x6c: {  	[tilespmem:s12+$0xA0] =	vst v2;
	v2 =	vsub.f32 v6, v7;
	v6 =	vld [tilespmem:s12+$0xFFFFE0E0]  }
0x6d: {  	v7 =	vld [tilespmem:s12+$0xE0]  }
0x6e: {  	[tilespmem:s12+$0xB0] =	vst v2;
	v2 =	vsub.f32 v3, v8;
	v3 =	vld [tilespmem:s12+$0xFFFFE0F0]  }
0x6f: {  	v8 =	vld [tilespmem:s12+$0xF0]  }
0x70: {  	[tilespmem:s12+$0xC0] =	vst v2;
	v2 =	vsub.f32 v4, v5;
	v4 =	vld [tilespmem:s12+$0xFFFFE100]  }
0x71: {  	v5 =	vld [tilespmem:s12+$0x100]  }
0x72: {  	[tilespmem:s12+$0xD0] =	vst v2;
	v2 =	vsub.f32 v6, v7;
	v6 =	vld [tilespmem:s12+$0xFFFFE110]  }
0x73: {  	v7 =	vld [tilespmem:s12+$0x110]  }
0x74: {  	[tilespmem:s12+$0xE0] =	vst v2;
	v2 =	vsub.f32 v3, v8;
	v3 =	vld [tilespmem:s12+$0xFFFFE120]  }
0x75: {  	v8 =	vld [tilespmem:s12+$0x120]  }
0x76: {  	[tilespmem:s12+$0xF0] =	vst v2;
	v2 =	vsub.f32 v4, v5;
	v4 =	vld [tilespmem:s12+$0xFFFFE130]  }
0x77: {  	v5 =	vld [tilespmem:s12+$0x130]  }
0x78: {  	[tilespmem:s12+$0x100] =	vst v2;
	v2 =	vsub.f32 v6, v7;
	v6 =	vld [tilespmem:s12+$0xFFFFE140]  }
0x79: {  	v7 =	vld [tilespmem:s12+$0x140]  }
0x7a: {  	[tilespmem:s12+$0x110] =	vst v2;
	v2 =	vsub.f32 v3, v8;
	v3 =	vld [tilespmem:s12+$0xFFFFE150]  }
0x7b: {  	v8 =	vld [tilespmem:s12+$0x150]  }
0x7c: {  	[tilespmem:s12+$0x120] =	vst v2;
	v2 =	vsub.f32 v4, v5;
	v4 =	vld [tilespmem:s12+$0xFFFFE160]  }
0x7d: {  	v5 =	vld [tilespmem:s12+$0x160]  }
0x7e: {  	[tilespmem:s12+$0x130] =	vst v2;
	v2 =	vsub.f32 v6, v7;
	v6 =	vld [tilespmem:s12+$0xFFFFE170]  }
0x7f: {  	v7 =	vld [tilespmem:s12+$0x170]  }
0x80: {  	[tilespmem:s12+$0x140] =	vst v2;
	v2 =	vsub.f32 v3, v8;
	v3 =	vld [tilespmem:s12+$0xFFFFE180]  }
0x81: {  	v8 =	vld [tilespmem:s12+$0x180]  }
0x82: {  	[tilespmem:s12+$0x150] =	vst v2;
	v2 =	vsub.f32 v4, v5;
	v4 =	vld [tilespmem:s12+$0xFFFFE190]  }
0x83: {  	v5 =	vld [tilespmem:s12+$0x190]  }
0x84: {  	[tilespmem:s12+$0x160] =	vst v2;
	v2 =	vsub.f32 v6, v7;
	v6 =	vld [tilespmem:s12+$0xFFFFE1A0]  }
0x85: {  	v7 =	vld [tilespmem:s12+$0x1A0]  }
0x86: {  	[tilespmem:s12+$0x170] =	vst v2;
	v2 =	vsub.f32 v3, v8;
	v8 =	vld [tilespmem:s12+$0xFFFFE1B0]  }
0x87: {  	v10 =	vld [tilespmem:s12+$0xFFFFE1C0]  }
0x88: {  	v11 =	vld [tilespmem:s12+$0x1C0];
	[tilespmem:s12+$0x180] =	vst v2;
	v2 =	vsub.f32 v4, v5  }
0x89: {  	v5 =	vld [tilespmem:s12+$0x1D0]  }
0x8a: {  	v3 =	vsub.f32 v6, v7;
	[tilespmem:s12+$0x190] =	vst v2;
	v2 =	vld [tilespmem:s12+$0xFFFFE1D0]  }
0x8b: {  	v6 =	vld [tilespmem:s12+$0x1E0];
	v7 =	vsub.f32 v8, v9  }
0x8c: {  	[tilespmem:s12+$0x1A0] =	vst v3;
	v3 =	vld [tilespmem:s12+$0xFFFFE1E0]  }
0x8d: {  	s13 =	simm.s32 $0x0;
	s15 =	simm.s32 $0x5E80;
	v4 =	vld [tilespmem:s12+$0xFFFFE000];
	[tilespmem:s12+$0x1B0] =	vst v7;
	v7 =	vsub.f32 v10, v11  }
.LBB2_4:
0x8e: {  	v8 =	vld [tilespmem:s15+$0xFFFFE1F0]  }
0x8f: {  	s13 =	sadd.s32 $0x4, s13;
	v9 =	vld [tilespmem:s15+$0x1F0];
	[tilespmem:s12+$0x1C0] =	vst v7;
	v2 =	vsub.f32 v2, v5  }
0x90: {  	p2 =	slt.u32 s13, $0x3C;
	v5 =	vld [tilespmem:s15+$0x0]  }
0x91: {  	v7 =	vld [tilespmem:s15+$0xFFFFE010];
	[tilespmem:s12+$0x1D0] =	vst v2;
	v2 =	vsub.f32 v3, v6  }
0x92: {  	v3 =	vld [tilespmem:s15+$0x10];
	v10 =	vsub.f32 v4, v1  }
0x93: {  	v4 =	vld [tilespmem:s15+$0xFFFFE020];
	[tilespmem:s12+$0x1E0] =	vst v2  }
0x94: {  	v2 =	vld [tilespmem:s15+$0x20];
	v6 =	vsub.f32 v8, v9;
	[tilespmem:s12+$0x0] =	vst v10;
	s12 =	smov.u32 s15  }
0x95: {  	v8 =	vld [tilespmem:s15+$0xFFFFE030];
	v1 =	vmov v5  }
0x96: {  	v5 =	vld [tilespmem:s15+$0x30];
	[tilespmem:s15+$0x1F0] =	vst v6  }
0x97: {  	v3 =	vsub.f32 v7, v3;
	v6 =	vld [tilespmem:s15+$0xFFFFE040]  }
0x98: {  	v7 =	vld [tilespmem:s15+$0x40]  }
0x99: {  	[tilespmem:s15+$0x10] =	vst v3;
	v2 =	vsub.f32 v4, v2;
	v3 =	vld [tilespmem:s15+$0xFFFFE050]  }
0x9a: {  	v4 =	vld [tilespmem:s15+$0x50]  }
0x9b: {  	[tilespmem:s15+$0x20] =	vst v2;
	v2 =	vsub.f32 v8, v5;
	v5 =	vld [tilespmem:s15+$0xFFFFE060]  }
0x9c: {  	v8 =	vld [tilespmem:s15+$0x60]  }
0x9d: {  	[tilespmem:s15+$0x30] =	vst v2;
	v2 =	vsub.f32 v6, v7;
	v6 =	vld [tilespmem:s15+$0xFFFFE070]  }
0x9e: {  	v7 =	vld [tilespmem:s15+$0x70]  }
0x9f: {  	[tilespmem:s15+$0x40] =	vst v2;
	v2 =	vsub.f32 v3, v4;
	v3 =	vld [tilespmem:s15+$0xFFFFE080]  }
0xa0: {  	v4 =	vld [tilespmem:s15+$0x80]  }
0xa1: {  	[tilespmem:s15+$0x50] =	vst v2;
	v2 =	vsub.f32 v5, v8;
	v5 =	vld [tilespmem:s15+$0xFFFFE090]  }
0xa2: {  	v8 =	vld [tilespmem:s15+$0x90]  }
0xa3: {  	[tilespmem:s15+$0x60] =	vst v2;
	v2 =	vsub.f32 v6, v7;
	v6 =	vld [tilespmem:s15+$0xFFFFE0A0]  }
0xa4: {  	v7 =	vld [tilespmem:s15+$0xA0]  }
0xa5: {  	[tilespmem:s15+$0x70] =	vst v2;
	v2 =	vsub.f32 v3, v4;
	v3 =	vld [tilespmem:s15+$0xFFFFE0B0]  }
0xa6: {  	v4 =	vld [tilespmem:s15+$0xB0]  }
0xa7: {  	[tilespmem:s15+$0x80] =	vst v2;
	v2 =	vsub.f32 v5, v8;
	v5 =	vld [tilespmem:s15+$0xFFFFE0C0]  }
0xa8: {  	v8 =	vld [tilespmem:s15+$0xC0]  }
0xa9: {  	[tilespmem:s15+$0x90] =	vst v2;
	v2 =	vsub.f32 v6, v7;
	v6 =	vld [tilespmem:s15+$0xFFFFE0D0]  }
0xaa: {  	v7 =	vld [tilespmem:s15+$0xD0]  }
0xab: {  	[tilespmem:s15+$0xA0] =	vst v2;
	v2 =	vsub.f32 v3, v4;
	v3 =	vld [tilespmem:s15+$0xFFFFE0E0]  }
0xac: {  	v4 =	vld [tilespmem:s15+$0xE0]  }
0xad: {  	[tilespmem:s15+$0xB0] =	vst v2;
	v2 =	vsub.f32 v5, v8;
	v5 =	vld [tilespmem:s15+$0xFFFFE0F0]  }
0xae: {  	v8 =	vld [tilespmem:s15+$0xF0]  }
0xaf: {  	[tilespmem:s15+$0xC0] =	vst v2;
	v2 =	vsub.f32 v6, v7;
	v6 =	vld [tilespmem:s15+$0xFFFFE100]  }
0xb0: {  	v7 =	vld [tilespmem:s15+$0x100]  }
0xb1: {  	[tilespmem:s15+$0xD0] =	vst v2;
	v2 =	vsub.f32 v3, v4;
	v3 =	vld [tilespmem:s15+$0xFFFFE110]  }
0xb2: {  	v4 =	vld [tilespmem:s15+$0x110]  }
0xb3: {  	[tilespmem:s15+$0xE0] =	vst v2;
	v2 =	vsub.f32 v5, v8;
	v5 =	vld [tilespmem:s15+$0xFFFFE120]  }
0xb4: {  	v8 =	vld [tilespmem:s15+$0x120]  }
0xb5: {  	[tilespmem:s15+$0xF0] =	vst v2;
	v2 =	vsub.f32 v6, v7;
	v6 =	vld [tilespmem:s15+$0xFFFFE130]  }
0xb6: {  	v7 =	vld [tilespmem:s15+$0x130]  }
0xb7: {  	[tilespmem:s15+$0x100] =	vst v2;
	v2 =	vsub.f32 v3, v4;
	v3 =	vld [tilespmem:s15+$0xFFFFE140]  }
0xb8: {  	v4 =	vld [tilespmem:s15+$0x140]  }
0xb9: {  	[tilespmem:s15+$0x110] =	vst v2;
	v2 =	vsub.f32 v5, v8;
	v5 =	vld [tilespmem:s15+$0xFFFFE150]  }
0xba: {  	v8 =	vld [tilespmem:s15+$0x150]  }
0xbb: {  	[tilespmem:s15+$0x120] =	vst v2;
	v2 =	vsub.f32 v6, v7;
	v6 =	vld [tilespmem:s15+$0xFFFFE160]  }
0xbc: {  	v7 =	vld [tilespmem:s15+$0x160]  }
0xbd: {  	[tilespmem:s15+$0x130] =	vst v2;
	v2 =	vsub.f32 v3, v4;
	v3 =	vld [tilespmem:s15+$0xFFFFE170]  }
0xbe: {  	v4 =	vld [tilespmem:s15+$0x170]  }
0xbf: {  	[tilespmem:s15+$0x140] =	vst v2;
	v2 =	vsub.f32 v5, v8;
	v5 =	vld [tilespmem:s15+$0xFFFFE180]  }
0xc0: {  	v8 =	vld [tilespmem:s15+$0x180]  }
0xc1: {  	[tilespmem:s15+$0x150] =	vst v2;
	v2 =	vsub.f32 v6, v7;
	v6 =	vld [tilespmem:s15+$0xFFFFE190]  }
0xc2: {  	v7 =	vld [tilespmem:s15+$0x190]  }
0xc3: {  	[tilespmem:s15+$0x160] =	vst v2;
	v2 =	vsub.f32 v3, v4;
	v3 =	vld [tilespmem:s15+$0xFFFFE1A0]  }
0xc4: {  	v4 =	vld [tilespmem:s15+$0x1A0]  }
0xc5: {  	[tilespmem:s15+$0x170] =	vst v2;
	v2 =	vsub.f32 v5, v8;
	v8 =	vld [tilespmem:s15+$0xFFFFE1B0]  }
0xc6: {  	v9 =	vld [tilespmem:s15+$0x1B0]  }
0xc7: {  	[tilespmem:s15+$0x180] =	vst v2;
	v2 =	vsub.f32 v6, v7;
	v7 =	vld [tilespmem:s15+$0xFFFFE1C0]  }
0xc8: {  	v10 =	vld [tilespmem:s15+$0x1C0]  }
.Ltmp1:
0xc9: {  	[tilespmem:s15+$0x190] =	vst v2;
	v3 =	vsub.f32 v3, v4;
	v2 =	vld [tilespmem:s15+$0xFFFFE1D0];
	(pc) =	sbr.rel @p2 .LBB2_4-.Ltmp1, $4  }
0xca: {  	v5 =	vld [tilespmem:s15+$0x1D0]  }
0xcb: {  	[tilespmem:s15+$0x1A0] =	vst v3;
	v8 =	vsub.f32 v8, v9;
	v3 =	vld [tilespmem:s15+$0xFFFFE1E0]  }
0xcc: {  	v6 =	vld [tilespmem:s15+$0x1E0]  }
0xcd: {  	s15 =	sadd.s32 $0x200, s15;
	v4 =	vld [tilespmem:s12+$0xFFFFE000];
	[tilespmem:s12+$0x1B0] =	vst v8;
	v7 =	vsub.f32 v7, v10  }
0xce: {  	_ =	sdelay $0x1  }
0xcf: {  	v2 =	vsub.f32 v2, v5  }
0xd0: {  	[tilespmem:s12+$0x1C0] =	vst v7;
	v3 =	vsub.f32 v3, v6  }
0xd1: {  	[tilespmem:s12+$0x1D0] =	vst v2;
	v1 =	vsub.f32 v4, v1  }
0xd2: {  	[tilespmem:s12+$0x1E0] =	vst v3  }
0xd3: {  	[tilespmem:s12+$0x0] =	vst v1  }
0xd4: {  	[spmem:s2] =	stream.indirect.scatter.add.f32 [tilespmem:s30], [sflag:$0x3], $0x80, s23, s29, $0xb8;
	[tilespmem:$0x1FD00] =	vst v63  }
0xd5: {  	_ =	swait.ge [sflag:s31], $0x2000  }
0xd6: {  	[sflag:s31] =	ssyncset.done $0x0  }
0xd7: {  	s16 =	rddreg [dreg:$0x7];
	[sflag:s31] =	ssyncadd.s32 $0xFFFFE000  }
0xd8: {  	[tilespmem:s23], [sflag:$0x1] =	stream.linear.gather [hbm4b:s16+s3], $0x40, $0x38;
	[tilespmem:$0x1FD00] =	vst v63  }
0xd9: {  	s17 =	simm.s32 $0x100  }
0xda: {  	[tilespmem:s21], [sflag:$0x1] =	stream.indirect.gather [hbm4b:s4+s24], $0x80, s17, s24, $0xb8;
	[tilespmem:$0x1FD00] =	vst v63  }
0xdb: {  	_ =	swait.ge [sflag:s0], $0x40  }
0xdc: {  	[sflag:s0] =	ssyncset.done $0x0  }
0xdd: {  	[sflag:s0] =	ssyncadd.s32 $0xFFFFFFC0  }
0xde: {  	_ =	swait.ge [sflag:s0], $0x4000  }
0xdf: {  	[sflag:s0] =	ssyncset.done $0x0  }
0xe0: {  	s12 =	simm.s32 $0x9D00;
	[sflag:s0] =	ssyncadd.s32 $0xFFFFC000  }
0xe1: {  	v2 =	vld [tilespmem:s12+$0xFFFFE1F0]  }
0xe2: {  	v3 =	vld [tilespmem:s12+$0x1F0]  }
0xe3: {  	v1 =	vld [tilespmem:s12+$0x0]  }
0xe4: {  	v4 =	vld [tilespmem:s12+$0xFFFFE010]  }
0xe5: {  	v5 =	vld [tilespmem:s12+$0x10]  }
0xe6: {  	v6 =	vld [tilespmem:s12+$0xFFFFE020]  }
0xe7: {  	v7 =	vld [tilespmem:s12+$0x20]  }
0xe8: {  	v8 =	vld [tilespmem:s12+$0x30]  }
0xe9: {  	v9 =	vld [tilespmem:s12+$0x1B0];
	v2 =	vsub.f32 v2, v3  }
0xea: {  	v3 =	vld [tilespmem:s12+$0xFFFFE030]  }
0xeb: {  	[tilespmem:s12+$0x1F0] =	vst v2;
	v2 =	vsub.f32 v4, v5;
	v4 =	vld [tilespmem:s12+$0xFFFFE040]  }
0xec: {  	v5 =	vld [tilespmem:s12+$0x40]  }
0xed: {  	[tilespmem:s12+$0x10] =	vst v2;
	v2 =	vsub.f32 v6, v7;
	v6 =	vld [tilespmem:s12+$0xFFFFE050]  }
0xee: {  	v7 =	vld [tilespmem:s12+$0x50]  }
0xef: {  	[tilespmem:s12+$0x20] =	vst v2;
	v2 =	vsub.f32 v3, v8;
	v3 =	vld [tilespmem:s12+$0xFFFFE060]  }
0xf0: {  	v8 =	vld [tilespmem:s12+$0x60]  }
0xf1: {  	[tilespmem:s12+$0x30] =	vst v2;
	v2 =	vsub.f32 v4, v5;
	v4 =	vld [tilespmem:s12+$0xFFFFE070]  }
0xf2: {  	v5 =	vld [tilespmem:s12+$0x70]  }
0xf3: {  	[tilespmem:s12+$0x40] =	vst v2;
	v2 =	vsub.f32 v6, v7;
	v6 =	vld [tilespmem:s12+$0xFFFFE080]  }
0xf4: {  	v7 =	vld [tilespmem:s12+$0x80]  }
0xf5: {  	[tilespmem:s12+$0x50] =	vst v2;
	v2 =	vsub.f32 v3, v8;
	v3 =	vld [tilespmem:s12+$0xFFFFE090]  }
0xf6: {  	v8 =	vld [tilespmem:s12+$0x90]  }
0xf7: {  	[tilespmem:s12+$0x60] =	vst v2;
	v2 =	vsub.f32 v4, v5;
	v4 =	vld [tilespmem:s12+$0xFFFFE0A0]  }
0xf8: {  	v5 =	vld [tilespmem:s12+$0xA0]  }
0xf9: {  	[tilespmem:s12+$0x70] =	vst v2;
	v2 =	vsub.f32 v6, v7;
	v6 =	vld [tilespmem:s12+$0xFFFFE0B0]  }
0xfa: {  	v7 =	vld [tilespmem:s12+$0xB0]  }
0xfb: {  	[tilespmem:s12+$0x80] =	vst v2;
	v2 =	vsub.f32 v3, v8;
	v3 =	vld [tilespmem:s12+$0xFFFFE0C0]  }
0xfc: {  	v8 =	vld [tilespmem:s12+$0xC0]  }
0xfd: {  	[tilespmem:s12+$0x90] =	vst v2;
	v2 =	vsub.f32 v4, v5;
	v4 =	vld [tilespmem:s12+$0xFFFFE0D0]  }
0xfe: {  	v5 =	vld [tilespmem:s12+$0xD0]  }
0xff: {  	[tilespmem:s12+$0xA0] =	vst v2;
	v2 =	vsub.f32 v6, v7;
	v6 =	vld [tilespmem:s12+$0xFFFFE0E0]  }
0x100: {  	v7 =	vld [tilespmem:s12+$0xE0]  }
0x101: {  	[tilespmem:s12+$0xB0] =	vst v2;
	v2 =	vsub.f32 v3, v8;
	v3 =	vld [tilespmem:s12+$0xFFFFE0F0]  }
0x102: {  	v8 =	vld [tilespmem:s12+$0xF0]  }
0x103: {  	[tilespmem:s12+$0xC0] =	vst v2;
	v2 =	vsub.f32 v4, v5;
	v4 =	vld [tilespmem:s12+$0xFFFFE100]  }
0x104: {  	v5 =	vld [tilespmem:s12+$0x100]  }
0x105: {  	[tilespmem:s12+$0xD0] =	vst v2;
	v2 =	vsub.f32 v6, v7;
	v6 =	vld [tilespmem:s12+$0xFFFFE110]  }
0x106: {  	v7 =	vld [tilespmem:s12+$0x110]  }
0x107: {  	[tilespmem:s12+$0xE0] =	vst v2;
	v2 =	vsub.f32 v3, v8;
	v3 =	vld [tilespmem:s12+$0xFFFFE120]  }
0x108: {  	v8 =	vld [tilespmem:s12+$0x120]  }
0x109: {  	[tilespmem:s12+$0xF0] =	vst v2;
	v2 =	vsub.f32 v4, v5;
	v4 =	vld [tilespmem:s12+$0xFFFFE130]  }
0x10a: {  	v5 =	vld [tilespmem:s12+$0x130]  }
0x10b: {  	[tilespmem:s12+$0x100] =	vst v2;
	v2 =	vsub.f32 v6, v7;
	v6 =	vld [tilespmem:s12+$0xFFFFE140]  }
0x10c: {  	v7 =	vld [tilespmem:s12+$0x140]  }
0x10d: {  	[tilespmem:s12+$0x110] =	vst v2;
	v2 =	vsub.f32 v3, v8;
	v3 =	vld [tilespmem:s12+$0xFFFFE150]  }
0x10e: {  	v8 =	vld [tilespmem:s12+$0x150]  }
0x10f: {  	[tilespmem:s12+$0x120] =	vst v2;
	v2 =	vsub.f32 v4, v5;
	v4 =	vld [tilespmem:s12+$0xFFFFE160]  }
0x110: {  	v5 =	vld [tilespmem:s12+$0x160]  }
0x111: {  	[tilespmem:s12+$0x130] =	vst v2;
	v2 =	vsub.f32 v6, v7;
	v6 =	vld [tilespmem:s12+$0xFFFFE170]  }
0x112: {  	v7 =	vld [tilespmem:s12+$0x170]  }
0x113: {  	[tilespmem:s12+$0x140] =	vst v2;
	v2 =	vsub.f32 v3, v8;
	v3 =	vld [tilespmem:s12+$0xFFFFE180]  }
0x114: {  	v8 =	vld [tilespmem:s12+$0x180]  }
0x115: {  	[tilespmem:s12+$0x150] =	vst v2;
	v2 =	vsub.f32 v4, v5;
	v4 =	vld [tilespmem:s12+$0xFFFFE190]  }
0x116: {  	v5 =	vld [tilespmem:s12+$0x190]  }
0x117: {  	[tilespmem:s12+$0x160] =	vst v2;
	v2 =	vsub.f32 v6, v7;
	v6 =	vld [tilespmem:s12+$0xFFFFE1A0]  }
0x118: {  	v7 =	vld [tilespmem:s12+$0x1A0]  }
0x119: {  	[tilespmem:s12+$0x170] =	vst v2;
	v2 =	vsub.f32 v3, v8;
	v8 =	vld [tilespmem:s12+$0xFFFFE1B0]  }
0x11a: {  	v10 =	vld [tilespmem:s12+$0xFFFFE1C0]  }
0x11b: {  	v11 =	vld [tilespmem:s12+$0x1C0];
	[tilespmem:s12+$0x180] =	vst v2;
	v2 =	vsub.f32 v4, v5  }
0x11c: {  	v5 =	vld [tilespmem:s12+$0x1D0]  }
0x11d: {  	v3 =	vsub.f32 v6, v7;
	[tilespmem:s12+$0x190] =	vst v2;
	v2 =	vld [tilespmem:s12+$0xFFFFE1D0]  }
0x11e: {  	v6 =	vld [tilespmem:s12+$0x1E0];
	v7 =	vsub.f32 v8, v9  }
0x11f: {  	[tilespmem:s12+$0x1A0] =	vst v3;
	v3 =	vld [tilespmem:s12+$0xFFFFE1E0]  }
0x120: {  	s13 =	simm.s32 $0x0;
	s15 =	simm.s32 $0x9F00;
	v4 =	vld [tilespmem:s12+$0xFFFFE000];
	[tilespmem:s12+$0x1B0] =	vst v7;
	v7 =	vsub.f32 v10, v11  }
.LBB2_6:
0x121: {  	v8 =	vld [tilespmem:s15+$0xFFFFE1F0]  }
0x122: {  	s13 =	sadd.s32 $0x4, s13;
	v9 =	vld [tilespmem:s15+$0x1F0];
	[tilespmem:s12+$0x1C0] =	vst v7;
	v2 =	vsub.f32 v2, v5  }
0x123: {  	p2 =	slt.u32 s13, $0x3C;
	v5 =	vld [tilespmem:s15+$0x0]  }
0x124: {  	v7 =	vld [tilespmem:s15+$0xFFFFE010];
	[tilespmem:s12+$0x1D0] =	vst v2;
	v2 =	vsub.f32 v3, v6  }
0x125: {  	v3 =	vld [tilespmem:s15+$0x10];
	v10 =	vsub.f32 v4, v1  }
0x126: {  	v4 =	vld [tilespmem:s15+$0xFFFFE020];
	[tilespmem:s12+$0x1E0] =	vst v2  }
0x127: {  	v2 =	vld [tilespmem:s15+$0x20];
	v6 =	vsub.f32 v8, v9;
	[tilespmem:s12+$0x0] =	vst v10;
	s12 =	smov.u32 s15  }
0x128: {  	v8 =	vld [tilespmem:s15+$0xFFFFE030];
	v1 =	vmov v5  }
0x129: {  	v5 =	vld [tilespmem:s15+$0x30];
	[tilespmem:s15+$0x1F0] =	vst v6  }
0x12a: {  	v3 =	vsub.f32 v7, v3;
	v6 =	vld [tilespmem:s15+$0xFFFFE040]  }
0x12b: {  	v7 =	vld [tilespmem:s15+$0x40]  }
0x12c: {  	[tilespmem:s15+$0x10] =	vst v3;
	v2 =	vsub.f32 v4, v2;
	v3 =	vld [tilespmem:s15+$0xFFFFE050]  }
0x12d: {  	v4 =	vld [tilespmem:s15+$0x50]  }
0x12e: {  	[tilespmem:s15+$0x20] =	vst v2;
	v2 =	vsub.f32 v8, v5;
	v5 =	vld [tilespmem:s15+$0xFFFFE060]  }
0x12f: {  	v8 =	vld [tilespmem:s15+$0x60]  }
0x130: {  	[tilespmem:s15+$0x30] =	vst v2;
	v2 =	vsub.f32 v6, v7;
	v6 =	vld [tilespmem:s15+$0xFFFFE070]  }
0x131: {  	v7 =	vld [tilespmem:s15+$0x70]  }
0x132: {  	[tilespmem:s15+$0x40] =	vst v2;
	v2 =	vsub.f32 v3, v4;
	v3 =	vld [tilespmem:s15+$0xFFFFE080]  }
0x133: {  	v4 =	vld [tilespmem:s15+$0x80]  }
0x134: {  	[tilespmem:s15+$0x50] =	vst v2;
	v2 =	vsub.f32 v5, v8;
	v5 =	vld [tilespmem:s15+$0xFFFFE090]  }
0x135: {  	v8 =	vld [tilespmem:s15+$0x90]  }
0x136: {  	[tilespmem:s15+$0x60] =	vst v2;
	v2 =	vsub.f32 v6, v7;
	v6 =	vld [tilespmem:s15+$0xFFFFE0A0]  }
0x137: {  	v7 =	vld [tilespmem:s15+$0xA0]  }
0x138: {  	[tilespmem:s15+$0x70] =	vst v2;
	v2 =	vsub.f32 v3, v4;
	v3 =	vld [tilespmem:s15+$0xFFFFE0B0]  }
0x139: {  	v4 =	vld [tilespmem:s15+$0xB0]  }
0x13a: {  	[tilespmem:s15+$0x80] =	vst v2;
	v2 =	vsub.f32 v5, v8;
	v5 =	vld [tilespmem:s15+$0xFFFFE0C0]  }
0x13b: {  	v8 =	vld [tilespmem:s15+$0xC0]  }
0x13c: {  	[tilespmem:s15+$0x90] =	vst v2;
	v2 =	vsub.f32 v6, v7;
	v6 =	vld [tilespmem:s15+$0xFFFFE0D0]  }
0x13d: {  	v7 =	vld [tilespmem:s15+$0xD0]  }
0x13e: {  	[tilespmem:s15+$0xA0] =	vst v2;
	v2 =	vsub.f32 v3, v4;
	v3 =	vld [tilespmem:s15+$0xFFFFE0E0]  }
0x13f: {  	v4 =	vld [tilespmem:s15+$0xE0]  }
0x140: {  	[tilespmem:s15+$0xB0] =	vst v2;
	v2 =	vsub.f32 v5, v8;
	v5 =	vld [tilespmem:s15+$0xFFFFE0F0]  }
0x141: {  	v8 =	vld [tilespmem:s15+$0xF0]  }
0x142: {  	[tilespmem:s15+$0xC0] =	vst v2;
	v2 =	vsub.f32 v6, v7;
	v6 =	vld [tilespmem:s15+$0xFFFFE100]  }
0x143: {  	v7 =	vld [tilespmem:s15+$0x100]  }
0x144: {  	[tilespmem:s15+$0xD0] =	vst v2;
	v2 =	vsub.f32 v3, v4;
	v3 =	vld [tilespmem:s15+$0xFFFFE110]  }
0x145: {  	v4 =	vld [tilespmem:s15+$0x110]  }
0x146: {  	[tilespmem:s15+$0xE0] =	vst v2;
	v2 =	vsub.f32 v5, v8;
	v5 =	vld [tilespmem:s15+$0xFFFFE120]  }
0x147: {  	v8 =	vld [tilespmem:s15+$0x120]  }
0x148: {  	[tilespmem:s15+$0xF0] =	vst v2;
	v2 =	vsub.f32 v6, v7;
	v6 =	vld [tilespmem:s15+$0xFFFFE130]  }
0x149: {  	v7 =	vld [tilespmem:s15+$0x130]  }
0x14a: {  	[tilespmem:s15+$0x100] =	vst v2;
	v2 =	vsub.f32 v3, v4;
	v3 =	vld [tilespmem:s15+$0xFFFFE140]  }
0x14b: {  	v4 =	vld [tilespmem:s15+$0x140]  }
0x14c: {  	[tilespmem:s15+$0x110] =	vst v2;
	v2 =	vsub.f32 v5, v8;
	v5 =	vld [tilespmem:s15+$0xFFFFE150]  }
0x14d: {  	v8 =	vld [tilespmem:s15+$0x150]  }
0x14e: {  	[tilespmem:s15+$0x120] =	vst v2;
	v2 =	vsub.f32 v6, v7;
	v6 =	vld [tilespmem:s15+$0xFFFFE160]  }
0x14f: {  	v7 =	vld [tilespmem:s15+$0x160]  }
0x150: {  	[tilespmem:s15+$0x130] =	vst v2;
	v2 =	vsub.f32 v3, v4;
	v3 =	vld [tilespmem:s15+$0xFFFFE170]  }
0x151: {  	v4 =	vld [tilespmem:s15+$0x170]  }
0x152: {  	[tilespmem:s15+$0x140] =	vst v2;
	v2 =	vsub.f32 v5, v8;
	v5 =	vld [tilespmem:s15+$0xFFFFE180]  }
0x153: {  	v8 =	vld [tilespmem:s15+$0x180]  }
0x154: {  	[tilespmem:s15+$0x150] =	vst v2;
	v2 =	vsub.f32 v6, v7;
	v6 =	vld [tilespmem:s15+$0xFFFFE190]  }
0x155: {  	v7 =	vld [tilespmem:s15+$0x190]  }
0x156: {  	[tilespmem:s15+$0x160] =	vst v2;
	v2 =	vsub.f32 v3, v4;
	v3 =	vld [tilespmem:s15+$0xFFFFE1A0]  }
0x157: {  	v4 =	vld [tilespmem:s15+$0x1A0]  }
0x158: {  	[tilespmem:s15+$0x170] =	vst v2;
	v2 =	vsub.f32 v5, v8;
	v8 =	vld [tilespmem:s15+$0xFFFFE1B0]  }
0x159: {  	v9 =	vld [tilespmem:s15+$0x1B0]  }
0x15a: {  	[tilespmem:s15+$0x180] =	vst v2;
	v2 =	vsub.f32 v6, v7;
	v7 =	vld [tilespmem:s15+$0xFFFFE1C0]  }
0x15b: {  	v10 =	vld [tilespmem:s15+$0x1C0]  }
.Ltmp2:
0x15c: {  	[tilespmem:s15+$0x190] =	vst v2;
	v3 =	vsub.f32 v3, v4;
	v2 =	vld [tilespmem:s15+$0xFFFFE1D0];
	(pc) =	sbr.rel @p2 .LBB2_6-.Ltmp2, $4  }
0x15d: {  	v5 =	vld [tilespmem:s15+$0x1D0]  }
0x15e: {  	[tilespmem:s15+$0x1A0] =	vst v3;
	v8 =	vsub.f32 v8, v9;
	v3 =	vld [tilespmem:s15+$0xFFFFE1E0]  }
0x15f: {  	v6 =	vld [tilespmem:s15+$0x1E0]  }
0x160: {  	s15 =	sadd.s32 $0x200, s15;
	v4 =	vld [tilespmem:s12+$0xFFFFE000];
	[tilespmem:s12+$0x1B0] =	vst v8;
	v7 =	vsub.f32 v7, v10  }
0x161: {  	_ =	sdelay $0x1  }
0x162: {  	v2 =	vsub.f32 v2, v5  }
0x163: {  	[tilespmem:s12+$0x1C0] =	vst v7;
	v3 =	vsub.f32 v3, v6  }
0x164: {  	[tilespmem:s12+$0x1D0] =	vst v2;
	v1 =	vsub.f32 v4, v1  }
0x165: {  	[tilespmem:s12+$0x1E0] =	vst v3  }
0x166: {  	[tilespmem:s12+$0x0] =	vst v1;
	s12 =	simm.s32 $0x1  }
0x167: {  	[spmem:s2] =	stream.indirect.scatter.add.f32 [tilespmem:s1], [sflag:$0x4], $0x80, s25, s29, $0xb8;
	[tilespmem:$0x1FD00] =	vst v63  }
.LBB2_8:
0x168: {  	s13 =	sshllo.u32 s12, $0x1  }
0x169: {  	_ =	swait.ge [sflag:s8], $0x2000;
	s15 =	sadd.s32 s6, s13  }
0x16a: {  	[sflag:s8] =	ssyncset.done $0x0;
	s15 =	sshll.u32 s15, $0x3  }
0x16b: {  	s13 =	sshll.u32 s13, $0x9;
	[sflag:s8] =	ssyncadd.s32 $0xFFFFE000;
	s15 =	sadd.s32 s5, s15  }
0x16c: {  	[tilespmem:s25], [sflag:$0x2] =	stream.linear.gather [hbm4b:s15+s3], $0x40, $0x38;
	[tilespmem:$0x1FD00] =	vst v63  }
0x16d: {  	s13 =	sshra.s32 s13, $0x2  }
0x16e: {  	[tilespmem:s26], [sflag:$0x2] =	stream.indirect.gather [hbm4b:s4+s24], $0x80, s13, s24, $0xb8;
	[tilespmem:$0x1FD00] =	vst v63  }
0x16f: {  	_ =	swait.ge [sflag:s28], $0x40  }
0x170: {  	[sflag:s28] =	ssyncset.done $0x0  }
0x171: {  	[sflag:s28] =	ssyncadd.s32 $0xFFFFFFC0  }
0x172: {  	_ =	swait.ge [sflag:s28], $0x4000  }
0x173: {  	[sflag:s28] =	ssyncset.done $0x0  }
0x174: {  	s13 =	simm.s32 $0x5C80;
	[sflag:s28] =	ssyncadd.s32 $0xFFFFC000  }
0x175: {  	v2 =	vld [tilespmem:s13+$0xFFFFE1F0]  }
0x176: {  	v3 =	vld [tilespmem:s13+$0x1F0]  }
0x177: {  	v1 =	vld [tilespmem:s13+$0x0]  }
0x178: {  	v4 =	vld [tilespmem:s13+$0xFFFFE010]  }
0x179: {  	v5 =	vld [tilespmem:s13+$0x10]  }
0x17a: {  	v6 =	vld [tilespmem:s13+$0xFFFFE020]  }
0x17b: {  	v7 =	vld [tilespmem:s13+$0x20]  }
0x17c: {  	v8 =	vld [tilespmem:s13+$0x30]  }
0x17d: {  	v9 =	vld [tilespmem:s13+$0x1B0];
	v2 =	vsub.f32 v2, v3  }
0x17e: {  	v3 =	vld [tilespmem:s13+$0xFFFFE030]  }
0x17f: {  	[tilespmem:s13+$0x1F0] =	vst v2;
	v2 =	vsub.f32 v4, v5;
	v4 =	vld [tilespmem:s13+$0xFFFFE040]  }
0x180: {  	v5 =	vld [tilespmem:s13+$0x40]  }
0x181: {  	[tilespmem:s13+$0x10] =	vst v2;
	v2 =	vsub.f32 v6, v7;
	v6 =	vld [tilespmem:s13+$0xFFFFE050]  }
0x182: {  	v7 =	vld [tilespmem:s13+$0x50]  }
0x183: {  	[tilespmem:s13+$0x20] =	vst v2;
	v2 =	vsub.f32 v3, v8;
	v3 =	vld [tilespmem:s13+$0xFFFFE060]  }
0x184: {  	v8 =	vld [tilespmem:s13+$0x60]  }
0x185: {  	[tilespmem:s13+$0x30] =	vst v2;
	v2 =	vsub.f32 v4, v5;
	v4 =	vld [tilespmem:s13+$0xFFFFE070]  }
0x186: {  	v5 =	vld [tilespmem:s13+$0x70]  }
0x187: {  	[tilespmem:s13+$0x40] =	vst v2;
	v2 =	vsub.f32 v6, v7;
	v6 =	vld [tilespmem:s13+$0xFFFFE080]  }
0x188: {  	v7 =	vld [tilespmem:s13+$0x80]  }
0x189: {  	[tilespmem:s13+$0x50] =	vst v2;
	v2 =	vsub.f32 v3, v8;
	v3 =	vld [tilespmem:s13+$0xFFFFE090]  }
0x18a: {  	v8 =	vld [tilespmem:s13+$0x90]  }
0x18b: {  	[tilespmem:s13+$0x60] =	vst v2;
	v2 =	vsub.f32 v4, v5;
	v4 =	vld [tilespmem:s13+$0xFFFFE0A0]  }
0x18c: {  	v5 =	vld [tilespmem:s13+$0xA0]  }
0x18d: {  	[tilespmem:s13+$0x70] =	vst v2;
	v2 =	vsub.f32 v6, v7;
	v6 =	vld [tilespmem:s13+$0xFFFFE0B0]  }
0x18e: {  	v7 =	vld [tilespmem:s13+$0xB0]  }
0x18f: {  	[tilespmem:s13+$0x80] =	vst v2;
	v2 =	vsub.f32 v3, v8;
	v3 =	vld [tilespmem:s13+$0xFFFFE0C0]  }
0x190: {  	v8 =	vld [tilespmem:s13+$0xC0]  }
0x191: {  	[tilespmem:s13+$0x90] =	vst v2;
	v2 =	vsub.f32 v4, v5;
	v4 =	vld [tilespmem:s13+$0xFFFFE0D0]  }
0x192: {  	v5 =	vld [tilespmem:s13+$0xD0]  }
0x193: {  	[tilespmem:s13+$0xA0] =	vst v2;
	v2 =	vsub.f32 v6, v7;
	v6 =	vld [tilespmem:s13+$0xFFFFE0E0]  }
0x194: {  	v7 =	vld [tilespmem:s13+$0xE0]  }
0x195: {  	[tilespmem:s13+$0xB0] =	vst v2;
	v2 =	vsub.f32 v3, v8;
	v3 =	vld [tilespmem:s13+$0xFFFFE0F0]  }
0x196: {  	v8 =	vld [tilespmem:s13+$0xF0]  }
0x197: {  	[tilespmem:s13+$0xC0] =	vst v2;
	v2 =	vsub.f32 v4, v5;
	v4 =	vld [tilespmem:s13+$0xFFFFE100]  }
0x198: {  	v5 =	vld [tilespmem:s13+$0x100]  }
0x199: {  	[tilespmem:s13+$0xD0] =	vst v2;
	v2 =	vsub.f32 v6, v7;
	v6 =	vld [tilespmem:s13+$0xFFFFE110]  }
0x19a: {  	v7 =	vld [tilespmem:s13+$0x110]  }
0x19b: {  	[tilespmem:s13+$0xE0] =	vst v2;
	v2 =	vsub.f32 v3, v8;
	v3 =	vld [tilespmem:s13+$0xFFFFE120]  }
0x19c: {  	v8 =	vld [tilespmem:s13+$0x120]  }
0x19d: {  	[tilespmem:s13+$0xF0] =	vst v2;
	v2 =	vsub.f32 v4, v5;
	v4 =	vld [tilespmem:s13+$0xFFFFE130]  }
0x19e: {  	v5 =	vld [tilespmem:s13+$0x130]  }
0x19f: {  	[tilespmem:s13+$0x100] =	vst v2;
	v2 =	vsub.f32 v6, v7;
	v6 =	vld [tilespmem:s13+$0xFFFFE140]  }
0x1a0: {  	v7 =	vld [tilespmem:s13+$0x140]  }
0x1a1: {  	[tilespmem:s13+$0x110] =	vst v2;
	v2 =	vsub.f32 v3, v8;
	v3 =	vld [tilespmem:s13+$0xFFFFE150]  }
0x1a2: {  	v8 =	vld [tilespmem:s13+$0x150]  }
0x1a3: {  	[tilespmem:s13+$0x120] =	vst v2;
	v2 =	vsub.f32 v4, v5;
	v4 =	vld [tilespmem:s13+$0xFFFFE160]  }
0x1a4: {  	v5 =	vld [tilespmem:s13+$0x160]  }
0x1a5: {  	[tilespmem:s13+$0x130] =	vst v2;
	v2 =	vsub.f32 v6, v7;
	v6 =	vld [tilespmem:s13+$0xFFFFE170]  }
0x1a6: {  	v7 =	vld [tilespmem:s13+$0x170]  }
0x1a7: {  	[tilespmem:s13+$0x140] =	vst v2;
	v2 =	vsub.f32 v3, v8;
	v3 =	vld [tilespmem:s13+$0xFFFFE180]  }
0x1a8: {  	v8 =	vld [tilespmem:s13+$0x180]  }
0x1a9: {  	[tilespmem:s13+$0x150] =	vst v2;
	v2 =	vsub.f32 v4, v5;
	v4 =	vld [tilespmem:s13+$0xFFFFE190]  }
0x1aa: {  	v5 =	vld [tilespmem:s13+$0x190]  }
0x1ab: {  	[tilespmem:s13+$0x160] =	vst v2;
	v2 =	vsub.f32 v6, v7;
	v6 =	vld [tilespmem:s13+$0xFFFFE1A0]  }
0x1ac: {  	v7 =	vld [tilespmem:s13+$0x1A0]  }
0x1ad: {  	[tilespmem:s13+$0x170] =	vst v2;
	v2 =	vsub.f32 v3, v8;
	v8 =	vld [tilespmem:s13+$0xFFFFE1B0]  }
0x1ae: {  	v10 =	vld [tilespmem:s13+$0xFFFFE1C0]  }
0x1af: {  	v11 =	vld [tilespmem:s13+$0x1C0];
	[tilespmem:s13+$0x180] =	vst v2;
	v2 =	vsub.f32 v4, v5  }
0x1b0: {  	v5 =	vld [tilespmem:s13+$0x1D0]  }
0x1b1: {  	v3 =	vsub.f32 v6, v7;
	[tilespmem:s13+$0x190] =	vst v2;
	v2 =	vld [tilespmem:s13+$0xFFFFE1D0]  }
0x1b2: {  	v6 =	vld [tilespmem:s13+$0x1E0];
	v7 =	vsub.f32 v8, v9  }
0x1b3: {  	[tilespmem:s13+$0x1A0] =	vst v3;
	v3 =	vld [tilespmem:s13+$0xFFFFE1E0]  }
0x1b4: {  	s16 =	simm.s32 $0x0;
	s17 =	simm.s32 $0x5E80;
	s15 =	sshll.u32 s12, $0x1;
	v4 =	vld [tilespmem:s13+$0xFFFFE000];
	[tilespmem:s13+$0x1B0] =	vst v7;
	v7 =	vsub.f32 v10, v11  }
.LBB2_9:
0x1b5: {  	v8 =	vld [tilespmem:s17+$0xFFFFE1F0]  }
0x1b6: {  	s16 =	sadd.s32 $0x4, s16;
	v9 =	vld [tilespmem:s17+$0x1F0];
	[tilespmem:s13+$0x1C0] =	vst v7;
	v2 =	vsub.f32 v2, v5  }
0x1b7: {  	p2 =	slt.u32 s16, $0x3C;
	v5 =	vld [tilespmem:s17+$0x0]  }
0x1b8: {  	v7 =	vld [tilespmem:s17+$0xFFFFE010];
	[tilespmem:s13+$0x1D0] =	vst v2;
	v2 =	vsub.f32 v3, v6  }
0x1b9: {  	v3 =	vld [tilespmem:s17+$0x10];
	v10 =	vsub.f32 v4, v1  }
0x1ba: {  	v4 =	vld [tilespmem:s17+$0xFFFFE020];
	[tilespmem:s13+$0x1E0] =	vst v2  }
0x1bb: {  	v2 =	vld [tilespmem:s17+$0x20];
	v6 =	vsub.f32 v8, v9;
	[tilespmem:s13+$0x0] =	vst v10;
	s13 =	smov.u32 s17  }
0x1bc: {  	v8 =	vld [tilespmem:s17+$0xFFFFE030];
	v1 =	vmov v5  }
0x1bd: {  	v5 =	vld [tilespmem:s17+$0x30];
	[tilespmem:s17+$0x1F0] =	vst v6  }
0x1be: {  	v3 =	vsub.f32 v7, v3;
	v6 =	vld [tilespmem:s17+$0xFFFFE040]  }
0x1bf: {  	v7 =	vld [tilespmem:s17+$0x40]  }
0x1c0: {  	[tilespmem:s17+$0x10] =	vst v3;
	v2 =	vsub.f32 v4, v2;
	v3 =	vld [tilespmem:s17+$0xFFFFE050]  }
0x1c1: {  	v4 =	vld [tilespmem:s17+$0x50]  }
0x1c2: {  	[tilespmem:s17+$0x20] =	vst v2;
	v2 =	vsub.f32 v8, v5;
	v5 =	vld [tilespmem:s17+$0xFFFFE060]  }
0x1c3: {  	v8 =	vld [tilespmem:s17+$0x60]  }
0x1c4: {  	[tilespmem:s17+$0x30] =	vst v2;
	v2 =	vsub.f32 v6, v7;
	v6 =	vld [tilespmem:s17+$0xFFFFE070]  }
0x1c5: {  	v7 =	vld [tilespmem:s17+$0x70]  }
0x1c6: {  	[tilespmem:s17+$0x40] =	vst v2;
	v2 =	vsub.f32 v3, v4;
	v3 =	vld [tilespmem:s17+$0xFFFFE080]  }
0x1c7: {  	v4 =	vld [tilespmem:s17+$0x80]  }
0x1c8: {  	[tilespmem:s17+$0x50] =	vst v2;
	v2 =	vsub.f32 v5, v8;
	v5 =	vld [tilespmem:s17+$0xFFFFE090]  }
0x1c9: {  	v8 =	vld [tilespmem:s17+$0x90]  }
0x1ca: {  	[tilespmem:s17+$0x60] =	vst v2;
	v2 =	vsub.f32 v6, v7;
	v6 =	vld [tilespmem:s17+$0xFFFFE0A0]  }
0x1cb: {  	v7 =	vld [tilespmem:s17+$0xA0]  }
0x1cc: {  	[tilespmem:s17+$0x70] =	vst v2;
	v2 =	vsub.f32 v3, v4;
	v3 =	vld [tilespmem:s17+$0xFFFFE0B0]  }
0x1cd: {  	v4 =	vld [tilespmem:s17+$0xB0]  }
0x1ce: {  	[tilespmem:s17+$0x80] =	vst v2;
	v2 =	vsub.f32 v5, v8;
	v5 =	vld [tilespmem:s17+$0xFFFFE0C0]  }
0x1cf: {  	v8 =	vld [tilespmem:s17+$0xC0]  }
0x1d0: {  	[tilespmem:s17+$0x90] =	vst v2;
	v2 =	vsub.f32 v6, v7;
	v6 =	vld [tilespmem:s17+$0xFFFFE0D0]  }
0x1d1: {  	v7 =	vld [tilespmem:s17+$0xD0]  }
0x1d2: {  	[tilespmem:s17+$0xA0] =	vst v2;
	v2 =	vsub.f32 v3, v4;
	v3 =	vld [tilespmem:s17+$0xFFFFE0E0]  }
0x1d3: {  	v4 =	vld [tilespmem:s17+$0xE0]  }
0x1d4: {  	[tilespmem:s17+$0xB0] =	vst v2;
	v2 =	vsub.f32 v5, v8;
	v5 =	vld [tilespmem:s17+$0xFFFFE0F0]  }
0x1d5: {  	v8 =	vld [tilespmem:s17+$0xF0]  }
0x1d6: {  	[tilespmem:s17+$0xC0] =	vst v2;
	v2 =	vsub.f32 v6, v7;
	v6 =	vld [tilespmem:s17+$0xFFFFE100]  }
0x1d7: {  	v7 =	vld [tilespmem:s17+$0x100]  }
0x1d8: {  	[tilespmem:s17+$0xD0] =	vst v2;
	v2 =	vsub.f32 v3, v4;
	v3 =	vld [tilespmem:s17+$0xFFFFE110]  }
0x1d9: {  	v4 =	vld [tilespmem:s17+$0x110]  }
0x1da: {  	[tilespmem:s17+$0xE0] =	vst v2;
	v2 =	vsub.f32 v5, v8;
	v5 =	vld [tilespmem:s17+$0xFFFFE120]  }
0x1db: {  	v8 =	vld [tilespmem:s17+$0x120]  }
0x1dc: {  	[tilespmem:s17+$0xF0] =	vst v2;
	v2 =	vsub.f32 v6, v7;
	v6 =	vld [tilespmem:s17+$0xFFFFE130]  }
0x1dd: {  	v7 =	vld [tilespmem:s17+$0x130]  }
0x1de: {  	[tilespmem:s17+$0x100] =	vst v2;
	v2 =	vsub.f32 v3, v4;
	v3 =	vld [tilespmem:s17+$0xFFFFE140]  }
0x1df: {  	v4 =	vld [tilespmem:s17+$0x140]  }
0x1e0: {  	[tilespmem:s17+$0x110] =	vst v2;
	v2 =	vsub.f32 v5, v8;
	v5 =	vld [tilespmem:s17+$0xFFFFE150]  }
0x1e1: {  	v8 =	vld [tilespmem:s17+$0x150]  }
0x1e2: {  	[tilespmem:s17+$0x120] =	vst v2;
	v2 =	vsub.f32 v6, v7;
	v6 =	vld [tilespmem:s17+$0xFFFFE160]  }
0x1e3: {  	v7 =	vld [tilespmem:s17+$0x160]  }
0x1e4: {  	[tilespmem:s17+$0x130] =	vst v2;
	v2 =	vsub.f32 v3, v4;
	v3 =	vld [tilespmem:s17+$0xFFFFE170]  }
0x1e5: {  	v4 =	vld [tilespmem:s17+$0x170]  }
0x1e6: {  	[tilespmem:s17+$0x140] =	vst v2;
	v2 =	vsub.f32 v5, v8;
	v5 =	vld [tilespmem:s17+$0xFFFFE180]  }
0x1e7: {  	v8 =	vld [tilespmem:s17+$0x180]  }
0x1e8: {  	[tilespmem:s17+$0x150] =	vst v2;
	v2 =	vsub.f32 v6, v7;
	v6 =	vld [tilespmem:s17+$0xFFFFE190]  }
0x1e9: {  	v7 =	vld [tilespmem:s17+$0x190]  }
0x1ea: {  	[tilespmem:s17+$0x160] =	vst v2;
	v2 =	vsub.f32 v3, v4;
	v3 =	vld [tilespmem:s17+$0xFFFFE1A0]  }
0x1eb: {  	v4 =	vld [tilespmem:s17+$0x1A0]  }
0x1ec: {  	[tilespmem:s17+$0x170] =	vst v2;
	v2 =	vsub.f32 v5, v8;
	v8 =	vld [tilespmem:s17+$0xFFFFE1B0]  }
0x1ed: {  	v9 =	vld [tilespmem:s17+$0x1B0]  }
0x1ee: {  	[tilespmem:s17+$0x180] =	vst v2;
	v2 =	vsub.f32 v6, v7;
	v7 =	vld [tilespmem:s17+$0xFFFFE1C0]  }
0x1ef: {  	v10 =	vld [tilespmem:s17+$0x1C0]  }
.Ltmp3:
0x1f0: {  	[tilespmem:s17+$0x190] =	vst v2;
	v3 =	vsub.f32 v3, v4;
	v2 =	vld [tilespmem:s17+$0xFFFFE1D0];
	(pc) =	sbr.rel @p2 .LBB2_9-.Ltmp3, $4  }
0x1f1: {  	v5 =	vld [tilespmem:s17+$0x1D0]  }
0x1f2: {  	[tilespmem:s17+$0x1A0] =	vst v3;
	v8 =	vsub.f32 v8, v9;
	v3 =	vld [tilespmem:s17+$0xFFFFE1E0]  }
0x1f3: {  	v6 =	vld [tilespmem:s17+$0x1E0]  }
0x1f4: {  	s17 =	sadd.s32 $0x200, s17;
	v4 =	vld [tilespmem:s13+$0xFFFFE000];
	[tilespmem:s13+$0x1B0] =	vst v8;
	v7 =	vsub.f32 v7, v10  }
0x1f5: {  	_ =	sdelay $0x1  }
0x1f6: {  	v2 =	vsub.f32 v2, v5  }
0x1f7: {  	[tilespmem:s13+$0x1C0] =	vst v7;
	v3 =	vsub.f32 v3, v6  }
0x1f8: {  	[tilespmem:s13+$0x1D0] =	vst v2;
	v1 =	vsub.f32 v4, v1  }
0x1f9: {  	[tilespmem:s13+$0x1E0] =	vst v3  }
0x1fa: {  	[tilespmem:s13+$0x0] =	vst v1;
	s13 =	sadd.s32 $0x2, s15  }
0x1fb: {  	[spmem:s2] =	stream.indirect.scatter.add.f32 [tilespmem:s30], [sflag:$0x3], $0x80, s23, s29, $0xb8;
	[tilespmem:$0x1FD00] =	vst v63  }
0x1fc: {  	p2 =	sge.u32 s13, s7  }
0x1fd: {  	s15 =	simm.s32 @!p2 $0x3  }
0x1fe: {  	_ =	swait.ge @!p2 [sflag:s15], $0x2000  }
0x1ff: {  	s16 =	sadd.s32 @!p2 s6, s13;
	[sflag:s15] =	ssyncset.done @!p2 $0x0  }
0x200: {  	s17 =	simm.s32 @!p2 $0x3C00;
	[sflag:s15] =	ssyncadd.s32 @!p2 $0xFFFFE000;
	s15 =	sshll.u32 @!p2 s16, $0x3  }
0x201: {  	s13 =	sshll.u32 @!p2 s13, $0x7;
	s16 =	simm.s32 @!p2 $0x0;
	s15 =	sadd.s32 @!p2 s5, s15  }
0x202: {  	[tilespmem:s17], [sflag:$0x1] =	stream.linear.gather @!p2 [hbm4b:s15+s16], $0x40, $0x38;
	[tilespmem:$0x1FD00] =	vst v63  }
0x203: {  	s13 =	sand.u32 @!p2 $0x3FFFFF80, s13;
	s15 =	simm.s32 @!p2 $0x80;
	s16 =	simm.s32 @!p2 $0x3C80  }
0x204: {  	[tilespmem:s16], [sflag:$0x1] =	stream.indirect.gather @!p2 [hbm4b:s4+s15], $0x80, s13, s15, $0xb8;
	[tilespmem:$0x1FD00] =	vst v63  }
0x205: {  	_ =	swait.ge [sflag:s0], $0x40  }
0x206: {  	[sflag:s0] =	ssyncset.done $0x0  }
0x207: {  	[sflag:s0] =	ssyncadd.s32 $0xFFFFFFC0  }
0x208: {  	_ =	swait.ge [sflag:s0], $0x4000  }
0x209: {  	[sflag:s0] =	ssyncset.done $0x0  }
0x20a: {  	s13 =	simm.s32 $0x9D00;
	[sflag:s0] =	ssyncadd.s32 $0xFFFFC000  }
0x20b: {  	v2 =	vld [tilespmem:s13+$0xFFFFE1F0]  }
0x20c: {  	v3 =	vld [tilespmem:s13+$0x1F0]  }
0x20d: {  	v1 =	vld [tilespmem:s13+$0x0]  }
0x20e: {  	v4 =	vld [tilespmem:s13+$0xFFFFE010]  }
0x20f: {  	v5 =	vld [tilespmem:s13+$0x10]  }
0x210: {  	v6 =	vld [tilespmem:s13+$0xFFFFE020]  }
0x211: {  	v7 =	vld [tilespmem:s13+$0x20]  }
0x212: {  	v8 =	vld [tilespmem:s13+$0x30]  }
0x213: {  	v9 =	vld [tilespmem:s13+$0x1B0];
	v2 =	vsub.f32 v2, v3  }
0x214: {  	v3 =	vld [tilespmem:s13+$0xFFFFE030]  }
0x215: {  	[tilespmem:s13+$0x1F0] =	vst v2;
	v2 =	vsub.f32 v4, v5;
	v4 =	vld [tilespmem:s13+$0xFFFFE040]  }
0x216: {  	v5 =	vld [tilespmem:s13+$0x40]  }
0x217: {  	[tilespmem:s13+$0x10] =	vst v2;
	v2 =	vsub.f32 v6, v7;
	v6 =	vld [tilespmem:s13+$0xFFFFE050]  }
0x218: {  	v7 =	vld [tilespmem:s13+$0x50]  }
0x219: {  	[tilespmem:s13+$0x20] =	vst v2;
	v2 =	vsub.f32 v3, v8;
	v3 =	vld [tilespmem:s13+$0xFFFFE060]  }
0x21a: {  	v8 =	vld [tilespmem:s13+$0x60]  }
0x21b: {  	[tilespmem:s13+$0x30] =	vst v2;
	v2 =	vsub.f32 v4, v5;
	v4 =	vld [tilespmem:s13+$0xFFFFE070]  }
0x21c: {  	v5 =	vld [tilespmem:s13+$0x70]  }
0x21d: {  	[tilespmem:s13+$0x40] =	vst v2;
	v2 =	vsub.f32 v6, v7;
	v6 =	vld [tilespmem:s13+$0xFFFFE080]  }
0x21e: {  	v7 =	vld [tilespmem:s13+$0x80]  }
0x21f: {  	[tilespmem:s13+$0x50] =	vst v2;
	v2 =	vsub.f32 v3, v8;
	v3 =	vld [tilespmem:s13+$0xFFFFE090]  }
0x220: {  	v8 =	vld [tilespmem:s13+$0x90]  }
0x221: {  	[tilespmem:s13+$0x60] =	vst v2;
	v2 =	vsub.f32 v4, v5;
	v4 =	vld [tilespmem:s13+$0xFFFFE0A0]  }
0x222: {  	v5 =	vld [tilespmem:s13+$0xA0]  }
0x223: {  	[tilespmem:s13+$0x70] =	vst v2;
	v2 =	vsub.f32 v6, v7;
	v6 =	vld [tilespmem:s13+$0xFFFFE0B0]  }
0x224: {  	v7 =	vld [tilespmem:s13+$0xB0]  }
0x225: {  	[tilespmem:s13+$0x80] =	vst v2;
	v2 =	vsub.f32 v3, v8;
	v3 =	vld [tilespmem:s13+$0xFFFFE0C0]  }
0x226: {  	v8 =	vld [tilespmem:s13+$0xC0]  }
0x227: {  	[tilespmem:s13+$0x90] =	vst v2;
	v2 =	vsub.f32 v4, v5;
	v4 =	vld [tilespmem:s13+$0xFFFFE0D0]  }
0x228: {  	v5 =	vld [tilespmem:s13+$0xD0]  }
0x229: {  	[tilespmem:s13+$0xA0] =	vst v2;
	v2 =	vsub.f32 v6, v7;
	v6 =	vld [tilespmem:s13+$0xFFFFE0E0]  }
0x22a: {  	v7 =	vld [tilespmem:s13+$0xE0]  }
0x22b: {  	[tilespmem:s13+$0xB0] =	vst v2;
	v2 =	vsub.f32 v3, v8;
	v3 =	vld [tilespmem:s13+$0xFFFFE0F0]  }
0x22c: {  	v8 =	vld [tilespmem:s13+$0xF0]  }
0x22d: {  	[tilespmem:s13+$0xC0] =	vst v2;
	v2 =	vsub.f32 v4, v5;
	v4 =	vld [tilespmem:s13+$0xFFFFE100]  }
0x22e: {  	v5 =	vld [tilespmem:s13+$0x100]  }
0x22f: {  	[tilespmem:s13+$0xD0] =	vst v2;
	v2 =	vsub.f32 v6, v7;
	v6 =	vld [tilespmem:s13+$0xFFFFE110]  }
0x230: {  	v7 =	vld [tilespmem:s13+$0x110]  }
0x231: {  	[tilespmem:s13+$0xE0] =	vst v2;
	v2 =	vsub.f32 v3, v8;
	v3 =	vld [tilespmem:s13+$0xFFFFE120]  }
0x232: {  	v8 =	vld [tilespmem:s13+$0x120]  }
0x233: {  	[tilespmem:s13+$0xF0] =	vst v2;
	v2 =	vsub.f32 v4, v5;
	v4 =	vld [tilespmem:s13+$0xFFFFE130]  }
0x234: {  	v5 =	vld [tilespmem:s13+$0x130]  }
0x235: {  	[tilespmem:s13+$0x100] =	vst v2;
	v2 =	vsub.f32 v6, v7;
	v6 =	vld [tilespmem:s13+$0xFFFFE140]  }
0x236: {  	v7 =	vld [tilespmem:s13+$0x140]  }
0x237: {  	[tilespmem:s13+$0x110] =	vst v2;
	v2 =	vsub.f32 v3, v8;
	v3 =	vld [tilespmem:s13+$0xFFFFE150]  }
0x238: {  	v8 =	vld [tilespmem:s13+$0x150]  }
0x239: {  	[tilespmem:s13+$0x120] =	vst v2;
	v2 =	vsub.f32 v4, v5;
	v4 =	vld [tilespmem:s13+$0xFFFFE160]  }
0x23a: {  	v5 =	vld [tilespmem:s13+$0x160]  }
0x23b: {  	[tilespmem:s13+$0x130] =	vst v2;
	v2 =	vsub.f32 v6, v7;
	v6 =	vld [tilespmem:s13+$0xFFFFE170]  }
0x23c: {  	v7 =	vld [tilespmem:s13+$0x170]  }
0x23d: {  	[tilespmem:s13+$0x140] =	vst v2;
	v2 =	vsub.f32 v3, v8;
	v3 =	vld [tilespmem:s13+$0xFFFFE180]  }
0x23e: {  	v8 =	vld [tilespmem:s13+$0x180]  }
0x23f: {  	[tilespmem:s13+$0x150] =	vst v2;
	v2 =	vsub.f32 v4, v5;
	v4 =	vld [tilespmem:s13+$0xFFFFE190]  }
0x240: {  	v5 =	vld [tilespmem:s13+$0x190]  }
0x241: {  	[tilespmem:s13+$0x160] =	vst v2;
	v2 =	vsub.f32 v6, v7;
	v6 =	vld [tilespmem:s13+$0xFFFFE1A0]  }
0x242: {  	v7 =	vld [tilespmem:s13+$0x1A0]  }
0x243: {  	[tilespmem:s13+$0x170] =	vst v2;
	v2 =	vsub.f32 v3, v8;
	v8 =	vld [tilespmem:s13+$0xFFFFE1B0]  }
0x244: {  	v10 =	vld [tilespmem:s13+$0xFFFFE1C0]  }
0x245: {  	v11 =	vld [tilespmem:s13+$0x1C0];
	[tilespmem:s13+$0x180] =	vst v2;
	v2 =	vsub.f32 v4, v5  }
0x246: {  	v5 =	vld [tilespmem:s13+$0x1D0]  }
0x247: {  	v3 =	vsub.f32 v6, v7;
	[tilespmem:s13+$0x190] =	vst v2;
	v2 =	vld [tilespmem:s13+$0xFFFFE1D0]  }
0x248: {  	v6 =	vld [tilespmem:s13+$0x1E0];
	v7 =	vsub.f32 v8, v9  }
0x249: {  	[tilespmem:s13+$0x1A0] =	vst v3;
	v3 =	vld [tilespmem:s13+$0xFFFFE1E0]  }
0x24a: {  	s15 =	simm.s32 $0x0;
	s16 =	simm.s32 $0x9F00;
	v4 =	vld [tilespmem:s13+$0xFFFFE000];
	[tilespmem:s13+$0x1B0] =	vst v7;
	v7 =	vsub.f32 v10, v11  }
.LBB2_11:
0x24b: {  	v8 =	vld [tilespmem:s16+$0xFFFFE1F0]  }
0x24c: {  	s15 =	sadd.s32 $0x4, s15;
	v9 =	vld [tilespmem:s16+$0x1F0];
	[tilespmem:s13+$0x1C0] =	vst v7;
	v2 =	vsub.f32 v2, v5  }
0x24d: {  	p2 =	slt.u32 s15, $0x3C;
	v5 =	vld [tilespmem:s16+$0x0]  }
0x24e: {  	v7 =	vld [tilespmem:s16+$0xFFFFE010];
	[tilespmem:s13+$0x1D0] =	vst v2;
	v2 =	vsub.f32 v3, v6  }
0x24f: {  	v3 =	vld [tilespmem:s16+$0x10];
	v10 =	vsub.f32 v4, v1  }
0x250: {  	v4 =	vld [tilespmem:s16+$0xFFFFE020];
	[tilespmem:s13+$0x1E0] =	vst v2  }
0x251: {  	v2 =	vld [tilespmem:s16+$0x20];
	v6 =	vsub.f32 v8, v9;
	[tilespmem:s13+$0x0] =	vst v10;
	s13 =	smov.u32 s16  }
0x252: {  	v8 =	vld [tilespmem:s16+$0xFFFFE030];
	v1 =	vmov v5  }
0x253: {  	v5 =	vld [tilespmem:s16+$0x30];
	[tilespmem:s16+$0x1F0] =	vst v6  }
0x254: {  	v3 =	vsub.f32 v7, v3;
	v6 =	vld [tilespmem:s16+$0xFFFFE040]  }
0x255: {  	v7 =	vld [tilespmem:s16+$0x40]  }
0x256: {  	[tilespmem:s16+$0x10] =	vst v3;
	v2 =	vsub.f32 v4, v2;
	v3 =	vld [tilespmem:s16+$0xFFFFE050]  }
0x257: {  	v4 =	vld [tilespmem:s16+$0x50]  }
0x258: {  	[tilespmem:s16+$0x20] =	vst v2;
	v2 =	vsub.f32 v8, v5;
	v5 =	vld [tilespmem:s16+$0xFFFFE060]  }
0x259: {  	v8 =	vld [tilespmem:s16+$0x60]  }
0x25a: {  	[tilespmem:s16+$0x30] =	vst v2;
	v2 =	vsub.f32 v6, v7;
	v6 =	vld [tilespmem:s16+$0xFFFFE070]  }
0x25b: {  	v7 =	vld [tilespmem:s16+$0x70]  }
0x25c: {  	[tilespmem:s16+$0x40] =	vst v2;
	v2 =	vsub.f32 v3, v4;
	v3 =	vld [tilespmem:s16+$0xFFFFE080]  }
0x25d: {  	v4 =	vld [tilespmem:s16+$0x80]  }
0x25e: {  	[tilespmem:s16+$0x50] =	vst v2;
	v2 =	vsub.f32 v5, v8;
	v5 =	vld [tilespmem:s16+$0xFFFFE090]  }
0x25f: {  	v8 =	vld [tilespmem:s16+$0x90]  }
0x260: {  	[tilespmem:s16+$0x60] =	vst v2;
	v2 =	vsub.f32 v6, v7;
	v6 =	vld [tilespmem:s16+$0xFFFFE0A0]  }
0x261: {  	v7 =	vld [tilespmem:s16+$0xA0]  }
0x262: {  	[tilespmem:s16+$0x70] =	vst v2;
	v2 =	vsub.f32 v3, v4;
	v3 =	vld [tilespmem:s16+$0xFFFFE0B0]  }
0x263: {  	v4 =	vld [tilespmem:s16+$0xB0]  }
0x264: {  	[tilespmem:s16+$0x80] =	vst v2;
	v2 =	vsub.f32 v5, v8;
	v5 =	vld [tilespmem:s16+$0xFFFFE0C0]  }
0x265: {  	v8 =	vld [tilespmem:s16+$0xC0]  }
0x266: {  	[tilespmem:s16+$0x90] =	vst v2;
	v2 =	vsub.f32 v6, v7;
	v6 =	vld [tilespmem:s16+$0xFFFFE0D0]  }
0x267: {  	v7 =	vld [tilespmem:s16+$0xD0]  }
0x268: {  	[tilespmem:s16+$0xA0] =	vst v2;
	v2 =	vsub.f32 v3, v4;
	v3 =	vld [tilespmem:s16+$0xFFFFE0E0]  }
0x269: {  	v4 =	vld [tilespmem:s16+$0xE0]  }
0x26a: {  	[tilespmem:s16+$0xB0] =	vst v2;
	v2 =	vsub.f32 v5, v8;
	v5 =	vld [tilespmem:s16+$0xFFFFE0F0]  }
0x26b: {  	v8 =	vld [tilespmem:s16+$0xF0]  }
0x26c: {  	[tilespmem:s16+$0xC0] =	vst v2;
	v2 =	vsub.f32 v6, v7;
	v6 =	vld [tilespmem:s16+$0xFFFFE100]  }
0x26d: {  	v7 =	vld [tilespmem:s16+$0x100]  }
0x26e: {  	[tilespmem:s16+$0xD0] =	vst v2;
	v2 =	vsub.f32 v3, v4;
	v3 =	vld [tilespmem:s16+$0xFFFFE110]  }
0x26f: {  	v4 =	vld [tilespmem:s16+$0x110]  }
0x270: {  	[tilespmem:s16+$0xE0] =	vst v2;
	v2 =	vsub.f32 v5, v8;
	v5 =	vld [tilespmem:s16+$0xFFFFE120]  }
0x271: {  	v8 =	vld [tilespmem:s16+$0x120]  }
0x272: {  	[tilespmem:s16+$0xF0] =	vst v2;
	v2 =	vsub.f32 v6, v7;
	v6 =	vld [tilespmem:s16+$0xFFFFE130]  }
0x273: {  	v7 =	vld [tilespmem:s16+$0x130]  }
0x274: {  	[tilespmem:s16+$0x100] =	vst v2;
	v2 =	vsub.f32 v3, v4;
	v3 =	vld [tilespmem:s16+$0xFFFFE140]  }
0x275: {  	v4 =	vld [tilespmem:s16+$0x140]  }
0x276: {  	[tilespmem:s16+$0x110] =	vst v2;
	v2 =	vsub.f32 v5, v8;
	v5 =	vld [tilespmem:s16+$0xFFFFE150]  }
0x277: {  	v8 =	vld [tilespmem:s16+$0x150]  }
0x278: {  	[tilespmem:s16+$0x120] =	vst v2;
	v2 =	vsub.f32 v6, v7;
	v6 =	vld [tilespmem:s16+$0xFFFFE160]  }
0x279: {  	v7 =	vld [tilespmem:s16+$0x160]  }
0x27a: {  	[tilespmem:s16+$0x130] =	vst v2;
	v2 =	vsub.f32 v3, v4;
	v3 =	vld [tilespmem:s16+$0xFFFFE170]  }
0x27b: {  	v4 =	vld [tilespmem:s16+$0x170]  }
0x27c: {  	[tilespmem:s16+$0x140] =	vst v2;
	v2 =	vsub.f32 v5, v8;
	v5 =	vld [tilespmem:s16+$0xFFFFE180]  }
0x27d: {  	v8 =	vld [tilespmem:s16+$0x180]  }
0x27e: {  	[tilespmem:s16+$0x150] =	vst v2;
	v2 =	vsub.f32 v6, v7;
	v6 =	vld [tilespmem:s16+$0xFFFFE190]  }
0x27f: {  	v7 =	vld [tilespmem:s16+$0x190]  }
0x280: {  	[tilespmem:s16+$0x160] =	vst v2;
	v2 =	vsub.f32 v3, v4;
	v3 =	vld [tilespmem:s16+$0xFFFFE1A0]  }
0x281: {  	v4 =	vld [tilespmem:s16+$0x1A0]  }
0x282: {  	[tilespmem:s16+$0x170] =	vst v2;
	v2 =	vsub.f32 v5, v8;
	v8 =	vld [tilespmem:s16+$0xFFFFE1B0]  }
0x283: {  	v9 =	vld [tilespmem:s16+$0x1B0]  }
0x284: {  	[tilespmem:s16+$0x180] =	vst v2;
	v2 =	vsub.f32 v6, v7;
	v7 =	vld [tilespmem:s16+$0xFFFFE1C0]  }
0x285: {  	v10 =	vld [tilespmem:s16+$0x1C0]  }
.Ltmp4:
0x286: {  	[tilespmem:s16+$0x190] =	vst v2;
	v3 =	vsub.f32 v3, v4;
	v2 =	vld [tilespmem:s16+$0xFFFFE1D0];
	(pc) =	sbr.rel @p2 .LBB2_11-.Ltmp4, $4  }
0x287: {  	v5 =	vld [tilespmem:s16+$0x1D0]  }
0x288: {  	[tilespmem:s16+$0x1A0] =	vst v3;
	v8 =	vsub.f32 v8, v9;
	v3 =	vld [tilespmem:s16+$0xFFFFE1E0]  }
0x289: {  	v6 =	vld [tilespmem:s16+$0x1E0]  }
0x28a: {  	s16 =	sadd.s32 $0x200, s16;
	v4 =	vld [tilespmem:s13+$0xFFFFE000];
	[tilespmem:s13+$0x1B0] =	vst v8;
	v7 =	vsub.f32 v7, v10  }
0x28b: {  	_ = 	snop  }
0x28c: {  	s12 =	sadd.s32 $0x1, s12  }
0x28d: {  	v2 =	vsub.f32 v2, v5;
	p2 =	sne.s32 s12, s14  }
.Ltmp5:
0x28e: {  	[tilespmem:s13+$0x1C0] =	vst v7;
	v3 =	vsub.f32 v3, v6;
	(pc) =	sbr.rel @p2 .LBB2_8-.Ltmp5, $4  }
0x28f: {  	[tilespmem:s13+$0x1D0] =	vst v2;
	v1 =	vsub.f32 v4, v1  }
0x290: {  	[tilespmem:s13+$0x1E0] =	vst v3  }
0x291: {  	[tilespmem:s13+$0x0] =	vst v1  }
0x292: {  	[spmem:s2] =	stream.indirect.scatter.add.f32 [tilespmem:s1], [sflag:$0x4], $0x80, s25, s29, $0xb8;
	[tilespmem:$0x1FD00] =	vst v63  }
0x293: {  	_ =	swait.ge [sflag:s31], $0x2000  }
0x294: {  	[sflag:s31] =	ssyncset.done $0x0  }
0x295: {  	[sflag:s31] =	ssyncadd.s32 $0xFFFFE000  }
0x296: {  	_ =	swait.ge [sflag:s8], $0x2000  }
0x297: {  	[sflag:s8] =	ssyncset.done $0x0  }
0x298: {  	s12 =	stileid.u32;
	[sflag:s8] =	ssyncadd.s32 $0xFFFFE000  }
0x299: {  	s12 =	sshll.u32 s12, $0x6;
	[bflag:$0x0] =	sbarrier.arrive $0xFFFF  }
0x29a: {  	s13 =	sshrl.u32 s11, $0x3;
	s12 =	sor.u32 $0x1C06, s12;
	s15 =	rddreg [dreg:$0x8]  }
0x29b: {  	[hbm:s15], [sflag:s12] =	dma.local [spmem:s13], $0x2800  }
0x29c: {  	_ =	swait.ge [sflag:s22], $0x2800  }
0x29d: {  	s10 =	sadd.s32 $0x1, s10;
	s17 =	rddreg [dreg:$0x9]  }
0x29e: {  	p2 =	sne.s32 s10, s17  }
.Ltmp6:
0x29f: {  	_ = 	snop;
	(pc) =	sbr.rel @p2 .LBB2_1-.Ltmp6, $3  }
0x2a0: {  	_ =	sdelay $0x1  }
0x2a1: {  	[sflag:s22] =	ssyncset.done $0x0  }
0x2a2: {  	[sflag:s22] =	ssyncadd.s32 $0xFFFFD800  }
0x2a3: {  	_ =	sfence.sel $0x180000  }
0x2a4: {  	[bflag:$0x0] =	sbarrier.arrive $0xFFFF  }
0x2a5: {  	_ =	strace $0x90000047  }
0x2a6: {  	s0 =	stileid.u32;
	[bflag:$0x2] =	sbarrier.arrive $0xFFFF  }
0x2a7: {  	p0 =	sne.s32 s0, $0x0;
	s0 =	rddreg [dreg:$0x3]  }
0x2a8: {  	s0 =	sadd.s32 @!p0 $0x100000, s0  }
0x2a9: {  	[sflag:s0] =	ssyncadd.tile.s32 @!p0 $0x1;
	_ =	shalt  }
.Lfunc_end2:
_tile_overlayer_lowered:
.L_overlay_start_2:
0x2aa: {  	(tag) =	ssettag $0x2  }
0x2ab: {  	s0 =	rddreg [dreg:$0x0];
	s2 =	stileid.u32  }
0x2ac: {  	s1 =	rddreg [dreg:$0x1];
	p0 =	sne.s32 s2, $0x0  }
0x2ad: {  	s3 =	rddreg [dreg:$0x2];
	[bflag:$0x3] =	sbarrier.arrive $0xFFFF;
	s2 =	simm.s32 @!p0 $0x1C06  }
0x2ae: {  	[timem:s3], [sflag:s2] =	dma.local @!p0 [hbm:s0], s1  }
0x2af: {  	s0 =	simm.s32 @!p0 $0x6  }
0x2b0: {  	_ =	swait.ge @!p0 [sflag:s0], s1  }
0x2b1: {  	s1 =	ssub.s32 @!p0 $0x0, s1;
	[sflag:s0] =	ssyncset.done @!p0 $0x0  }
0x2b2: {  	[sflag:s0] =	ssyncadd.s32 @!p0 s1  }
0x2b3: {  	[bflag:$0x3] =	sbarrier.arrive $0xFFFF  }
0x2b4: {  	_ =	shalt  }

</sc_bundles>
